<compile_context>
chip_gen: v7x
topology: tpu7x:2x2x1
jax: 0.10.2.dev20260603
libtpu: 0.0.44.dev20260713+nightly
codegen_flags: <defaults>
</compile_context>

<pallas_src>
import jax
import jax.numpy as jnp
from jax import lax
from jax.experimental import pallas as pl
from jax.experimental.pallas import tpu as pltpu
from jax.experimental.pallas import tpu_sc as plsc

_N = 10000
_D = 128
_E = 320000
_ITERS = 3

_NC, _NS = 2, 16
_NW = _NC * _NS
_CHUNK = 128
_NCHUNK = 80
_STAGE = 16
_NBUF = 2
_E_PAD = _NW * _NCHUNK * _CHUNK
_N_PAD = 10240
_ROWS_PER_TILE = _N_PAD // _NS
_N_PAD_CNT = 10240
_CNT_PER_TILE = _N_PAD_CNT // _NS

_mesh = plsc.VectorSubcoreMesh(
    core_axis_name="c", subcore_axis_name="s",
    num_cores=_NC, num_subcores=_NS)


def _agg_body(cur_hbm, ei_hbm, zrows_hbm, out_hbm,
              idx_v, rows, gsems, acc_sh):
    cid = lax.axis_index("c")
    sid = lax.axis_index("s")
    wid = sid * _NC + cid

    pltpu.sync_copy(zrows_hbm,
                    acc_sh.at[pl.ds(sid * _ROWS_PER_TILE, _ROWS_PER_TILE)])
    plsc.subcore_barrier()

    base = wid * _NCHUNK

    def gather(j, b):
        pltpu.async_copy(cur_hbm.at[idx_v.at[2 * j]], rows[b], gsems[b])

    def gwait(b):
        pltpu.make_async_copy(cur_hbm.at[idx_v.at[0]], rows[b], gsems[b]).wait()

    def scat(j, b):
        pltpu.sync_copy(rows[b], acc_sh.at[idx_v.at[2 * j + 1]], add=True)

    def stage_body(st, carry):
        pltpu.sync_copy(
            ei_hbm.at[pl.ds(2 * (base + st * _STAGE), 2 * _STAGE)], idx_v)
        gather(0, 0)
        gather(1, 1)
        for j in range(_STAGE):
            b = j % _NBUF
            gwait(b)
            scat(j, b)
            if j + 2 < _STAGE:
                gather(j + 2, b)
        return carry

    lax.fori_loop(0, _NCHUNK // _STAGE, stage_body, 0)

    plsc.subcore_barrier()
    pltpu.sync_copy(acc_sh.at[pl.ds(sid * _ROWS_PER_TILE, _ROWS_PER_TILE)],
                    out_hbm.at[cid, pl.ds(sid * _ROWS_PER_TILE, _ROWS_PER_TILE)])


_agg = pl.kernel(
    _agg_body,
    out_type=jax.ShapeDtypeStruct((_NC, _N_PAD, _D), jnp.float32),
    mesh=_mesh,
    scratch_types=[
        pltpu.VMEM((2 * _STAGE, _CHUNK), jnp.int32),
        [pltpu.VMEM((_CHUNK, _D), jnp.float32) for _ in range(_NBUF)],
        [pltpu.SemaphoreType.DMA for _ in range(_NBUF)],
        pltpu.VMEM_SHARED((_N_PAD, _D), jnp.float32),
    ],
)


def _cnt_body(dst_hbm, zvec_hbm, ones_hbm, out_hbm,
              dst_v, ones_v, cnt_sh):
    cid = lax.axis_index("c")
    sid = lax.axis_index("s")
    wid = sid * _NC + cid

    pltpu.sync_copy(zvec_hbm,
                    cnt_sh.at[pl.ds(sid * _CNT_PER_TILE, _CNT_PER_TILE)])
    pltpu.sync_copy(ones_hbm, ones_v)
    base = wid * _NCHUNK
    pltpu.sync_copy(dst_hbm.at[pl.ds(base, _NCHUNK)], dst_v)
    plsc.subcore_barrier()

    def body(c, carry):
        pltpu.sync_copy(ones_v, cnt_sh.at[dst_v.at[c]], add=True)
        return carry

    lax.fori_loop(0, _NCHUNK, body, 0)

    plsc.subcore_barrier()
    pltpu.sync_copy(cnt_sh.at[pl.ds(sid * _CNT_PER_TILE, _CNT_PER_TILE)],
                    out_hbm.at[cid, pl.ds(sid * _CNT_PER_TILE, _CNT_PER_TILE)])


_count = pl.kernel(
    _cnt_body,
    out_type=jax.ShapeDtypeStruct((_NC, _N_PAD_CNT), jnp.float32),
    mesh=_mesh,
    scratch_types=[
        pltpu.VMEM((_NCHUNK, _CHUNK), jnp.int32),
        pltpu.VMEM((_CHUNK,), jnp.float32),
        pltpu.VMEM_SHARED((_N_PAD_CNT,), jnp.float32),
    ],
)


_BN = 2000


def _fuse_body(p_ref, cur_ref, w_ref, b_ref, cnt_ref, out_ref):
    rows = p_ref[0] + p_ref[1]
    m = jnp.dot(rows, w_ref[...], preferred_element_type=jnp.float32)
    c = cnt_ref[0] + cnt_ref[1]
    denom = jnp.where(c > 0.0, c, 1.0)
    out_ref[...] = cur_ref[...] + jnp.maximum(m / denom + b_ref[...], 0.0)


def _fuse(p, cur, W, b2, cnt3):
    return pl.pallas_call(
        _fuse_body,
        grid=(_N // _BN,),
        in_specs=[
            pl.BlockSpec((_NC, _BN, _D), lambda g: (0, g, 0)),
            pl.BlockSpec((_BN, _D), lambda g: (g, 0)),
            pl.BlockSpec((_D, _D), lambda g: (0, 0)),
            pl.BlockSpec((1, _D), lambda g: (0, 0)),
            pl.BlockSpec((_NC, _BN, 1), lambda g: (0, g, 0)),
        ],
        out_specs=pl.BlockSpec((_BN, _D), lambda g: (g, 0)),
        out_shape=jax.ShapeDtypeStruct((_N, _D), jnp.float32),
    )(p, cur, W, b2, cnt3)


def kernel(x, edge_index, W, b):
    src = edge_index[0]
    dst = edge_index[1]
    pad = _E_PAD - _E
    src_p = jnp.concatenate(
        [src, jnp.arange(pad, dtype=jnp.int32) % _N]
    ).reshape(_NW * _NCHUNK, _CHUNK)
    dst_p = jnp.concatenate(
        [dst, _N + (jnp.arange(pad, dtype=jnp.int32) % (_N_PAD - _N))]
    ).reshape(_NW * _NCHUNK, _CHUNK)
    ei = jnp.stack([src_p, dst_p], axis=1).reshape(2 * _NW * _NCHUNK, _CHUNK)
    zrows = jnp.zeros((_ROWS_PER_TILE, _D), jnp.float32)
    zvec = jnp.zeros((_CNT_PER_TILE,), jnp.float32)
    ones = jnp.ones((_CHUNK,), jnp.float32)
    b2 = b.reshape(1, _D)

    cnt = _count(dst_p, zvec, ones)
    cnt3 = cnt.reshape(_NC, _N_PAD_CNT, 1)
    cur = x
    for _ in range(_ITERS):
        p = _agg(cur, ei, zrows)
        cur = _fuse(p, cur, W, b2, cnt3)
    return cur

# --- scband reference (transcript-rebuilt; emitter-appended) ---
"""Pipeline reference for scband-mrfcorrection-36017595744381 (READ-ONLY COPY).

The authoritative reference and input builder live on the scoring server;
editing this copy changes nothing except your own understanding.
"""

import jax, jax.numpy as jnp
import numpy as np

N = 10000
E = 320000
D = 128
ITERS = 3


def setup_inputs(seed: int = 0) -> dict:
    key = jax.random.key(seed)
    k1, k2, k3 = jax.random.split(key, 3)
    x = jax.random.normal(k1, (N, D), dtype=jnp.float32)
    edge_index = jax.random.randint(k2, (2, E), 0, N, dtype=jnp.int32)
    # xavier_uniform init for the (single) edge-type weight matrix
    limit = float(np.sqrt(6.0 / (D + D)))
    W = jax.random.uniform(k3, (D, D), minval=-limit, maxval=limit, dtype=jnp.float32)
    b = jnp.zeros((D,), dtype=jnp.float32)
    return {"x": x, "edge_index": edge_index, "W": W, "b": b}


def reference(x, edge_index, W, b):
    # Flattened MRFCorrection with a single node type and a single self edge type:
    # x_dict = {"node": x}, edge_index_dict = {("node","rel","node"): edge_index}
    src = edge_index[0]
    dst = edge_index[1]
    cur = x
    for _ in range(ITERS):
        # message passing: transform source features, scatter-add into dst nodes
        m = jnp.matmul(cur[src], W)
        messages = jnp.zeros_like(cur).at[dst].add(m)
        count = jnp.zeros((cur.shape[0],), dtype=jnp.float32).at[dst].add(1.0)
        denom = jnp.where(count > 0, count, 1.0)
        messages = messages / denom[:, None]
        new = jax.nn.relu(messages + b)
        cur = cur + new
    return cur

if __name__ == "__main__":
    import jax
    _d = setup_inputs()
    print(jax.jit(kernel)(*tuple(_d.values())))

</pallas_src>

<mosaic_0001>
#map = affine_map<(d0, d1) -> (0, 0)>
#map1 = affine_map<(d0, d1) -> (0, 0, 0)>
module attributes {stable_mosaic.version = 14 : i64} {
  func.func @_agg_body(%arg0: i32, %arg1: i32, %arg2: memref<10000x128xf32, #tpu.memory_space<hbm>>, %arg3: memref<5120x128xi32, #tpu.memory_space<hbm>>, %arg4: memref<640x128xf32, #tpu.memory_space<hbm>>, %arg5: memref<2x10240x128xf32, #tpu.memory_space<hbm>>, %arg6: memref<32x128xi32, #tpu.memory_space<vmem>>, %arg7: memref<128x128xf32, #tpu.memory_space<vmem>>, %arg8: memref<128x128xf32, #tpu.memory_space<vmem>>, %arg9: memref<!tpu.dma_semaphore, #tpu.memory_space<semaphore_mem>>, %arg10: memref<!tpu.dma_semaphore, #tpu.memory_space<semaphore_mem>>, %arg11: memref<10240x128xf32, #tpu.memory_space<vmem_shared>>) attributes {dimension_semantics = [#tpu.dimension_semantics<core_parallel>, #tpu.dimension_semantics<subcore_parallel>], iteration_bounds = array<i64: 2, 16>, scalar_prefetch = 0 : i64, scratch_operands = 6 : i64, tpu.core_type = #tpu.core_type<sc_vector_subcore>, window_params = [{transform_indices = #map}, {transform_indices = #map}, {transform_indices = #map}, {transform_indices = #map1}]} {
    %mul3A = arith.constant 2 : i32
    %mul3A_0 = arith.muli %arg1, %mul3A : i32
    %add3A = arith.addi %mul3A_0, %arg0 : i32
    %mul3A_1 = arith.constant 640 : i32
    %mul3A_2 = arith.muli %arg1, %mul3A_1 : i32
    "tpu.region"() ({
      %run_scoped3A = tpu.sem_alloc : memref<!tpu.dma_semaphore, #tpu.memory_space<semaphore_mem>>
      %dma_start3A = arith.constant 0 : i32
      %dma_start3A_15 = tpu.memref_slice %arg11[%mul3A_2, %dma_start3A] : memref<10240x128xf32, #tpu.memory_space<vmem_shared>> -> memref<640x128xf32, #tpu.memory_space<vmem_shared>>
      tpu.enqueue_dma source(%arg4 : memref<640x128xf32, #tpu.memory_space<hbm>>) target(%dma_start3A_15 : memref<640x128xf32, #tpu.memory_space<vmem_shared>>) target_semaphore(%run_scoped3A : memref<!tpu.dma_semaphore, #tpu.memory_space<semaphore_mem>>)
      %dma_wait3A = arith.constant 0 : i32
      %dma_wait3A_16 = tpu.memref_slice %arg11[%mul3A_2, %dma_wait3A] : memref<10240x128xf32, #tpu.memory_space<vmem_shared>> -> memref<640x128xf32, #tpu.memory_space<vmem_shared>>
      tpu.wait_dma2 semaphore(%run_scoped3A : memref<!tpu.dma_semaphore, #tpu.memory_space<semaphore_mem>>) src(%arg4 : memref<640x128xf32, #tpu.memory_space<hbm>>) dst(%dma_wait3A_16 : memref<640x128xf32, #tpu.memory_space<vmem_shared>>)
      tpu.yield
    }) : () -> ()
    %barrier3A = arith.constant 0 : index
    tpu.barrier barrier_id(%barrier3A)
    %mul3A_3 = arith.constant 80 : i32
    %mul3A_4 = arith.muli %add3A, %mul3A_3 : i32
    %scan3A = arith.constant 0 : i32
    %scan3A_5 = arith.constant 0 : i32
    %scan3A_6 = arith.constant 5 : i32
    %scan3A_7 = arith.addi %scan3A_5, %scan3A_6 : i32
    %scan3A_8 = arith.constant 1 : i32
    scf.for %scan3A_15 = %scan3A_5 to %scan3A_7 step %scan3A_8  : i32 {
      %mul3A_16 = arith.constant 16 : i32
      %mul3A_17 = arith.muli %scan3A_15, %mul3A_16 : i32
      %add3A_18 = arith.addi %mul3A_4, %mul3A_17 : i32
      %mul3A_19 = arith.constant 2 : i32
      %mul3A_20 = arith.muli %mul3A_19, %add3A_18 : i32
      "tpu.region"() ({
        %run_scoped3A_258 = tpu.sem_alloc : memref<!tpu.dma_semaphore, #tpu.memory_space<semaphore_mem>>
        %dma_start3A_259 = arith.constant 0 : i32
        %dma_start3A_260 = tpu.memref_slice %arg3[%mul3A_20, %dma_start3A_259] : memref<5120x128xi32, #tpu.memory_space<hbm>> -> memref<32x128xi32, #tpu.memory_space<hbm>>
        %dma_start3A_261 = arith.constant 0 : i32
        %dma_start3A_262 = tpu.memref_slice %arg3[%mul3A_20, %dma_start3A_261] : memref<5120x128xi32, #tpu.memory_space<hbm>> -> memref<32x128xi32, #tpu.memory_space<hbm>>
        tpu.enqueue_dma source(%dma_start3A_262 : memref<32x128xi32, #tpu.memory_space<hbm>>) target(%arg6 : memref<32x128xi32, #tpu.memory_space<vmem>>) target_semaphore(%run_scoped3A_258 : memref<!tpu.dma_semaphore, #tpu.memory_space<semaphore_mem>>)
        %dma_wait3A_263 = arith.constant 0 : i32
        %dma_wait3A_264 = tpu.memref_slice %arg3[%mul3A_20, %dma_wait3A_263] : memref<5120x128xi32, #tpu.memory_space<hbm>> -> memref<32x128xi32, #tpu.memory_space<hbm>>
        %dma_wait3A_265 = arith.constant 0 : i32
        %dma_wait3A_266 = tpu.memref_slice %arg3[%mul3A_20, %dma_wait3A_265] : memref<5120x128xi32, #tpu.memory_space<hbm>> -> memref<32x128xi32, #tpu.memory_space<hbm>>
        tpu.wait_dma2 semaphore(%run_scoped3A_258 : memref<!tpu.dma_semaphore, #tpu.memory_space<semaphore_mem>>) src(%dma_wait3A_266 : memref<32x128xi32, #tpu.memory_space<hbm>>) dst(%arg6 : memref<32x128xi32, #tpu.memory_space<vmem>>)
        tpu.yield
      }) : () -> ()
      %dma_start3A = arith.constant 0 : i32
      %dma_start3A_21 = arith.constant 0 : i32
      %dma_start3A_22 = tpu.memref_slice %arg6[%dma_start3A, %dma_start3A_21] : memref<32x128xi32, #tpu.memory_space<vmem>> -> memref<1x128xi32, #tpu.memory_space<vmem>>
      %dma_start3A_23 = tpu.memref_squeeze %dma_start3A_22 : memref<1x128xi32, #tpu.memory_space<vmem>> -> memref<128xi32, #tpu.memory_space<vmem>>
      %dma_start3A_24 = arith.constant 0 : i32
      %dma_start3A_25 = arith.constant 0 : i32
      %dma_start3A_26 = tpu.memref_slice %arg2[%dma_start3A_24, %dma_start3A_25] : memref<10000x128xf32, #tpu.memory_space<hbm>> -> memref<10000x128xf32, #tpu.memory_space<hbm>>
      tpu.enqueue_indirect_dma source(%dma_start3A_26 : memref<10000x128xf32, #tpu.memory_space<hbm>>) target(%arg7 : memref<128x128xf32, #tpu.memory_space<vmem>>) offsets(%dma_start3A_23 : memref<128xi32, #tpu.memory_space<vmem>>) semaphore(%arg9 : memref<!tpu.dma_semaphore, #tpu.memory_space<semaphore_mem>>)
      %dma_start3A_27 = arith.constant 2 : i32
      %dma_start3A_28 = arith.constant 0 : i32
      %dma_start3A_29 = tpu.memref_slice %arg6[%dma_start3A_27, %dma_start3A_28] : memref<32x128xi32, #tpu.memory_space<vmem>> -> memref<1x128xi32, #tpu.memory_space<vmem>>
      %dma_start3A_30 = tpu.memref_squeeze %dma_start3A_29 : memref<1x128xi32, #tpu.memory_space<vmem>> -> memref<128xi32, #tpu.memory_space<vmem>>
      %dma_start3A_31 = arith.constant 0 : i32
      %dma_start3A_32 = arith.constant 0 : i32
      %dma_start3A_33 = tpu.memref_slice %arg2[%dma_start3A_31, %dma_start3A_32] : memref<10000x128xf32, #tpu.memory_space<hbm>> -> memref<10000x128xf32, #tpu.memory_space<hbm>>
      tpu.enqueue_indirect_dma source(%dma_start3A_33 : memref<10000x128xf32, #tpu.memory_space<hbm>>) target(%arg8 : memref<128x128xf32, #tpu.memory_space<vmem>>) offsets(%dma_start3A_30 : memref<128xi32, #tpu.memory_space<vmem>>) semaphore(%arg10 : memref<!tpu.dma_semaphore, #tpu.memory_space<semaphore_mem>>)
      %dma_wait3A = arith.constant 0 : i32
      %dma_wait3A_34 = arith.constant 0 : i32
      %dma_wait3A_35 = tpu.memref_slice %arg6[%dma_wait3A, %dma_wait3A_34] : memref<32x128xi32, #tpu.memory_space<vmem>> -> memref<1x128xi32, #tpu.memory_space<vmem>>
      %dma_wait3A_36 = tpu.memref_squeeze %dma_wait3A_35 : memref<1x128xi32, #tpu.memory_space<vmem>> -> memref<128xi32, #tpu.memory_space<vmem>>
      %dma_wait3A_37 = arith.constant 0 : i32
      %dma_wait3A_38 = arith.constant 0 : i32
      %dma_wait3A_39 = tpu.memref_slice %arg2[%dma_wait3A_37, %dma_wait3A_38] : memref<10000x128xf32, #tpu.memory_space<hbm>> -> memref<10000x128xf32, #tpu.memory_space<hbm>>
      tpu.wait_indirect_dma semaphore(%arg9 : memref<!tpu.dma_semaphore, #tpu.memory_space<semaphore_mem>>) src(%dma_wait3A_39 : memref<10000x128xf32, #tpu.memory_space<hbm>>) dst(%arg7 : memref<128x128xf32, #tpu.memory_space<vmem>>)
      %run_scoped3A = arith.constant 1 : i32
      "tpu.region"() ({
        %run_scoped3A_258 = tpu.sem_alloc : memref<!tpu.dma_semaphore, #tpu.memory_space<semaphore_mem>>
        %dma_start3A_259 = arith.constant 0 : i32
        %dma_start3A_260 = tpu.memref_slice %arg6[%run_scoped3A, %dma_start3A_259] : memref<32x128xi32, #tpu.memory_space<vmem>> -> memref<1x128xi32, #tpu.memory_space<vmem>>
        %dma_start3A_261 = tpu.memref_squeeze %dma_start3A_260 : memref<1x128xi32, #tpu.memory_space<vmem>> -> memref<128xi32, #tpu.memory_space<vmem>>
        %dma_start3A_262 = arith.constant 0 : i32
        %dma_start3A_263 = arith.constant 0 : i32
        %dma_start3A_264 = tpu.memref_slice %arg11[%dma_start3A_262, %dma_start3A_263] : memref<10240x128xf32, #tpu.memory_space<vmem_shared>> -> memref<10240x128xf32, #tpu.memory_space<vmem_shared>>
        tpu.enqueue_indirect_dma source(%arg7 : memref<128x128xf32, #tpu.memory_space<vmem>>) target(%dma_start3A_264 : memref<10240x128xf32, #tpu.memory_space<vmem_shared>>) offsets(%dma_start3A_261 : memref<128xi32, #tpu.memory_space<vmem>>) semaphore(%run_scoped3A_258 : memref<!tpu.dma_semaphore, #tpu.memory_space<semaphore_mem>>) {add = true}
        %dma_wait3A_265 = arith.constant 0 : i32
        %dma_wait3A_266 = tpu.memref_slice %arg6[%run_scoped3A, %dma_wait3A_265] : memref<32x128xi32, #tpu.memory_space<vmem>> -> memref<1x128xi32, #tpu.memory_space<vmem>>
        %dma_wait3A_267 = tpu.memref_squeeze %dma_wait3A_266 : memref<1x128xi32, #tpu.memory_space<vmem>> -> memref<128xi32, #tpu.memory_space<vmem>>
        %dma_wait3A_268 = arith.constant 0 : i32
        %dma_wait3A_269 = arith.constant 0 : i32
        %dma_wait3A_270 = tpu.memref_slice %arg11[%dma_wait3A_268, %dma_wait3A_269] : memref<10240x128xf32, #tpu.memory_space<vmem_shared>> -> memref<10240x128xf32, #tpu.memory_space<vmem_shared>>
        tpu.wait_indirect_dma semaphore(%run_scoped3A_258 : memref<!tpu.dma_semaphore, #tpu.memory_space<semaphore_mem>>) src(%arg7 : memref<128x128xf32, #tpu.memory_space<vmem>>) dst(%dma_wait3A_270 : memref<10240x128xf32, #tpu.memory_space<vmem_shared>>)
        tpu.yield
      }) : () -> ()
      %dma_start3A_40 = arith.constant 4 : i32
      %dma_start3A_41 = arith.constant 0 : i32
      %dma_start3A_42 = tpu.memref_slice %arg6[%dma_start3A_40, %dma_start3A_41] : memref<32x128xi32, #tpu.memory_space<vmem>> -> memref<1x128xi32, #tpu.memory_space<vmem>>
      %dma_start3A_43 = tpu.memref_squeeze %dma_start3A_42 : memref<1x128xi32, #tpu.memory_space<vmem>> -> memref<128xi32, #tpu.memory_space<vmem>>
      %dma_start3A_44 = arith.constant 0 : i32
      %dma_start3A_45 = arith.constant 0 : i32
      %dma_start3A_46 = tpu.memref_slice %arg2[%dma_start3A_44, %dma_start3A_45] : memref<10000x128xf32, #tpu.memory_space<hbm>> -> memref<10000x128xf32, #tpu.memory_space<hbm>>
      tpu.enqueue_indirect_dma source(%dma_start3A_46 : memref<10000x128xf32, #tpu.memory_space<hbm>>) target(%arg7 : memref<128x128xf32, #tpu.memory_space<vmem>>) offsets(%dma_start3A_43 : memref<128xi32, #tpu.memory_space<vmem>>) semaphore(%arg9 : memref<!tpu.dma_semaphore, #tpu.memory_space<semaphore_mem>>)
      %dma_wait3A_47 = arith.constant 0 : i32
      %dma_wait3A_48 = arith.constant 0 : i32
      %dma_wait3A_49 = tpu.memref_slice %arg6[%dma_wait3A_47, %dma_wait3A_48] : memref<32x128xi32, #tpu.memory_space<vmem>> -> memref<1x128xi32, #tpu.memory_space<vmem>>
      %dma_wait3A_50 = tpu.memref_squeeze %dma_wait3A_49 : memref<1x128xi32, #tpu.memory_space<vmem>> -> memref<128xi32, #tpu.memory_space<vmem>>
      %dma_wait3A_51 = arith.constant 0 : i32
      %dma_wait3A_52 = arith.constant 0 : i32
      %dma_wait3A_53 = tpu.memref_slice %arg2[%dma_wait3A_51, %dma_wait3A_52] : memref<10000x128xf32, #tpu.memory_space<hbm>> -> memref<10000x128xf32, #tpu.memory_space<hbm>>
      tpu.wait_indirect_dma semaphore(%arg10 : memref<!tpu.dma_semaphore, #tpu.memory_space<semaphore_mem>>) src(%dma_wait3A_53 : memref<10000x128xf32, #tpu.memory_space<hbm>>) dst(%arg8 : memref<128x128xf32, #tpu.memory_space<vmem>>)
      %run_scoped3A_54 = arith.constant 3 : i32
      "tpu.region"() ({
        %run_scoped3A_258 = tpu.sem_alloc : memref<!tpu.dma_semaphore, #tpu.memory_space<semaphore_mem>>
        %dma_start3A_259 = arith.constant 0 : i32
        %dma_start3A_260 = tpu.memref_slice %arg6[%run_scoped3A_54, %dma_start3A_259] : memref<32x128xi32, #tpu.memory_space<vmem>> -> memref<1x128xi32, #tpu.memory_space<vmem>>
        %dma_start3A_261 = tpu.memref_squeeze %dma_start3A_260 : memref<1x128xi32, #tpu.memory_space<vmem>> -> memref<128xi32, #tpu.memory_space<vmem>>
        %dma_start3A_262 = arith.constant 0 : i32
        %dma_start3A_263 = arith.constant 0 : i32
        %dma_start3A_264 = tpu.memref_slice %arg11[%dma_start3A_262, %dma_start3A_263] : memref<10240x128xf32, #tpu.memory_space<vmem_shared>> -> memref<10240x128xf32, #tpu.memory_space<vmem_shared>>
        tpu.enqueue_indirect_dma source(%arg8 : memref<128x128xf32, #tpu.memory_space<vmem>>) target(%dma_start3A_264 : memref<10240x128xf32, #tpu.memory_space<vmem_shared>>) offsets(%dma_start3A_261 : memref<128xi32, #tpu.memory_space<vmem>>) semaphore(%run_scoped3A_258 : memref<!tpu.dma_semaphore, #tpu.memory_space<semaphore_mem>>) {add = true}
        %dma_wait3A_265 = arith.constant 0 : i32
        %dma_wait3A_266 = tpu.memref_slice %arg6[%run_scoped3A_54, %dma_wait3A_265] : memref<32x128xi32, #tpu.memory_space<vmem>> -> memref<1x128xi32, #tpu.memory_space<vmem>>
        %dma_wait3A_267 = tpu.memref_squeeze %dma_wait3A_266 : memref<1x128xi32, #tpu.memory_space<vmem>> -> memref<128xi32, #tpu.memory_space<vmem>>
        %dma_wait3A_268 = arith.constant 0 : i32
        %dma_wait3A_269 = arith.constant 0 : i32
        %dma_wait3A_270 = tpu.memref_slice %arg11[%dma_wait3A_268, %dma_wait3A_269] : memref<10240x128xf32, #tpu.memory_space<vmem_shared>> -> memref<10240x128xf32, #tpu.memory_space<vmem_shared>>
        tpu.wait_indirect_dma semaphore(%run_scoped3A_258 : memref<!tpu.dma_semaphore, #tpu.memory_space<semaphore_mem>>) src(%arg8 : memref<128x128xf32, #tpu.memory_space<vmem>>) dst(%dma_wait3A_270 : memref<10240x128xf32, #tpu.memory_space<vmem_shared>>)
        tpu.yield
      }) : () -> ()
      %dma_start3A_55 = arith.constant 6 : i32
      %dma_start3A_56 = arith.constant 0 : i32
      %dma_start3A_57 = tpu.memref_slice %arg6[%dma_start3A_55, %dma_start3A_56] : memref<32x128xi32, #tpu.memory_space<vmem>> -> memref<1x128xi32, #tpu.memory_space<vmem>>
      %dma_start3A_58 = tpu.memref_squeeze %dma_start3A_57 : memref<1x128xi32, #tpu.memory_space<vmem>> -> memref<128xi32, #tpu.memory_space<vmem>>
      %dma_start3A_59 = arith.constant 0 : i32
      %dma_start3A_60 = arith.constant 0 : i32
      %dma_start3A_61 = tpu.memref_slice %arg2[%dma_start3A_59, %dma_start3A_60] : memref<10000x128xf32, #tpu.memory_space<hbm>> -> memref<10000x128xf32, #tpu.memory_space<hbm>>
      tpu.enqueue_indirect_dma source(%dma_start3A_61 : memref<10000x128xf32, #tpu.memory_space<hbm>>) target(%arg8 : memref<128x128xf32, #tpu.memory_space<vmem>>) offsets(%dma_start3A_58 : memref<128xi32, #tpu.memory_space<vmem>>) semaphore(%arg10 : memref<!tpu.dma_semaphore, #tpu.memory_space<semaphore_mem>>)
      %dma_wait3A_62 = arith.constant 0 : i32
      %dma_wait3A_63 = arith.constant 0 : i32
      %dma_wait3A_64 = tpu.memref_slice %arg6[%dma_wait3A_62, %dma_wait3A_63] : memref<32x128xi32, #tpu.memory_space<vmem>> -> memref<1x128xi32, #tpu.memory_space<vmem>>
      %dma_wait3A_65 = tpu.memref_squeeze %dma_wait3A_64 : memref<1x128xi32, #tpu.memory_space<vmem>> -> memref<128xi32, #tpu.memory_space<vmem>>
      %dma_wait3A_66 = arith.constant 0 : i32
      %dma_wait3A_67 = arith.constant 0 : i32
      %dma_wait3A_68 = tpu.memref_slice %arg2[%dma_wait3A_66, %dma_wait3A_67] : memref<10000x128xf32, #tpu.memory_space<hbm>> -> memref<10000x128xf32, #tpu.memory_space<hbm>>
      tpu.wait_indirect_dma semaphore(%arg9 : memref<!tpu.dma_semaphore, #tpu.memory_space<semaphore_mem>>) src(%dma_wait3A_68 : memref<10000x128xf32, #tpu.memory_space<hbm>>) dst(%arg7 : memref<128x128xf32, #tpu.memory_space<vmem>>)
      %run_scoped3A_69 = arith.constant 5 : i32
      "tpu.region"() ({
        %run_scoped3A_258 = tpu.sem_alloc : memref<!tpu.dma_semaphore, #tpu.memory_space<semaphore_mem>>
        %dma_start3A_259 = arith.constant 0 : i32
        %dma_start3A_260 = tpu.memref_slice %arg6[%run_scoped3A_69, %dma_start3A_259] : memref<32x128xi32, #tpu.memory_space<vmem>> -> memref<1x128xi32, #tpu.memory_space<vmem>>
        %dma_start3A_261 = tpu.memref_squeeze %dma_start3A_260 : memref<1x128xi32, #tpu.memory_space<vmem>> -> memref<128xi32, #tpu.memory_space<vmem>>
        %dma_start3A_262 = arith.constant 0 : i32
        %dma_start3A_263 = arith.constant 0 : i32
        %dma_start3A_264 = tpu.memref_slice %arg11[%dma_start3A_262, %dma_start3A_263] : memref<10240x128xf32, #tpu.memory_space<vmem_shared>> -> memref<10240x128xf32, #tpu.memory_space<vmem_shared>>
        tpu.enqueue_indirect_dma source(%arg7 : memref<128x128xf32, #tpu.memory_space<vmem>>) target(%dma_start3A_264 : memref<10240x128xf32, #tpu.memory_space<vmem_shared>>) offsets(%dma_start3A_261 : memref<128xi32, #tpu.memory_space<vmem>>) semaphore(%run_scoped3A_258 : memref<!tpu.dma_semaphore, #tpu.memory_space<semaphore_mem>>) {add = true}
        %dma_wait3A_265 = arith.constant 0 : i32
        %dma_wait3A_266 = tpu.memref_slice %arg6[%run_scoped3A_69, %dma_wait3A_265] : memref<32x128xi32, #tpu.memory_space<vmem>> -> memref<1x128xi32, #tpu.memory_space<vmem>>
        %dma_wait3A_267 = tpu.memref_squeeze %dma_wait3A_266 : memref<1x128xi32, #tpu.memory_space<vmem>> -> memref<128xi32, #tpu.memory_space<vmem>>
        %dma_wait3A_268 = arith.constant 0 : i32
        %dma_wait3A_269 = arith.constant 0 : i32
        %dma_wait3A_270 = tpu.memref_slice %arg11[%dma_wait3A_268, %dma_wait3A_269] : memref<10240x128xf32, #tpu.memory_space<vmem_shared>> -> memref<10240x128xf32, #tpu.memory_space<vmem_shared>>
        tpu.wait_indirect_dma semaphore(%run_scoped3A_258 : memref<!tpu.dma_semaphore, #tpu.memory_space<semaphore_mem>>) src(%arg7 : memref<128x128xf32, #tpu.memory_space<vmem>>) dst(%dma_wait3A_270 : memref<10240x128xf32, #tpu.memory_space<vmem_shared>>)
        tpu.yield
      }) : () -> ()
      %dma_start3A_70 = arith.constant 8 : i32
      %dma_start3A_71 = arith.constant 0 : i32
      %dma_start3A_72 = tpu.memref_slice %arg6[%dma_start3A_70, %dma_start3A_71] : memref<32x128xi32, #tpu.memory_space<vmem>> -> memref<1x128xi32, #tpu.memory_space<vmem>>
      %dma_start3A_73 = tpu.memref_squeeze %dma_start3A_72 : memref<1x128xi32, #tpu.memory_space<vmem>> -> memref<128xi32, #tpu.memory_space<vmem>>
      %dma_start3A_74 = arith.constant 0 : i32
      %dma_start3A_75 = arith.constant 0 : i32
      %dma_start3A_76 = tpu.memref_slice %arg2[%dma_start3A_74, %dma_start3A_75] : memref<10000x128xf32, #tpu.memory_space<hbm>> -> memref<10000x128xf32, #tpu.memory_space<hbm>>
      tpu.enqueue_indirect_dma source(%dma_start3A_76 : memref<10000x128xf32, #tpu.memory_space<hbm>>) target(%arg7 : memref<128x128xf32, #tpu.memory_space<vmem>>) offsets(%dma_start3A_73 : memref<128xi32, #tpu.memory_space<vmem>>) semaphore(%arg9 : memref<!tpu.dma_semaphore, #tpu.memory_space<semaphore_mem>>)
      %dma_wait3A_77 = arith.constant 0 : i32
      %dma_wait3A_78 = arith.constant 0 : i32
      %dma_wait3A_79 = tpu.memref_slice %arg6[%dma_wait3A_77, %dma_wait3A_78] : memref<32x128xi32, #tpu.memory_space<vmem>> -> memref<1x128xi32, #tpu.memory_space<vmem>>
      %dma_wait3A_80 = tpu.memref_squeeze %dma_wait3A_79 : memref<1x128xi32, #tpu.memory_space<vmem>> -> memref<128xi32, #tpu.memory_space<vmem>>
      %dma_wait3A_81 = arith.constant 0 : i32
      %dma_wait3A_82 = arith.constant 0 : i32
      %dma_wait3A_83 = tpu.memref_slice %arg2[%dma_wait3A_81, %dma_wait3A_82] : memref<10000x128xf32, #tpu.memory_space<hbm>> -> memref<10000x128xf32, #tpu.memory_space<hbm>>
      tpu.wait_indirect_dma semaphore(%arg10 : memref<!tpu.dma_semaphore, #tpu.memory_space<semaphore_mem>>) src(%dma_wait3A_83 : memref<10000x128xf32, #tpu.memory_space<hbm>>) dst(%arg8 : memref<128x128xf32, #tpu.memory_space<vmem>>)
      %run_scoped3A_84 = arith.constant 7 : i32
      "tpu.region"() ({
        %run_scoped3A_258 = tpu.sem_alloc : memref<!tpu.dma_semaphore, #tpu.memory_space<semaphore_mem>>
        %dma_start3A_259 = arith.constant 0 : i32
        %dma_start3A_260 = tpu.memref_slice %arg6[%run_scoped3A_84, %dma_start3A_259] : memref<32x128xi32, #tpu.memory_space<vmem>> -> memref<1x128xi32, #tpu.memory_space<vmem>>
        %dma_start3A_261 = tpu.memref_squeeze %dma_start3A_260 : memref<1x128xi32, #tpu.memory_space<vmem>> -> memref<128xi32, #tpu.memory_space<vmem>>
        %dma_start3A_262 = arith.constant 0 : i32
        %dma_start3A_263 = arith.constant 0 : i32
        %dma_start3A_264 = tpu.memref_slice %arg11[%dma_start3A_262, %dma_start3A_263] : memref<10240x128xf32, #tpu.memory_space<vmem_shared>> -> memref<10240x128xf32, #tpu.memory_space<vmem_shared>>
        tpu.enqueue_indirect_dma source(%arg8 : memref<128x128xf32, #tpu.memory_space<vmem>>) target(%dma_start3A_264 : memref<10240x128xf32, #tpu.memory_space<vmem_shared>>) offsets(%dma_start3A_261 : memref<128xi32, #tpu.memory_space<vmem>>) semaphore(%run_scoped3A_258 : memref<!tpu.dma_semaphore, #tpu.memory_space<semaphore_mem>>) {add = true}
        %dma_wait3A_265 = arith.constant 0 : i32
        %dma_wait3A_266 = tpu.memref_slice %arg6[%run_scoped3A_84, %dma_wait3A_265] : memref<32x128xi32, #tpu.memory_space<vmem>> -> memref<1x128xi32, #tpu.memory_space<vmem>>
        %dma_wait3A_267 = tpu.memref_squeeze %dma_wait3A_266 : memref<1x128xi32, #tpu.memory_space<vmem>> -> memref<128xi32, #tpu.memory_space<vmem>>
        %dma_wait3A_268 = arith.constant 0 : i32
        %dma_wait3A_269 = arith.constant 0 : i32
        %dma_wait3A_270 = tpu.memref_slice %arg11[%dma_wait3A_268, %dma_wait3A_269] : memref<10240x128xf32, #tpu.memory_space<vmem_shared>> -> memref<10240x128xf32, #tpu.memory_space<vmem_shared>>
        tpu.wait_indirect_dma semaphore(%run_scoped3A_258 : memref<!tpu.dma_semaphore, #tpu.memory_space<semaphore_mem>>) src(%arg8 : memref<128x128xf32, #tpu.memory_space<vmem>>) dst(%dma_wait3A_270 : memref<10240x128xf32, #tpu.memory_space<vmem_shared>>)
        tpu.yield
      }) : () -> ()
      %dma_start3A_85 = arith.constant 10 : i32
      %dma_start3A_86 = arith.constant 0 : i32
      %dma_start3A_87 = tpu.memref_slice %arg6[%dma_start3A_85, %dma_start3A_86] : memref<32x128xi32, #tpu.memory_space<vmem>> -> memref<1x128xi32, #tpu.memory_space<vmem>>
      %dma_start3A_88 = tpu.memref_squeeze %dma_start3A_87 : memref<1x128xi32, #tpu.memory_space<vmem>> -> memref<128xi32, #tpu.memory_space<vmem>>
      %dma_start3A_89 = arith.constant 0 : i32
      %dma_start3A_90 = arith.constant 0 : i32
      %dma_start3A_91 = tpu.memref_slice %arg2[%dma_start3A_89, %dma_start3A_90] : memref<10000x128xf32, #tpu.memory_space<hbm>> -> memref<10000x128xf32, #tpu.memory_space<hbm>>
      tpu.enqueue_indirect_dma source(%dma_start3A_91 : memref<10000x128xf32, #tpu.memory_space<hbm>>) target(%arg8 : memref<128x128xf32, #tpu.memory_space<vmem>>) offsets(%dma_start3A_88 : memref<128xi32, #tpu.memory_space<vmem>>) semaphore(%arg10 : memref<!tpu.dma_semaphore, #tpu.memory_space<semaphore_mem>>)
      %dma_wait3A_92 = arith.constant 0 : i32
      %dma_wait3A_93 = arith.constant 0 : i32
      %dma_wait3A_94 = tpu.memref_slice %arg6[%dma_wait3A_92, %dma_wait3A_93] : memref<32x128xi32, #tpu.memory_space<vmem>> -> memref<1x128xi32, #tpu.memory_space<vmem>>
      %dma_wait3A_95 = tpu.memref_squeeze %dma_wait3A_94 : memref<1x128xi32, #tpu.memory_space<vmem>> -> memref<128xi32, #tpu.memory_space<vmem>>
      %dma_wait3A_96 = arith.constant 0 : i32
      %dma_wait3A_97 = arith.constant 0 : i32
      %dma_wait3A_98 = tpu.memref_slice %arg2[%dma_wait3A_96, %dma_wait3A_97] : memref<10000x128xf32, #tpu.memory_space<hbm>> -> memref<10000x128xf32, #tpu.memory_space<hbm>>
      tpu.wait_indirect_dma semaphore(%arg9 : memref<!tpu.dma_semaphore, #tpu.memory_space<semaphore_mem>>) src(%dma_wait3A_98 : memref<10000x128xf32, #tpu.memory_space<hbm>>) dst(%arg7 : memref<128x128xf32, #tpu.memory_space<vmem>>)
      %run_scoped3A_99 = arith.constant 9 : i32
      "tpu.region"() ({
        %run_scoped3A_258 = tpu.sem_alloc : memref<!tpu.dma_semaphore, #tpu.memory_space<semaphore_mem>>
        %dma_start3A_259 = arith.constant 0 : i32
        %dma_start3A_260 = tpu.memref_slice %arg6[%run_scoped3A_99, %dma_start3A_259] : memref<32x128xi32, #tpu.memory_space<vmem>> -> memref<1x128xi32, #tpu.memory_space<vmem>>
        %dma_start3A_261 = tpu.memref_squeeze %dma_start3A_260 : memref<1x128xi32, #tpu.memory_space<vmem>> -> memref<128xi32, #tpu.memory_space<vmem>>
        %dma_start3A_262 = arith.constant 0 : i32
        %dma_start3A_263 = arith.constant 0 : i32
        %dma_start3A_264 = tpu.memref_slice %arg11[%dma_start3A_262, %dma_start3A_263] : memref<10240x128xf32, #tpu.memory_space<vmem_shared>> -> memref<10240x128xf32, #tpu.memory_space<vmem_shared>>
        tpu.enqueue_indirect_dma source(%arg7 : memref<128x128xf32, #tpu.memory_space<vmem>>) target(%dma_start3A_264 : memref<10240x128xf32, #tpu.memory_space<vmem_shared>>) offsets(%dma_start3A_261 : memref<128xi32, #tpu.memory_space<vmem>>) semaphore(%run_scoped3A_258 : memref<!tpu.dma_semaphore, #tpu.memory_space<semaphore_mem>>) {add = true}
        %dma_wait3A_265 = arith.constant 0 : i32
        %dma_wait3A_266 = tpu.memref_slice %arg6[%run_scoped3A_99, %dma_wait3A_265] : memref<32x128xi32, #tpu.memory_space<vmem>> -> memref<1x128xi32, #tpu.memory_space<vmem>>
        %dma_wait3A_267 = tpu.memref_squeeze %dma_wait3A_266 : memref<1x128xi32, #tpu.memory_space<vmem>> -> memref<128xi32, #tpu.memory_space<vmem>>
        %dma_wait3A_268 = arith.constant 0 : i32
        %dma_wait3A_269 = arith.constant 0 : i32
        %dma_wait3A_270 = tpu.memref_slice %arg11[%dma_wait3A_268, %dma_wait3A_269] : memref<10240x128xf32, #tpu.memory_space<vmem_shared>> -> memref<10240x128xf32, #tpu.memory_space<vmem_shared>>
        tpu.wait_indirect_dma semaphore(%run_scoped3A_258 : memref<!tpu.dma_semaphore, #tpu.memory_space<semaphore_mem>>) src(%arg7 : memref<128x128xf32, #tpu.memory_space<vmem>>) dst(%dma_wait3A_270 : memref<10240x128xf32, #tpu.memory_space<vmem_shared>>)
        tpu.yield
      }) : () -> ()
      %dma_start3A_100 = arith.constant 12 : i32
      %dma_start3A_101 = arith.constant 0 : i32
      %dma_start3A_102 = tpu.memref_slice %arg6[%dma_start3A_100, %dma_start3A_101] : memref<32x128xi32, #tpu.memory_space<vmem>> -> memref<1x128xi32, #tpu.memory_space<vmem>>
      %dma_start3A_103 = tpu.memref_squeeze %dma_start3A_102 : memref<1x128xi32, #tpu.memory_space<vmem>> -> memref<128xi32, #tpu.memory_space<vmem>>
      %dma_start3A_104 = arith.constant 0 : i32
      %dma_start3A_105 = arith.constant 0 : i32
      %dma_start3A_106 = tpu.memref_slice %arg2[%dma_start3A_104, %dma_start3A_105] : memref<10000x128xf32, #tpu.memory_space<hbm>> -> memref<10000x128xf32, #tpu.memory_space<hbm>>
      tpu.enqueue_indirect_dma source(%dma_start3A_106 : memref<10000x128xf32, #tpu.memory_space<hbm>>) target(%arg7 : memref<128x128xf32, #tpu.memory_space<vmem>>) offsets(%dma_start3A_103 : memref<128xi32, #tpu.memory_space<vmem>>) semaphore(%arg9 : memref<!tpu.dma_semaphore, #tpu.memory_space<semaphore_mem>>)
      %dma_wait3A_107 = arith.constant 0 : i32
      %dma_wait3A_108 = arith.constant 0 : i32
      %dma_wait3A_109 = tpu.memref_slice %arg6[%dma_wait3A_107, %dma_wait3A_108] : memref<32x128xi32, #tpu.memory_space<vmem>> -> memref<1x128xi32, #tpu.memory_space<vmem>>
      %dma_wait3A_110 = tpu.memref_squeeze %dma_wait3A_109 : memref<1x128xi32, #tpu.memory_space<vmem>> -> memref<128xi32, #tpu.memory_space<vmem>>
      %dma_wait3A_111 = arith.constant 0 : i32
      %dma_wait3A_112 = arith.constant 0 : i32
      %dma_wait3A_113 = tpu.memref_slice %arg2[%dma_wait3A_111, %dma_wait3A_112] : memref<10000x128xf32, #tpu.memory_space<hbm>> -> memref<10000x128xf32, #tpu.memory_space<hbm>>
      tpu.wait_indirect_dma semaphore(%arg10 : memref<!tpu.dma_semaphore, #tpu.memory_space<semaphore_mem>>) src(%dma_wait3A_113 : memref<10000x128xf32, #tpu.memory_space<hbm>>) dst(%arg8 : memref<128x128xf32, #tpu.memory_space<vmem>>)
      %run_scoped3A_114 = arith.constant 11 : i32
      "tpu.region"() ({
        %run_scoped3A_258 = tpu.sem_alloc : memref<!tpu.dma_semaphore, #tpu.memory_space<semaphore_mem>>
        %dma_start3A_259 = arith.constant 0 : i32
        %dma_start3A_260 = tpu.memref_slice %arg6[%run_scoped3A_114, %dma_start3A_259] : memref<32x128xi32, #tpu.memory_space<vmem>> -> memref<1x128xi32, #tpu.memory_space<vmem>>
        %dma_start3A_261 = tpu.memref_squeeze %dma_start3A_260 : memref<1x128xi32, #tpu.memory_space<vmem>> -> memref<128xi32, #tpu.memory_space<vmem>>
        %dma_start3A_262 = arith.constant 0 : i32
        %dma_start3A_263 = arith.constant 0 : i32
        %dma_start3A_264 = tpu.memref_slice %arg11[%dma_start3A_262, %dma_start3A_263] : memref<10240x128xf32, #tpu.memory_space<vmem_shared>> -> memref<10240x128xf32, #tpu.memory_space<vmem_shared>>
        tpu.enqueue_indirect_dma source(%arg8 : memref<128x128xf32, #tpu.memory_space<vmem>>) target(%dma_start3A_264 : memref<10240x128xf32, #tpu.memory_space<vmem_shared>>) offsets(%dma_start3A_261 : memref<128xi32, #tpu.memory_space<vmem>>) semaphore(%run_scoped3A_258 : memref<!tpu.dma_semaphore, #tpu.memory_space<semaphore_mem>>) {add = true}
        %dma_wait3A_265 = arith.constant 0 : i32
        %dma_wait3A_266 = tpu.memref_slice %arg6[%run_scoped3A_114, %dma_wait3A_265] : memref<32x128xi32, #tpu.memory_space<vmem>> -> memref<1x128xi32, #tpu.memory_space<vmem>>
        %dma_wait3A_267 = tpu.memref_squeeze %dma_wait3A_266 : memref<1x128xi32, #tpu.memory_space<vmem>> -> memref<128xi32, #tpu.memory_space<vmem>>
        %dma_wait3A_268 = arith.constant 0 : i32
        %dma_wait3A_269 = arith.constant 0 : i32
        %dma_wait3A_270 = tpu.memref_slice %arg11[%dma_wait3A_268, %dma_wait3A_269] : memref<10240x128xf32, #tpu.memory_space<vmem_shared>> -> memref<10240x128xf32, #tpu.memory_space<vmem_shared>>
        tpu.wait_indirect_dma semaphore(%run_scoped3A_258 : memref<!tpu.dma_semaphore, #tpu.memory_space<semaphore_mem>>) src(%arg8 : memref<128x128xf32, #tpu.memory_space<vmem>>) dst(%dma_wait3A_270 : memref<10240x128xf32, #tpu.memory_space<vmem_shared>>)
        tpu.yield
      }) : () -> ()
      %dma_start3A_115 = arith.constant 14 : i32
      %dma_start3A_116 = arith.constant 0 : i32
      %dma_start3A_117 = tpu.memref_slice %arg6[%dma_start3A_115, %dma_start3A_116] : memref<32x128xi32, #tpu.memory_space<vmem>> -> memref<1x128xi32, #tpu.memory_space<vmem>>
      %dma_start3A_118 = tpu.memref_squeeze %dma_start3A_117 : memref<1x128xi32, #tpu.memory_space<vmem>> -> memref<128xi32, #tpu.memory_space<vmem>>
      %dma_start3A_119 = arith.constant 0 : i32
      %dma_start3A_120 = arith.constant 0 : i32
      %dma_start3A_121 = tpu.memref_slice %arg2[%dma_start3A_119, %dma_start3A_120] : memref<10000x128xf32, #tpu.memory_space<hbm>> -> memref<10000x128xf32, #tpu.memory_space<hbm>>
      tpu.enqueue_indirect_dma source(%dma_start3A_121 : memref<10000x128xf32, #tpu.memory_space<hbm>>) target(%arg8 : memref<128x128xf32, #tpu.memory_space<vmem>>) offsets(%dma_start3A_118 : memref<128xi32, #tpu.memory_space<vmem>>) semaphore(%arg10 : memref<!tpu.dma_semaphore, #tpu.memory_space<semaphore_mem>>)
      %dma_wait3A_122 = arith.constant 0 : i32
      %dma_wait3A_123 = arith.constant 0 : i32
      %dma_wait3A_124 = tpu.memref_slice %arg6[%dma_wait3A_122, %dma_wait3A_123] : memref<32x128xi32, #tpu.memory_space<vmem>> -> memref<1x128xi32, #tpu.memory_space<vmem>>
      %dma_wait3A_125 = tpu.memref_squeeze %dma_wait3A_124 : memref<1x128xi32, #tpu.memory_space<vmem>> -> memref<128xi32, #tpu.memory_space<vmem>>
      %dma_wait3A_126 = arith.constant 0 : i32
      %dma_wait3A_127 = arith.constant 0 : i32
      %dma_wait3A_128 = tpu.memref_slice %arg2[%dma_wait3A_126, %dma_wait3A_127] : memref<10000x128xf32, #tpu.memory_space<hbm>> -> memref<10000x128xf32, #tpu.memory_space<hbm>>
      tpu.wait_indirect_dma semaphore(%arg9 : memref<!tpu.dma_semaphore, #tpu.memory_space<semaphore_mem>>) src(%dma_wait3A_128 : memref<10000x128xf32, #tpu.memory_space<hbm>>) dst(%arg7 : memref<128x128xf32, #tpu.memory_space<vmem>>)
      %run_scoped3A_129 = arith.constant 13 : i32
      "tpu.region"() ({
        %run_scoped3A_258 = tpu.sem_alloc : memref<!tpu.dma_semaphore, #tpu.memory_space<semaphore_mem>>
        %dma_start3A_259 = arith.constant 0 : i32
        %dma_start3A_260 = tpu.memref_slice %arg6[%run_scoped3A_129, %dma_start3A_259] : memref<32x128xi32, #tpu.memory_space<vmem>> -> memref<1x128xi32, #tpu.memory_space<vmem>>
        %dma_start3A_261 = tpu.memref_squeeze %dma_start3A_260 : memref<1x128xi32, #tpu.memory_space<vmem>> -> memref<128xi32, #tpu.memory_space<vmem>>
        %dma_start3A_262 = arith.constant 0 : i32
        %dma_start3A_263 = arith.constant 0 : i32
        %dma_start3A_264 = tpu.memref_slice %arg11[%dma_start3A_262, %dma_start3A_263] : memref<10240x128xf32, #tpu.memory_space<vmem_shared>> -> memref<10240x128xf32, #tpu.memory_space<vmem_shared>>
        tpu.enqueue_indirect_dma source(%arg7 : memref<128x128xf32, #tpu.memory_space<vmem>>) target(%dma_start3A_264 : memref<10240x128xf32, #tpu.memory_space<vmem_shared>>) offsets(%dma_start3A_261 : memref<128xi32, #tpu.memory_space<vmem>>) semaphore(%run_scoped3A_258 : memref<!tpu.dma_semaphore, #tpu.memory_space<semaphore_mem>>) {add = true}
        %dma_wait3A_265 = arith.constant 0 : i32
        %dma_wait3A_266 = tpu.memref_slice %arg6[%run_scoped3A_129, %dma_wait3A_265] : memref<32x128xi32, #tpu.memory_space<vmem>> -> memref<1x128xi32, #tpu.memory_space<vmem>>
        %dma_wait3A_267 = tpu.memref_squeeze %dma_wait3A_266 : memref<1x128xi32, #tpu.memory_space<vmem>> -> memref<128xi32, #tpu.memory_space<vmem>>
        %dma_wait3A_268 = arith.constant 0 : i32
        %dma_wait3A_269 = arith.constant 0 : i32
        %dma_wait3A_270 = tpu.memref_slice %arg11[%dma_wait3A_268, %dma_wait3A_269] : memref<10240x128xf32, #tpu.memory_space<vmem_shared>> -> memref<10240x128xf32, #tpu.memory_space<vmem_shared>>
        tpu.wait_indirect_dma semaphore(%run_scoped3A_258 : memref<!tpu.dma_semaphore, #tpu.memory_space<semaphore_mem>>) src(%arg7 : memref<128x128xf32, #tpu.memory_space<vmem>>) dst(%dma_wait3A_270 : memref<10240x128xf32, #tpu.memory_space<vmem_shared>>)
        tpu.yield
      }) : () -> ()
      %dma_start3A_130 = arith.constant 16 : i32
      %dma_start3A_131 = arith.constant 0 : i32
      %dma_start3A_132 = tpu.memref_slice %arg6[%dma_start3A_130, %dma_start3A_131] : memref<32x128xi32, #tpu.memory_space<vmem>> -> memref<1x128xi32, #tpu.memory_space<vmem>>
      %dma_start3A_133 = tpu.memref_squeeze %dma_start3A_132 : memref<1x128xi32, #tpu.memory_space<vmem>> -> memref<128xi32, #tpu.memory_space<vmem>>
      %dma_start3A_134 = arith.constant 0 : i32
      %dma_start3A_135 = arith.constant 0 : i32
      %dma_start3A_136 = tpu.memref_slice %arg2[%dma_start3A_134, %dma_start3A_135] : memref<10000x128xf32, #tpu.memory_space<hbm>> -> memref<10000x128xf32, #tpu.memory_space<hbm>>
      tpu.enqueue_indirect_dma source(%dma_start3A_136 : memref<10000x128xf32, #tpu.memory_space<hbm>>) target(%arg7 : memref<128x128xf32, #tpu.memory_space<vmem>>) offsets(%dma_start3A_133 : memref<128xi32, #tpu.memory_space<vmem>>) semaphore(%arg9 : memref<!tpu.dma_semaphore, #tpu.memory_space<semaphore_mem>>)
      %dma_wait3A_137 = arith.constant 0 : i32
      %dma_wait3A_138 = arith.constant 0 : i32
      %dma_wait3A_139 = tpu.memref_slice %arg6[%dma_wait3A_137, %dma_wait3A_138] : memref<32x128xi32, #tpu.memory_space<vmem>> -> memref<1x128xi32, #tpu.memory_space<vmem>>
      %dma_wait3A_140 = tpu.memref_squeeze %dma_wait3A_139 : memref<1x128xi32, #tpu.memory_space<vmem>> -> memref<128xi32, #tpu.memory_space<vmem>>
      %dma_wait3A_141 = arith.constant 0 : i32
      %dma_wait3A_142 = arith.constant 0 : i32
      %dma_wait3A_143 = tpu.memref_slice %arg2[%dma_wait3A_141, %dma_wait3A_142] : memref<10000x128xf32, #tpu.memory_space<hbm>> -> memref<10000x128xf32, #tpu.memory_space<hbm>>
      tpu.wait_indirect_dma semaphore(%arg10 : memref<!tpu.dma_semaphore, #tpu.memory_space<semaphore_mem>>) src(%dma_wait3A_143 : memref<10000x128xf32, #tpu.memory_space<hbm>>) dst(%arg8 : memref<128x128xf32, #tpu.memory_space<vmem>>)
      %run_scoped3A_144 = arith.constant 15 : i32
      "tpu.region"() ({
        %run_scoped3A_258 = tpu.sem_alloc : memref<!tpu.dma_semaphore, #tpu.memory_space<semaphore_mem>>
        %dma_start3A_259 = arith.constant 0 : i32
        %dma_start3A_260 = tpu.memref_slice %arg6[%run_scoped3A_144, %dma_start3A_259] : memref<32x128xi32, #tpu.memory_space<vmem>> -> memref<1x128xi32, #tpu.memory_space<vmem>>
        %dma_start3A_261 = tpu.memref_squeeze %dma_start3A_260 : memref<1x128xi32, #tpu.memory_space<vmem>> -> memref<128xi32, #tpu.memory_space<vmem>>
        %dma_start3A_262 = arith.constant 0 : i32
        %dma_start3A_263 = arith.constant 0 : i32
        %dma_start3A_264 = tpu.memref_slice %arg11[%dma_start3A_262, %dma_start3A_263] : memref<10240x128xf32, #tpu.memory_space<vmem_shared>> -> memref<10240x128xf32, #tpu.memory_space<vmem_shared>>
        tpu.enqueue_indirect_dma source(%arg8 : memref<128x128xf32, #tpu.memory_space<vmem>>) target(%dma_start3A_264 : memref<10240x128xf32, #tpu.memory_space<vmem_shared>>) offsets(%dma_start3A_261 : memref<128xi32, #tpu.memory_space<vmem>>) semaphore(%run_scoped3A_258 : memref<!tpu.dma_semaphore, #tpu.memory_space<semaphore_mem>>) {add = true}
        %dma_wait3A_265 = arith.constant 0 : i32
        %dma_wait3A_266 = tpu.memref_slice %arg6[%run_scoped3A_144, %dma_wait3A_265] : memref<32x128xi32, #tpu.memory_space<vmem>> -> memref<1x128xi32, #tpu.memory_space<vmem>>
        %dma_wait3A_267 = tpu.memref_squeeze %dma_wait3A_266 : memref<1x128xi32, #tpu.memory_space<vmem>> -> memref<128xi32, #tpu.memory_space<vmem>>
        %dma_wait3A_268 = arith.constant 0 : i32
        %dma_wait3A_269 = arith.constant 0 : i32
        %dma_wait3A_270 = tpu.memref_slice %arg11[%dma_wait3A_268, %dma_wait3A_269] : memref<10240x128xf32, #tpu.memory_space<vmem_shared>> -> memref<10240x128xf32, #tpu.memory_space<vmem_shared>>
        tpu.wait_indirect_dma semaphore(%run_scoped3A_258 : memref<!tpu.dma_semaphore, #tpu.memory_space<semaphore_mem>>) src(%arg8 : memref<128x128xf32, #tpu.memory_space<vmem>>) dst(%dma_wait3A_270 : memref<10240x128xf32, #tpu.memory_space<vmem_shared>>)
        tpu.yield
      }) : () -> ()
      %dma_start3A_145 = arith.constant 18 : i32
      %dma_start3A_146 = arith.constant 0 : i32
      %dma_start3A_147 = tpu.memref_slice %arg6[%dma_start3A_145, %dma_start3A_146] : memref<32x128xi32, #tpu.memory_space<vmem>> -> memref<1x128xi32, #tpu.memory_space<vmem>>
      %dma_start3A_148 = tpu.memref_squeeze %dma_start3A_147 : memref<1x128xi32, #tpu.memory_space<vmem>> -> memref<128xi32, #tpu.memory_space<vmem>>
      %dma_start3A_149 = arith.constant 0 : i32
      %dma_start3A_150 = arith.constant 0 : i32
      %dma_start3A_151 = tpu.memref_slice %arg2[%dma_start3A_149, %dma_start3A_150] : memref<10000x128xf32, #tpu.memory_space<hbm>> -> memref<10000x128xf32, #tpu.memory_space<hbm>>
      tpu.enqueue_indirect_dma source(%dma_start3A_151 : memref<10000x128xf32, #tpu.memory_space<hbm>>) target(%arg8 : memref<128x128xf32, #tpu.memory_space<vmem>>) offsets(%dma_start3A_148 : memref<128xi32, #tpu.memory_space<vmem>>) semaphore(%arg10 : memref<!tpu.dma_semaphore, #tpu.memory_space<semaphore_mem>>)
      %dma_wait3A_152 = arith.constant 0 : i32
      %dma_wait3A_153 = arith.constant 0 : i32
      %dma_wait3A_154 = tpu.memref_slice %arg6[%dma_wait3A_152, %dma_wait3A_153] : memref<32x128xi32, #tpu.memory_space<vmem>> -> memref<1x128xi32, #tpu.memory_space<vmem>>
      %dma_wait3A_155 = tpu.memref_squeeze %dma_wait3A_154 : memref<1x128xi32, #tpu.memory_space<vmem>> -> memref<128xi32, #tpu.memory_space<vmem>>
      %dma_wait3A_156 = arith.constant 0 : i32
      %dma_wait3A_157 = arith.constant 0 : i32
      %dma_wait3A_158 = tpu.memref_slice %arg2[%dma_wait3A_156, %dma_wait3A_157] : memref<10000x128xf32, #tpu.memory_space<hbm>> -> memref<10000x128xf32, #tpu.memory_space<hbm>>
      tpu.wait_indirect_dma semaphore(%arg9 : memref<!tpu.dma_semaphore, #tpu.memory_space<semaphore_mem>>) src(%dma_wait3A_158 : memref<10000x128xf32, #tpu.memory_space<hbm>>) dst(%arg7 : memref<128x128xf32, #tpu.memory_space<vmem>>)
      %run_scoped3A_159 = arith.constant 17 : i32
      "tpu.region"() ({
        %run_scoped3A_258 = tpu.sem_alloc : memref<!tpu.dma_semaphore, #tpu.memory_space<semaphore_mem>>
        %dma_start3A_259 = arith.constant 0 : i32
        %dma_start3A_260 = tpu.memref_slice %arg6[%run_scoped3A_159, %dma_start3A_259] : memref<32x128xi32, #tpu.memory_space<vmem>> -> memref<1x128xi32, #tpu.memory_space<vmem>>
        %dma_start3A_261 = tpu.memref_squeeze %dma_start3A_260 : memref<1x128xi32, #tpu.memory_space<vmem>> -> memref<128xi32, #tpu.memory_space<vmem>>
        %dma_start3A_262 = arith.constant 0 : i32
        %dma_start3A_263 = arith.constant 0 : i32
        %dma_start3A_264 = tpu.memref_slice %arg11[%dma_start3A_262, %dma_start3A_263] : memref<10240x128xf32, #tpu.memory_space<vmem_shared>> -> memref<10240x128xf32, #tpu.memory_space<vmem_shared>>
        tpu.enqueue_indirect_dma source(%arg7 : memref<128x128xf32, #tpu.memory_space<vmem>>) target(%dma_start3A_264 : memref<10240x128xf32, #tpu.memory_space<vmem_shared>>) offsets(%dma_start3A_261 : memref<128xi32, #tpu.memory_space<vmem>>) semaphore(%run_scoped3A_258 : memref<!tpu.dma_semaphore, #tpu.memory_space<semaphore_mem>>) {add = true}
        %dma_wait3A_265 = arith.constant 0 : i32
        %dma_wait3A_266 = tpu.memref_slice %arg6[%run_scoped3A_159, %dma_wait3A_265] : memref<32x128xi32, #tpu.memory_space<vmem>> -> memref<1x128xi32, #tpu.memory_space<vmem>>
        %dma_wait3A_267 = tpu.memref_squeeze %dma_wait3A_266 : memref<1x128xi32, #tpu.memory_space<vmem>> -> memref<128xi32, #tpu.memory_space<vmem>>
        %dma_wait3A_268 = arith.constant 0 : i32
        %dma_wait3A_269 = arith.constant 0 : i32
        %dma_wait3A_270 = tpu.memref_slice %arg11[%dma_wait3A_268, %dma_wait3A_269] : memref<10240x128xf32, #tpu.memory_space<vmem_shared>> -> memref<10240x128xf32, #tpu.memory_space<vmem_shared>>
        tpu.wait_indirect_dma semaphore(%run_scoped3A_258 : memref<!tpu.dma_semaphore, #tpu.memory_space<semaphore_mem>>) src(%arg7 : memref<128x128xf32, #tpu.memory_space<vmem>>) dst(%dma_wait3A_270 : memref<10240x128xf32, #tpu.memory_space<vmem_shared>>)
        tpu.yield
      }) : () -> ()
      %dma_start3A_160 = arith.constant 20 : i32
      %dma_start3A_161 = arith.constant 0 : i32
      %dma_start3A_162 = tpu.memref_slice %arg6[%dma_start3A_160, %dma_start3A_161] : memref<32x128xi32, #tpu.memory_space<vmem>> -> memref<1x128xi32, #tpu.memory_space<vmem>>
      %dma_start3A_163 = tpu.memref_squeeze %dma_start3A_162 : memref<1x128xi32, #tpu.memory_space<vmem>> -> memref<128xi32, #tpu.memory_space<vmem>>
      %dma_start3A_164 = arith.constant 0 : i32
      %dma_start3A_165 = arith.constant 0 : i32
      %dma_start3A_166 = tpu.memref_slice %arg2[%dma_start3A_164, %dma_start3A_165] : memref<10000x128xf32, #tpu.memory_space<hbm>> -> memref<10000x128xf32, #tpu.memory_space<hbm>>
      tpu.enqueue_indirect_dma source(%dma_start3A_166 : memref<10000x128xf32, #tpu.memory_space<hbm>>) target(%arg7 : memref<128x128xf32, #tpu.memory_space<vmem>>) offsets(%dma_start3A_163 : memref<128xi32, #tpu.memory_space<vmem>>) semaphore(%arg9 : memref<!tpu.dma_semaphore, #tpu.memory_space<semaphore_mem>>)
      %dma_wait3A_167 = arith.constant 0 : i32
      %dma_wait3A_168 = arith.constant 0 : i32
      %dma_wait3A_169 = tpu.memref_slice %arg6[%dma_wait3A_167, %dma_wait3A_168] : memref<32x128xi32, #tpu.memory_space<vmem>> -> memref<1x128xi32, #tpu.memory_space<vmem>>
      %dma_wait3A_170 = tpu.memref_squeeze %dma_wait3A_169 : memref<1x128xi32, #tpu.memory_space<vmem>> -> memref<128xi32, #tpu.memory_space<vmem>>
      %dma_wait3A_171 = arith.constant 0 : i32
      %dma_wait3A_172 = arith.constant 0 : i32
      %dma_wait3A_173 = tpu.memref_slice %arg2[%dma_wait3A_171, %dma_wait3A_172] : memref<10000x128xf32, #tpu.memory_space<hbm>> -> memref<10000x128xf32, #tpu.memory_space<hbm>>
      tpu.wait_indirect_dma semaphore(%arg10 : memref<!tpu.dma_semaphore, #tpu.memory_space<semaphore_mem>>) src(%dma_wait3A_173 : memref<10000x128xf32, #tpu.memory_space<hbm>>) dst(%arg8 : memref<128x128xf32, #tpu.memory_space<vmem>>)
      %run_scoped3A_174 = arith.constant 19 : i32
      "tpu.region"() ({
        %run_scoped3A_258 = tpu.sem_alloc : memref<!tpu.dma_semaphore, #tpu.memory_space<semaphore_mem>>
        %dma_start3A_259 = arith.constant 0 : i32
        %dma_start3A_260 = tpu.memref_slice %arg6[%run_scoped3A_174, %dma_start3A_259] : memref<32x128xi32, #tpu.memory_space<vmem>> -> memref<1x128xi32, #tpu.memory_space<vmem>>
        %dma_start3A_261 = tpu.memref_squeeze %dma_start3A_260 : memref<1x128xi32, #tpu.memory_space<vmem>> -> memref<128xi32, #tpu.memory_space<vmem>>
        %dma_start3A_262 = arith.constant 0 : i32
        %dma_start3A_263 = arith.constant 0 : i32
        %dma_start3A_264 = tpu.memref_slice %arg11[%dma_start3A_262, %dma_start3A_263] : memref<10240x128xf32, #tpu.memory_space<vmem_shared>> -> memref<10240x128xf32, #tpu.memory_space<vmem_shared>>
        tpu.enqueue_indirect_dma source(%arg8 : memref<128x128xf32, #tpu.memory_space<vmem>>) target(%dma_start3A_264 : memref<10240x128xf32, #tpu.memory_space<vmem_shared>>) offsets(%dma_start3A_261 : memref<128xi32, #tpu.memory_space<vmem>>) semaphore(%run_scoped3A_258 : memref<!tpu.dma_semaphore, #tpu.memory_space<semaphore_mem>>) {add = true}
        %dma_wait3A_265 = arith.constant 0 : i32
        %dma_wait3A_266 = tpu.memref_slice %arg6[%run_scoped3A_174, %dma_wait3A_265] : memref<32x128xi32, #tpu.memory_space<vmem>> -> memref<1x128xi32, #tpu.memory_space<vmem>>
        %dma_wait3A_267 = tpu.memref_squeeze %dma_wait3A_266 : memref<1x128xi32, #tpu.memory_space<vmem>> -> memref<128xi32, #tpu.memory_space<vmem>>
        %dma_wait3A_268 = arith.constant 0 : i32
        %dma_wait3A_269 = arith.constant 0 : i32
        %dma_wait3A_270 = tpu.memref_slice %arg11[%dma_wait3A_268, %dma_wait3A_269] : memref<10240x128xf32, #tpu.memory_space<vmem_shared>> -> memref<10240x128xf32, #tpu.memory_space<vmem_shared>>
        tpu.wait_indirect_dma semaphore(%run_scoped3A_258 : memref<!tpu.dma_semaphore, #tpu.memory_space<semaphore_mem>>) src(%arg8 : memref<128x128xf32, #tpu.memory_space<vmem>>) dst(%dma_wait3A_270 : memref<10240x128xf32, #tpu.memory_space<vmem_shared>>)
        tpu.yield
      }) : () -> ()
      %dma_start3A_175 = arith.constant 22 : i32
      %dma_start3A_176 = arith.constant 0 : i32
      %dma_start3A_177 = tpu.memref_slice %arg6[%dma_start3A_175, %dma_start3A_176] : memref<32x128xi32, #tpu.memory_space<vmem>> -> memref<1x128xi32, #tpu.memory_space<vmem>>
      %dma_start3A_178 = tpu.memref_squeeze %dma_start3A_177 : memref<1x128xi32, #tpu.memory_space<vmem>> -> memref<128xi32, #tpu.memory_space<vmem>>
      %dma_start3A_179 = arith.constant 0 : i32
      %dma_start3A_180 = arith.constant 0 : i32
      %dma_start3A_181 = tpu.memref_slice %arg2[%dma_start3A_179, %dma_start3A_180] : memref<10000x128xf32, #tpu.memory_space<hbm>> -> memref<10000x128xf32, #tpu.memory_space<hbm>>
      tpu.enqueue_indirect_dma source(%dma_start3A_181 : memref<10000x128xf32, #tpu.memory_space<hbm>>) target(%arg8 : memref<128x128xf32, #tpu.memory_space<vmem>>) offsets(%dma_start3A_178 : memref<128xi32, #tpu.memory_space<vmem>>) semaphore(%arg10 : memref<!tpu.dma_semaphore, #tpu.memory_space<semaphore_mem>>)
      %dma_wait3A_182 = arith.constant 0 : i32
      %dma_wait3A_183 = arith.constant 0 : i32
      %dma_wait3A_184 = tpu.memref_slice %arg6[%dma_wait3A_182, %dma_wait3A_183] : memref<32x128xi32, #tpu.memory_space<vmem>> -> memref<1x128xi32, #tpu.memory_space<vmem>>
      %dma_wait3A_185 = tpu.memref_squeeze %dma_wait3A_184 : memref<1x128xi32, #tpu.memory_space<vmem>> -> memref<128xi32, #tpu.memory_space<vmem>>
      %dma_wait3A_186 = arith.constant 0 : i32
      %dma_wait3A_187 = arith.constant 0 : i32
      %dma_wait3A_188 = tpu.memref_slice %arg2[%dma_wait3A_186, %dma_wait3A_187] : memref<10000x128xf32, #tpu.memory_space<hbm>> -> memref<10000x128xf32, #tpu.memory_space<hbm>>
      tpu.wait_indirect_dma semaphore(%arg9 : memref<!tpu.dma_semaphore, #tpu.memory_space<semaphore_mem>>) src(%dma_wait3A_188 : memref<10000x128xf32, #tpu.memory_space<hbm>>) dst(%arg7 : memref<128x128xf32, #tpu.memory_space<vmem>>)
      %run_scoped3A_189 = arith.constant 21 : i32
      "tpu.region"() ({
        %run_scoped3A_258 = tpu.sem_alloc : memref<!tpu.dma_semaphore, #tpu.memory_space<semaphore_mem>>
        %dma_start3A_259 = arith.constant 0 : i32
        %dma_start3A_260 = tpu.memref_slice %arg6[%run_scoped3A_189, %dma_start3A_259] : memref<32x128xi32, #tpu.memory_space<vmem>> -> memref<1x128xi32, #tpu.memory_space<vmem>>
        %dma_start3A_261 = tpu.memref_squeeze %dma_start3A_260 : memref<1x128xi32, #tpu.memory_space<vmem>> -> memref<128xi32, #tpu.memory_space<vmem>>
        %dma_start3A_262 = arith.constant 0 : i32
        %dma_start3A_263 = arith.constant 0 : i32
        %dma_start3A_264 = tpu.memref_slice %arg11[%dma_start3A_262, %dma_start3A_263] : memref<10240x128xf32, #tpu.memory_space<vmem_shared>> -> memref<10240x128xf32, #tpu.memory_space<vmem_shared>>
        tpu.enqueue_indirect_dma source(%arg7 : memref<128x128xf32, #tpu.memory_space<vmem>>) target(%dma_start3A_264 : memref<10240x128xf32, #tpu.memory_space<vmem_shared>>) offsets(%dma_start3A_261 : memref<128xi32, #tpu.memory_space<vmem>>) semaphore(%run_scoped3A_258 : memref<!tpu.dma_semaphore, #tpu.memory_space<semaphore_mem>>) {add = true}
        %dma_wait3A_265 = arith.constant 0 : i32
        %dma_wait3A_266 = tpu.memref_slice %arg6[%run_scoped3A_189, %dma_wait3A_265] : memref<32x128xi32, #tpu.memory_space<vmem>> -> memref<1x128xi32, #tpu.memory_space<vmem>>
        %dma_wait3A_267 = tpu.memref_squeeze %dma_wait3A_266 : memref<1x128xi32, #tpu.memory_space<vmem>> -> memref<128xi32, #tpu.memory_space<vmem>>
        %dma_wait3A_268 = arith.constant 0 : i32
        %dma_wait3A_269 = arith.constant 0 : i32
        %dma_wait3A_270 = tpu.memref_slice %arg11[%dma_wait3A_268, %dma_wait3A_269] : memref<10240x128xf32, #tpu.memory_space<vmem_shared>> -> memref<10240x128xf32, #tpu.memory_space<vmem_shared>>
        tpu.wait_indirect_dma semaphore(%run_scoped3A_258 : memref<!tpu.dma_semaphore, #tpu.memory_space<semaphore_mem>>) src(%arg7 : memref<128x128xf32, #tpu.memory_space<vmem>>) dst(%dma_wait3A_270 : memref<10240x128xf32, #tpu.memory_space<vmem_shared>>)
        tpu.yield
      }) : () -> ()
      %dma_start3A_190 = arith.constant 24 : i32
      %dma_start3A_191 = arith.constant 0 : i32
      %dma_start3A_192 = tpu.memref_slice %arg6[%dma_start3A_190, %dma_start3A_191] : memref<32x128xi32, #tpu.memory_space<vmem>> -> memref<1x128xi32, #tpu.memory_space<vmem>>
      %dma_start3A_193 = tpu.memref_squeeze %dma_start3A_192 : memref<1x128xi32, #tpu.memory_space<vmem>> -> memref<128xi32, #tpu.memory_space<vmem>>
      %dma_start3A_194 = arith.constant 0 : i32
      %dma_start3A_195 = arith.constant 0 : i32
      %dma_start3A_196 = tpu.memref_slice %arg2[%dma_start3A_194, %dma_start3A_195] : memref<10000x128xf32, #tpu.memory_space<hbm>> -> memref<10000x128xf32, #tpu.memory_space<hbm>>
      tpu.enqueue_indirect_dma source(%dma_start3A_196 : memref<10000x128xf32, #tpu.memory_space<hbm>>) target(%arg7 : memref<128x128xf32, #tpu.memory_space<vmem>>) offsets(%dma_start3A_193 : memref<128xi32, #tpu.memory_space<vmem>>) semaphore(%arg9 : memref<!tpu.dma_semaphore, #tpu.memory_space<semaphore_mem>>)
      %dma_wait3A_197 = arith.constant 0 : i32
      %dma_wait3A_198 = arith.constant 0 : i32
      %dma_wait3A_199 = tpu.memref_slice %arg6[%dma_wait3A_197, %dma_wait3A_198] : memref<32x128xi32, #tpu.memory_space<vmem>> -> memref<1x128xi32, #tpu.memory_space<vmem>>
      %dma_wait3A_200 = tpu.memref_squeeze %dma_wait3A_199 : memref<1x128xi32, #tpu.memory_space<vmem>> -> memref<128xi32, #tpu.memory_space<vmem>>
      %dma_wait3A_201 = arith.constant 0 : i32
      %dma_wait3A_202 = arith.constant 0 : i32
      %dma_wait3A_203 = tpu.memref_slice %arg2[%dma_wait3A_201, %dma_wait3A_202] : memref<10000x128xf32, #tpu.memory_space<hbm>> -> memref<10000x128xf32, #tpu.memory_space<hbm>>
      tpu.wait_indirect_dma semaphore(%arg10 : memref<!tpu.dma_semaphore, #tpu.memory_space<semaphore_mem>>) src(%dma_wait3A_203 : memref<10000x128xf32, #tpu.memory_space<hbm>>) dst(%arg8 : memref<128x128xf32, #tpu.memory_space<vmem>>)
      %run_scoped3A_204 = arith.constant 23 : i32
      "tpu.region"() ({
        %run_scoped3A_258 = tpu.sem_alloc : memref<!tpu.dma_semaphore, #tpu.memory_space<semaphore_mem>>
        %dma_start3A_259 = arith.constant 0 : i32
        %dma_start3A_260 = tpu.memref_slice %arg6[%run_scoped3A_204, %dma_start3A_259] : memref<32x128xi32, #tpu.memory_space<vmem>> -> memref<1x128xi32, #tpu.memory_space<vmem>>
        %dma_start3A_261 = tpu.memref_squeeze %dma_start3A_260 : memref<1x128xi32, #tpu.memory_space<vmem>> -> memref<128xi32, #tpu.memory_space<vmem>>
        %dma_start3A_262 = arith.constant 0 : i32
        %dma_start3A_263 = arith.constant 0 : i32
        %dma_start3A_264 = tpu.memref_slice %arg11[%dma_start3A_262, %dma_start3A_263] : memref<10240x128xf32, #tpu.memory_space<vmem_shared>> -> memref<10240x128xf32, #tpu.memory_space<vmem_shared>>
        tpu.enqueue_indirect_dma source(%arg8 : memref<128x128xf32, #tpu.memory_space<vmem>>) target(%dma_start3A_264 : memref<10240x128xf32, #tpu.memory_space<vmem_shared>>) offsets(%dma_start3A_261 : memref<128xi32, #tpu.memory_space<vmem>>) semaphore(%run_scoped3A_258 : memref<!tpu.dma_semaphore, #tpu.memory_space<semaphore_mem>>) {add = true}
        %dma_wait3A_265 = arith.constant 0 : i32
        %dma_wait3A_266 = tpu.memref_slice %arg6[%run_scoped3A_204, %dma_wait3A_265] : memref<32x128xi32, #tpu.memory_space<vmem>> -> memref<1x128xi32, #tpu.memory_space<vmem>>
        %dma_wait3A_267 = tpu.memref_squeeze %dma_wait3A_266 : memref<1x128xi32, #tpu.memory_space<vmem>> -> memref<128xi32, #tpu.memory_space<vmem>>
        %dma_wait3A_268 = arith.constant 0 : i32
        %dma_wait3A_269 = arith.constant 0 : i32
        %dma_wait3A_270 = tpu.memref_slice %arg11[%dma_wait3A_268, %dma_wait3A_269] : memref<10240x128xf32, #tpu.memory_space<vmem_shared>> -> memref<10240x128xf32, #tpu.memory_space<vmem_shared>>
        tpu.wait_indirect_dma semaphore(%run_scoped3A_258 : memref<!tpu.dma_semaphore, #tpu.memory_space<semaphore_mem>>) src(%arg8 : memref<128x128xf32, #tpu.memory_space<vmem>>) dst(%dma_wait3A_270 : memref<10240x128xf32, #tpu.memory_space<vmem_shared>>)
        tpu.yield
      }) : () -> ()
      %dma_start3A_205 = arith.constant 26 : i32
      %dma_start3A_206 = arith.constant 0 : i32
      %dma_start3A_207 = tpu.memref_slice %arg6[%dma_start3A_205, %dma_start3A_206] : memref<32x128xi32, #tpu.memory_space<vmem>> -> memref<1x128xi32, #tpu.memory_space<vmem>>
      %dma_start3A_208 = tpu.memref_squeeze %dma_start3A_207 : memref<1x128xi32, #tpu.memory_space<vmem>> -> memref<128xi32, #tpu.memory_space<vmem>>
      %dma_start3A_209 = arith.constant 0 : i32
      %dma_start3A_210 = arith.constant 0 : i32
      %dma_start3A_211 = tpu.memref_slice %arg2[%dma_start3A_209, %dma_start3A_210] : memref<10000x128xf32, #tpu.memory_space<hbm>> -> memref<10000x128xf32, #tpu.memory_space<hbm>>
      tpu.enqueue_indirect_dma source(%dma_start3A_211 : memref<10000x128xf32, #tpu.memory_space<hbm>>) target(%arg8 : memref<128x128xf32, #tpu.memory_space<vmem>>) offsets(%dma_start3A_208 : memref<128xi32, #tpu.memory_space<vmem>>) semaphore(%arg10 : memref<!tpu.dma_semaphore, #tpu.memory_space<semaphore_mem>>)
      %dma_wait3A_212 = arith.constant 0 : i32
      %dma_wait3A_213 = arith.constant 0 : i32
      %dma_wait3A_214 = tpu.memref_slice %arg6[%dma_wait3A_212, %dma_wait3A_213] : memref<32x128xi32, #tpu.memory_space<vmem>> -> memref<1x128xi32, #tpu.memory_space<vmem>>
      %dma_wait3A_215 = tpu.memref_squeeze %dma_wait3A_214 : memref<1x128xi32, #tpu.memory_space<vmem>> -> memref<128xi32, #tpu.memory_space<vmem>>
      %dma_wait3A_216 = arith.constant 0 : i32
      %dma_wait3A_217 = arith.constant 0 : i32
      %dma_wait3A_218 = tpu.memref_slice %arg2[%dma_wait3A_216, %dma_wait3A_217] : memref<10000x128xf32, #tpu.memory_space<hbm>> -> memref<10000x128xf32, #tpu.memory_space<hbm>>
      tpu.wait_indirect_dma semaphore(%arg9 : memref<!tpu.dma_semaphore, #tpu.memory_space<semaphore_mem>>) src(%dma_wait3A_218 : memref<10000x128xf32, #tpu.memory_space<hbm>>) dst(%arg7 : memref<128x128xf32, #tpu.memory_space<vmem>>)
      %run_scoped3A_219 = arith.constant 25 : i32
      "tpu.region"() ({
        %run_scoped3A_258 = tpu.sem_alloc : memref<!tpu.dma_semaphore, #tpu.memory_space<semaphore_mem>>
        %dma_start3A_259 = arith.constant 0 : i32
        %dma_start3A_260 = tpu.memref_slice %arg6[%run_scoped3A_219, %dma_start3A_259] : memref<32x128xi32, #tpu.memory_space<vmem>> -> memref<1x128xi32, #tpu.memory_space<vmem>>
        %dma_start3A_261 = tpu.memref_squeeze %dma_start3A_260 : memref<1x128xi32, #tpu.memory_space<vmem>> -> memref<128xi32, #tpu.memory_space<vmem>>
        %dma_start3A_262 = arith.constant 0 : i32
        %dma_start3A_263 = arith.constant 0 : i32
        %dma_start3A_264 = tpu.memref_slice %arg11[%dma_start3A_262, %dma_start3A_263] : memref<10240x128xf32, #tpu.memory_space<vmem_shared>> -> memref<10240x128xf32, #tpu.memory_space<vmem_shared>>
        tpu.enqueue_indirect_dma source(%arg7 : memref<128x128xf32, #tpu.memory_space<vmem>>) target(%dma_start3A_264 : memref<10240x128xf32, #tpu.memory_space<vmem_shared>>) offsets(%dma_start3A_261 : memref<128xi32, #tpu.memory_space<vmem>>) semaphore(%run_scoped3A_258 : memref<!tpu.dma_semaphore, #tpu.memory_space<semaphore_mem>>) {add = true}
        %dma_wait3A_265 = arith.constant 0 : i32
        %dma_wait3A_266 = tpu.memref_slice %arg6[%run_scoped3A_219, %dma_wait3A_265] : memref<32x128xi32, #tpu.memory_space<vmem>> -> memref<1x128xi32, #tpu.memory_space<vmem>>
        %dma_wait3A_267 = tpu.memref_squeeze %dma_wait3A_266 : memref<1x128xi32, #tpu.memory_space<vmem>> -> memref<128xi32, #tpu.memory_space<vmem>>
        %dma_wait3A_268 = arith.constant 0 : i32
        %dma_wait3A_269 = arith.constant 0 : i32
        %dma_wait3A_270 = tpu.memref_slice %arg11[%dma_wait3A_268, %dma_wait3A_269] : memref<10240x128xf32, #tpu.memory_space<vmem_shared>> -> memref<10240x128xf32, #tpu.memory_space<vmem_shared>>
        tpu.wait_indirect_dma semaphore(%run_scoped3A_258 : memref<!tpu.dma_semaphore, #tpu.memory_space<semaphore_mem>>) src(%arg7 : memref<128x128xf32, #tpu.memory_space<vmem>>) dst(%dma_wait3A_270 : memref<10240x128xf32, #tpu.memory_space<vmem_shared>>)
        tpu.yield
      }) : () -> ()
      %dma_start3A_220 = arith.constant 28 : i32
      %dma_start3A_221 = arith.constant 0 : i32
      %dma_start3A_222 = tpu.memref_slice %arg6[%dma_start3A_220, %dma_start3A_221] : memref<32x128xi32, #tpu.memory_space<vmem>> -> memref<1x128xi32, #tpu.memory_space<vmem>>
      %dma_start3A_223 = tpu.memref_squeeze %dma_start3A_222 : memref<1x128xi32, #tpu.memory_space<vmem>> -> memref<128xi32, #tpu.memory_space<vmem>>
      %dma_start3A_224 = arith.constant 0 : i32
      %dma_start3A_225 = arith.constant 0 : i32
      %dma_start3A_226 = tpu.memref_slice %arg2[%dma_start3A_224, %dma_start3A_225] : memref<10000x128xf32, #tpu.memory_space<hbm>> -> memref<10000x128xf32, #tpu.memory_space<hbm>>
      tpu.enqueue_indirect_dma source(%dma_start3A_226 : memref<10000x128xf32, #tpu.memory_space<hbm>>) target(%arg7 : memref<128x128xf32, #tpu.memory_space<vmem>>) offsets(%dma_start3A_223 : memref<128xi32, #tpu.memory_space<vmem>>) semaphore(%arg9 : memref<!tpu.dma_semaphore, #tpu.memory_space<semaphore_mem>>)
      %dma_wait3A_227 = arith.constant 0 : i32
      %dma_wait3A_228 = arith.constant 0 : i32
      %dma_wait3A_229 = tpu.memref_slice %arg6[%dma_wait3A_227, %dma_wait3A_228] : memref<32x128xi32, #tpu.memory_space<vmem>> -> memref<1x128xi32, #tpu.memory_space<vmem>>
      %dma_wait3A_230 = tpu.memref_squeeze %dma_wait3A_229 : memref<1x128xi32, #tpu.memory_space<vmem>> -> memref<128xi32, #tpu.memory_space<vmem>>
      %dma_wait3A_231 = arith.constant 0 : i32
      %dma_wait3A_232 = arith.constant 0 : i32
      %dma_wait3A_233 = tpu.memref_slice %arg2[%dma_wait3A_231, %dma_wait3A_232] : memref<10000x128xf32, #tpu.memory_space<hbm>> -> memref<10000x128xf32, #tpu.memory_space<hbm>>
      tpu.wait_indirect_dma semaphore(%arg10 : memref<!tpu.dma_semaphore, #tpu.memory_space<semaphore_mem>>) src(%dma_wait3A_233 : memref<10000x128xf32, #tpu.memory_space<hbm>>) dst(%arg8 : memref<128x128xf32, #tpu.memory_space<vmem>>)
      %run_scoped3A_234 = arith.constant 27 : i32
      "tpu.region"() ({
        %run_scoped3A_258 = tpu.sem_alloc : memref<!tpu.dma_semaphore, #tpu.memory_space<semaphore_mem>>
        %dma_start3A_259 = arith.constant 0 : i32
        %dma_start3A_260 = tpu.memref_slice %arg6[%run_scoped3A_234, %dma_start3A_259] : memref<32x128xi32, #tpu.memory_space<vmem>> -> memref<1x128xi32, #tpu.memory_space<vmem>>
        %dma_start3A_261 = tpu.memref_squeeze %dma_start3A_260 : memref<1x128xi32, #tpu.memory_space<vmem>> -> memref<128xi32, #tpu.memory_space<vmem>>
        %dma_start3A_262 = arith.constant 0 : i32
        %dma_start3A_263 = arith.constant 0 : i32
        %dma_start3A_264 = tpu.memref_slice %arg11[%dma_start3A_262, %dma_start3A_263] : memref<10240x128xf32, #tpu.memory_space<vmem_shared>> -> memref<10240x128xf32, #tpu.memory_space<vmem_shared>>
        tpu.enqueue_indirect_dma source(%arg8 : memref<128x128xf32, #tpu.memory_space<vmem>>) target(%dma_start3A_264 : memref<10240x128xf32, #tpu.memory_space<vmem_shared>>) offsets(%dma_start3A_261 : memref<128xi32, #tpu.memory_space<vmem>>) semaphore(%run_scoped3A_258 : memref<!tpu.dma_semaphore, #tpu.memory_space<semaphore_mem>>) {add = true}
        %dma_wait3A_265 = arith.constant 0 : i32
        %dma_wait3A_266 = tpu.memref_slice %arg6[%run_scoped3A_234, %dma_wait3A_265] : memref<32x128xi32, #tpu.memory_space<vmem>> -> memref<1x128xi32, #tpu.memory_space<vmem>>
        %dma_wait3A_267 = tpu.memref_squeeze %dma_wait3A_266 : memref<1x128xi32, #tpu.memory_space<vmem>> -> memref<128xi32, #tpu.memory_space<vmem>>
        %dma_wait3A_268 = arith.constant 0 : i32
        %dma_wait3A_269 = arith.constant 0 : i32
        %dma_wait3A_270 = tpu.memref_slice %arg11[%dma_wait3A_268, %dma_wait3A_269] : memref<10240x128xf32, #tpu.memory_space<vmem_shared>> -> memref<10240x128xf32, #tpu.memory_space<vmem_shared>>
        tpu.wait_indirect_dma semaphore(%run_scoped3A_258 : memref<!tpu.dma_semaphore, #tpu.memory_space<semaphore_mem>>) src(%arg8 : memref<128x128xf32, #tpu.memory_space<vmem>>) dst(%dma_wait3A_270 : memref<10240x128xf32, #tpu.memory_space<vmem_shared>>)
        tpu.yield
      }) : () -> ()
      %dma_start3A_235 = arith.constant 30 : i32
      %dma_start3A_236 = arith.constant 0 : i32
      %dma_start3A_237 = tpu.memref_slice %arg6[%dma_start3A_235, %dma_start3A_236] : memref<32x128xi32, #tpu.memory_space<vmem>> -> memref<1x128xi32, #tpu.memory_space<vmem>>
      %dma_start3A_238 = tpu.memref_squeeze %dma_start3A_237 : memref<1x128xi32, #tpu.memory_space<vmem>> -> memref<128xi32, #tpu.memory_space<vmem>>
      %dma_start3A_239 = arith.constant 0 : i32
      %dma_start3A_240 = arith.constant 0 : i32
      %dma_start3A_241 = tpu.memref_slice %arg2[%dma_start3A_239, %dma_start3A_240] : memref<10000x128xf32, #tpu.memory_space<hbm>> -> memref<10000x128xf32, #tpu.memory_space<hbm>>
      tpu.enqueue_indirect_dma source(%dma_start3A_241 : memref<10000x128xf32, #tpu.memory_space<hbm>>) target(%arg8 : memref<128x128xf32, #tpu.memory_space<vmem>>) offsets(%dma_start3A_238 : memref<128xi32, #tpu.memory_space<vmem>>) semaphore(%arg10 : memref<!tpu.dma_semaphore, #tpu.memory_space<semaphore_mem>>)
      %dma_wait3A_242 = arith.constant 0 : i32
      %dma_wait3A_243 = arith.constant 0 : i32
      %dma_wait3A_244 = tpu.memref_slice %arg6[%dma_wait3A_242, %dma_wait3A_243] : memref<32x128xi32, #tpu.memory_space<vmem>> -> memref<1x128xi32, #tpu.memory_space<vmem>>
      %dma_wait3A_245 = tpu.memref_squeeze %dma_wait3A_244 : memref<1x128xi32, #tpu.memory_space<vmem>> -> memref<128xi32, #tpu.memory_space<vmem>>
      %dma_wait3A_246 = arith.constant 0 : i32
      %dma_wait3A_247 = arith.constant 0 : i32
      %dma_wait3A_248 = tpu.memref_slice %arg2[%dma_wait3A_246, %dma_wait3A_247] : memref<10000x128xf32, #tpu.memory_space<hbm>> -> memref<10000x128xf32, #tpu.memory_space<hbm>>
      tpu.wait_indirect_dma semaphore(%arg9 : memref<!tpu.dma_semaphore, #tpu.memory_space<semaphore_mem>>) src(%dma_wait3A_248 : memref<10000x128xf32, #tpu.memory_space<hbm>>) dst(%arg7 : memref<128x128xf32, #tpu.memory_space<vmem>>)
      %run_scoped3A_249 = arith.constant 29 : i32
      "tpu.region"() ({
        %run_scoped3A_258 = tpu.sem_alloc : memref<!tpu.dma_semaphore, #tpu.memory_space<semaphore_mem>>
        %dma_start3A_259 = arith.constant 0 : i32
        %dma_start3A_260 = tpu.memref_slice %arg6[%run_scoped3A_249, %dma_start3A_259] : memref<32x128xi32, #tpu.memory_space<vmem>> -> memref<1x128xi32, #tpu.memory_space<vmem>>
        %dma_start3A_261 = tpu.memref_squeeze %dma_start3A_260 : memref<1x128xi32, #tpu.memory_space<vmem>> -> memref<128xi32, #tpu.memory_space<vmem>>
        %dma_start3A_262 = arith.constant 0 : i32
        %dma_start3A_263 = arith.constant 0 : i32
        %dma_start3A_264 = tpu.memref_slice %arg11[%dma_start3A_262, %dma_start3A_263] : memref<10240x128xf32, #tpu.memory_space<vmem_shared>> -> memref<10240x128xf32, #tpu.memory_space<vmem_shared>>
        tpu.enqueue_indirect_dma source(%arg7 : memref<128x128xf32, #tpu.memory_space<vmem>>) target(%dma_start3A_264 : memref<10240x128xf32, #tpu.memory_space<vmem_shared>>) offsets(%dma_start3A_261 : memref<128xi32, #tpu.memory_space<vmem>>) semaphore(%run_scoped3A_258 : memref<!tpu.dma_semaphore, #tpu.memory_space<semaphore_mem>>) {add = true}
        %dma_wait3A_265 = arith.constant 0 : i32
        %dma_wait3A_266 = tpu.memref_slice %arg6[%run_scoped3A_249, %dma_wait3A_265] : memref<32x128xi32, #tpu.memory_space<vmem>> -> memref<1x128xi32, #tpu.memory_space<vmem>>
        %dma_wait3A_267 = tpu.memref_squeeze %dma_wait3A_266 : memref<1x128xi32, #tpu.memory_space<vmem>> -> memref<128xi32, #tpu.memory_space<vmem>>
        %dma_wait3A_268 = arith.constant 0 : i32
        %dma_wait3A_269 = arith.constant 0 : i32
        %dma_wait3A_270 = tpu.memref_slice %arg11[%dma_wait3A_268, %dma_wait3A_269] : memref<10240x128xf32, #tpu.memory_space<vmem_shared>> -> memref<10240x128xf32, #tpu.memory_space<vmem_shared>>
        tpu.wait_indirect_dma semaphore(%run_scoped3A_258 : memref<!tpu.dma_semaphore, #tpu.memory_space<semaphore_mem>>) src(%arg7 : memref<128x128xf32, #tpu.memory_space<vmem>>) dst(%dma_wait3A_270 : memref<10240x128xf32, #tpu.memory_space<vmem_shared>>)
        tpu.yield
      }) : () -> ()
      %dma_wait3A_250 = arith.constant 0 : i32
      %dma_wait3A_251 = arith.constant 0 : i32
      %dma_wait3A_252 = tpu.memref_slice %arg6[%dma_wait3A_250, %dma_wait3A_251] : memref<32x128xi32, #tpu.memory_space<vmem>> -> memref<1x128xi32, #tpu.memory_space<vmem>>
      %dma_wait3A_253 = tpu.memref_squeeze %dma_wait3A_252 : memref<1x128xi32, #tpu.memory_space<vmem>> -> memref<128xi32, #tpu.memory_space<vmem>>
      %dma_wait3A_254 = arith.constant 0 : i32
      %dma_wait3A_255 = arith.constant 0 : i32
      %dma_wait3A_256 = tpu.memref_slice %arg2[%dma_wait3A_254, %dma_wait3A_255] : memref<10000x128xf32, #tpu.memory_space<hbm>> -> memref<10000x128xf32, #tpu.memory_space<hbm>>
      tpu.wait_indirect_dma semaphore(%arg10 : memref<!tpu.dma_semaphore, #tpu.memory_space<semaphore_mem>>) src(%dma_wait3A_256 : memref<10000x128xf32, #tpu.memory_space<hbm>>) dst(%arg8 : memref<128x128xf32, #tpu.memory_space<vmem>>)
      %run_scoped3A_257 = arith.constant 31 : i32
      "tpu.region"() ({
        %run_scoped3A_258 = tpu.sem_alloc : memref<!tpu.dma_semaphore, #tpu.memory_space<semaphore_mem>>
        %dma_start3A_259 = arith.constant 0 : i32
        %dma_start3A_260 = tpu.memref_slice %arg6[%run_scoped3A_257, %dma_start3A_259] : memref<32x128xi32, #tpu.memory_space<vmem>> -> memref<1x128xi32, #tpu.memory_space<vmem>>
        %dma_start3A_261 = tpu.memref_squeeze %dma_start3A_260 : memref<1x128xi32, #tpu.memory_space<vmem>> -> memref<128xi32, #tpu.memory_space<vmem>>
        %dma_start3A_262 = arith.constant 0 : i32
        %dma_start3A_263 = arith.constant 0 : i32
        %dma_start3A_264 = tpu.memref_slice %arg11[%dma_start3A_262, %dma_start3A_263] : memref<10240x128xf32, #tpu.memory_space<vmem_shared>> -> memref<10240x128xf32, #tpu.memory_space<vmem_shared>>
        tpu.enqueue_indirect_dma source(%arg8 : memref<128x128xf32, #tpu.memory_space<vmem>>) target(%dma_start3A_264 : memref<10240x128xf32, #tpu.memory_space<vmem_shared>>) offsets(%dma_start3A_261 : memref<128xi32, #tpu.memory_space<vmem>>) semaphore(%run_scoped3A_258 : memref<!tpu.dma_semaphore, #tpu.memory_space<semaphore_mem>>) {add = true}
        %dma_wait3A_265 = arith.constant 0 : i32
        %dma_wait3A_266 = tpu.memref_slice %arg6[%run_scoped3A_257, %dma_wait3A_265] : memref<32x128xi32, #tpu.memory_space<vmem>> -> memref<1x128xi32, #tpu.memory_space<vmem>>
        %dma_wait3A_267 = tpu.memref_squeeze %dma_wait3A_266 : memref<1x128xi32, #tpu.memory_space<vmem>> -> memref<128xi32, #tpu.memory_space<vmem>>
        %dma_wait3A_268 = arith.constant 0 : i32
        %dma_wait3A_269 = arith.constant 0 : i32
        %dma_wait3A_270 = tpu.memref_slice %arg11[%dma_wait3A_268, %dma_wait3A_269] : memref<10240x128xf32, #tpu.memory_space<vmem_shared>> -> memref<10240x128xf32, #tpu.memory_space<vmem_shared>>
        tpu.wait_indirect_dma semaphore(%run_scoped3A_258 : memref<!tpu.dma_semaphore, #tpu.memory_space<semaphore_mem>>) src(%arg8 : memref<128x128xf32, #tpu.memory_space<vmem>>) dst(%dma_wait3A_270 : memref<10240x128xf32, #tpu.memory_space<vmem_shared>>)
        tpu.yield
      }) : () -> ()
    }
    %scan3A_9 = arith.constant 5 : i32
    %barrier3A_10 = arith.constant 0 : index
    tpu.barrier barrier_id(%barrier3A_10)
    %mul3A_11 = arith.constant 640 : i32
    %mul3A_12 = arith.muli %arg1, %mul3A_11 : i32
    %mul3A_13 = arith.constant 640 : i32
    %mul3A_14 = arith.muli %arg1, %mul3A_13 : i32
    "tpu.region"() ({
      %run_scoped3A = tpu.sem_alloc : memref<!tpu.dma_semaphore, #tpu.memory_space<semaphore_mem>>
      %dma_start3A = arith.constant 0 : i32
      %dma_start3A_15 = tpu.memref_slice %arg5[%arg0, %mul3A_14, %dma_start3A] : memref<2x10240x128xf32, #tpu.memory_space<hbm>> -> memref<1x640x128xf32, #tpu.memory_space<hbm>>
      %dma_start3A_16 = tpu.memref_squeeze %dma_start3A_15 : memref<1x640x128xf32, #tpu.memory_space<hbm>> -> memref<640x128xf32, #tpu.memory_space<hbm>>
      %dma_start3A_17 = arith.constant 0 : i32
      %dma_start3A_18 = tpu.memref_slice %arg11[%mul3A_12, %dma_start3A_17] : memref<10240x128xf32, #tpu.memory_space<vmem_shared>> -> memref<640x128xf32, #tpu.memory_space<vmem_shared>>
      tpu.enqueue_dma source(%dma_start3A_18 : memref<640x128xf32, #tpu.memory_space<vmem_shared>>) target(%dma_start3A_16 : memref<640x128xf32, #tpu.memory_space<hbm>>) target_semaphore(%run_scoped3A : memref<!tpu.dma_semaphore, #tpu.memory_space<semaphore_mem>>)
      %dma_wait3A = arith.constant 0 : i32
      %dma_wait3A_19 = tpu.memref_slice %arg5[%arg0, %mul3A_14, %dma_wait3A] : memref<2x10240x128xf32, #tpu.memory_space<hbm>> -> memref<1x640x128xf32, #tpu.memory_space<hbm>>
      %dma_wait3A_20 = tpu.memref_squeeze %dma_wait3A_19 : memref<1x640x128xf32, #tpu.memory_space<hbm>> -> memref<640x128xf32, #tpu.memory_space<hbm>>
      %dma_wait3A_21 = arith.constant 0 : i32
      %dma_wait3A_22 = tpu.memref_slice %arg11[%mul3A_12, %dma_wait3A_21] : memref<10240x128xf32, #tpu.memory_space<vmem_shared>> -> memref<640x128xf32, #tpu.memory_space<vmem_shared>>
      tpu.wait_dma2 semaphore(%run_scoped3A : memref<!tpu.dma_semaphore, #tpu.memory_space<semaphore_mem>>) src(%dma_wait3A_22 : memref<640x128xf32, #tpu.memory_space<vmem_shared>>) dst(%dma_wait3A_20 : memref<640x128xf32, #tpu.memory_space<hbm>>)
      tpu.yield
    }) : () -> ()
    return
  }
}

#map = affine_map<(d0, d1) -> (0, 0)>
#map1 = affine_map<(d0, d1) -> (0)>
module attributes {stable_mosaic.version = 14 : i64} {
  func.func @_cnt_body(%arg0: i32, %arg1: i32, %arg2: memref<2560x128xi32, #tpu.memory_space<hbm>>, %arg3: memref<640xf32, #tpu.memory_space<hbm>>, %arg4: memref<128xf32, #tpu.memory_space<hbm>>, %arg5: memref<2x10240xf32, #tpu.memory_space<hbm>>, %arg6: memref<80x128xi32, #tpu.memory_space<vmem>>, %arg7: memref<128xf32, #tpu.memory_space<vmem>>, %arg8: memref<10240xf32, #tpu.memory_space<vmem_shared>>) attributes {dimension_semantics = [#tpu.dimension_semantics<core_parallel>, #tpu.dimension_semantics<subcore_parallel>], iteration_bounds = array<i64: 2, 16>, scalar_prefetch = 0 : i64, scratch_operands = 3 : i64, tpu.core_type = #tpu.core_type<sc_vector_subcore>, window_params = [{transform_indices = #map}, {transform_indices = #map1}, {transform_indices = #map1}, {transform_indices = #map}]} {
    %mul3A = arith.constant 2 : i32
    %mul3A_0 = arith.muli %arg1, %mul3A : i32
    %add3A = arith.addi %mul3A_0, %arg0 : i32
    %mul3A_1 = arith.constant 640 : i32
    %mul3A_2 = arith.muli %arg1, %mul3A_1 : i32
    "tpu.region"() ({
      %run_scoped3A = tpu.sem_alloc : memref<!tpu.dma_semaphore, #tpu.memory_space<semaphore_mem>>
      %dma_start3A = tpu.memref_slice %arg8[%mul3A_2] : memref<10240xf32, #tpu.memory_space<vmem_shared>> -> memref<640xf32, #tpu.memory_space<vmem_shared>>
      tpu.enqueue_dma source(%arg3 : memref<640xf32, #tpu.memory_space<hbm>>) target(%dma_start3A : memref<640xf32, #tpu.memory_space<vmem_shared>>) target_semaphore(%run_scoped3A : memref<!tpu.dma_semaphore, #tpu.memory_space<semaphore_mem>>)
      %dma_wait3A = tpu.memref_slice %arg8[%mul3A_2] : memref<10240xf32, #tpu.memory_space<vmem_shared>> -> memref<640xf32, #tpu.memory_space<vmem_shared>>
      tpu.wait_dma2 semaphore(%run_scoped3A : memref<!tpu.dma_semaphore, #tpu.memory_space<semaphore_mem>>) src(%arg3 : memref<640xf32, #tpu.memory_space<hbm>>) dst(%dma_wait3A : memref<640xf32, #tpu.memory_space<vmem_shared>>)
      tpu.yield
    }) : () -> ()
    "tpu.region"() ({
      %run_scoped3A = tpu.sem_alloc : memref<!tpu.dma_semaphore, #tpu.memory_space<semaphore_mem>>
      tpu.enqueue_dma source(%arg4 : memref<128xf32, #tpu.memory_space<hbm>>) target(%arg7 : memref<128xf32, #tpu.memory_space<vmem>>) target_semaphore(%run_scoped3A : memref<!tpu.dma_semaphore, #tpu.memory_space<semaphore_mem>>)
      tpu.wait_dma2 semaphore(%run_scoped3A : memref<!tpu.dma_semaphore, #tpu.memory_space<semaphore_mem>>) src(%arg4 : memref<128xf32, #tpu.memory_space<hbm>>) dst(%arg7 : memref<128xf32, #tpu.memory_space<vmem>>)
      tpu.yield
    }) : () -> ()
    %mul3A_3 = arith.constant 80 : i32
    %mul3A_4 = arith.muli %add3A, %mul3A_3 : i32
    "tpu.region"() ({
      %run_scoped3A = tpu.sem_alloc : memref<!tpu.dma_semaphore, #tpu.memory_space<semaphore_mem>>
      %dma_start3A = arith.constant 0 : i32
      %dma_start3A_15 = tpu.memref_slice %arg2[%mul3A_4, %dma_start3A] : memref<2560x128xi32, #tpu.memory_space<hbm>> -> memref<80x128xi32, #tpu.memory_space<hbm>>
      %dma_start3A_16 = arith.constant 0 : i32
      %dma_start3A_17 = tpu.memref_slice %arg2[%mul3A_4, %dma_start3A_16] : memref<2560x128xi32, #tpu.memory_space<hbm>> -> memref<80x128xi32, #tpu.memory_space<hbm>>
      tpu.enqueue_dma source(%dma_start3A_17 : memref<80x128xi32, #tpu.memory_space<hbm>>) target(%arg6 : memref<80x128xi32, #tpu.memory_space<vmem>>) target_semaphore(%run_scoped3A : memref<!tpu.dma_semaphore, #tpu.memory_space<semaphore_mem>>)
      %dma_wait3A = arith.constant 0 : i32
      %dma_wait3A_18 = tpu.memref_slice %arg2[%mul3A_4, %dma_wait3A] : memref<2560x128xi32, #tpu.memory_space<hbm>> -> memref<80x128xi32, #tpu.memory_space<hbm>>
      %dma_wait3A_19 = arith.constant 0 : i32
      %dma_wait3A_20 = tpu.memref_slice %arg2[%mul3A_4, %dma_wait3A_19] : memref<2560x128xi32, #tpu.memory_space<hbm>> -> memref<80x128xi32, #tpu.memory_space<hbm>>
      tpu.wait_dma2 semaphore(%run_scoped3A : memref<!tpu.dma_semaphore, #tpu.memory_space<semaphore_mem>>) src(%dma_wait3A_20 : memref<80x128xi32, #tpu.memory_space<hbm>>) dst(%arg6 : memref<80x128xi32, #tpu.memory_space<vmem>>)
      tpu.yield
    }) : () -> ()
    %barrier3A = arith.constant 0 : index
    tpu.barrier barrier_id(%barrier3A)
    %scan3A = arith.constant 0 : i32
    %scan3A_5 = arith.constant 0 : i32
    %scan3A_6 = arith.constant 80 : i32
    %scan3A_7 = arith.addi %scan3A_5, %scan3A_6 : i32
    %scan3A_8 = arith.constant 1 : i32
    scf.for %scan3A_15 = %scan3A_5 to %scan3A_7 step %scan3A_8  : i32 {
      "tpu.region"() ({
        %run_scoped3A = tpu.sem_alloc : memref<!tpu.dma_semaphore, #tpu.memory_space<semaphore_mem>>
        %dma_start3A = arith.constant 0 : i32
        %dma_start3A_16 = tpu.memref_slice %arg6[%scan3A_15, %dma_start3A] : memref<80x128xi32, #tpu.memory_space<vmem>> -> memref<1x128xi32, #tpu.memory_space<vmem>>
        %dma_start3A_17 = tpu.memref_squeeze %dma_start3A_16 : memref<1x128xi32, #tpu.memory_space<vmem>> -> memref<128xi32, #tpu.memory_space<vmem>>
        %dma_start3A_18 = arith.constant 0 : i32
        %dma_start3A_19 = tpu.memref_slice %arg8[%dma_start3A_18] : memref<10240xf32, #tpu.memory_space<vmem_shared>> -> memref<10240xf32, #tpu.memory_space<vmem_shared>>
        tpu.enqueue_indirect_dma source(%arg7 : memref<128xf32, #tpu.memory_space<vmem>>) target(%dma_start3A_19 : memref<10240xf32, #tpu.memory_space<vmem_shared>>) offsets(%dma_start3A_17 : memref<128xi32, #tpu.memory_space<vmem>>) semaphore(%run_scoped3A : memref<!tpu.dma_semaphore, #tpu.memory_space<semaphore_mem>>) {add = true}
        %dma_wait3A = arith.constant 0 : i32
        %dma_wait3A_20 = tpu.memref_slice %arg6[%scan3A_15, %dma_wait3A] : memref<80x128xi32, #tpu.memory_space<vmem>> -> memref<1x128xi32, #tpu.memory_space<vmem>>
        %dma_wait3A_21 = tpu.memref_squeeze %dma_wait3A_20 : memref<1x128xi32, #tpu.memory_space<vmem>> -> memref<128xi32, #tpu.memory_space<vmem>>
        %dma_wait3A_22 = arith.constant 0 : i32
        %dma_wait3A_23 = tpu.memref_slice %arg8[%dma_wait3A_22] : memref<10240xf32, #tpu.memory_space<vmem_shared>> -> memref<10240xf32, #tpu.memory_space<vmem_shared>>
        tpu.wait_indirect_dma semaphore(%run_scoped3A : memref<!tpu.dma_semaphore, #tpu.memory_space<semaphore_mem>>) src(%arg7 : memref<128xf32, #tpu.memory_space<vmem>>) dst(%dma_wait3A_23 : memref<10240xf32, #tpu.memory_space<vmem_shared>>)
        tpu.yield
      }) : () -> ()
    }
    %scan3A_9 = arith.constant 80 : i32
    %barrier3A_10 = arith.constant 0 : index
    tpu.barrier barrier_id(%barrier3A_10)
    %mul3A_11 = arith.constant 640 : i32
    %mul3A_12 = arith.muli %arg1, %mul3A_11 : i32
    %mul3A_13 = arith.constant 640 : i32
    %mul3A_14 = arith.muli %arg1, %mul3A_13 : i32
    "tpu.region"() ({
      %run_scoped3A = tpu.sem_alloc : memref<!tpu.dma_semaphore, #tpu.memory_space<semaphore_mem>>
      %dma_start3A = tpu.memref_slice %arg5[%arg0, %mul3A_14] : memref<2x10240xf32, #tpu.memory_space<hbm>> -> memref<1x640xf32, #tpu.memory_space<hbm>>
      %dma_start3A_15 = tpu.memref_squeeze %dma_start3A : memref<1x640xf32, #tpu.memory_space<hbm>> -> memref<640xf32, #tpu.memory_space<hbm>>
      %dma_start3A_16 = tpu.memref_slice %arg8[%mul3A_12] : memref<10240xf32, #tpu.memory_space<vmem_shared>> -> memref<640xf32, #tpu.memory_space<vmem_shared>>
      tpu.enqueue_dma source(%dma_start3A_16 : memref<640xf32, #tpu.memory_space<vmem_shared>>) target(%dma_start3A_15 : memref<640xf32, #tpu.memory_space<hbm>>) target_semaphore(%run_scoped3A : memref<!tpu.dma_semaphore, #tpu.memory_space<semaphore_mem>>)
      %dma_wait3A = tpu.memref_slice %arg5[%arg0, %mul3A_14] : memref<2x10240xf32, #tpu.memory_space<hbm>> -> memref<1x640xf32, #tpu.memory_space<hbm>>
      %dma_wait3A_17 = tpu.memref_squeeze %dma_wait3A : memref<1x640xf32, #tpu.memory_space<hbm>> -> memref<640xf32, #tpu.memory_space<hbm>>
      %dma_wait3A_18 = tpu.memref_slice %arg8[%mul3A_12] : memref<10240xf32, #tpu.memory_space<vmem_shared>> -> memref<640xf32, #tpu.memory_space<vmem_shared>>
      tpu.wait_dma2 semaphore(%run_scoped3A : memref<!tpu.dma_semaphore, #tpu.memory_space<semaphore_mem>>) src(%dma_wait3A_18 : memref<640xf32, #tpu.memory_space<vmem_shared>>) dst(%dma_wait3A_17 : memref<640xf32, #tpu.memory_space<hbm>>)
      tpu.yield
    }) : () -> ()
    return
  }
}

#map = affine_map<(d0, d1) -> (0, 0)>
#map1 = affine_map<(d0, d1) -> (0, 0, 0)>
module attributes {stable_mosaic.version = 14 : i64} {
  func.func @_agg_body(%arg0: i32, %arg1: i32, %arg2: memref<10000x128xf32, #tpu.memory_space<hbm>>, %arg3: memref<5120x128xi32, #tpu.memory_space<hbm>>, %arg4: memref<640x128xf32, #tpu.memory_space<hbm>>, %arg5: memref<2x10240x128xf32, #tpu.memory_space<hbm>>, %arg6: memref<32x128xi32, #tpu.memory_space<vmem>>, %arg7: memref<128x128xf32, #tpu.memory_space<vmem>>, %arg8: memref<128x128xf32, #tpu.memory_space<vmem>>, %arg9: memref<!tpu.dma_semaphore, #tpu.memory_space<semaphore_mem>>, %arg10: memref<!tpu.dma_semaphore, #tpu.memory_space<semaphore_mem>>, %arg11: memref<10240x128xf32, #tpu.memory_space<vmem_shared>>) attributes {dimension_semantics = [#tpu.dimension_semantics<core_parallel>, #tpu.dimension_semantics<subcore_parallel>], iteration_bounds = array<i64: 2, 16>, scalar_prefetch = 0 : i64, scratch_operands = 6 : i64, tpu.core_type = #tpu.core_type<sc_vector_subcore>, window_params = [{transform_indices = #map}, {transform_indices = #map}, {transform_indices = #map}, {transform_indices = #map1}]} {
    %mul3A = arith.constant 2 : i32
    %mul3A_0 = arith.muli %arg1, %mul3A : i32
    %add3A = arith.addi %mul3A_0, %arg0 : i32
    %mul3A_1 = arith.constant 640 : i32
    %mul3A_2 = arith.muli %arg1, %mul3A_1 : i32
    "tpu.region"() ({
      %run_scoped3A = tpu.sem_alloc : memref<!tpu.dma_semaphore, #tpu.memory_space<semaphore_mem>>
      %dma_start3A = arith.constant 0 : i32
      %dma_start3A_15 = tpu.memref_slice %arg11[%mul3A_2, %dma_start3A] : memref<10240x128xf32, #tpu.memory_space<vmem_shared>> -> memref<640x128xf32, #tpu.memory_space<vmem_shared>>
      tpu.enqueue_dma source(%arg4 : memref<640x128xf32, #tpu.memory_space<hbm>>) target(%dma_start3A_15 : memref<640x128xf32, #tpu.memory_space<vmem_shared>>) target_semaphore(%run_scoped3A : memref<!tpu.dma_semaphore, #tpu.memory_space<semaphore_mem>>)
      %dma_wait3A = arith.constant 0 : i32
      %dma_wait3A_16 = tpu.memref_slice %arg11[%mul3A_2, %dma_wait3A] : memref<10240x128xf32, #tpu.memory_space<vmem_shared>> -> memref<640x128xf32, #tpu.memory_space<vmem_shared>>
      tpu.wait_dma2 semaphore(%run_scoped3A : memref<!tpu.dma_semaphore, #tpu.memory_space<semaphore_mem>>) src(%arg4 : memref<640x128xf32, #tpu.memory_space<hbm>>) dst(%dma_wait3A_16 : memref<640x128xf32, #tpu.memory_space<vmem_shared>>)
      tpu.yield
    }) : () -> ()
    %barrier3A = arith.constant 0 : index
    tpu.barrier barrier_id(%barrier3A)
    %mul3A_3 = arith.constant 80 : i32
    %mul3A_4 = arith.muli %add3A, %mul3A_3 : i32
    %scan3A = arith.constant 0 : i32
    %scan3A_5 = arith.constant 0 : i32
    %scan3A_6 = arith.constant 5 : i32
    %scan3A_7 = arith.addi %scan3A_5, %scan3A_6 : i32
    %scan3A_8 = arith.constant 1 : i32
    scf.for %scan3A_15 = %scan3A_5 to %scan3A_7 step %scan3A_8  : i32 {
      %mul3A_16 = arith.constant 16 : i32
      %mul3A_17 = arith.muli %scan3A_15, %mul3A_16 : i32
      %add3A_18 = arith.addi %mul3A_4, %mul3A_17 : i32
      %mul3A_19 = arith.constant 2 : i32
      %mul3A_20 = arith.muli %mul3A_19, %add3A_18 : i32
      "tpu.region"() ({
        %run_scoped3A_258 = tpu.sem_alloc : memref<!tpu.dma_semaphore, #tpu.memory_space<semaphore_mem>>
        %dma_start3A_259 = arith.constant 0 : i32
        %dma_start3A_260 = tpu.memref_slice %arg3[%mul3A_20, %dma_start3A_259] : memref<5120x128xi32, #tpu.memory_space<hbm>> -> memref<32x128xi32, #tpu.memory_space<hbm>>
        %dma_start3A_261 = arith.constant 0 : i32
        %dma_start3A_262 = tpu.memref_slice %arg3[%mul3A_20, %dma_start3A_261] : memref<5120x128xi32, #tpu.memory_space<hbm>> -> memref<32x128xi32, #tpu.memory_space<hbm>>
        tpu.enqueue_dma source(%dma_start3A_262 : memref<32x128xi32, #tpu.memory_space<hbm>>) target(%arg6 : memref<32x128xi32, #tpu.memory_space<vmem>>) target_semaphore(%run_scoped3A_258 : memref<!tpu.dma_semaphore, #tpu.memory_space<semaphore_mem>>)
        %dma_wait3A_263 = arith.constant 0 : i32
        %dma_wait3A_264 = tpu.memref_slice %arg3[%mul3A_20, %dma_wait3A_263] : memref<5120x128xi32, #tpu.memory_space<hbm>> -> memref<32x128xi32, #tpu.memory_space<hbm>>
        %dma_wait3A_265 = arith.constant 0 : i32
        %dma_wait3A_266 = tpu.memref_slice %arg3[%mul3A_20, %dma_wait3A_265] : memref<5120x128xi32, #tpu.memory_space<hbm>> -> memref<32x128xi32, #tpu.memory_space<hbm>>
        tpu.wait_dma2 semaphore(%run_scoped3A_258 : memref<!tpu.dma_semaphore, #tpu.memory_space<semaphore_mem>>) src(%dma_wait3A_266 : memref<32x128xi32, #tpu.memory_space<hbm>>) dst(%arg6 : memref<32x128xi32, #tpu.memory_space<vmem>>)
        tpu.yield
      }) : () -> ()
      %dma_start3A = arith.constant 0 : i32
      %dma_start3A_21 = arith.constant 0 : i32
      %dma_start3A_22 = tpu.memref_slice %arg6[%dma_start3A, %dma_start3A_21] : memref<32x128xi32, #tpu.memory_space<vmem>> -> memref<1x128xi32, #tpu.memory_space<vmem>>
      %dma_start3A_23 = tpu.memref_squeeze %dma_start3A_22 : memref<1x128xi32, #tpu.memory_space<vmem>> -> memref<128xi32, #tpu.memory_space<vmem>>
      %dma_start3A_24 = arith.constant 0 : i32
      %dma_start3A_25 = arith.constant 0 : i32
      %dma_start3A_26 = tpu.memref_slice %arg2[%dma_start3A_24, %dma_start3A_25] : memref<10000x128xf32, #tpu.memory_space<hbm>> -> memref<10000x128xf32, #tpu.memory_space<hbm>>
      tpu.enqueue_indirect_dma source(%dma_start3A_26 : memref<10000x128xf32, #tpu.memory_space<hbm>>) target(%arg7 : memref<128x128xf32, #tpu.memory_space<vmem>>) offsets(%dma_start3A_23 : memref<128xi32, #tpu.memory_space<vmem>>) semaphore(%arg9 : memref<!tpu.dma_semaphore, #tpu.memory_space<semaphore_mem>>)
      %dma_start3A_27 = arith.constant 2 : i32
      %dma_start3A_28 = arith.constant 0 : i32
      %dma_start3A_29 = tpu.memref_slice %arg6[%dma_start3A_27, %dma_start3A_28] : memref<32x128xi32, #tpu.memory_space<vmem>> -> memref<1x128xi32, #tpu.memory_space<vmem>>
      %dma_start3A_30 = tpu.memref_squeeze %dma_start3A_29 : memref<1x128xi32, #tpu.memory_space<vmem>> -> memref<128xi32, #tpu.memory_space<vmem>>
      %dma_start3A_31 = arith.constant 0 : i32
      %dma_start3A_32 = arith.constant 0 : i32
      %dma_start3A_33 = tpu.memref_slice %arg2[%dma_start3A_31, %dma_start3A_32] : memref<10000x128xf32, #tpu.memory_space<hbm>> -> memref<10000x128xf32, #tpu.memory_space<hbm>>
      tpu.enqueue_indirect_dma source(%dma_start3A_33 : memref<10000x128xf32, #tpu.memory_space<hbm>>) target(%arg8 : memref<128x128xf32, #tpu.memory_space<vmem>>) offsets(%dma_start3A_30 : memref<128xi32, #tpu.memory_space<vmem>>) semaphore(%arg10 : memref<!tpu.dma_semaphore, #tpu.memory_space<semaphore_mem>>)
      %dma_wait3A = arith.constant 0 : i32
      %dma_wait3A_34 = arith.constant 0 : i32
      %dma_wait3A_35 = tpu.memref_slice %arg6[%dma_wait3A, %dma_wait3A_34] : memref<32x128xi32, #tpu.memory_space<vmem>> -> memref<1x128xi32, #tpu.memory_space<vmem>>
      %dma_wait3A_36 = tpu.memref_squeeze %dma_wait3A_35 : memref<1x128xi32, #tpu.memory_space<vmem>> -> memref<128xi32, #tpu.memory_space<vmem>>
      %dma_wait3A_37 = arith.constant 0 : i32
      %dma_wait3A_38 = arith.constant 0 : i32
      %dma_wait3A_39 = tpu.memref_slice %arg2[%dma_wait3A_37, %dma_wait3A_38] : memref<10000x128xf32, #tpu.memory_space<hbm>> -> memref<10000x128xf32, #tpu.memory_space<hbm>>
      tpu.wait_indirect_dma semaphore(%arg9 : memref<!tpu.dma_semaphore, #tpu.memory_space<semaphore_mem>>) src(%dma_wait3A_39 : memref<10000x128xf32, #tpu.memory_space<hbm>>) dst(%arg7 : memref<128x128xf32, #tpu.memory_space<vmem>>)
      %run_scoped3A = arith.constant 1 : i32
      "tpu.region"() ({
        %run_scoped3A_258 = tpu.sem_alloc : memref<!tpu.dma_semaphore, #tpu.memory_space<semaphore_mem>>
        %dma_start3A_259 = arith.constant 0 : i32
        %dma_start3A_260 = tpu.memref_slice %arg6[%run_scoped3A, %dma_start3A_259] : memref<32x128xi32, #tpu.memory_space<vmem>> -> memref<1x128xi32, #tpu.memory_space<vmem>>
        %dma_start3A_261 = tpu.memref_squeeze %dma_start3A_260 : memref<1x128xi32, #tpu.memory_space<vmem>> -> memref<128xi32, #tpu.memory_space<vmem>>
        %dma_start3A_262 = arith.constant 0 : i32
        %dma_start3A_263 = arith.constant 0 : i32
        %dma_start3A_264 = tpu.memref_slice %arg11[%dma_start3A_262, %dma_start3A_263] : memref<10240x128xf32, #tpu.memory_space<vmem_shared>> -> memref<10240x128xf32, #tpu.memory_space<vmem_shared>>
        tpu.enqueue_indirect_dma source(%arg7 : memref<128x128xf32, #tpu.memory_space<vmem>>) target(%dma_start3A_264 : memref<10240x128xf32, #tpu.memory_space<vmem_shared>>) offsets(%dma_start3A_261 : memref<128xi32, #tpu.memory_space<vmem>>) semaphore(%run_scoped3A_258 : memref<!tpu.dma_semaphore, #tpu.memory_space<semaphore_mem>>) {add = true}
        %dma_wait3A_265 = arith.constant 0 : i32
        %dma_wait3A_266 = tpu.memref_slice %arg6[%run_scoped3A, %dma_wait3A_265] : memref<32x128xi32, #tpu.memory_space<vmem>> -> memref<1x128xi32, #tpu.memory_space<vmem>>
        %dma_wait3A_267 = tpu.memref_squeeze %dma_wait3A_266 : memref<1x128xi32, #tpu.memory_space<vmem>> -> memref<128xi32, #tpu.memory_space<vmem>>
        %dma_wait3A_268 = arith.constant 0 : i32
        %dma_wait3A_269 = arith.constant 0 : i32
        %dma_wait3A_270 = tpu.memref_slice %arg11[%dma_wait3A_268, %dma_wait3A_269] : memref<10240x128xf32, #tpu.memory_space<vmem_shared>> -> memref<10240x128xf32, #tpu.memory_space<vmem_shared>>
        tpu.wait_indirect_dma semaphore(%run_scoped3A_258 : memref<!tpu.dma_semaphore, #tpu.memory_space<semaphore_mem>>) src(%arg7 : memref<128x128xf32, #tpu.memory_space<vmem>>) dst(%dma_wait3A_270 : memref<10240x128xf32, #tpu.memory_space<vmem_shared>>)
        tpu.yield
      }) : () -> ()
      %dma_start3A_40 = arith.constant 4 : i32
      %dma_start3A_41 = arith.constant 0 : i32
      %dma_start3A_42 = tpu.memref_slice %arg6[%dma_start3A_40, %dma_start3A_41] : memref<32x128xi32, #tpu.memory_space<vmem>> -> memref<1x128xi32, #tpu.memory_space<vmem>>
      %dma_start3A_43 = tpu.memref_squeeze %dma_start3A_42 : memref<1x128xi32, #tpu.memory_space<vmem>> -> memref<128xi32, #tpu.memory_space<vmem>>
      %dma_start3A_44 = arith.constant 0 : i32
      %dma_start3A_45 = arith.constant 0 : i32
      %dma_start3A_46 = tpu.memref_slice %arg2[%dma_start3A_44, %dma_start3A_45] : memref<10000x128xf32, #tpu.memory_space<hbm>> -> memref<10000x128xf32, #tpu.memory_space<hbm>>
      tpu.enqueue_indirect_dma source(%dma_start3A_46 : memref<10000x128xf32, #tpu.memory_space<hbm>>) target(%arg7 : memref<128x128xf32, #tpu.memory_space<vmem>>) offsets(%dma_start3A_43 : memref<128xi32, #tpu.memory_space<vmem>>) semaphore(%arg9 : memref<!tpu.dma_semaphore, #tpu.memory_space<semaphore_mem>>)
      %dma_wait3A_47 = arith.constant 0 : i32
      %dma_wait3A_48 = arith.constant 0 : i32
      %dma_wait3A_49 = tpu.memref_slice %arg6[%dma_wait3A_47, %dma_wait3A_48] : memref<32x128xi32, #tpu.memory_space<vmem>> -> memref<1x128xi32, #tpu.memory_space<vmem>>
      %dma_wait3A_50 = tpu.memref_squeeze %dma_wait3A_49 : memref<1x128xi32, #tpu.memory_space<vmem>> -> memref<128xi32, #tpu.memory_space<vmem>>
      %dma_wait3A_51 = arith.constant 0 : i32
      %dma_wait3A_52 = arith.constant 0 : i32
      %dma_wait3A_53 = tpu.memref_slice %arg2[%dma_wait3A_51, %dma_wait3A_52] : memref<10000x128xf32, #tpu.memory_space<hbm>> -> memref<10000x128xf32, #tpu.memory_space<hbm>>
      tpu.wait_indirect_dma semaphore(%arg10 : memref<!tpu.dma_semaphore, #tpu.memory_space<semaphore_mem>>) src(%dma_wait3A_53 : memref<10000x128xf32, #tpu.memory_space<hbm>>) dst(%arg8 : memref<128x128xf32, #tpu.memory_space<vmem>>)
      %run_scoped3A_54 = arith.constant 3 : i32
      "tpu.region"() ({
        %run_scoped3A_258 = tpu.sem_alloc : memref<!tpu.dma_semaphore, #tpu.memory_space<semaphore_mem>>
        %dma_start3A_259 = arith.constant 0 : i32
        %dma_start3A_260 = tpu.memref_slice %arg6[%run_scoped3A_54, %dma_start3A_259] : memref<32x128xi32, #tpu.memory_space<vmem>> -> memref<1x128xi32, #tpu.memory_space<vmem>>
        %dma_start3A_261 = tpu.memref_squeeze %dma_start3A_260 : memref<1x128xi32, #tpu.memory_space<vmem>> -> memref<128xi32, #tpu.memory_space<vmem>>
        %dma_start3A_262 = arith.constant 0 : i32
        %dma_start3A_263 = arith.constant 0 : i32
        %dma_start3A_264 = tpu.memref_slice %arg11[%dma_start3A_262, %dma_start3A_263] : memref<10240x128xf32, #tpu.memory_space<vmem_shared>> -> memref<10240x128xf32, #tpu.memory_space<vmem_shared>>
        tpu.enqueue_indirect_dma source(%arg8 : memref<128x128xf32, #tpu.memory_space<vmem>>) target(%dma_start3A_264 : memref<10240x128xf32, #tpu.memory_space<vmem_shared>>) offsets(%dma_start3A_261 : memref<128xi32, #tpu.memory_space<vmem>>) semaphore(%run_scoped3A_258 : memref<!tpu.dma_semaphore, #tpu.memory_space<semaphore_mem>>) {add = true}
        %dma_wait3A_265 = arith.constant 0 : i32
        %dma_wait3A_266 = tpu.memref_slice %arg6[%run_scoped3A_54, %dma_wait3A_265] : memref<32x128xi32, #tpu.memory_space<vmem>> -> memref<1x128xi32, #tpu.memory_space<vmem>>
        %dma_wait3A_267 = tpu.memref_squeeze %dma_wait3A_266 : memref<1x128xi32, #tpu.memory_space<vmem>> -> memref<128xi32, #tpu.memory_space<vmem>>
        %dma_wait3A_268 = arith.constant 0 : i32
        %dma_wait3A_269 = arith.constant 0 : i32
        %dma_wait3A_270 = tpu.memref_slice %arg11[%dma_wait3A_268, %dma_wait3A_269] : memref<10240x128xf32, #tpu.memory_space<vmem_shared>> -> memref<10240x128xf32, #tpu.memory_space<vmem_shared>>
        tpu.wait_indirect_dma semaphore(%run_scoped3A_258 : memref<!tpu.dma_semaphore, #tpu.memory_space<semaphore_mem>>) src(%arg8 : memref<128x128xf32, #tpu.memory_space<vmem>>) dst(%dma_wait3A_270 : memref<10240x128xf32, #tpu.memory_space<vmem_shared>>)
        tpu.yield
      }) : () -> ()
      %dma_start3A_55 = arith.constant 6 : i32
      %dma_start3A_56 = arith.constant 0 : i32
      %dma_start3A_57 = tpu.memref_slice %arg6[%dma_start3A_55, %dma_start3A_56] : memref<32x128xi32, #tpu.memory_space<vmem>> -> memref<1x128xi32, #tpu.memory_space<vmem>>
      %dma_start3A_58 = tpu.memref_squeeze %dma_start3A_57 : memref<1x128xi32, #tpu.memory_space<vmem>> -> memref<128xi32, #tpu.memory_space<vmem>>
      %dma_start3A_59 = arith.constant 0 : i32
      %dma_start3A_60 = arith.constant 0 : i32
      %dma_start3A_61 = tpu.memref_slice %arg2[%dma_start3A_59, %dma_start3A_60] : memref<10000x128xf32, #tpu.memory_space<hbm>> -> memref<10000x128xf32, #tpu.memory_space<hbm>>
      tpu.enqueue_indirect_dma source(%dma_start3A_61 : memref<10000x128xf32, #tpu.memory_space<hbm>>) target(%arg8 : memref<128x128xf32, #tpu.memory_space<vmem>>) offsets(%dma_start3A_58 : memref<128xi32, #tpu.memory_space<vmem>>) semaphore(%arg10 : memref<!tpu.dma_semaphore, #tpu.memory_space<semaphore_mem>>)
      %dma_wait3A_62 = arith.constant 0 : i32
      %dma_wait3A_63 = arith.constant 0 : i32
      %dma_wait3A_64 = tpu.memref_slice %arg6[%dma_wait3A_62, %dma_wait3A_63] : memref<32x128xi32, #tpu.memory_space<vmem>> -> memref<1x128xi32, #tpu.memory_space<vmem>>
      %dma_wait3A_65 = tpu.memref_squeeze %dma_wait3A_64 : memref<1x128xi32, #tpu.memory_space<vmem>> -> memref<128xi32, #tpu.memory_space<vmem>>
      %dma_wait3A_66 = arith.constant 0 : i32
      %dma_wait3A_67 = arith.constant 0 : i32
      %dma_wait3A_68 = tpu.memref_slice %arg2[%dma_wait3A_66, %dma_wait3A_67] : memref<10000x128xf32, #tpu.memory_space<hbm>> -> memref<10000x128xf32, #tpu.memory_space<hbm>>
      tpu.wait_indirect_dma semaphore(%arg9 : memref<!tpu.dma_semaphore, #tpu.memory_space<semaphore_mem>>) src(%dma_wait3A_68 : memref<10000x128xf32, #tpu.memory_space<hbm>>) dst(%arg7 : memref<128x128xf32, #tpu.memory_space<vmem>>)
      %run_scoped3A_69 = arith.constant 5 : i32
      "tpu.region"() ({
        %run_scoped3A_258 = tpu.sem_alloc : memref<!tpu.dma_semaphore, #tpu.memory_space<semaphore_mem>>
        %dma_start3A_259 = arith.constant 0 : i32
        %dma_start3A_260 = tpu.memref_slice %arg6[%run_scoped3A_69, %dma_start3A_259] : memref<32x128xi32, #tpu.memory_space<vmem>> -> memref<1x128xi32, #tpu.memory_space<vmem>>
        %dma_start3A_261 = tpu.memref_squeeze %dma_start3A_260 : memref<1x128xi32, #tpu.memory_space<vmem>> -> memref<128xi32, #tpu.memory_space<vmem>>
        %dma_start3A_262 = arith.constant 0 : i32
        %dma_start3A_263 = arith.constant 0 : i32
        %dma_start3A_264 = tpu.memref_slice %arg11[%dma_start3A_262, %dma_start3A_263] : memref<10240x128xf32, #tpu.memory_space<vmem_shared>> -> memref<10240x128xf32, #tpu.memory_space<vmem_shared>>
        tpu.enqueue_indirect_dma source(%arg7 : memref<128x128xf32, #tpu.memory_space<vmem>>) target(%dma_start3A_264 : memref<10240x128xf32, #tpu.memory_space<vmem_shared>>) offsets(%dma_start3A_261 : memref<128xi32, #tpu.memory_space<vmem>>) semaphore(%run_scoped3A_258 : memref<!tpu.dma_semaphore, #tpu.memory_space<semaphore_mem>>) {add = true}
        %dma_wait3A_265 = arith.constant 0 : i32
        %dma_wait3A_266 = tpu.memref_slice %arg6[%run_scoped3A_69, %dma_wait3A_265] : memref<32x128xi32, #tpu.memory_space<vmem>> -> memref<1x128xi32, #tpu.memory_space<vmem>>
        %dma_wait3A_267 = tpu.memref_squeeze %dma_wait3A_266 : memref<1x128xi32, #tpu.memory_space<vmem>> -> memref<128xi32, #tpu.memory_space<vmem>>
        %dma_wait3A_268 = arith.constant 0 : i32
        %dma_wait3A_269 = arith.constant 0 : i32
        %dma_wait3A_270 = tpu.memref_slice %arg11[%dma_wait3A_268, %dma_wait3A_269] : memref<10240x128xf32, #tpu.memory_space<vmem_shared>> -> memref<10240x128xf32, #tpu.memory_space<vmem_shared>>
        tpu.wait_indirect_dma semaphore(%run_scoped3A_258 : memref<!tpu.dma_semaphore, #tpu.memory_space<semaphore_mem>>) src(%arg7 : memref<128x128xf32, #tpu.memory_space<vmem>>) dst(%dma_wait3A_270 : memref<10240x128xf32, #tpu.memory_space<vmem_shared>>)
        tpu.yield
      }) : () -> ()
      %dma_start3A_70 = arith.constant 8 : i32
      %dma_start3A_71 = arith.constant 0 : i32
      %dma_start3A_72 = tpu.memref_slice %arg6[%dma_start3A_70, %dma_start3A_71] : memref<32x128xi32, #tpu.memory_space<vmem>> -> memref<1x128xi32, #tpu.memory_space<vmem>>
      %dma_start3A_73 = tpu.memref_squeeze %dma_start3A_72 : memref<1x128xi32, #tpu.memory_space<vmem>> -> memref<128xi32, #tpu.memory_space<vmem>>
      %dma_start3A_74 = arith.constant 0 : i32
      %dma_start3A_75 = arith.constant 0 : i32
      %dma_start3A_76 = tpu.memref_slice %arg2[%dma_start3A_74, %dma_start3A_75] : memref<10000x128xf32, #tpu.memory_space<hbm>> -> memref<10000x128xf32, #tpu.memory_space<hbm>>
      tpu.enqueue_indirect_dma source(%dma_start3A_76 : memref<10000x128xf32, #tpu.memory_space<hbm>>) target(%arg7 : memref<128x128xf32, #tpu.memory_space<vmem>>) offsets(%dma_start3A_73 : memref<128xi32, #tpu.memory_space<vmem>>) semaphore(%arg9 : memref<!tpu.dma_semaphore, #tpu.memory_space<semaphore_mem>>)
      %dma_wait3A_77 = arith.constant 0 : i32
      %dma_wait3A_78 = arith.constant 0 : i32
      %dma_wait3A_79 = tpu.memref_slice %arg6[%dma_wait3A_77, %dma_wait3A_78] : memref<32x128xi32, #tpu.memory_space<vmem>> -> memref<1x128xi32, #tpu.memory_space<vmem>>
      %dma_wait3A_80 = tpu.memref_squeeze %dma_wait3A_79 : memref<1x128xi32, #tpu.memory_space<vmem>> -> memref<128xi32, #tpu.memory_space<vmem>>
      %dma_wait3A_81 = arith.constant 0 : i32
      %dma_wait3A_82 = arith.constant 0 : i32
      %dma_wait3A_83 = tpu.memref_slice %arg2[%dma_wait3A_81, %dma_wait3A_82] : memref<10000x128xf32, #tpu.memory_space<hbm>> -> memref<10000x128xf32, #tpu.memory_space<hbm>>
      tpu.wait_indirect_dma semaphore(%arg10 : memref<!tpu.dma_semaphore, #tpu.memory_space<semaphore_mem>>) src(%dma_wait3A_83 : memref<10000x128xf32, #tpu.memory_space<hbm>>) dst(%arg8 : memref<128x128xf32, #tpu.memory_space<vmem>>)
      %run_scoped3A_84 = arith.constant 7 : i32
      "tpu.region"() ({
        %run_scoped3A_258 = tpu.sem_alloc : memref<!tpu.dma_semaphore, #tpu.memory_space<semaphore_mem>>
        %dma_start3A_259 = arith.constant 0 : i32
        %dma_start3A_260 = tpu.memref_slice %arg6[%run_scoped3A_84, %dma_start3A_259] : memref<32x128xi32, #tpu.memory_space<vmem>> -> memref<1x128xi32, #tpu.memory_space<vmem>>
        %dma_start3A_261 = tpu.memref_squeeze %dma_start3A_260 : memref<1x128xi32, #tpu.memory_space<vmem>> -> memref<128xi32, #tpu.memory_space<vmem>>
        %dma_start3A_262 = arith.constant 0 : i32
        %dma_start3A_263 = arith.constant 0 : i32
        %dma_start3A_264 = tpu.memref_slice %arg11[%dma_start3A_262, %dma_start3A_263] : memref<10240x128xf32, #tpu.memory_space<vmem_shared>> -> memref<10240x128xf32, #tpu.memory_space<vmem_shared>>
        tpu.enqueue_indirect_dma source(%arg8 : memref<128x128xf32, #tpu.memory_space<vmem>>) target(%dma_start3A_264 : memref<10240x128xf32, #tpu.memory_space<vmem_shared>>) offsets(%dma_start3A_261 : memref<128xi32, #tpu.memory_space<vmem>>) semaphore(%run_scoped3A_258 : memref<!tpu.dma_semaphore, #tpu.memory_space<semaphore_mem>>) {add = true}
        %dma_wait3A_265 = arith.constant 0 : i32
        %dma_wait3A_266 = tpu.memref_slice %arg6[%run_scoped3A_84, %dma_wait3A_265] : memref<32x128xi32, #tpu.memory_space<vmem>> -> memref<1x128xi32, #tpu.memory_space<vmem>>
        %dma_wait3A_267 = tpu.memref_squeeze %dma_wait3A_266 : memref<1x128xi32, #tpu.memory_space<vmem>> -> memref<128xi32, #tpu.memory_space<vmem>>
        %dma_wait3A_268 = arith.constant 0 : i32
        %dma_wait3A_269 = arith.constant 0 : i32
        %dma_wait3A_270 = tpu.memref_slice %arg11[%dma_wait3A_268, %dma_wait3A_269] : memref<10240x128xf32, #tpu.memory_space<vmem_shared>> -> memref<10240x128xf32, #tpu.memory_space<vmem_shared>>
        tpu.wait_indirect_dma semaphore(%run_scoped3A_258 : memref<!tpu.dma_semaphore, #tpu.memory_space<semaphore_mem>>) src(%arg8 : memref<128x128xf32, #tpu.memory_space<vmem>>) dst(%dma_wait3A_270 : memref<10240x128xf32, #tpu.memory_space<vmem_shared>>)
        tpu.yield
      }) : () -> ()
      %dma_start3A_85 = arith.constant 10 : i32
      %dma_start3A_86 = arith.constant 0 : i32
      %dma_start3A_87 = tpu.memref_slice %arg6[%dma_start3A_85, %dma_start3A_86] : memref<32x128xi32, #tpu.memory_space<vmem>> -> memref<1x128xi32, #tpu.memory_space<vmem>>
      %dma_start3A_88 = tpu.memref_squeeze %dma_start3A_87 : memref<1x128xi32, #tpu.memory_space<vmem>> -> memref<128xi32, #tpu.memory_space<vmem>>
      %dma_start3A_89 = arith.constant 0 : i32
      %dma_start3A_90 = arith.constant 0 : i32
      %dma_start3A_91 = tpu.memref_slice %arg2[%dma_start3A_89, %dma_start3A_90] : memref<10000x128xf32, #tpu.memory_space<hbm>> -> memref<10000x128xf32, #tpu.memory_space<hbm>>
      tpu.enqueue_indirect_dma source(%dma_start3A_91 : memref<10000x128xf32, #tpu.memory_space<hbm>>) target(%arg8 : memref<128x128xf32, #tpu.memory_space<vmem>>) offsets(%dma_start3A_88 : memref<128xi32, #tpu.memory_space<vmem>>) semaphore(%arg10 : memref<!tpu.dma_semaphore, #tpu.memory_space<semaphore_mem>>)
      %dma_wait3A_92 = arith.constant 0 : i32
      %dma_wait3A_93 = arith.constant 0 : i32
      %dma_wait3A_94 = tpu.memref_slice %arg6[%dma_wait3A_92, %dma_wait3A_93] : memref<32x128xi32, #tpu.memory_space<vmem>> -> memref<1x128xi32, #tpu.memory_space<vmem>>
      %dma_wait3A_95 = tpu.memref_squeeze %dma_wait3A_94 : memref<1x128xi32, #tpu.memory_space<vmem>> -> memref<128xi32, #tpu.memory_space<vmem>>
      %dma_wait3A_96 = arith.constant 0 : i32
      %dma_wait3A_97 = arith.constant 0 : i32
      %dma_wait3A_98 = tpu.memref_slice %arg2[%dma_wait3A_96, %dma_wait3A_97] : memref<10000x128xf32, #tpu.memory_space<hbm>> -> memref<10000x128xf32, #tpu.memory_space<hbm>>
      tpu.wait_indirect_dma semaphore(%arg9 : memref<!tpu.dma_semaphore, #tpu.memory_space<semaphore_mem>>) src(%dma_wait3A_98 : memref<10000x128xf32, #tpu.memory_space<hbm>>) dst(%arg7 : memref<128x128xf32, #tpu.memory_space<vmem>>)
      %run_scoped3A_99 = arith.constant 9 : i32
      "tpu.region"() ({
        %run_scoped3A_258 = tpu.sem_alloc : memref<!tpu.dma_semaphore, #tpu.memory_space<semaphore_mem>>
        %dma_start3A_259 = arith.constant 0 : i32
        %dma_start3A_260 = tpu.memref_slice %arg6[%run_scoped3A_99, %dma_start3A_259] : memref<32x128xi32, #tpu.memory_space<vmem>> -> memref<1x128xi32, #tpu.memory_space<vmem>>
        %dma_start3A_261 = tpu.memref_squeeze %dma_start3A_260 : memref<1x128xi32, #tpu.memory_space<vmem>> -> memref<128xi32, #tpu.memory_space<vmem>>
        %dma_start3A_262 = arith.constant 0 : i32
        %dma_start3A_263 = arith.constant 0 : i32
        %dma_start3A_264 = tpu.memref_slice %arg11[%dma_start3A_262, %dma_start3A_263] : memref<10240x128xf32, #tpu.memory_space<vmem_shared>> -> memref<10240x128xf32, #tpu.memory_space<vmem_shared>>
        tpu.enqueue_indirect_dma source(%arg7 : memref<128x128xf32, #tpu.memory_space<vmem>>) target(%dma_start3A_264 : memref<10240x128xf32, #tpu.memory_space<vmem_shared>>) offsets(%dma_start3A_261 : memref<128xi32, #tpu.memory_space<vmem>>) semaphore(%run_scoped3A_258 : memref<!tpu.dma_semaphore, #tpu.memory_space<semaphore_mem>>) {add = true}
        %dma_wait3A_265 = arith.constant 0 : i32
        %dma_wait3A_266 = tpu.memref_slice %arg6[%run_scoped3A_99, %dma_wait3A_265] : memref<32x128xi32, #tpu.memory_space<vmem>> -> memref<1x128xi32, #tpu.memory_space<vmem>>
        %dma_wait3A_267 = tpu.memref_squeeze %dma_wait3A_266 : memref<1x128xi32, #tpu.memory_space<vmem>> -> memref<128xi32, #tpu.memory_space<vmem>>
        %dma_wait3A_268 = arith.constant 0 : i32
        %dma_wait3A_269 = arith.constant 0 : i32
        %dma_wait3A_270 = tpu.memref_slice %arg11[%dma_wait3A_268, %dma_wait3A_269] : memref<10240x128xf32, #tpu.memory_space<vmem_shared>> -> memref<10240x128xf32, #tpu.memory_space<vmem_shared>>
        tpu.wait_indirect_dma semaphore(%run_scoped3A_258 : memref<!tpu.dma_semaphore, #tpu.memory_space<semaphore_mem>>) src(%arg7 : memref<128x128xf32, #tpu.memory_space<vmem>>) dst(%dma_wait3A_270 : memref<10240x128xf32, #tpu.memory_space<vmem_shared>>)
        tpu.yield
      }) : () -> ()
      %dma_start3A_100 = arith.constant 12 : i32
      %dma_start3A_101 = arith.constant 0 : i32
      %dma_start3A_102 = tpu.memref_slice %arg6[%dma_start3A_100, %dma_start3A_101] : memref<32x128xi32, #tpu.memory_space<vmem>> -> memref<1x128xi32, #tpu.memory_space<vmem>>
      %dma_start3A_103 = tpu.memref_squeeze %dma_start3A_102 : memref<1x128xi32, #tpu.memory_space<vmem>> -> memref<128xi32, #tpu.memory_space<vmem>>
      %dma_start3A_104 = arith.constant 0 : i32
      %dma_start3A_105 = arith.constant 0 : i32
      %dma_start3A_106 = tpu.memref_slice %arg2[%dma_start3A_104, %dma_start3A_105] : memref<10000x128xf32, #tpu.memory_space<hbm>> -> memref<10000x128xf32, #tpu.memory_space<hbm>>
      tpu.enqueue_indirect_dma source(%dma_start3A_106 : memref<10000x128xf32, #tpu.memory_space<hbm>>) target(%arg7 : memref<128x128xf32, #tpu.memory_space<vmem>>) offsets(%dma_start3A_103 : memref<128xi32, #tpu.memory_space<vmem>>) semaphore(%arg9 : memref<!tpu.dma_semaphore, #tpu.memory_space<semaphore_mem>>)
      %dma_wait3A_107 = arith.constant 0 : i32
      %dma_wait3A_108 = arith.constant 0 : i32
      %dma_wait3A_109 = tpu.memref_slice %arg6[%dma_wait3A_107, %dma_wait3A_108] : memref<32x128xi32, #tpu.memory_space<vmem>> -> memref<1x128xi32, #tpu.memory_space<vmem>>
      %dma_wait3A_110 = tpu.memref_squeeze %dma_wait3A_109 : memref<1x128xi32, #tpu.memory_space<vmem>> -> memref<128xi32, #tpu.memory_space<vmem>>
      %dma_wait3A_111 = arith.constant 0 : i32
      %dma_wait3A_112 = arith.constant 0 : i32
      %dma_wait3A_113 = tpu.memref_slice %arg2[%dma_wait3A_111, %dma_wait3A_112] : memref<10000x128xf32, #tpu.memory_space<hbm>> -> memref<10000x128xf32, #tpu.memory_space<hbm>>
      tpu.wait_indirect_dma semaphore(%arg10 : memref<!tpu.dma_semaphore, #tpu.memory_space<semaphore_mem>>) src(%dma_wait3A_113 : memref<10000x128xf32, #tpu.memory_space<hbm>>) dst(%arg8 : memref<128x128xf32, #tpu.memory_space<vmem>>)
      %run_scoped3A_114 = arith.constant 11 : i32
      "tpu.region"() ({
        %run_scoped3A_258 = tpu.sem_alloc : memref<!tpu.dma_semaphore, #tpu.memory_space<semaphore_mem>>
        %dma_start3A_259 = arith.constant 0 : i32
        %dma_start3A_260 = tpu.memref_slice %arg6[%run_scoped3A_114, %dma_start3A_259] : memref<32x128xi32, #tpu.memory_space<vmem>> -> memref<1x128xi32, #tpu.memory_space<vmem>>
        %dma_start3A_261 = tpu.memref_squeeze %dma_start3A_260 : memref<1x128xi32, #tpu.memory_space<vmem>> -> memref<128xi32, #tpu.memory_space<vmem>>
        %dma_start3A_262 = arith.constant 0 : i32
        %dma_start3A_263 = arith.constant 0 : i32
        %dma_start3A_264 = tpu.memref_slice %arg11[%dma_start3A_262, %dma_start3A_263] : memref<10240x128xf32, #tpu.memory_space<vmem_shared>> -> memref<10240x128xf32, #tpu.memory_space<vmem_shared>>
        tpu.enqueue_indirect_dma source(%arg8 : memref<128x128xf32, #tpu.memory_space<vmem>>) target(%dma_start3A_264 : memref<10240x128xf32, #tpu.memory_space<vmem_shared>>) offsets(%dma_start3A_261 : memref<128xi32, #tpu.memory_space<vmem>>) semaphore(%run_scoped3A_258 : memref<!tpu.dma_semaphore, #tpu.memory_space<semaphore_mem>>) {add = true}
        %dma_wait3A_265 = arith.constant 0 : i32
        %dma_wait3A_266 = tpu.memref_slice %arg6[%run_scoped3A_114, %dma_wait3A_265] : memref<32x128xi32, #tpu.memory_space<vmem>> -> memref<1x128xi32, #tpu.memory_space<vmem>>
        %dma_wait3A_267 = tpu.memref_squeeze %dma_wait3A_266 : memref<1x128xi32, #tpu.memory_space<vmem>> -> memref<128xi32, #tpu.memory_space<vmem>>
        %dma_wait3A_268 = arith.constant 0 : i32
        %dma_wait3A_269 = arith.constant 0 : i32
        %dma_wait3A_270 = tpu.memref_slice %arg11[%dma_wait3A_268, %dma_wait3A_269] : memref<10240x128xf32, #tpu.memory_space<vmem_shared>> -> memref<10240x128xf32, #tpu.memory_space<vmem_shared>>
        tpu.wait_indirect_dma semaphore(%run_scoped3A_258 : memref<!tpu.dma_semaphore, #tpu.memory_space<semaphore_mem>>) src(%arg8 : memref<128x128xf32, #tpu.memory_space<vmem>>) dst(%dma_wait3A_270 : memref<10240x128xf32, #tpu.memory_space<vmem_shared>>)
        tpu.yield
      }) : () -> ()
      %dma_start3A_115 = arith.constant 14 : i32
      %dma_start3A_116 = arith.constant 0 : i32
      %dma_start3A_117 = tpu.memref_slice %arg6[%dma_start3A_115, %dma_start3A_116] : memref<32x128xi32, #tpu.memory_space<vmem>> -> memref<1x128xi32, #tpu.memory_space<vmem>>
      %dma_start3A_118 = tpu.memref_squeeze %dma_start3A_117 : memref<1x128xi32, #tpu.memory_space<vmem>> -> memref<128xi32, #tpu.memory_space<vmem>>
      %dma_start3A_119 = arith.constant 0 : i32
      %dma_start3A_120 = arith.constant 0 : i32
      %dma_start3A_121 = tpu.memref_slice %arg2[%dma_start3A_119, %dma_start3A_120] : memref<10000x128xf32, #tpu.memory_space<hbm>> -> memref<10000x128xf32, #tpu.memory_space<hbm>>
      tpu.enqueue_indirect_dma source(%dma_start3A_121 : memref<10000x128xf32, #tpu.memory_space<hbm>>) target(%arg8 : memref<128x128xf32, #tpu.memory_space<vmem>>) offsets(%dma_start3A_118 : memref<128xi32, #tpu.memory_space<vmem>>) semaphore(%arg10 : memref<!tpu.dma_semaphore, #tpu.memory_space<semaphore_mem>>)
      %dma_wait3A_122 = arith.constant 0 : i32
      %dma_wait3A_123 = arith.constant 0 : i32
      %dma_wait3A_124 = tpu.memref_slice %arg6[%dma_wait3A_122, %dma_wait3A_123] : memref<32x128xi32, #tpu.memory_space<vmem>> -> memref<1x128xi32, #tpu.memory_space<vmem>>
      %dma_wait3A_125 = tpu.memref_squeeze %dma_wait3A_124 : memref<1x128xi32, #tpu.memory_space<vmem>> -> memref<128xi32, #tpu.memory_space<vmem>>
      %dma_wait3A_126 = arith.constant 0 : i32
      %dma_wait3A_127 = arith.constant 0 : i32
      %dma_wait3A_128 = tpu.memref_slice %arg2[%dma_wait3A_126, %dma_wait3A_127] : memref<10000x128xf32, #tpu.memory_space<hbm>> -> memref<10000x128xf32, #tpu.memory_space<hbm>>
      tpu.wait_indirect_dma semaphore(%arg9 : memref<!tpu.dma_semaphore, #tpu.memory_space<semaphore_mem>>) src(%dma_wait3A_128 : memref<10000x128xf32, #tpu.memory_space<hbm>>) dst(%arg7 : memref<128x128xf32, #tpu.memory_space<vmem>>)
      %run_scoped3A_129 = arith.constant 13 : i32
      "tpu.region"() ({
        %run_scoped3A_258 = tpu.sem_alloc : memref<!tpu.dma_semaphore, #tpu.memory_space<semaphore_mem>>
        %dma_start3A_259 = arith.constant 0 : i32
        %dma_start3A_260 = tpu.memref_slice %arg6[%run_scoped3A_129, %dma_start3A_259] : memref<32x128xi32, #tpu.memory_space<vmem>> -> memref<1x128xi32, #tpu.memory_space<vmem>>
        %dma_start3A_261 = tpu.memref_squeeze %dma_start3A_260 : memref<1x128xi32, #tpu.memory_space<vmem>> -> memref<128xi32, #tpu.memory_space<vmem>>
        %dma_start3A_262 = arith.constant 0 : i32
        %dma_start3A_263 = arith.constant 0 : i32
        %dma_start3A_264 = tpu.memref_slice %arg11[%dma_start3A_262, %dma_start3A_263] : memref<10240x128xf32, #tpu.memory_space<vmem_shared>> -> memref<10240x128xf32, #tpu.memory_space<vmem_shared>>
        tpu.enqueue_indirect_dma source(%arg7 : memref<128x128xf32, #tpu.memory_space<vmem>>) target(%dma_start3A_264 : memref<10240x128xf32, #tpu.memory_space<vmem_shared>>) offsets(%dma_start3A_261 : memref<128xi32, #tpu.memory_space<vmem>>) semaphore(%run_scoped3A_258 : memref<!tpu.dma_semaphore, #tpu.memory_space<semaphore_mem>>) {add = true}
        %dma_wait3A_265 = arith.constant 0 : i32
        %dma_wait3A_266 = tpu.memref_slice %arg6[%run_scoped3A_129, %dma_wait3A_265] : memref<32x128xi32, #tpu.memory_space<vmem>> -> memref<1x128xi32, #tpu.memory_space<vmem>>
        %dma_wait3A_267 = tpu.memref_squeeze %dma_wait3A_266 : memref<1x128xi32, #tpu.memory_space<vmem>> -> memref<128xi32, #tpu.memory_space<vmem>>
        %dma_wait3A_268 = arith.constant 0 : i32
        %dma_wait3A_269 = arith.constant 0 : i32
        %dma_wait3A_270 = tpu.memref_slice %arg11[%dma_wait3A_268, %dma_wait3A_269] : memref<10240x128xf32, #tpu.memory_space<vmem_shared>> -> memref<10240x128xf32, #tpu.memory_space<vmem_shared>>
        tpu.wait_indirect_dma semaphore(%run_scoped3A_258 : memref<!tpu.dma_semaphore, #tpu.memory_space<semaphore_mem>>) src(%arg7 : memref<128x128xf32, #tpu.memory_space<vmem>>) dst(%dma_wait3A_270 : memref<10240x128xf32, #tpu.memory_space<vmem_shared>>)
        tpu.yield
      }) : () -> ()
      %dma_start3A_130 = arith.constant 16 : i32
      %dma_start3A_131 = arith.constant 0 : i32
      %dma_start3A_132 = tpu.memref_slice %arg6[%dma_start3A_130, %dma_start3A_131] : memref<32x128xi32, #tpu.memory_space<vmem>> -> memref<1x128xi32, #tpu.memory_space<vmem>>
      %dma_start3A_133 = tpu.memref_squeeze %dma_start3A_132 : memref<1x128xi32, #tpu.memory_space<vmem>> -> memref<128xi32, #tpu.memory_space<vmem>>
      %dma_start3A_134 = arith.constant 0 : i32
      %dma_start3A_135 = arith.constant 0 : i32
      %dma_start3A_136 = tpu.memref_slice %arg2[%dma_start3A_134, %dma_start3A_135] : memref<10000x128xf32, #tpu.memory_space<hbm>> -> memref<10000x128xf32, #tpu.memory_space<hbm>>
      tpu.enqueue_indirect_dma source(%dma_start3A_136 : memref<10000x128xf32, #tpu.memory_space<hbm>>) target(%arg7 : memref<128x128xf32, #tpu.memory_space<vmem>>) offsets(%dma_start3A_133 : memref<128xi32, #tpu.memory_space<vmem>>) semaphore(%arg9 : memref<!tpu.dma_semaphore, #tpu.memory_space<semaphore_mem>>)
      %dma_wait3A_137 = arith.constant 0 : i32
      %dma_wait3A_138 = arith.constant 0 : i32
      %dma_wait3A_139 = tpu.memref_slice %arg6[%dma_wait3A_137, %dma_wait3A_138] : memref<32x128xi32, #tpu.memory_space<vmem>> -> memref<1x128xi32, #tpu.memory_space<vmem>>
      %dma_wait3A_140 = tpu.memref_squeeze %dma_wait3A_139 : memref<1x128xi32, #tpu.memory_space<vmem>> -> memref<128xi32, #tpu.memory_space<vmem>>
      %dma_wait3A_141 = arith.constant 0 : i32
      %dma_wait3A_142 = arith.constant 0 : i32
      %dma_wait3A_143 = tpu.memref_slice %arg2[%dma_wait3A_141, %dma_wait3A_142] : memref<10000x128xf32, #tpu.memory_space<hbm>> -> memref<10000x128xf32, #tpu.memory_space<hbm>>
      tpu.wait_indirect_dma semaphore(%arg10 : memref<!tpu.dma_semaphore, #tpu.memory_space<semaphore_mem>>) src(%dma_wait3A_143 : memref<10000x128xf32, #tpu.memory_space<hbm>>) dst(%arg8 : memref<128x128xf32, #tpu.memory_space<vmem>>)
      %run_scoped3A_144 = arith.constant 15 : i32
      "tpu.region"() ({
        %run_scoped3A_258 = tpu.sem_alloc : memref<!tpu.dma_semaphore, #tpu.memory_space<semaphore_mem>>
        %dma_start3A_259 = arith.constant 0 : i32
        %dma_start3A_260 = tpu.memref_slice %arg6[%run_scoped3A_144, %dma_start3A_259] : memref<32x128xi32, #tpu.memory_space<vmem>> -> memref<1x128xi32, #tpu.memory_space<vmem>>
        %dma_start3A_261 = tpu.memref_squeeze %dma_start3A_260 : memref<1x128xi32, #tpu.memory_space<vmem>> -> memref<128xi32, #tpu.memory_space<vmem>>
        %dma_start3A_262 = arith.constant 0 : i32
        %dma_start3A_263 = arith.constant 0 : i32
        %dma_start3A_264 = tpu.memref_slice %arg11[%dma_start3A_262, %dma_start3A_263] : memref<10240x128xf32, #tpu.memory_space<vmem_shared>> -> memref<10240x128xf32, #tpu.memory_space<vmem_shared>>
        tpu.enqueue_indirect_dma source(%arg8 : memref<128x128xf32, #tpu.memory_space<vmem>>) target(%dma_start3A_264 : memref<10240x128xf32, #tpu.memory_space<vmem_shared>>) offsets(%dma_start3A_261 : memref<128xi32, #tpu.memory_space<vmem>>) semaphore(%run_scoped3A_258 : memref<!tpu.dma_semaphore, #tpu.memory_space<semaphore_mem>>) {add = true}
        %dma_wait3A_265 = arith.constant 0 : i32
        %dma_wait3A_266 = tpu.memref_slice %arg6[%run_scoped3A_144, %dma_wait3A_265] : memref<32x128xi32, #tpu.memory_space<vmem>> -> memref<1x128xi32, #tpu.memory_space<vmem>>
        %dma_wait3A_267 = tpu.memref_squeeze %dma_wait3A_266 : memref<1x128xi32, #tpu.memory_space<vmem>> -> memref<128xi32, #tpu.memory_space<vmem>>
        %dma_wait3A_268 = arith.constant 0 : i32
        %dma_wait3A_269 = arith.constant 0 : i32
        %dma_wait3A_270 = tpu.memref_slice %arg11[%dma_wait3A_268, %dma_wait3A_269] : memref<10240x128xf32, #tpu.memory_space<vmem_shared>> -> memref<10240x128xf32, #tpu.memory_space<vmem_shared>>
        tpu.wait_indirect_dma semaphore(%run_scoped3A_258 : memref<!tpu.dma_semaphore, #tpu.memory_space<semaphore_mem>>) src(%arg8 : memref<128x128xf32, #tpu.memory_space<vmem>>) dst(%dma_wait3A_270 : memref<10240x128xf32, #tpu.memory_space<vmem_shared>>)
        tpu.yield
      }) : () -> ()
      %dma_start3A_145 = arith.constant 18 : i32
      %dma_start3A_146 = arith.constant 0 : i32
      %dma_start3A_147 = tpu.memref_slice %arg6[%dma_start3A_145, %dma_start3A_146] : memref<32x128xi32, #tpu.memory_space<vmem>> -> memref<1x128xi32, #tpu.memory_space<vmem>>
      %dma_start3A_148 = tpu.memref_squeeze %dma_start3A_147 : memref<1x128xi32, #tpu.memory_space<vmem>> -> memref<128xi32, #tpu.memory_space<vmem>>
      %dma_start3A_149 = arith.constant 0 : i32
      %dma_start3A_150 = arith.constant 0 : i32
      %dma_start3A_151 = tpu.memref_slice %arg2[%dma_start3A_149, %dma_start3A_150] : memref<10000x128xf32, #tpu.memory_space<hbm>> -> memref<10000x128xf32, #tpu.memory_space<hbm>>
      tpu.enqueue_indirect_dma source(%dma_start3A_151 : memref<10000x128xf32, #tpu.memory_space<hbm>>) target(%arg8 : memref<128x128xf32, #tpu.memory_space<vmem>>) offsets(%dma_start3A_148 : memref<128xi32, #tpu.memory_space<vmem>>) semaphore(%arg10 : memref<!tpu.dma_semaphore, #tpu.memory_space<semaphore_mem>>)
      %dma_wait3A_152 = arith.constant 0 : i32
      %dma_wait3A_153 = arith.constant 0 : i32
      %dma_wait3A_154 = tpu.memref_slice %arg6[%dma_wait3A_152, %dma_wait3A_153] : memref<32x128xi32, #tpu.memory_space<vmem>> -> memref<1x128xi32, #tpu.memory_space<vmem>>
      %dma_wait3A_155 = tpu.memref_squeeze %dma_wait3A_154 : memref<1x128xi32, #tpu.memory_space<vmem>> -> memref<128xi32, #tpu.memory_space<vmem>>
      %dma_wait3A_156 = arith.constant 0 : i32
      %dma_wait3A_157 = arith.constant 0 : i32
      %dma_wait3A_158 = tpu.memref_slice %arg2[%dma_wait3A_156, %dma_wait3A_157] : memref<10000x128xf32, #tpu.memory_space<hbm>> -> memref<10000x128xf32, #tpu.memory_space<hbm>>
      tpu.wait_indirect_dma semaphore(%arg9 : memref<!tpu.dma_semaphore, #tpu.memory_space<semaphore_mem>>) src(%dma_wait3A_158 : memref<10000x128xf32, #tpu.memory_space<hbm>>) dst(%arg7 : memref<128x128xf32, #tpu.memory_space<vmem>>)
      %run_scoped3A_159 = arith.constant 17 : i32
      "tpu.region"() ({
        %run_scoped3A_258 = tpu.sem_alloc : memref<!tpu.dma_semaphore, #tpu.memory_space<semaphore_mem>>
        %dma_start3A_259 = arith.constant 0 : i32
        %dma_start3A_260 = tpu.memref_slice %arg6[%run_scoped3A_159, %dma_start3A_259] : memref<32x128xi32, #tpu.memory_space<vmem>> -> memref<1x128xi32, #tpu.memory_space<vmem>>
        %dma_start3A_261 = tpu.memref_squeeze %dma_start3A_260 : memref<1x128xi32, #tpu.memory_space<vmem>> -> memref<128xi32, #tpu.memory_space<vmem>>
        %dma_start3A_262 = arith.constant 0 : i32
        %dma_start3A_263 = arith.constant 0 : i32
        %dma_start3A_264 = tpu.memref_slice %arg11[%dma_start3A_262, %dma_start3A_263] : memref<10240x128xf32, #tpu.memory_space<vmem_shared>> -> memref<10240x128xf32, #tpu.memory_space<vmem_shared>>
        tpu.enqueue_indirect_dma source(%arg7 : memref<128x128xf32, #tpu.memory_space<vmem>>) target(%dma_start3A_264 : memref<10240x128xf32, #tpu.memory_space<vmem_shared>>) offsets(%dma_start3A_261 : memref<128xi32, #tpu.memory_space<vmem>>) semaphore(%run_scoped3A_258 : memref<!tpu.dma_semaphore, #tpu.memory_space<semaphore_mem>>) {add = true}
        %dma_wait3A_265 = arith.constant 0 : i32
        %dma_wait3A_266 = tpu.memref_slice %arg6[%run_scoped3A_159, %dma_wait3A_265] : memref<32x128xi32, #tpu.memory_space<vmem>> -> memref<1x128xi32, #tpu.memory_space<vmem>>
        %dma_wait3A_267 = tpu.memref_squeeze %dma_wait3A_266 : memref<1x128xi32, #tpu.memory_space<vmem>> -> memref<128xi32, #tpu.memory_space<vmem>>
        %dma_wait3A_268 = arith.constant 0 : i32
        %dma_wait3A_269 = arith.constant 0 : i32
        %dma_wait3A_270 = tpu.memref_slice %arg11[%dma_wait3A_268, %dma_wait3A_269] : memref<10240x128xf32, #tpu.memory_space<vmem_shared>> -> memref<10240x128xf32, #tpu.memory_space<vmem_shared>>
        tpu.wait_indirect_dma semaphore(%run_scoped3A_258 : memref<!tpu.dma_semaphore, #tpu.memory_space<semaphore_mem>>) src(%arg7 : memref<128x128xf32, #tpu.memory_space<vmem>>) dst(%dma_wait3A_270 : memref<10240x128xf32, #tpu.memory_space<vmem_shared>>)
        tpu.yield
      }) : () -> ()
      %dma_start3A_160 = arith.constant 20 : i32
      %dma_start3A_161 = arith.constant 0 : i32
      %dma_start3A_162 = tpu.memref_slice %arg6[%dma_start3A_160, %dma_start3A_161] : memref<32x128xi32, #tpu.memory_space<vmem>> -> memref<1x128xi32, #tpu.memory_space<vmem>>
      %dma_start3A_163 = tpu.memref_squeeze %dma_start3A_162 : memref<1x128xi32, #tpu.memory_space<vmem>> -> memref<128xi32, #tpu.memory_space<vmem>>
      %dma_start3A_164 = arith.constant 0 : i32
      %dma_start3A_165 = arith.constant 0 : i32
      %dma_start3A_166 = tpu.memref_slice %arg2[%dma_start3A_164, %dma_start3A_165] : memref<10000x128xf32, #tpu.memory_space<hbm>> -> memref<10000x128xf32, #tpu.memory_space<hbm>>
      tpu.enqueue_indirect_dma source(%dma_start3A_166 : memref<10000x128xf32, #tpu.memory_space<hbm>>) target(%arg7 : memref<128x128xf32, #tpu.memory_space<vmem>>) offsets(%dma_start3A_163 : memref<128xi32, #tpu.memory_space<vmem>>) semaphore(%arg9 : memref<!tpu.dma_semaphore, #tpu.memory_space<semaphore_mem>>)
      %dma_wait3A_167 = arith.constant 0 : i32
      %dma_wait3A_168 = arith.constant 0 : i32
      %dma_wait3A_169 = tpu.memref_slice %arg6[%dma_wait3A_167, %dma_wait3A_168] : memref<32x128xi32, #tpu.memory_space<vmem>> -> memref<1x128xi32, #tpu.memory_space<vmem>>
      %dma_wait3A_170 = tpu.memref_squeeze %dma_wait3A_169 : memref<1x128xi32, #tpu.memory_space<vmem>> -> memref<128xi32, #tpu.memory_space<vmem>>
      %dma_wait3A_171 = arith.constant 0 : i32
      %dma_wait3A_172 = arith.constant 0 : i32
      %dma_wait3A_173 = tpu.memref_slice %arg2[%dma_wait3A_171, %dma_wait3A_172] : memref<10000x128xf32, #tpu.memory_space<hbm>> -> memref<10000x128xf32, #tpu.memory_space<hbm>>
      tpu.wait_indirect_dma semaphore(%arg10 : memref<!tpu.dma_semaphore, #tpu.memory_space<semaphore_mem>>) src(%dma_wait3A_173 : memref<10000x128xf32, #tpu.memory_space<hbm>>) dst(%arg8 : memref<128x128xf32, #tpu.memory_space<vmem>>)
      %run_scoped3A_174 = arith.constant 19 : i32
      "tpu.region"() ({
        %run_scoped3A_258 = tpu.sem_alloc : memref<!tpu.dma_semaphore, #tpu.memory_space<semaphore_mem>>
        %dma_start3A_259 = arith.constant 0 : i32
        %dma_start3A_260 = tpu.memref_slice %arg6[%run_scoped3A_174, %dma_start3A_259] : memref<32x128xi32, #tpu.memory_space<vmem>> -> memref<1x128xi32, #tpu.memory_space<vmem>>
        %dma_start3A_261 = tpu.memref_squeeze %dma_start3A_260 : memref<1x128xi32, #tpu.memory_space<vmem>> -> memref<128xi32, #tpu.memory_space<vmem>>
        %dma_start3A_262 = arith.constant 0 : i32
        %dma_start3A_263 = arith.constant 0 : i32
        %dma_start3A_264 = tpu.memref_slice %arg11[%dma_start3A_262, %dma_start3A_263] : memref<10240x128xf32, #tpu.memory_space<vmem_shared>> -> memref<10240x128xf32, #tpu.memory_space<vmem_shared>>
        tpu.enqueue_indirect_dma source(%arg8 : memref<128x128xf32, #tpu.memory_space<vmem>>) target(%dma_start3A_264 : memref<10240x128xf32, #tpu.memory_space<vmem_shared>>) offsets(%dma_start3A_261 : memref<128xi32, #tpu.memory_space<vmem>>) semaphore(%run_scoped3A_258 : memref<!tpu.dma_semaphore, #tpu.memory_space<semaphore_mem>>) {add = true}
        %dma_wait3A_265 = arith.constant 0 : i32
        %dma_wait3A_266 = tpu.memref_slice %arg6[%run_scoped3A_174, %dma_wait3A_265] : memref<32x128xi32, #tpu.memory_space<vmem>> -> memref<1x128xi32, #tpu.memory_space<vmem>>
        %dma_wait3A_267 = tpu.memref_squeeze %dma_wait3A_266 : memref<1x128xi32, #tpu.memory_space<vmem>> -> memref<128xi32, #tpu.memory_space<vmem>>
        %dma_wait3A_268 = arith.constant 0 : i32
        %dma_wait3A_269 = arith.constant 0 : i32
        %dma_wait3A_270 = tpu.memref_slice %arg11[%dma_wait3A_268, %dma_wait3A_269] : memref<10240x128xf32, #tpu.memory_space<vmem_shared>> -> memref<10240x128xf32, #tpu.memory_space<vmem_shared>>
        tpu.wait_indirect_dma semaphore(%run_scoped3A_258 : memref<!tpu.dma_semaphore, #tpu.memory_space<semaphore_mem>>) src(%arg8 : memref<128x128xf32, #tpu.memory_space<vmem>>) dst(%dma_wait3A_270 : memref<10240x128xf32, #tpu.memory_space<vmem_shared>>)
        tpu.yield
      }) : () -> ()
      %dma_start3A_175 = arith.constant 22 : i32
      %dma_start3A_176 = arith.constant 0 : i32
      %dma_start3A_177 = tpu.memref_slice %arg6[%dma_start3A_175, %dma_start3A_176] : memref<32x128xi32, #tpu.memory_space<vmem>> -> memref<1x128xi32, #tpu.memory_space<vmem>>
      %dma_start3A_178 = tpu.memref_squeeze %dma_start3A_177 : memref<1x128xi32, #tpu.memory_space<vmem>> -> memref<128xi32, #tpu.memory_space<vmem>>
      %dma_start3A_179 = arith.constant 0 : i32
      %dma_start3A_180 = arith.constant 0 : i32
      %dma_start3A_181 = tpu.memref_slice %arg2[%dma_start3A_179, %dma_start3A_180] : memref<10000x128xf32, #tpu.memory_space<hbm>> -> memref<10000x128xf32, #tpu.memory_space<hbm>>
      tpu.enqueue_indirect_dma source(%dma_start3A_181 : memref<10000x128xf32, #tpu.memory_space<hbm>>) target(%arg8 : memref<128x128xf32, #tpu.memory_space<vmem>>) offsets(%dma_start3A_178 : memref<128xi32, #tpu.memory_space<vmem>>) semaphore(%arg10 : memref<!tpu.dma_semaphore, #tpu.memory_space<semaphore_mem>>)
      %dma_wait3A_182 = arith.constant 0 : i32
      %dma_wait3A_183 = arith.constant 0 : i32
      %dma_wait3A_184 = tpu.memref_slice %arg6[%dma_wait3A_182, %dma_wait3A_183] : memref<32x128xi32, #tpu.memory_space<vmem>> -> memref<1x128xi32, #tpu.memory_space<vmem>>
      %dma_wait3A_185 = tpu.memref_squeeze %dma_wait3A_184 : memref<1x128xi32, #tpu.memory_space<vmem>> -> memref<128xi32, #tpu.memory_space<vmem>>
      %dma_wait3A_186 = arith.constant 0 : i32
      %dma_wait3A_187 = arith.constant 0 : i32
      %dma_wait3A_188 = tpu.memref_slice %arg2[%dma_wait3A_186, %dma_wait3A_187] : memref<10000x128xf32, #tpu.memory_space<hbm>> -> memref<10000x128xf32, #tpu.memory_space<hbm>>
      tpu.wait_indirect_dma semaphore(%arg9 : memref<!tpu.dma_semaphore, #tpu.memory_space<semaphore_mem>>) src(%dma_wait3A_188 : memref<10000x128xf32, #tpu.memory_space<hbm>>) dst(%arg7 : memref<128x128xf32, #tpu.memory_space<vmem>>)
      %run_scoped3A_189 = arith.constant 21 : i32
      "tpu.region"() ({
        %run_scoped3A_258 = tpu.sem_alloc : memref<!tpu.dma_semaphore, #tpu.memory_space<semaphore_mem>>
        %dma_start3A_259 = arith.constant 0 : i32
        %dma_start3A_260 = tpu.memref_slice %arg6[%run_scoped3A_189, %dma_start3A_259] : memref<32x128xi32, #tpu.memory_space<vmem>> -> memref<1x128xi32, #tpu.memory_space<vmem>>
        %dma_start3A_261 = tpu.memref_squeeze %dma_start3A_260 : memref<1x128xi32, #tpu.memory_space<vmem>> -> memref<128xi32, #tpu.memory_space<vmem>>
        %dma_start3A_262 = arith.constant 0 : i32
        %dma_start3A_263 = arith.constant 0 : i32
        %dma_start3A_264 = tpu.memref_slice %arg11[%dma_start3A_262, %dma_start3A_263] : memref<10240x128xf32, #tpu.memory_space<vmem_shared>> -> memref<10240x128xf32, #tpu.memory_space<vmem_shared>>
        tpu.enqueue_indirect_dma source(%arg7 : memref<128x128xf32, #tpu.memory_space<vmem>>) target(%dma_start3A_264 : memref<10240x128xf32, #tpu.memory_space<vmem_shared>>) offsets(%dma_start3A_261 : memref<128xi32, #tpu.memory_space<vmem>>) semaphore(%run_scoped3A_258 : memref<!tpu.dma_semaphore, #tpu.memory_space<semaphore_mem>>) {add = true}
        %dma_wait3A_265 = arith.constant 0 : i32
        %dma_wait3A_266 = tpu.memref_slice %arg6[%run_scoped3A_189, %dma_wait3A_265] : memref<32x128xi32, #tpu.memory_space<vmem>> -> memref<1x128xi32, #tpu.memory_space<vmem>>
        %dma_wait3A_267 = tpu.memref_squeeze %dma_wait3A_266 : memref<1x128xi32, #tpu.memory_space<vmem>> -> memref<128xi32, #tpu.memory_space<vmem>>
        %dma_wait3A_268 = arith.constant 0 : i32
        %dma_wait3A_269 = arith.constant 0 : i32
        %dma_wait3A_270 = tpu.memref_slice %arg11[%dma_wait3A_268, %dma_wait3A_269] : memref<10240x128xf32, #tpu.memory_space<vmem_shared>> -> memref<10240x128xf32, #tpu.memory_space<vmem_shared>>
        tpu.wait_indirect_dma semaphore(%run_scoped3A_258 : memref<!tpu.dma_semaphore, #tpu.memory_space<semaphore_mem>>) src(%arg7 : memref<128x128xf32, #tpu.memory_space<vmem>>) dst(%dma_wait3A_270 : memref<10240x128xf32, #tpu.memory_space<vmem_shared>>)
        tpu.yield
      }) : () -> ()
      %dma_start3A_190 = arith.constant 24 : i32
      %dma_start3A_191 = arith.constant 0 : i32
      %dma_start3A_192 = tpu.memref_slice %arg6[%dma_start3A_190, %dma_start3A_191] : memref<32x128xi32, #tpu.memory_space<vmem>> -> memref<1x128xi32, #tpu.memory_space<vmem>>
      %dma_start3A_193 = tpu.memref_squeeze %dma_start3A_192 : memref<1x128xi32, #tpu.memory_space<vmem>> -> memref<128xi32, #tpu.memory_space<vmem>>
      %dma_start3A_194 = arith.constant 0 : i32
      %dma_start3A_195 = arith.constant 0 : i32
      %dma_start3A_196 = tpu.memref_slice %arg2[%dma_start3A_194, %dma_start3A_195] : memref<10000x128xf32, #tpu.memory_space<hbm>> -> memref<10000x128xf32, #tpu.memory_space<hbm>>
      tpu.enqueue_indirect_dma source(%dma_start3A_196 : memref<10000x128xf32, #tpu.memory_space<hbm>>) target(%arg7 : memref<128x128xf32, #tpu.memory_space<vmem>>) offsets(%dma_start3A_193 : memref<128xi32, #tpu.memory_space<vmem>>) semaphore(%arg9 : memref<!tpu.dma_semaphore, #tpu.memory_space<semaphore_mem>>)
      %dma_wait3A_197 = arith.constant 0 : i32
      %dma_wait3A_198 = arith.constant 0 : i32
      %dma_wait3A_199 = tpu.memref_slice %arg6[%dma_wait3A_197, %dma_wait3A_198] : memref<32x128xi32, #tpu.memory_space<vmem>> -> memref<1x128xi32, #tpu.memory_space<vmem>>
      %dma_wait3A_200 = tpu.memref_squeeze %dma_wait3A_199 : memref<1x128xi32, #tpu.memory_space<vmem>> -> memref<128xi32, #tpu.memory_space<vmem>>
      %dma_wait3A_201 = arith.constant 0 : i32
      %dma_wait3A_202 = arith.constant 0 : i32
      %dma_wait3A_203 = tpu.memref_slice %arg2[%dma_wait3A_201, %dma_wait3A_202] : memref<10000x128xf32, #tpu.memory_space<hbm>> -> memref<10000x128xf32, #tpu.memory_space<hbm>>
      tpu.wait_indirect_dma semaphore(%arg10 : memref<!tpu.dma_semaphore, #tpu.memory_space<semaphore_mem>>) src(%dma_wait3A_203 : memref<10000x128xf32, #tpu.memory_space<hbm>>) dst(%arg8 : memref<128x128xf32, #tpu.memory_space<vmem>>)
      %run_scoped3A_204 = arith.constant 23 : i32
      "tpu.region"() ({
        %run_scoped3A_258 = tpu.sem_alloc : memref<!tpu.dma_semaphore, #tpu.memory_space<semaphore_mem>>
        %dma_start3A_259 = arith.constant 0 : i32
        %dma_start3A_260 = tpu.memref_slice %arg6[%run_scoped3A_204, %dma_start3A_259] : memref<32x128xi32, #tpu.memory_space<vmem>> -> memref<1x128xi32, #tpu.memory_space<vmem>>
        %dma_start3A_261 = tpu.memref_squeeze %dma_start3A_260 : memref<1x128xi32, #tpu.memory_space<vmem>> -> memref<128xi32, #tpu.memory_space<vmem>>
        %dma_start3A_262 = arith.constant 0 : i32
        %dma_start3A_263 = arith.constant 0 : i32
        %dma_start3A_264 = tpu.memref_slice %arg11[%dma_start3A_262, %dma_start3A_263] : memref<10240x128xf32, #tpu.memory_space<vmem_shared>> -> memref<10240x128xf32, #tpu.memory_space<vmem_shared>>
        tpu.enqueue_indirect_dma source(%arg8 : memref<128x128xf32, #tpu.memory_space<vmem>>) target(%dma_start3A_264 : memref<10240x128xf32, #tpu.memory_space<vmem_shared>>) offsets(%dma_start3A_261 : memref<128xi32, #tpu.memory_space<vmem>>) semaphore(%run_scoped3A_258 : memref<!tpu.dma_semaphore, #tpu.memory_space<semaphore_mem>>) {add = true}
        %dma_wait3A_265 = arith.constant 0 : i32
        %dma_wait3A_266 = tpu.memref_slice %arg6[%run_scoped3A_204, %dma_wait3A_265] : memref<32x128xi32, #tpu.memory_space<vmem>> -> memref<1x128xi32, #tpu.memory_space<vmem>>
        %dma_wait3A_267 = tpu.memref_squeeze %dma_wait3A_266 : memref<1x128xi32, #tpu.memory_space<vmem>> -> memref<128xi32, #tpu.memory_space<vmem>>
        %dma_wait3A_268 = arith.constant 0 : i32
        %dma_wait3A_269 = arith.constant 0 : i32
        %dma_wait3A_270 = tpu.memref_slice %arg11[%dma_wait3A_268, %dma_wait3A_269] : memref<10240x128xf32, #tpu.memory_space<vmem_shared>> -> memref<10240x128xf32, #tpu.memory_space<vmem_shared>>
        tpu.wait_indirect_dma semaphore(%run_scoped3A_258 : memref<!tpu.dma_semaphore, #tpu.memory_space<semaphore_mem>>) src(%arg8 : memref<128x128xf32, #tpu.memory_space<vmem>>) dst(%dma_wait3A_270 : memref<10240x128xf32, #tpu.memory_space<vmem_shared>>)
        tpu.yield
      }) : () -> ()
      %dma_start3A_205 = arith.constant 26 : i32
      %dma_start3A_206 = arith.constant 0 : i32
      %dma_start3A_207 = tpu.memref_slice %arg6[%dma_start3A_205, %dma_start3A_206] : memref<32x128xi32, #tpu.memory_space<vmem>> -> memref<1x128xi32, #tpu.memory_space<vmem>>
      %dma_start3A_208 = tpu.memref_squeeze %dma_start3A_207 : memref<1x128xi32, #tpu.memory_space<vmem>> -> memref<128xi32, #tpu.memory_space<vmem>>
      %dma_start3A_209 = arith.constant 0 : i32
      %dma_start3A_210 = arith.constant 0 : i32
      %dma_start3A_211 = tpu.memref_slice %arg2[%dma_start3A_209, %dma_start3A_210] : memref<10000x128xf32, #tpu.memory_space<hbm>> -> memref<10000x128xf32, #tpu.memory_space<hbm>>
      tpu.enqueue_indirect_dma source(%dma_start3A_211 : memref<10000x128xf32, #tpu.memory_space<hbm>>) target(%arg8 : memref<128x128xf32, #tpu.memory_space<vmem>>) offsets(%dma_start3A_208 : memref<128xi32, #tpu.memory_space<vmem>>) semaphore(%arg10 : memref<!tpu.dma_semaphore, #tpu.memory_space<semaphore_mem>>)
      %dma_wait3A_212 = arith.constant 0 : i32
      %dma_wait3A_213 = arith.constant 0 : i32
      %dma_wait3A_214 = tpu.memref_slice %arg6[%dma_wait3A_212, %dma_wait3A_213] : memref<32x128xi32, #tpu.memory_space<vmem>> -> memref<1x128xi32, #tpu.memory_space<vmem>>
      %dma_wait3A_215 = tpu.memref_squeeze %dma_wait3A_214 : memref<1x128xi32, #tpu.memory_space<vmem>> -> memref<128xi32, #tpu.memory_space<vmem>>
      %dma_wait3A_216 = arith.constant 0 : i32
      %dma_wait3A_217 = arith.constant 0 : i32
      %dma_wait3A_218 = tpu.memref_slice %arg2[%dma_wait3A_216, %dma_wait3A_217] : memref<10000x128xf32, #tpu.memory_space<hbm>> -> memref<10000x128xf32, #tpu.memory_space<hbm>>
      tpu.wait_indirect_dma semaphore(%arg9 : memref<!tpu.dma_semaphore, #tpu.memory_space<semaphore_mem>>) src(%dma_wait3A_218 : memref<10000x128xf32, #tpu.memory_space<hbm>>) dst(%arg7 : memref<128x128xf32, #tpu.memory_space<vmem>>)
      %run_scoped3A_219 = arith.constant 25 : i32
      "tpu.region"() ({
        %run_scoped3A_258 = tpu.sem_alloc : memref<!tpu.dma_semaphore, #tpu.memory_space<semaphore_mem>>
        %dma_start3A_259 = arith.constant 0 : i32
        %dma_start3A_260 = tpu.memref_slice %arg6[%run_scoped3A_219, %dma_start3A_259] : memref<32x128xi32, #tpu.memory_space<vmem>> -> memref<1x128xi32, #tpu.memory_space<vmem>>
        %dma_start3A_261 = tpu.memref_squeeze %dma_start3A_260 : memref<1x128xi32, #tpu.memory_space<vmem>> -> memref<128xi32, #tpu.memory_space<vmem>>
        %dma_start3A_262 = arith.constant 0 : i32
        %dma_start3A_263 = arith.constant 0 : i32
        %dma_start3A_264 = tpu.memref_slice %arg11[%dma_start3A_262, %dma_start3A_263] : memref<10240x128xf32, #tpu.memory_space<vmem_shared>> -> memref<10240x128xf32, #tpu.memory_space<vmem_shared>>
        tpu.enqueue_indirect_dma source(%arg7 : memref<128x128xf32, #tpu.memory_space<vmem>>) target(%dma_start3A_264 : memref<10240x128xf32, #tpu.memory_space<vmem_shared>>) offsets(%dma_start3A_261 : memref<128xi32, #tpu.memory_space<vmem>>) semaphore(%run_scoped3A_258 : memref<!tpu.dma_semaphore, #tpu.memory_space<semaphore_mem>>) {add = true}
        %dma_wait3A_265 = arith.constant 0 : i32
        %dma_wait3A_266 = tpu.memref_slice %arg6[%run_scoped3A_219, %dma_wait3A_265] : memref<32x128xi32, #tpu.memory_space<vmem>> -> memref<1x128xi32, #tpu.memory_space<vmem>>
        %dma_wait3A_267 = tpu.memref_squeeze %dma_wait3A_266 : memref<1x128xi32, #tpu.memory_space<vmem>> -> memref<128xi32, #tpu.memory_space<vmem>>
        %dma_wait3A_268 = arith.constant 0 : i32
        %dma_wait3A_269 = arith.constant 0 : i32
        %dma_wait3A_270 = tpu.memref_slice %arg11[%dma_wait3A_268, %dma_wait3A_269] : memref<10240x128xf32, #tpu.memory_space<vmem_shared>> -> memref<10240x128xf32, #tpu.memory_space<vmem_shared>>
        tpu.wait_indirect_dma semaphore(%run_scoped3A_258 : memref<!tpu.dma_semaphore, #tpu.memory_space<semaphore_mem>>) src(%arg7 : memref<128x128xf32, #tpu.memory_space<vmem>>) dst(%dma_wait3A_270 : memref<10240x128xf32, #tpu.memory_space<vmem_shared>>)
        tpu.yield
      }) : () -> ()
      %dma_start3A_220 = arith.constant 28 : i32
      %dma_start3A_221 = arith.constant 0 : i32
      %dma_start3A_222 = tpu.memref_slice %arg6[%dma_start3A_220, %dma_start3A_221] : memref<32x128xi32, #tpu.memory_space<vmem>> -> memref<1x128xi32, #tpu.memory_space<vmem>>
      %dma_start3A_223 = tpu.memref_squeeze %dma_start3A_222 : memref<1x128xi32, #tpu.memory_space<vmem>> -> memref<128xi32, #tpu.memory_space<vmem>>
      %dma_start3A_224 = arith.constant 0 : i32
      %dma_start3A_225 = arith.constant 0 : i32
      %dma_start3A_226 = tpu.memref_slice %arg2[%dma_start3A_224, %dma_start3A_225] : memref<10000x128xf32, #tpu.memory_space<hbm>> -> memref<10000x128xf32, #tpu.memory_space<hbm>>
      tpu.enqueue_indirect_dma source(%dma_start3A_226 : memref<10000x128xf32, #tpu.memory_space<hbm>>) target(%arg7 : memref<128x128xf32, #tpu.memory_space<vmem>>) offsets(%dma_start3A_223 : memref<128xi32, #tpu.memory_space<vmem>>) semaphore(%arg9 : memref<!tpu.dma_semaphore, #tpu.memory_space<semaphore_mem>>)
      %dma_wait3A_227 = arith.constant 0 : i32
      %dma_wait3A_228 = arith.constant 0 : i32
      %dma_wait3A_229 = tpu.memref_slice %arg6[%dma_wait3A_227, %dma_wait3A_228] : memref<32x128xi32, #tpu.memory_space<vmem>> -> memref<1x128xi32, #tpu.memory_space<vmem>>
      %dma_wait3A_230 = tpu.memref_squeeze %dma_wait3A_229 : memref<1x128xi32, #tpu.memory_space<vmem>> -> memref<128xi32, #tpu.memory_space<vmem>>
      %dma_wait3A_231 = arith.constant 0 : i32
      %dma_wait3A_232 = arith.constant 0 : i32
      %dma_wait3A_233 = tpu.memref_slice %arg2[%dma_wait3A_231, %dma_wait3A_232] : memref<10000x128xf32, #tpu.memory_space<hbm>> -> memref<10000x128xf32, #tpu.memory_space<hbm>>
      tpu.wait_indirect_dma semaphore(%arg10 : memref<!tpu.dma_semaphore, #tpu.memory_space<semaphore_mem>>) src(%dma_wait3A_233 : memref<10000x128xf32, #tpu.memory_space<hbm>>) dst(%arg8 : memref<128x128xf32, #tpu.memory_space<vmem>>)
      %run_scoped3A_234 = arith.constant 27 : i32
      "tpu.region"() ({
        %run_scoped3A_258 = tpu.sem_alloc : memref<!tpu.dma_semaphore, #tpu.memory_space<semaphore_mem>>
        %dma_start3A_259 = arith.constant 0 : i32
        %dma_start3A_260 = tpu.memref_slice %arg6[%run_scoped3A_234, %dma_start3A_259] : memref<32x128xi32, #tpu.memory_space<vmem>> -> memref<1x128xi32, #tpu.memory_space<vmem>>
        %dma_start3A_261 = tpu.memref_squeeze %dma_start3A_260 : memref<1x128xi32, #tpu.memory_space<vmem>> -> memref<128xi32, #tpu.memory_space<vmem>>
        %dma_start3A_262 = arith.constant 0 : i32
        %dma_start3A_263 = arith.constant 0 : i32
        %dma_start3A_264 = tpu.memref_slice %arg11[%dma_start3A_262, %dma_start3A_263] : memref<10240x128xf32, #tpu.memory_space<vmem_shared>> -> memref<10240x128xf32, #tpu.memory_space<vmem_shared>>
        tpu.enqueue_indirect_dma source(%arg8 : memref<128x128xf32, #tpu.memory_space<vmem>>) target(%dma_start3A_264 : memref<10240x128xf32, #tpu.memory_space<vmem_shared>>) offsets(%dma_start3A_261 : memref<128xi32, #tpu.memory_space<vmem>>) semaphore(%run_scoped3A_258 : memref<!tpu.dma_semaphore, #tpu.memory_space<semaphore_mem>>) {add = true}
        %dma_wait3A_265 = arith.constant 0 : i32
        %dma_wait3A_266 = tpu.memref_slice %arg6[%run_scoped3A_234, %dma_wait3A_265] : memref<32x128xi32, #tpu.memory_space<vmem>> -> memref<1x128xi32, #tpu.memory_space<vmem>>
        %dma_wait3A_267 = tpu.memref_squeeze %dma_wait3A_266 : memref<1x128xi32, #tpu.memory_space<vmem>> -> memref<128xi32, #tpu.memory_space<vmem>>
        %dma_wait3A_268 = arith.constant 0 : i32
        %dma_wait3A_269 = arith.constant 0 : i32
        %dma_wait3A_270 = tpu.memref_slice %arg11[%dma_wait3A_268, %dma_wait3A_269] : memref<10240x128xf32, #tpu.memory_space<vmem_shared>> -> memref<10240x128xf32, #tpu.memory_space<vmem_shared>>
        tpu.wait_indirect_dma semaphore(%run_scoped3A_258 : memref<!tpu.dma_semaphore, #tpu.memory_space<semaphore_mem>>) src(%arg8 : memref<128x128xf32, #tpu.memory_space<vmem>>) dst(%dma_wait3A_270 : memref<10240x128xf32, #tpu.memory_space<vmem_shared>>)
        tpu.yield
      }) : () -> ()
      %dma_start3A_235 = arith.constant 30 : i32
      %dma_start3A_236 = arith.constant 0 : i32
      %dma_start3A_237 = tpu.memref_slice %arg6[%dma_start3A_235, %dma_start3A_236] : memref<32x128xi32, #tpu.memory_space<vmem>> -> memref<1x128xi32, #tpu.memory_space<vmem>>
      %dma_start3A_238 = tpu.memref_squeeze %dma_start3A_237 : memref<1x128xi32, #tpu.memory_space<vmem>> -> memref<128xi32, #tpu.memory_space<vmem>>
      %dma_start3A_239 = arith.constant 0 : i32
      %dma_start3A_240 = arith.constant 0 : i32
      %dma_start3A_241 = tpu.memref_slice %arg2[%dma_start3A_239, %dma_start3A_240] : memref<10000x128xf32, #tpu.memory_space<hbm>> -> memref<10000x128xf32, #tpu.memory_space<hbm>>
      tpu.enqueue_indirect_dma source(%dma_start3A_241 : memref<10000x128xf32, #tpu.memory_space<hbm>>) target(%arg8 : memref<128x128xf32, #tpu.memory_space<vmem>>) offsets(%dma_start3A_238 : memref<128xi32, #tpu.memory_space<vmem>>) semaphore(%arg10 : memref<!tpu.dma_semaphore, #tpu.memory_space<semaphore_mem>>)
      %dma_wait3A_242 = arith.constant 0 : i32
      %dma_wait3A_243 = arith.constant 0 : i32
      %dma_wait3A_244 = tpu.memref_slice %arg6[%dma_wait3A_242, %dma_wait3A_243] : memref<32x128xi32, #tpu.memory_space<vmem>> -> memref<1x128xi32, #tpu.memory_space<vmem>>
      %dma_wait3A_245 = tpu.memref_squeeze %dma_wait3A_244 : memref<1x128xi32, #tpu.memory_space<vmem>> -> memref<128xi32, #tpu.memory_space<vmem>>
      %dma_wait3A_246 = arith.constant 0 : i32
      %dma_wait3A_247 = arith.constant 0 : i32
      %dma_wait3A_248 = tpu.memref_slice %arg2[%dma_wait3A_246, %dma_wait3A_247] : memref<10000x128xf32, #tpu.memory_space<hbm>> -> memref<10000x128xf32, #tpu.memory_space<hbm>>
      tpu.wait_indirect_dma semaphore(%arg9 : memref<!tpu.dma_semaphore, #tpu.memory_space<semaphore_mem>>) src(%dma_wait3A_248 : memref<10000x128xf32, #tpu.memory_space<hbm>>) dst(%arg7 : memref<128x128xf32, #tpu.memory_space<vmem>>)
      %run_scoped3A_249 = arith.constant 29 : i32
      "tpu.region"() ({
        %run_scoped3A_258 = tpu.sem_alloc : memref<!tpu.dma_semaphore, #tpu.memory_space<semaphore_mem>>
        %dma_start3A_259 = arith.constant 0 : i32
        %dma_start3A_260 = tpu.memref_slice %arg6[%run_scoped3A_249, %dma_start3A_259] : memref<32x128xi32, #tpu.memory_space<vmem>> -> memref<1x128xi32, #tpu.memory_space<vmem>>
        %dma_start3A_261 = tpu.memref_squeeze %dma_start3A_260 : memref<1x128xi32, #tpu.memory_space<vmem>> -> memref<128xi32, #tpu.memory_space<vmem>>
        %dma_start3A_262 = arith.constant 0 : i32
        %dma_start3A_263 = arith.constant 0 : i32
        %dma_start3A_264 = tpu.memref_slice %arg11[%dma_start3A_262, %dma_start3A_263] : memref<10240x128xf32, #tpu.memory_space<vmem_shared>> -> memref<10240x128xf32, #tpu.memory_space<vmem_shared>>
        tpu.enqueue_indirect_dma source(%arg7 : memref<128x128xf32, #tpu.memory_space<vmem>>) target(%dma_start3A_264 : memref<10240x128xf32, #tpu.memory_space<vmem_shared>>) offsets(%dma_start3A_261 : memref<128xi32, #tpu.memory_space<vmem>>) semaphore(%run_scoped3A_258 : memref<!tpu.dma_semaphore, #tpu.memory_space<semaphore_mem>>) {add = true}
        %dma_wait3A_265 = arith.constant 0 : i32
        %dma_wait3A_266 = tpu.memref_slice %arg6[%run_scoped3A_249, %dma_wait3A_265] : memref<32x128xi32, #tpu.memory_space<vmem>> -> memref<1x128xi32, #tpu.memory_space<vmem>>
        %dma_wait3A_267 = tpu.memref_squeeze %dma_wait3A_266 : memref<1x128xi32, #tpu.memory_space<vmem>> -> memref<128xi32, #tpu.memory_space<vmem>>
        %dma_wait3A_268 = arith.constant 0 : i32
        %dma_wait3A_269 = arith.constant 0 : i32
        %dma_wait3A_270 = tpu.memref_slice %arg11[%dma_wait3A_268, %dma_wait3A_269] : memref<10240x128xf32, #tpu.memory_space<vmem_shared>> -> memref<10240x128xf32, #tpu.memory_space<vmem_shared>>
        tpu.wait_indirect_dma semaphore(%run_scoped3A_258 : memref<!tpu.dma_semaphore, #tpu.memory_space<semaphore_mem>>) src(%arg7 : memref<128x128xf32, #tpu.memory_space<vmem>>) dst(%dma_wait3A_270 : memref<10240x128xf32, #tpu.memory_space<vmem_shared>>)
        tpu.yield
      }) : () -> ()
      %dma_wait3A_250 = arith.constant 0 : i32
      %dma_wait3A_251 = arith.constant 0 : i32
      %dma_wait3A_252 = tpu.memref_slice %arg6[%dma_wait3A_250, %dma_wait3A_251] : memref<32x128xi32, #tpu.memory_space<vmem>> -> memref<1x128xi32, #tpu.memory_space<vmem>>
      %dma_wait3A_253 = tpu.memref_squeeze %dma_wait3A_252 : memref<1x128xi32, #tpu.memory_space<vmem>> -> memref<128xi32, #tpu.memory_space<vmem>>
      %dma_wait3A_254 = arith.constant 0 : i32
      %dma_wait3A_255 = arith.constant 0 : i32
      %dma_wait3A_256 = tpu.memref_slice %arg2[%dma_wait3A_254, %dma_wait3A_255] : memref<10000x128xf32, #tpu.memory_space<hbm>> -> memref<10000x128xf32, #tpu.memory_space<hbm>>
      tpu.wait_indirect_dma semaphore(%arg10 : memref<!tpu.dma_semaphore, #tpu.memory_space<semaphore_mem>>) src(%dma_wait3A_256 : memref<10000x128xf32, #tpu.memory_space<hbm>>) dst(%arg8 : memref<128x128xf32, #tpu.memory_space<vmem>>)
      %run_scoped3A_257 = arith.constant 31 : i32
      "tpu.region"() ({
        %run_scoped3A_258 = tpu.sem_alloc : memref<!tpu.dma_semaphore, #tpu.memory_space<semaphore_mem>>
        %dma_start3A_259 = arith.constant 0 : i32
        %dma_start3A_260 = tpu.memref_slice %arg6[%run_scoped3A_257, %dma_start3A_259] : memref<32x128xi32, #tpu.memory_space<vmem>> -> memref<1x128xi32, #tpu.memory_space<vmem>>
        %dma_start3A_261 = tpu.memref_squeeze %dma_start3A_260 : memref<1x128xi32, #tpu.memory_space<vmem>> -> memref<128xi32, #tpu.memory_space<vmem>>
        %dma_start3A_262 = arith.constant 0 : i32
        %dma_start3A_263 = arith.constant 0 : i32
        %dma_start3A_264 = tpu.memref_slice %arg11[%dma_start3A_262, %dma_start3A_263] : memref<10240x128xf32, #tpu.memory_space<vmem_shared>> -> memref<10240x128xf32, #tpu.memory_space<vmem_shared>>
        tpu.enqueue_indirect_dma source(%arg8 : memref<128x128xf32, #tpu.memory_space<vmem>>) target(%dma_start3A_264 : memref<10240x128xf32, #tpu.memory_space<vmem_shared>>) offsets(%dma_start3A_261 : memref<128xi32, #tpu.memory_space<vmem>>) semaphore(%run_scoped3A_258 : memref<!tpu.dma_semaphore, #tpu.memory_space<semaphore_mem>>) {add = true}
        %dma_wait3A_265 = arith.constant 0 : i32
        %dma_wait3A_266 = tpu.memref_slice %arg6[%run_scoped3A_257, %dma_wait3A_265] : memref<32x128xi32, #tpu.memory_space<vmem>> -> memref<1x128xi32, #tpu.memory_space<vmem>>
        %dma_wait3A_267 = tpu.memref_squeeze %dma_wait3A_266 : memref<1x128xi32, #tpu.memory_space<vmem>> -> memref<128xi32, #tpu.memory_space<vmem>>
        %dma_wait3A_268 = arith.constant 0 : i32
        %dma_wait3A_269 = arith.constant 0 : i32
        %dma_wait3A_270 = tpu.memref_slice %arg11[%dma_wait3A_268, %dma_wait3A_269] : memref<10240x128xf32, #tpu.memory_space<vmem_shared>> -> memref<10240x128xf32, #tpu.memory_space<vmem_shared>>
        tpu.wait_indirect_dma semaphore(%run_scoped3A_258 : memref<!tpu.dma_semaphore, #tpu.memory_space<semaphore_mem>>) src(%arg8 : memref<128x128xf32, #tpu.memory_space<vmem>>) dst(%dma_wait3A_270 : memref<10240x128xf32, #tpu.memory_space<vmem_shared>>)
        tpu.yield
      }) : () -> ()
    }
    %scan3A_9 = arith.constant 5 : i32
    %barrier3A_10 = arith.constant 0 : index
    tpu.barrier barrier_id(%barrier3A_10)
    %mul3A_11 = arith.constant 640 : i32
    %mul3A_12 = arith.muli %arg1, %mul3A_11 : i32
    %mul3A_13 = arith.constant 640 : i32
    %mul3A_14 = arith.muli %arg1, %mul3A_13 : i32
    "tpu.region"() ({
      %run_scoped3A = tpu.sem_alloc : memref<!tpu.dma_semaphore, #tpu.memory_space<semaphore_mem>>
      %dma_start3A = arith.constant 0 : i32
      %dma_start3A_15 = tpu.memref_slice %arg5[%arg0, %mul3A_14, %dma_start3A] : memref<2x10240x128xf32, #tpu.memory_space<hbm>> -> memref<1x640x128xf32, #tpu.memory_space<hbm>>
      %dma_start3A_16 = tpu.memref_squeeze %dma_start3A_15 : memref<1x640x128xf32, #tpu.memory_space<hbm>> -> memref<640x128xf32, #tpu.memory_space<hbm>>
      %dma_start3A_17 = arith.constant 0 : i32
      %dma_start3A_18 = tpu.memref_slice %arg11[%mul3A_12, %dma_start3A_17] : memref<10240x128xf32, #tpu.memory_space<vmem_shared>> -> memref<640x128xf32, #tpu.memory_space<vmem_shared>>
      tpu.enqueue_dma source(%dma_start3A_18 : memref<640x128xf32, #tpu.memory_space<vmem_shared>>) target(%dma_start3A_16 : memref<640x128xf32, #tpu.memory_space<hbm>>) target_semaphore(%run_scoped3A : memref<!tpu.dma_semaphore, #tpu.memory_space<semaphore_mem>>)
      %dma_wait3A = arith.constant 0 : i32
      %dma_wait3A_19 = tpu.memref_slice %arg5[%arg0, %mul3A_14, %dma_wait3A] : memref<2x10240x128xf32, #tpu.memory_space<hbm>> -> memref<1x640x128xf32, #tpu.memory_space<hbm>>
      %dma_wait3A_20 = tpu.memref_squeeze %dma_wait3A_19 : memref<1x640x128xf32, #tpu.memory_space<hbm>> -> memref<640x128xf32, #tpu.memory_space<hbm>>
      %dma_wait3A_21 = arith.constant 0 : i32
      %dma_wait3A_22 = tpu.memref_slice %arg11[%mul3A_12, %dma_wait3A_21] : memref<10240x128xf32, #tpu.memory_space<vmem_shared>> -> memref<640x128xf32, #tpu.memory_space<vmem_shared>>
      tpu.wait_dma2 semaphore(%run_scoped3A : memref<!tpu.dma_semaphore, #tpu.memory_space<semaphore_mem>>) src(%dma_wait3A_22 : memref<640x128xf32, #tpu.memory_space<vmem_shared>>) dst(%dma_wait3A_20 : memref<640x128xf32, #tpu.memory_space<hbm>>)
      tpu.yield
    }) : () -> ()
    return
  }
}

#map = affine_map<(d0, d1) -> (0, 0)>
#map1 = affine_map<(d0, d1) -> (0, 0, 0)>
module attributes {stable_mosaic.version = 14 : i64} {
  func.func @_agg_body(%arg0: i32, %arg1: i32, %arg2: memref<10000x128xf32, #tpu.memory_space<hbm>>, %arg3: memref<5120x128xi32, #tpu.memory_space<hbm>>, %arg4: memref<640x128xf32, #tpu.memory_space<hbm>>, %arg5: memref<2x10240x128xf32, #tpu.memory_space<hbm>>, %arg6: memref<32x128xi32, #tpu.memory_space<vmem>>, %arg7: memref<128x128xf32, #tpu.memory_space<vmem>>, %arg8: memref<128x128xf32, #tpu.memory_space<vmem>>, %arg9: memref<!tpu.dma_semaphore, #tpu.memory_space<semaphore_mem>>, %arg10: memref<!tpu.dma_semaphore, #tpu.memory_space<semaphore_mem>>, %arg11: memref<10240x128xf32, #tpu.memory_space<vmem_shared>>) attributes {dimension_semantics = [#tpu.dimension_semantics<core_parallel>, #tpu.dimension_semantics<subcore_parallel>], iteration_bounds = array<i64: 2, 16>, scalar_prefetch = 0 : i64, scratch_operands = 6 : i64, tpu.core_type = #tpu.core_type<sc_vector_subcore>, window_params = [{transform_indices = #map}, {transform_indices = #map}, {transform_indices = #map}, {transform_indices = #map1}]} {
    %mul3A = arith.constant 2 : i32
    %mul3A_0 = arith.muli %arg1, %mul3A : i32
    %add3A = arith.addi %mul3A_0, %arg0 : i32
    %mul3A_1 = arith.constant 640 : i32
    %mul3A_2 = arith.muli %arg1, %mul3A_1 : i32
    "tpu.region"() ({
      %run_scoped3A = tpu.sem_alloc : memref<!tpu.dma_semaphore, #tpu.memory_space<semaphore_mem>>
      %dma_start3A = arith.constant 0 : i32
      %dma_start3A_15 = tpu.memref_slice %arg11[%mul3A_2, %dma_start3A] : memref<10240x128xf32, #tpu.memory_space<vmem_shared>> -> memref<640x128xf32, #tpu.memory_space<vmem_shared>>
      tpu.enqueue_dma source(%arg4 : memref<640x128xf32, #tpu.memory_space<hbm>>) target(%dma_start3A_15 : memref<640x128xf32, #tpu.memory_space<vmem_shared>>) target_semaphore(%run_scoped3A : memref<!tpu.dma_semaphore, #tpu.memory_space<semaphore_mem>>)
      %dma_wait3A = arith.constant 0 : i32
      %dma_wait3A_16 = tpu.memref_slice %arg11[%mul3A_2, %dma_wait3A] : memref<10240x128xf32, #tpu.memory_space<vmem_shared>> -> memref<640x128xf32, #tpu.memory_space<vmem_shared>>
      tpu.wait_dma2 semaphore(%run_scoped3A : memref<!tpu.dma_semaphore, #tpu.memory_space<semaphore_mem>>) src(%arg4 : memref<640x128xf32, #tpu.memory_space<hbm>>) dst(%dma_wait3A_16 : memref<640x128xf32, #tpu.memory_space<vmem_shared>>)
      tpu.yield
    }) : () -> ()
    %barrier3A = arith.constant 0 : index
    tpu.barrier barrier_id(%barrier3A)
    %mul3A_3 = arith.constant 80 : i32
    %mul3A_4 = arith.muli %add3A, %mul3A_3 : i32
    %scan3A = arith.constant 0 : i32
    %scan3A_5 = arith.constant 0 : i32
    %scan3A_6 = arith.constant 5 : i32
    %scan3A_7 = arith.addi %scan3A_5, %scan3A_6 : i32
    %scan3A_8 = arith.constant 1 : i32
    scf.for %scan3A_15 = %scan3A_5 to %scan3A_7 step %scan3A_8  : i32 {
      %mul3A_16 = arith.constant 16 : i32
      %mul3A_17 = arith.muli %scan3A_15, %mul3A_16 : i32
      %add3A_18 = arith.addi %mul3A_4, %mul3A_17 : i32
      %mul3A_19 = arith.constant 2 : i32
      %mul3A_20 = arith.muli %mul3A_19, %add3A_18 : i32
      "tpu.region"() ({
        %run_scoped3A_258 = tpu.sem_alloc : memref<!tpu.dma_semaphore, #tpu.memory_space<semaphore_mem>>
        %dma_start3A_259 = arith.constant 0 : i32
        %dma_start3A_260 = tpu.memref_slice %arg3[%mul3A_20, %dma_start3A_259] : memref<5120x128xi32, #tpu.memory_space<hbm>> -> memref<32x128xi32, #tpu.memory_space<hbm>>
        %dma_start3A_261 = arith.constant 0 : i32
        %dma_start3A_262 = tpu.memref_slice %arg3[%mul3A_20, %dma_start3A_261] : memref<5120x128xi32, #tpu.memory_space<hbm>> -> memref<32x128xi32, #tpu.memory_space<hbm>>
        tpu.enqueue_dma source(%dma_start3A_262 : memref<32x128xi32, #tpu.memory_space<hbm>>) target(%arg6 : memref<32x128xi32, #tpu.memory_space<vmem>>) target_semaphore(%run_scoped3A_258 : memref<!tpu.dma_semaphore, #tpu.memory_space<semaphore_mem>>)
        %dma_wait3A_263 = arith.constant 0 : i32
        %dma_wait3A_264 = tpu.memref_slice %arg3[%mul3A_20, %dma_wait3A_263] : memref<5120x128xi32, #tpu.memory_space<hbm>> -> memref<32x128xi32, #tpu.memory_space<hbm>>
        %dma_wait3A_265 = arith.constant 0 : i32
        %dma_wait3A_266 = tpu.memref_slice %arg3[%mul3A_20, %dma_wait3A_265] : memref<5120x128xi32, #tpu.memory_space<hbm>> -> memref<32x128xi32, #tpu.memory_space<hbm>>
        tpu.wait_dma2 semaphore(%run_scoped3A_258 : memref<!tpu.dma_semaphore, #tpu.memory_space<semaphore_mem>>) src(%dma_wait3A_266 : memref<32x128xi32, #tpu.memory_space<hbm>>) dst(%arg6 : memref<32x128xi32, #tpu.memory_space<vmem>>)
        tpu.yield
      }) : () -> ()
      %dma_start3A = arith.constant 0 : i32
      %dma_start3A_21 = arith.constant 0 : i32
      %dma_start3A_22 = tpu.memref_slice %arg6[%dma_start3A, %dma_start3A_21] : memref<32x128xi32, #tpu.memory_space<vmem>> -> memref<1x128xi32, #tpu.memory_space<vmem>>
      %dma_start3A_23 = tpu.memref_squeeze %dma_start3A_22 : memref<1x128xi32, #tpu.memory_space<vmem>> -> memref<128xi32, #tpu.memory_space<vmem>>
      %dma_start3A_24 = arith.constant 0 : i32
      %dma_start3A_25 = arith.constant 0 : i32
      %dma_start3A_26 = tpu.memref_slice %arg2[%dma_start3A_24, %dma_start3A_25] : memref<10000x128xf32, #tpu.memory_space<hbm>> -> memref<10000x128xf32, #tpu.memory_space<hbm>>
      tpu.enqueue_indirect_dma source(%dma_start3A_26 : memref<10000x128xf32, #tpu.memory_space<hbm>>) target(%arg7 : memref<128x128xf32, #tpu.memory_space<vmem>>) offsets(%dma_start3A_23 : memref<128xi32, #tpu.memory_space<vmem>>) semaphore(%arg9 : memref<!tpu.dma_semaphore, #tpu.memory_space<semaphore_mem>>)
      %dma_start3A_27 = arith.constant 2 : i32
      %dma_start3A_28 = arith.constant 0 : i32
      %dma_start3A_29 = tpu.memref_slice %arg6[%dma_start3A_27, %dma_start3A_28] : memref<32x128xi32, #tpu.memory_space<vmem>> -> memref<1x128xi32, #tpu.memory_space<vmem>>
      %dma_start3A_30 = tpu.memref_squeeze %dma_start3A_29 : memref<1x128xi32, #tpu.memory_space<vmem>> -> memref<128xi32, #tpu.memory_space<vmem>>
      %dma_start3A_31 = arith.constant 0 : i32
      %dma_start3A_32 = arith.constant 0 : i32
      %dma_start3A_33 = tpu.memref_slice %arg2[%dma_start3A_31, %dma_start3A_32] : memref<10000x128xf32, #tpu.memory_space<hbm>> -> memref<10000x128xf32, #tpu.memory_space<hbm>>
      tpu.enqueue_indirect_dma source(%dma_start3A_33 : memref<10000x128xf32, #tpu.memory_space<hbm>>) target(%arg8 : memref<128x128xf32, #tpu.memory_space<vmem>>) offsets(%dma_start3A_30 : memref<128xi32, #tpu.memory_space<vmem>>) semaphore(%arg10 : memref<!tpu.dma_semaphore, #tpu.memory_space<semaphore_mem>>)
      %dma_wait3A = arith.constant 0 : i32
      %dma_wait3A_34 = arith.constant 0 : i32
      %dma_wait3A_35 = tpu.memref_slice %arg6[%dma_wait3A, %dma_wait3A_34] : memref<32x128xi32, #tpu.memory_space<vmem>> -> memref<1x128xi32, #tpu.memory_space<vmem>>
      %dma_wait3A_36 = tpu.memref_squeeze %dma_wait3A_35 : memref<1x128xi32, #tpu.memory_space<vmem>> -> memref<128xi32, #tpu.memory_space<vmem>>
      %dma_wait3A_37 = arith.constant 0 : i32
      %dma_wait3A_38 = arith.constant 0 : i32
      %dma_wait3A_39 = tpu.memref_slice %arg2[%dma_wait3A_37, %dma_wait3A_38] : memref<10000x128xf32, #tpu.memory_space<hbm>> -> memref<10000x128xf32, #tpu.memory_space<hbm>>
      tpu.wait_indirect_dma semaphore(%arg9 : memref<!tpu.dma_semaphore, #tpu.memory_space<semaphore_mem>>) src(%dma_wait3A_39 : memref<10000x128xf32, #tpu.memory_space<hbm>>) dst(%arg7 : memref<128x128xf32, #tpu.memory_space<vmem>>)
      %run_scoped3A = arith.constant 1 : i32
      "tpu.region"() ({
        %run_scoped3A_258 = tpu.sem_alloc : memref<!tpu.dma_semaphore, #tpu.memory_space<semaphore_mem>>
        %dma_start3A_259 = arith.constant 0 : i32
        %dma_start3A_260 = tpu.memref_slice %arg6[%run_scoped3A, %dma_start3A_259] : memref<32x128xi32, #tpu.memory_space<vmem>> -> memref<1x128xi32, #tpu.memory_space<vmem>>
        %dma_start3A_261 = tpu.memref_squeeze %dma_start3A_260 : memref<1x128xi32, #tpu.memory_space<vmem>> -> memref<128xi32, #tpu.memory_space<vmem>>
        %dma_start3A_262 = arith.constant 0 : i32
        %dma_start3A_263 = arith.constant 0 : i32
        %dma_start3A_264 = tpu.memref_slice %arg11[%dma_start3A_262, %dma_start3A_263] : memref<10240x128xf32, #tpu.memory_space<vmem_shared>> -> memref<10240x128xf32, #tpu.memory_space<vmem_shared>>
        tpu.enqueue_indirect_dma source(%arg7 : memref<128x128xf32, #tpu.memory_space<vmem>>) target(%dma_start3A_264 : memref<10240x128xf32, #tpu.memory_space<vmem_shared>>) offsets(%dma_start3A_261 : memref<128xi32, #tpu.memory_space<vmem>>) semaphore(%run_scoped3A_258 : memref<!tpu.dma_semaphore, #tpu.memory_space<semaphore_mem>>) {add = true}
        %dma_wait3A_265 = arith.constant 0 : i32
        %dma_wait3A_266 = tpu.memref_slice %arg6[%run_scoped3A, %dma_wait3A_265] : memref<32x128xi32, #tpu.memory_space<vmem>> -> memref<1x128xi32, #tpu.memory_space<vmem>>
        %dma_wait3A_267 = tpu.memref_squeeze %dma_wait3A_266 : memref<1x128xi32, #tpu.memory_space<vmem>> -> memref<128xi32, #tpu.memory_space<vmem>>
        %dma_wait3A_268 = arith.constant 0 : i32
        %dma_wait3A_269 = arith.constant 0 : i32
        %dma_wait3A_270 = tpu.memref_slice %arg11[%dma_wait3A_268, %dma_wait3A_269] : memref<10240x128xf32, #tpu.memory_space<vmem_shared>> -> memref<10240x128xf32, #tpu.memory_space<vmem_shared>>
        tpu.wait_indirect_dma semaphore(%run_scoped3A_258 : memref<!tpu.dma_semaphore, #tpu.memory_space<semaphore_mem>>) src(%arg7 : memref<128x128xf32, #tpu.memory_space<vmem>>) dst(%dma_wait3A_270 : memref<10240x128xf32, #tpu.memory_space<vmem_shared>>)
        tpu.yield
      }) : () -> ()
      %dma_start3A_40 = arith.constant 4 : i32
      %dma_start3A_41 = arith.constant 0 : i32
      %dma_start3A_42 = tpu.memref_slice %arg6[%dma_start3A_40, %dma_start3A_41] : memref<32x128xi32, #tpu.memory_space<vmem>> -> memref<1x128xi32, #tpu.memory_space<vmem>>
      %dma_start3A_43 = tpu.memref_squeeze %dma_start3A_42 : memref<1x128xi32, #tpu.memory_space<vmem>> -> memref<128xi32, #tpu.memory_space<vmem>>
      %dma_start3A_44 = arith.constant 0 : i32
      %dma_start3A_45 = arith.constant 0 : i32
      %dma_start3A_46 = tpu.memref_slice %arg2[%dma_start3A_44, %dma_start3A_45] : memref<10000x128xf32, #tpu.memory_space<hbm>> -> memref<10000x128xf32, #tpu.memory_space<hbm>>
      tpu.enqueue_indirect_dma source(%dma_start3A_46 : memref<10000x128xf32, #tpu.memory_space<hbm>>) target(%arg7 : memref<128x128xf32, #tpu.memory_space<vmem>>) offsets(%dma_start3A_43 : memref<128xi32, #tpu.memory_space<vmem>>) semaphore(%arg9 : memref<!tpu.dma_semaphore, #tpu.memory_space<semaphore_mem>>)
      %dma_wait3A_47 = arith.constant 0 : i32
      %dma_wait3A_48 = arith.constant 0 : i32
      %dma_wait3A_49 = tpu.memref_slice %arg6[%dma_wait3A_47, %dma_wait3A_48] : memref<32x128xi32, #tpu.memory_space<vmem>> -> memref<1x128xi32, #tpu.memory_space<vmem>>
      %dma_wait3A_50 = tpu.memref_squeeze %dma_wait3A_49 : memref<1x128xi32, #tpu.memory_space<vmem>> -> memref<128xi32, #tpu.memory_space<vmem>>
      %dma_wait3A_51 = arith.constant 0 : i32
      %dma_wait3A_52 = arith.constant 0 : i32
      %dma_wait3A_53 = tpu.memref_slice %arg2[%dma_wait3A_51, %dma_wait3A_52] : memref<10000x128xf32, #tpu.memory_space<hbm>> -> memref<10000x128xf32, #tpu.memory_space<hbm>>
      tpu.wait_indirect_dma semaphore(%arg10 : memref<!tpu.dma_semaphore, #tpu.memory_space<semaphore_mem>>) src(%dma_wait3A_53 : memref<10000x128xf32, #tpu.memory_space<hbm>>) dst(%arg8 : memref<128x128xf32, #tpu.memory_space<vmem>>)
      %run_scoped3A_54 = arith.constant 3 : i32
      "tpu.region"() ({
        %run_scoped3A_258 = tpu.sem_alloc : memref<!tpu.dma_semaphore, #tpu.memory_space<semaphore_mem>>
        %dma_start3A_259 = arith.constant 0 : i32
        %dma_start3A_260 = tpu.memref_slice %arg6[%run_scoped3A_54, %dma_start3A_259] : memref<32x128xi32, #tpu.memory_space<vmem>> -> memref<1x128xi32, #tpu.memory_space<vmem>>
        %dma_start3A_261 = tpu.memref_squeeze %dma_start3A_260 : memref<1x128xi32, #tpu.memory_space<vmem>> -> memref<128xi32, #tpu.memory_space<vmem>>
        %dma_start3A_262 = arith.constant 0 : i32
        %dma_start3A_263 = arith.constant 0 : i32
        %dma_start3A_264 = tpu.memref_slice %arg11[%dma_start3A_262, %dma_start3A_263] : memref<10240x128xf32, #tpu.memory_space<vmem_shared>> -> memref<10240x128xf32, #tpu.memory_space<vmem_shared>>
        tpu.enqueue_indirect_dma source(%arg8 : memref<128x128xf32, #tpu.memory_space<vmem>>) target(%dma_start3A_264 : memref<10240x128xf32, #tpu.memory_space<vmem_shared>>) offsets(%dma_start3A_261 : memref<128xi32, #tpu.memory_space<vmem>>) semaphore(%run_scoped3A_258 : memref<!tpu.dma_semaphore, #tpu.memory_space<semaphore_mem>>) {add = true}
        %dma_wait3A_265 = arith.constant 0 : i32
        %dma_wait3A_266 = tpu.memref_slice %arg6[%run_scoped3A_54, %dma_wait3A_265] : memref<32x128xi32, #tpu.memory_space<vmem>> -> memref<1x128xi32, #tpu.memory_space<vmem>>
        %dma_wait3A_267 = tpu.memref_squeeze %dma_wait3A_266 : memref<1x128xi32, #tpu.memory_space<vmem>> -> memref<128xi32, #tpu.memory_space<vmem>>
        %dma_wait3A_268 = arith.constant 0 : i32
        %dma_wait3A_269 = arith.constant 0 : i32
        %dma_wait3A_270 = tpu.memref_slice %arg11[%dma_wait3A_268, %dma_wait3A_269] : memref<10240x128xf32, #tpu.memory_space<vmem_shared>> -> memref<10240x128xf32, #tpu.memory_space<vmem_shared>>
        tpu.wait_indirect_dma semaphore(%run_scoped3A_258 : memref<!tpu.dma_semaphore, #tpu.memory_space<semaphore_mem>>) src(%arg8 : memref<128x128xf32, #tpu.memory_space<vmem>>) dst(%dma_wait3A_270 : memref<10240x128xf32, #tpu.memory_space<vmem_shared>>)
        tpu.yield
      }) : () -> ()
      %dma_start3A_55 = arith.constant 6 : i32
      %dma_start3A_56 = arith.constant 0 : i32
      %dma_start3A_57 = tpu.memref_slice %arg6[%dma_start3A_55, %dma_start3A_56] : memref<32x128xi32, #tpu.memory_space<vmem>> -> memref<1x128xi32, #tpu.memory_space<vmem>>
      %dma_start3A_58 = tpu.memref_squeeze %dma_start3A_57 : memref<1x128xi32, #tpu.memory_space<vmem>> -> memref<128xi32, #tpu.memory_space<vmem>>
      %dma_start3A_59 = arith.constant 0 : i32
      %dma_start3A_60 = arith.constant 0 : i32
      %dma_start3A_61 = tpu.memref_slice %arg2[%dma_start3A_59, %dma_start3A_60] : memref<10000x128xf32, #tpu.memory_space<hbm>> -> memref<10000x128xf32, #tpu.memory_space<hbm>>
      tpu.enqueue_indirect_dma source(%dma_start3A_61 : memref<10000x128xf32, #tpu.memory_space<hbm>>) target(%arg8 : memref<128x128xf32, #tpu.memory_space<vmem>>) offsets(%dma_start3A_58 : memref<128xi32, #tpu.memory_space<vmem>>) semaphore(%arg10 : memref<!tpu.dma_semaphore, #tpu.memory_space<semaphore_mem>>)
      %dma_wait3A_62 = arith.constant 0 : i32
      %dma_wait3A_63 = arith.constant 0 : i32
      %dma_wait3A_64 = tpu.memref_slice %arg6[%dma_wait3A_62, %dma_wait3A_63] : memref<32x128xi32, #tpu.memory_space<vmem>> -> memref<1x128xi32, #tpu.memory_space<vmem>>
      %dma_wait3A_65 = tpu.memref_squeeze %dma_wait3A_64 : memref<1x128xi32, #tpu.memory_space<vmem>> -> memref<128xi32, #tpu.memory_space<vmem>>
      %dma_wait3A_66 = arith.constant 0 : i32
      %dma_wait3A_67 = arith.constant 0 : i32
      %dma_wait3A_68 = tpu.memref_slice %arg2[%dma_wait3A_66, %dma_wait3A_67] : memref<10000x128xf32, #tpu.memory_space<hbm>> -> memref<10000x128xf32, #tpu.memory_space<hbm>>
      tpu.wait_indirect_dma semaphore(%arg9 : memref<!tpu.dma_semaphore, #tpu.memory_space<semaphore_mem>>) src(%dma_wait3A_68 : memref<10000x128xf32, #tpu.memory_space<hbm>>) dst(%arg7 : memref<128x128xf32, #tpu.memory_space<vmem>>)
      %run_scoped3A_69 = arith.constant 5 : i32
      "tpu.region"() ({
        %run_scoped3A_258 = tpu.sem_alloc : memref<!tpu.dma_semaphore, #tpu.memory_space<semaphore_mem>>
        %dma_start3A_259 = arith.constant 0 : i32
        %dma_start3A_260 = tpu.memref_slice %arg6[%run_scoped3A_69, %dma_start3A_259] : memref<32x128xi32, #tpu.memory_space<vmem>> -> memref<1x128xi32, #tpu.memory_space<vmem>>
        %dma_start3A_261 = tpu.memref_squeeze %dma_start3A_260 : memref<1x128xi32, #tpu.memory_space<vmem>> -> memref<128xi32, #tpu.memory_space<vmem>>
        %dma_start3A_262 = arith.constant 0 : i32
        %dma_start3A_263 = arith.constant 0 : i32
        %dma_start3A_264 = tpu.memref_slice %arg11[%dma_start3A_262, %dma_start3A_263] : memref<10240x128xf32, #tpu.memory_space<vmem_shared>> -> memref<10240x128xf32, #tpu.memory_space<vmem_shared>>
        tpu.enqueue_indirect_dma source(%arg7 : memref<128x128xf32, #tpu.memory_space<vmem>>) target(%dma_start3A_264 : memref<10240x128xf32, #tpu.memory_space<vmem_shared>>) offsets(%dma_start3A_261 : memref<128xi32, #tpu.memory_space<vmem>>) semaphore(%run_scoped3A_258 : memref<!tpu.dma_semaphore, #tpu.memory_space<semaphore_mem>>) {add = true}
        %dma_wait3A_265 = arith.constant 0 : i32
        %dma_wait3A_266 = tpu.memref_slice %arg6[%run_scoped3A_69, %dma_wait3A_265] : memref<32x128xi32, #tpu.memory_space<vmem>> -> memref<1x128xi32, #tpu.memory_space<vmem>>
        %dma_wait3A_267 = tpu.memref_squeeze %dma_wait3A_266 : memref<1x128xi32, #tpu.memory_space<vmem>> -> memref<128xi32, #tpu.memory_space<vmem>>
        %dma_wait3A_268 = arith.constant 0 : i32
        %dma_wait3A_269 = arith.constant 0 : i32
        %dma_wait3A_270 = tpu.memref_slice %arg11[%dma_wait3A_268, %dma_wait3A_269] : memref<10240x128xf32, #tpu.memory_space<vmem_shared>> -> memref<10240x128xf32, #tpu.memory_space<vmem_shared>>
        tpu.wait_indirect_dma semaphore(%run_scoped3A_258 : memref<!tpu.dma_semaphore, #tpu.memory_space<semaphore_mem>>) src(%arg7 : memref<128x128xf32, #tpu.memory_space<vmem>>) dst(%dma_wait3A_270 : memref<10240x128xf32, #tpu.memory_space<vmem_shared>>)
        tpu.yield
      }) : () -> ()
      %dma_start3A_70 = arith.constant 8 : i32
      %dma_start3A_71 = arith.constant 0 : i32
      %dma_start3A_72 = tpu.memref_slice %arg6[%dma_start3A_70, %dma_start3A_71] : memref<32x128xi32, #tpu.memory_space<vmem>> -> memref<1x128xi32, #tpu.memory_space<vmem>>
      %dma_start3A_73 = tpu.memref_squeeze %dma_start3A_72 : memref<1x128xi32, #tpu.memory_space<vmem>> -> memref<128xi32, #tpu.memory_space<vmem>>
      %dma_start3A_74 = arith.constant 0 : i32
      %dma_start3A_75 = arith.constant 0 : i32
      %dma_start3A_76 = tpu.memref_slice %arg2[%dma_start3A_74, %dma_start3A_75] : memref<10000x128xf32, #tpu.memory_space<hbm>> -> memref<10000x128xf32, #tpu.memory_space<hbm>>
      tpu.enqueue_indirect_dma source(%dma_start3A_76 : memref<10000x128xf32, #tpu.memory_space<hbm>>) target(%arg7 : memref<128x128xf32, #tpu.memory_space<vmem>>) offsets(%dma_start3A_73 : memref<128xi32, #tpu.memory_space<vmem>>) semaphore(%arg9 : memref<!tpu.dma_semaphore, #tpu.memory_space<semaphore_mem>>)
      %dma_wait3A_77 = arith.constant 0 : i32
      %dma_wait3A_78 = arith.constant 0 : i32
      %dma_wait3A_79 = tpu.memref_slice %arg6[%dma_wait3A_77, %dma_wait3A_78] : memref<32x128xi32, #tpu.memory_space<vmem>> -> memref<1x128xi32, #tpu.memory_space<vmem>>
      %dma_wait3A_80 = tpu.memref_squeeze %dma_wait3A_79 : memref<1x128xi32, #tpu.memory_space<vmem>> -> memref<128xi32, #tpu.memory_space<vmem>>
      %dma_wait3A_81 = arith.constant 0 : i32
      %dma_wait3A_82 = arith.constant 0 : i32
      %dma_wait3A_83 = tpu.memref_slice %arg2[%dma_wait3A_81, %dma_wait3A_82] : memref<10000x128xf32, #tpu.memory_space<hbm>> -> memref<10000x128xf32, #tpu.memory_space<hbm>>
      tpu.wait_indirect_dma semaphore(%arg10 : memref<!tpu.dma_semaphore, #tpu.memory_space<semaphore_mem>>) src(%dma_wait3A_83 : memref<10000x128xf32, #tpu.memory_space<hbm>>) dst(%arg8 : memref<128x128xf32, #tpu.memory_space<vmem>>)
      %run_scoped3A_84 = arith.constant 7 : i32
      "tpu.region"() ({
        %run_scoped3A_258 = tpu.sem_alloc : memref<!tpu.dma_semaphore, #tpu.memory_space<semaphore_mem>>
        %dma_start3A_259 = arith.constant 0 : i32
        %dma_start3A_260 = tpu.memref_slice %arg6[%run_scoped3A_84, %dma_start3A_259] : memref<32x128xi32, #tpu.memory_space<vmem>> -> memref<1x128xi32, #tpu.memory_space<vmem>>
        %dma_start3A_261 = tpu.memref_squeeze %dma_start3A_260 : memref<1x128xi32, #tpu.memory_space<vmem>> -> memref<128xi32, #tpu.memory_space<vmem>>
        %dma_start3A_262 = arith.constant 0 : i32
        %dma_start3A_263 = arith.constant 0 : i32
        %dma_start3A_264 = tpu.memref_slice %arg11[%dma_start3A_262, %dma_start3A_263] : memref<10240x128xf32, #tpu.memory_space<vmem_shared>> -> memref<10240x128xf32, #tpu.memory_space<vmem_shared>>
        tpu.enqueue_indirect_dma source(%arg8 : memref<128x128xf32, #tpu.memory_space<vmem>>) target(%dma_start3A_264 : memref<10240x128xf32, #tpu.memory_space<vmem_shared>>) offsets(%dma_start3A_261 : memref<128xi32, #tpu.memory_space<vmem>>) semaphore(%run_scoped3A_258 : memref<!tpu.dma_semaphore, #tpu.memory_space<semaphore_mem>>) {add = true}
        %dma_wait3A_265 = arith.constant 0 : i32
        %dma_wait3A_266 = tpu.memref_slice %arg6[%run_scoped3A_84, %dma_wait3A_265] : memref<32x128xi32, #tpu.memory_space<vmem>> -> memref<1x128xi32, #tpu.memory_space<vmem>>
        %dma_wait3A_267 = tpu.memref_squeeze %dma_wait3A_266 : memref<1x128xi32, #tpu.memory_space<vmem>> -> memref<128xi32, #tpu.memory_space<vmem>>
        %dma_wait3A_268 = arith.constant 0 : i32
        %dma_wait3A_269 = arith.constant 0 : i32
        %dma_wait3A_270 = tpu.memref_slice %arg11[%dma_wait3A_268, %dma_wait3A_269] : memref<10240x128xf32, #tpu.memory_space<vmem_shared>> -> memref<10240x128xf32, #tpu.memory_space<vmem_shared>>
        tpu.wait_indirect_dma semaphore(%run_scoped3A_258 : memref<!tpu.dma_semaphore, #tpu.memory_space<semaphore_mem>>) src(%arg8 : memref<128x128xf32, #tpu.memory_space<vmem>>) dst(%dma_wait3A_270 : memref<10240x128xf32, #tpu.memory_space<vmem_shared>>)
        tpu.yield
      }) : () -> ()
      %dma_start3A_85 = arith.constant 10 : i32
      %dma_start3A_86 = arith.constant 0 : i32
      %dma_start3A_87 = tpu.memref_slice %arg6[%dma_start3A_85, %dma_start3A_86] : memref<32x128xi32, #tpu.memory_space<vmem>> -> memref<1x128xi32, #tpu.memory_space<vmem>>
      %dma_start3A_88 = tpu.memref_squeeze %dma_start3A_87 : memref<1x128xi32, #tpu.memory_space<vmem>> -> memref<128xi32, #tpu.memory_space<vmem>>
      %dma_start3A_89 = arith.constant 0 : i32
      %dma_start3A_90 = arith.constant 0 : i32
      %dma_start3A_91 = tpu.memref_slice %arg2[%dma_start3A_89, %dma_start3A_90] : memref<10000x128xf32, #tpu.memory_space<hbm>> -> memref<10000x128xf32, #tpu.memory_space<hbm>>
      tpu.enqueue_indirect_dma source(%dma_start3A_91 : memref<10000x128xf32, #tpu.memory_space<hbm>>) target(%arg8 : memref<128x128xf32, #tpu.memory_space<vmem>>) offsets(%dma_start3A_88 : memref<128xi32, #tpu.memory_space<vmem>>) semaphore(%arg10 : memref<!tpu.dma_semaphore, #tpu.memory_space<semaphore_mem>>)
      %dma_wait3A_92 = arith.constant 0 : i32
      %dma_wait3A_93 = arith.constant 0 : i32
      %dma_wait3A_94 = tpu.memref_slice %arg6[%dma_wait3A_92, %dma_wait3A_93] : memref<32x128xi32, #tpu.memory_space<vmem>> -> memref<1x128xi32, #tpu.memory_space<vmem>>
      %dma_wait3A_95 = tpu.memref_squeeze %dma_wait3A_94 : memref<1x128xi32, #tpu.memory_space<vmem>> -> memref<128xi32, #tpu.memory_space<vmem>>
      %dma_wait3A_96 = arith.constant 0 : i32
      %dma_wait3A_97 = arith.constant 0 : i32
      %dma_wait3A_98 = tpu.memref_slice %arg2[%dma_wait3A_96, %dma_wait3A_97] : memref<10000x128xf32, #tpu.memory_space<hbm>> -> memref<10000x128xf32, #tpu.memory_space<hbm>>
      tpu.wait_indirect_dma semaphore(%arg9 : memref<!tpu.dma_semaphore, #tpu.memory_space<semaphore_mem>>) src(%dma_wait3A_98 : memref<10000x128xf32, #tpu.memory_space<hbm>>) dst(%arg7 : memref<128x128xf32, #tpu.memory_space<vmem>>)
      %run_scoped3A_99 = arith.constant 9 : i32
      "tpu.region"() ({
        %run_scoped3A_258 = tpu.sem_alloc : memref<!tpu.dma_semaphore, #tpu.memory_space<semaphore_mem>>
        %dma_start3A_259 = arith.constant 0 : i32
        %dma_start3A_260 = tpu.memref_slice %arg6[%run_scoped3A_99, %dma_start3A_259] : memref<32x128xi32, #tpu.memory_space<vmem>> -> memref<1x128xi32, #tpu.memory_space<vmem>>
        %dma_start3A_261 = tpu.memref_squeeze %dma_start3A_260 : memref<1x128xi32, #tpu.memory_space<vmem>> -> memref<128xi32, #tpu.memory_space<vmem>>
        %dma_start3A_262 = arith.constant 0 : i32
        %dma_start3A_263 = arith.constant 0 : i32
        %dma_start3A_264 = tpu.memref_slice %arg11[%dma_start3A_262, %dma_start3A_263] : memref<10240x128xf32, #tpu.memory_space<vmem_shared>> -> memref<10240x128xf32, #tpu.memory_space<vmem_shared>>
        tpu.enqueue_indirect_dma source(%arg7 : memref<128x128xf32, #tpu.memory_space<vmem>>) target(%dma_start3A_264 : memref<10240x128xf32, #tpu.memory_space<vmem_shared>>) offsets(%dma_start3A_261 : memref<128xi32, #tpu.memory_space<vmem>>) semaphore(%run_scoped3A_258 : memref<!tpu.dma_semaphore, #tpu.memory_space<semaphore_mem>>) {add = true}
        %dma_wait3A_265 = arith.constant 0 : i32
        %dma_wait3A_266 = tpu.memref_slice %arg6[%run_scoped3A_99, %dma_wait3A_265] : memref<32x128xi32, #tpu.memory_space<vmem>> -> memref<1x128xi32, #tpu.memory_space<vmem>>
        %dma_wait3A_267 = tpu.memref_squeeze %dma_wait3A_266 : memref<1x128xi32, #tpu.memory_space<vmem>> -> memref<128xi32, #tpu.memory_space<vmem>>
        %dma_wait3A_268 = arith.constant 0 : i32
        %dma_wait3A_269 = arith.constant 0 : i32
        %dma_wait3A_270 = tpu.memref_slice %arg11[%dma_wait3A_268, %dma_wait3A_269] : memref<10240x128xf32, #tpu.memory_space<vmem_shared>> -> memref<10240x128xf32, #tpu.memory_space<vmem_shared>>
        tpu.wait_indirect_dma semaphore(%run_scoped3A_258 : memref<!tpu.dma_semaphore, #tpu.memory_space<semaphore_mem>>) src(%arg7 : memref<128x128xf32, #tpu.memory_space<vmem>>) dst(%dma_wait3A_270 : memref<10240x128xf32, #tpu.memory_space<vmem_shared>>)
        tpu.yield
      }) : () -> ()
      %dma_start3A_100 = arith.constant 12 : i32
      %dma_start3A_101 = arith.constant 0 : i32
      %dma_start3A_102 = tpu.memref_slice %arg6[%dma_start3A_100, %dma_start3A_101] : memref<32x128xi32, #tpu.memory_space<vmem>> -> memref<1x128xi32, #tpu.memory_space<vmem>>
      %dma_start3A_103 = tpu.memref_squeeze %dma_start3A_102 : memref<1x128xi32, #tpu.memory_space<vmem>> -> memref<128xi32, #tpu.memory_space<vmem>>
      %dma_start3A_104 = arith.constant 0 : i32
      %dma_start3A_105 = arith.constant 0 : i32
      %dma_start3A_106 = tpu.memref_slice %arg2[%dma_start3A_104, %dma_start3A_105] : memref<10000x128xf32, #tpu.memory_space<hbm>> -> memref<10000x128xf32, #tpu.memory_space<hbm>>
      tpu.enqueue_indirect_dma source(%dma_start3A_106 : memref<10000x128xf32, #tpu.memory_space<hbm>>) target(%arg7 : memref<128x128xf32, #tpu.memory_space<vmem>>) offsets(%dma_start3A_103 : memref<128xi32, #tpu.memory_space<vmem>>) semaphore(%arg9 : memref<!tpu.dma_semaphore, #tpu.memory_space<semaphore_mem>>)
      %dma_wait3A_107 = arith.constant 0 : i32
      %dma_wait3A_108 = arith.constant 0 : i32
      %dma_wait3A_109 = tpu.memref_slice %arg6[%dma_wait3A_107, %dma_wait3A_108] : memref<32x128xi32, #tpu.memory_space<vmem>> -> memref<1x128xi32, #tpu.memory_space<vmem>>
      %dma_wait3A_110 = tpu.memref_squeeze %dma_wait3A_109 : memref<1x128xi32, #tpu.memory_space<vmem>> -> memref<128xi32, #tpu.memory_space<vmem>>
      %dma_wait3A_111 = arith.constant 0 : i32
      %dma_wait3A_112 = arith.constant 0 : i32
      %dma_wait3A_113 = tpu.memref_slice %arg2[%dma_wait3A_111, %dma_wait3A_112] : memref<10000x128xf32, #tpu.memory_space<hbm>> -> memref<10000x128xf32, #tpu.memory_space<hbm>>
      tpu.wait_indirect_dma semaphore(%arg10 : memref<!tpu.dma_semaphore, #tpu.memory_space<semaphore_mem>>) src(%dma_wait3A_113 : memref<10000x128xf32, #tpu.memory_space<hbm>>) dst(%arg8 : memref<128x128xf32, #tpu.memory_space<vmem>>)
      %run_scoped3A_114 = arith.constant 11 : i32
      "tpu.region"() ({
        %run_scoped3A_258 = tpu.sem_alloc : memref<!tpu.dma_semaphore, #tpu.memory_space<semaphore_mem>>
        %dma_start3A_259 = arith.constant 0 : i32
        %dma_start3A_260 = tpu.memref_slice %arg6[%run_scoped3A_114, %dma_start3A_259] : memref<32x128xi32, #tpu.memory_space<vmem>> -> memref<1x128xi32, #tpu.memory_space<vmem>>
        %dma_start3A_261 = tpu.memref_squeeze %dma_start3A_260 : memref<1x128xi32, #tpu.memory_space<vmem>> -> memref<128xi32, #tpu.memory_space<vmem>>
        %dma_start3A_262 = arith.constant 0 : i32
        %dma_start3A_263 = arith.constant 0 : i32
        %dma_start3A_264 = tpu.memref_slice %arg11[%dma_start3A_262, %dma_start3A_263] : memref<10240x128xf32, #tpu.memory_space<vmem_shared>> -> memref<10240x128xf32, #tpu.memory_space<vmem_shared>>
        tpu.enqueue_indirect_dma source(%arg8 : memref<128x128xf32, #tpu.memory_space<vmem>>) target(%dma_start3A_264 : memref<10240x128xf32, #tpu.memory_space<vmem_shared>>) offsets(%dma_start3A_261 : memref<128xi32, #tpu.memory_space<vmem>>) semaphore(%run_scoped3A_258 : memref<!tpu.dma_semaphore, #tpu.memory_space<semaphore_mem>>) {add = true}
        %dma_wait3A_265 = arith.constant 0 : i32
        %dma_wait3A_266 = tpu.memref_slice %arg6[%run_scoped3A_114, %dma_wait3A_265] : memref<32x128xi32, #tpu.memory_space<vmem>> -> memref<1x128xi32, #tpu.memory_space<vmem>>
        %dma_wait3A_267 = tpu.memref_squeeze %dma_wait3A_266 : memref<1x128xi32, #tpu.memory_space<vmem>> -> memref<128xi32, #tpu.memory_space<vmem>>
        %dma_wait3A_268 = arith.constant 0 : i32
        %dma_wait3A_269 = arith.constant 0 : i32
        %dma_wait3A_270 = tpu.memref_slice %arg11[%dma_wait3A_268, %dma_wait3A_269] : memref<10240x128xf32, #tpu.memory_space<vmem_shared>> -> memref<10240x128xf32, #tpu.memory_space<vmem_shared>>
        tpu.wait_indirect_dma semaphore(%run_scoped3A_258 : memref<!tpu.dma_semaphore, #tpu.memory_space<semaphore_mem>>) src(%arg8 : memref<128x128xf32, #tpu.memory_space<vmem>>) dst(%dma_wait3A_270 : memref<10240x128xf32, #tpu.memory_space<vmem_shared>>)
        tpu.yield
      }) : () -> ()
      %dma_start3A_115 = arith.constant 14 : i32
      %dma_start3A_116 = arith.constant 0 : i32
      %dma_start3A_117 = tpu.memref_slice %arg6[%dma_start3A_115, %dma_start3A_116] : memref<32x128xi32, #tpu.memory_space<vmem>> -> memref<1x128xi32, #tpu.memory_space<vmem>>
      %dma_start3A_118 = tpu.memref_squeeze %dma_start3A_117 : memref<1x128xi32, #tpu.memory_space<vmem>> -> memref<128xi32, #tpu.memory_space<vmem>>
      %dma_start3A_119 = arith.constant 0 : i32
      %dma_start3A_120 = arith.constant 0 : i32
      %dma_start3A_121 = tpu.memref_slice %arg2[%dma_start3A_119, %dma_start3A_120] : memref<10000x128xf32, #tpu.memory_space<hbm>> -> memref<10000x128xf32, #tpu.memory_space<hbm>>
      tpu.enqueue_indirect_dma source(%dma_start3A_121 : memref<10000x128xf32, #tpu.memory_space<hbm>>) target(%arg8 : memref<128x128xf32, #tpu.memory_space<vmem>>) offsets(%dma_start3A_118 : memref<128xi32, #tpu.memory_space<vmem>>) semaphore(%arg10 : memref<!tpu.dma_semaphore, #tpu.memory_space<semaphore_mem>>)
      %dma_wait3A_122 = arith.constant 0 : i32
      %dma_wait3A_123 = arith.constant 0 : i32
      %dma_wait3A_124 = tpu.memref_slice %arg6[%dma_wait3A_122, %dma_wait3A_123] : memref<32x128xi32, #tpu.memory_space<vmem>> -> memref<1x128xi32, #tpu.memory_space<vmem>>
      %dma_wait3A_125 = tpu.memref_squeeze %dma_wait3A_124 : memref<1x128xi32, #tpu.memory_space<vmem>> -> memref<128xi32, #tpu.memory_space<vmem>>
      %dma_wait3A_126 = arith.constant 0 : i32
      %dma_wait3A_127 = arith.constant 0 : i32
      %dma_wait3A_128 = tpu.memref_slice %arg2[%dma_wait3A_126, %dma_wait3A_127] : memref<10000x128xf32, #tpu.memory_space<hbm>> -> memref<10000x128xf32, #tpu.memory_space<hbm>>
      tpu.wait_indirect_dma semaphore(%arg9 : memref<!tpu.dma_semaphore, #tpu.memory_space<semaphore_mem>>) src(%dma_wait3A_128 : memref<10000x128xf32, #tpu.memory_space<hbm>>) dst(%arg7 : memref<128x128xf32, #tpu.memory_space<vmem>>)
      %run_scoped3A_129 = arith.constant 13 : i32
      "tpu.region"() ({
        %run_scoped3A_258 = tpu.sem_alloc : memref<!tpu.dma_semaphore, #tpu.memory_space<semaphore_mem>>
        %dma_start3A_259 = arith.constant 0 : i32
        %dma_start3A_260 = tpu.memref_slice %arg6[%run_scoped3A_129, %dma_start3A_259] : memref<32x128xi32, #tpu.memory_space<vmem>> -> memref<1x128xi32, #tpu.memory_space<vmem>>
        %dma_start3A_261 = tpu.memref_squeeze %dma_start3A_260 : memref<1x128xi32, #tpu.memory_space<vmem>> -> memref<128xi32, #tpu.memory_space<vmem>>
        %dma_start3A_262 = arith.constant 0 : i32
        %dma_start3A_263 = arith.constant 0 : i32
        %dma_start3A_264 = tpu.memref_slice %arg11[%dma_start3A_262, %dma_start3A_263] : memref<10240x128xf32, #tpu.memory_space<vmem_shared>> -> memref<10240x128xf32, #tpu.memory_space<vmem_shared>>
        tpu.enqueue_indirect_dma source(%arg7 : memref<128x128xf32, #tpu.memory_space<vmem>>) target(%dma_start3A_264 : memref<10240x128xf32, #tpu.memory_space<vmem_shared>>) offsets(%dma_start3A_261 : memref<128xi32, #tpu.memory_space<vmem>>) semaphore(%run_scoped3A_258 : memref<!tpu.dma_semaphore, #tpu.memory_space<semaphore_mem>>) {add = true}
        %dma_wait3A_265 = arith.constant 0 : i32
        %dma_wait3A_266 = tpu.memref_slice %arg6[%run_scoped3A_129, %dma_wait3A_265] : memref<32x128xi32, #tpu.memory_space<vmem>> -> memref<1x128xi32, #tpu.memory_space<vmem>>
        %dma_wait3A_267 = tpu.memref_squeeze %dma_wait3A_266 : memref<1x128xi32, #tpu.memory_space<vmem>> -> memref<128xi32, #tpu.memory_space<vmem>>
        %dma_wait3A_268 = arith.constant 0 : i32
        %dma_wait3A_269 = arith.constant 0 : i32
        %dma_wait3A_270 = tpu.memref_slice %arg11[%dma_wait3A_268, %dma_wait3A_269] : memref<10240x128xf32, #tpu.memory_space<vmem_shared>> -> memref<10240x128xf32, #tpu.memory_space<vmem_shared>>
        tpu.wait_indirect_dma semaphore(%run_scoped3A_258 : memref<!tpu.dma_semaphore, #tpu.memory_space<semaphore_mem>>) src(%arg7 : memref<128x128xf32, #tpu.memory_space<vmem>>) dst(%dma_wait3A_270 : memref<10240x128xf32, #tpu.memory_space<vmem_shared>>)
        tpu.yield
      }) : () -> ()
      %dma_start3A_130 = arith.constant 16 : i32
      %dma_start3A_131 = arith.constant 0 : i32
      %dma_start3A_132 = tpu.memref_slice %arg6[%dma_start3A_130, %dma_start3A_131] : memref<32x128xi32, #tpu.memory_space<vmem>> -> memref<1x128xi32, #tpu.memory_space<vmem>>
      %dma_start3A_133 = tpu.memref_squeeze %dma_start3A_132 : memref<1x128xi32, #tpu.memory_space<vmem>> -> memref<128xi32, #tpu.memory_space<vmem>>
      %dma_start3A_134 = arith.constant 0 : i32
      %dma_start3A_135 = arith.constant 0 : i32
      %dma_start3A_136 = tpu.memref_slice %arg2[%dma_start3A_134, %dma_start3A_135] : memref<10000x128xf32, #tpu.memory_space<hbm>> -> memref<10000x128xf32, #tpu.memory_space<hbm>>
      tpu.enqueue_indirect_dma source(%dma_start3A_136 : memref<10000x128xf32, #tpu.memory_space<hbm>>) target(%arg7 : memref<128x128xf32, #tpu.memory_space<vmem>>) offsets(%dma_start3A_133 : memref<128xi32, #tpu.memory_space<vmem>>) semaphore(%arg9 : memref<!tpu.dma_semaphore, #tpu.memory_space<semaphore_mem>>)
      %dma_wait3A_137 = arith.constant 0 : i32
      %dma_wait3A_138 = arith.constant 0 : i32
      %dma_wait3A_139 = tpu.memref_slice %arg6[%dma_wait3A_137, %dma_wait3A_138] : memref<32x128xi32, #tpu.memory_space<vmem>> -> memref<1x128xi32, #tpu.memory_space<vmem>>
      %dma_wait3A_140 = tpu.memref_squeeze %dma_wait3A_139 : memref<1x128xi32, #tpu.memory_space<vmem>> -> memref<128xi32, #tpu.memory_space<vmem>>
      %dma_wait3A_141 = arith.constant 0 : i32
      %dma_wait3A_142 = arith.constant 0 : i32
      %dma_wait3A_143 = tpu.memref_slice %arg2[%dma_wait3A_141, %dma_wait3A_142] : memref<10000x128xf32, #tpu.memory_space<hbm>> -> memref<10000x128xf32, #tpu.memory_space<hbm>>
      tpu.wait_indirect_dma semaphore(%arg10 : memref<!tpu.dma_semaphore, #tpu.memory_space<semaphore_mem>>) src(%dma_wait3A_143 : memref<10000x128xf32, #tpu.memory_space<hbm>>) dst(%arg8 : memref<128x128xf32, #tpu.memory_space<vmem>>)
      %run_scoped3A_144 = arith.constant 15 : i32
      "tpu.region"() ({
        %run_scoped3A_258 = tpu.sem_alloc : memref<!tpu.dma_semaphore, #tpu.memory_space<semaphore_mem>>
        %dma_start3A_259 = arith.constant 0 : i32
        %dma_start3A_260 = tpu.memref_slice %arg6[%run_scoped3A_144, %dma_start3A_259] : memref<32x128xi32, #tpu.memory_space<vmem>> -> memref<1x128xi32, #tpu.memory_space<vmem>>
        %dma_start3A_261 = tpu.memref_squeeze %dma_start3A_260 : memref<1x128xi32, #tpu.memory_space<vmem>> -> memref<128xi32, #tpu.memory_space<vmem>>
        %dma_start3A_262 = arith.constant 0 : i32
        %dma_start3A_263 = arith.constant 0 : i32
        %dma_start3A_264 = tpu.memref_slice %arg11[%dma_start3A_262, %dma_start3A_263] : memref<10240x128xf32, #tpu.memory_space<vmem_shared>> -> memref<10240x128xf32, #tpu.memory_space<vmem_shared>>
        tpu.enqueue_indirect_dma source(%arg8 : memref<128x128xf32, #tpu.memory_space<vmem>>) target(%dma_start3A_264 : memref<10240x128xf32, #tpu.memory_space<vmem_shared>>) offsets(%dma_start3A_261 : memref<128xi32, #tpu.memory_space<vmem>>) semaphore(%run_scoped3A_258 : memref<!tpu.dma_semaphore, #tpu.memory_space<semaphore_mem>>) {add = true}
        %dma_wait3A_265 = arith.constant 0 : i32
        %dma_wait3A_266 = tpu.memref_slice %arg6[%run_scoped3A_144, %dma_wait3A_265] : memref<32x128xi32, #tpu.memory_space<vmem>> -> memref<1x128xi32, #tpu.memory_space<vmem>>
        %dma_wait3A_267 = tpu.memref_squeeze %dma_wait3A_266 : memref<1x128xi32, #tpu.memory_space<vmem>> -> memref<128xi32, #tpu.memory_space<vmem>>
        %dma_wait3A_268 = arith.constant 0 : i32
        %dma_wait3A_269 = arith.constant 0 : i32
        %dma_wait3A_270 = tpu.memref_slice %arg11[%dma_wait3A_268, %dma_wait3A_269] : memref<10240x128xf32, #tpu.memory_space<vmem_shared>> -> memref<10240x128xf32, #tpu.memory_space<vmem_shared>>
        tpu.wait_indirect_dma semaphore(%run_scoped3A_258 : memref<!tpu.dma_semaphore, #tpu.memory_space<semaphore_mem>>) src(%arg8 : memref<128x128xf32, #tpu.memory_space<vmem>>) dst(%dma_wait3A_270 : memref<10240x128xf32, #tpu.memory_space<vmem_shared>>)
        tpu.yield
      }) : () -> ()
      %dma_start3A_145 = arith.constant 18 : i32
      %dma_start3A_146 = arith.constant 0 : i32
      %dma_start3A_147 = tpu.memref_slice %arg6[%dma_start3A_145, %dma_start3A_146] : memref<32x128xi32, #tpu.memory_space<vmem>> -> memref<1x128xi32, #tpu.memory_space<vmem>>
      %dma_start3A_148 = tpu.memref_squeeze %dma_start3A_147 : memref<1x128xi32, #tpu.memory_space<vmem>> -> memref<128xi32, #tpu.memory_space<vmem>>
      %dma_start3A_149 = arith.constant 0 : i32
      %dma_start3A_150 = arith.constant 0 : i32
      %dma_start3A_151 = tpu.memref_slice %arg2[%dma_start3A_149, %dma_start3A_150] : memref<10000x128xf32, #tpu.memory_space<hbm>> -> memref<10000x128xf32, #tpu.memory_space<hbm>>
      tpu.enqueue_indirect_dma source(%dma_start3A_151 : memref<10000x128xf32, #tpu.memory_space<hbm>>) target(%arg8 : memref<128x128xf32, #tpu.memory_space<vmem>>) offsets(%dma_start3A_148 : memref<128xi32, #tpu.memory_space<vmem>>) semaphore(%arg10 : memref<!tpu.dma_semaphore, #tpu.memory_space<semaphore_mem>>)
      %dma_wait3A_152 = arith.constant 0 : i32
      %dma_wait3A_153 = arith.constant 0 : i32
      %dma_wait3A_154 = tpu.memref_slice %arg6[%dma_wait3A_152, %dma_wait3A_153] : memref<32x128xi32, #tpu.memory_space<vmem>> -> memref<1x128xi32, #tpu.memory_space<vmem>>
      %dma_wait3A_155 = tpu.memref_squeeze %dma_wait3A_154 : memref<1x128xi32, #tpu.memory_space<vmem>> -> memref<128xi32, #tpu.memory_space<vmem>>
      %dma_wait3A_156 = arith.constant 0 : i32
      %dma_wait3A_157 = arith.constant 0 : i32
      %dma_wait3A_158 = tpu.memref_slice %arg2[%dma_wait3A_156, %dma_wait3A_157] : memref<10000x128xf32, #tpu.memory_space<hbm>> -> memref<10000x128xf32, #tpu.memory_space<hbm>>
      tpu.wait_indirect_dma semaphore(%arg9 : memref<!tpu.dma_semaphore, #tpu.memory_space<semaphore_mem>>) src(%dma_wait3A_158 : memref<10000x128xf32, #tpu.memory_space<hbm>>) dst(%arg7 : memref<128x128xf32, #tpu.memory_space<vmem>>)
      %run_scoped3A_159 = arith.constant 17 : i32
      "tpu.region"() ({
        %run_scoped3A_258 = tpu.sem_alloc : memref<!tpu.dma_semaphore, #tpu.memory_space<semaphore_mem>>
        %dma_start3A_259 = arith.constant 0 : i32
        %dma_start3A_260 = tpu.memref_slice %arg6[%run_scoped3A_159, %dma_start3A_259] : memref<32x128xi32, #tpu.memory_space<vmem>> -> memref<1x128xi32, #tpu.memory_space<vmem>>
        %dma_start3A_261 = tpu.memref_squeeze %dma_start3A_260 : memref<1x128xi32, #tpu.memory_space<vmem>> -> memref<128xi32, #tpu.memory_space<vmem>>
        %dma_start3A_262 = arith.constant 0 : i32
        %dma_start3A_263 = arith.constant 0 : i32
        %dma_start3A_264 = tpu.memref_slice %arg11[%dma_start3A_262, %dma_start3A_263] : memref<10240x128xf32, #tpu.memory_space<vmem_shared>> -> memref<10240x128xf32, #tpu.memory_space<vmem_shared>>
        tpu.enqueue_indirect_dma source(%arg7 : memref<128x128xf32, #tpu.memory_space<vmem>>) target(%dma_start3A_264 : memref<10240x128xf32, #tpu.memory_space<vmem_shared>>) offsets(%dma_start3A_261 : memref<128xi32, #tpu.memory_space<vmem>>) semaphore(%run_scoped3A_258 : memref<!tpu.dma_semaphore, #tpu.memory_space<semaphore_mem>>) {add = true}
        %dma_wait3A_265 = arith.constant 0 : i32
        %dma_wait3A_266 = tpu.memref_slice %arg6[%run_scoped3A_159, %dma_wait3A_265] : memref<32x128xi32, #tpu.memory_space<vmem>> -> memref<1x128xi32, #tpu.memory_space<vmem>>
        %dma_wait3A_267 = tpu.memref_squeeze %dma_wait3A_266 : memref<1x128xi32, #tpu.memory_space<vmem>> -> memref<128xi32, #tpu.memory_space<vmem>>
        %dma_wait3A_268 = arith.constant 0 : i32
        %dma_wait3A_269 = arith.constant 0 : i32
        %dma_wait3A_270 = tpu.memref_slice %arg11[%dma_wait3A_268, %dma_wait3A_269] : memref<10240x128xf32, #tpu.memory_space<vmem_shared>> -> memref<10240x128xf32, #tpu.memory_space<vmem_shared>>
        tpu.wait_indirect_dma semaphore(%run_scoped3A_258 : memref<!tpu.dma_semaphore, #tpu.memory_space<semaphore_mem>>) src(%arg7 : memref<128x128xf32, #tpu.memory_space<vmem>>) dst(%dma_wait3A_270 : memref<10240x128xf32, #tpu.memory_space<vmem_shared>>)
        tpu.yield
      }) : () -> ()
      %dma_start3A_160 = arith.constant 20 : i32
      %dma_start3A_161 = arith.constant 0 : i32
      %dma_start3A_162 = tpu.memref_slice %arg6[%dma_start3A_160, %dma_start3A_161] : memref<32x128xi32, #tpu.memory_space<vmem>> -> memref<1x128xi32, #tpu.memory_space<vmem>>
      %dma_start3A_163 = tpu.memref_squeeze %dma_start3A_162 : memref<1x128xi32, #tpu.memory_space<vmem>> -> memref<128xi32, #tpu.memory_space<vmem>>
      %dma_start3A_164 = arith.constant 0 : i32
      %dma_start3A_165 = arith.constant 0 : i32
      %dma_start3A_166 = tpu.memref_slice %arg2[%dma_start3A_164, %dma_start3A_165] : memref<10000x128xf32, #tpu.memory_space<hbm>> -> memref<10000x128xf32, #tpu.memory_space<hbm>>
      tpu.enqueue_indirect_dma source(%dma_start3A_166 : memref<10000x128xf32, #tpu.memory_space<hbm>>) target(%arg7 : memref<128x128xf32, #tpu.memory_space<vmem>>) offsets(%dma_start3A_163 : memref<128xi32, #tpu.memory_space<vmem>>) semaphore(%arg9 : memref<!tpu.dma_semaphore, #tpu.memory_space<semaphore_mem>>)
      %dma_wait3A_167 = arith.constant 0 : i32
      %dma_wait3A_168 = arith.constant 0 : i32
      %dma_wait3A_169 = tpu.memref_slice %arg6[%dma_wait3A_167, %dma_wait3A_168] : memref<32x128xi32, #tpu.memory_space<vmem>> -> memref<1x128xi32, #tpu.memory_space<vmem>>
      %dma_wait3A_170 = tpu.memref_squeeze %dma_wait3A_169 : memref<1x128xi32, #tpu.memory_space<vmem>> -> memref<128xi32, #tpu.memory_space<vmem>>
      %dma_wait3A_171 = arith.constant 0 : i32
      %dma_wait3A_172 = arith.constant 0 : i32
      %dma_wait3A_173 = tpu.memref_slice %arg2[%dma_wait3A_171, %dma_wait3A_172] : memref<10000x128xf32, #tpu.memory_space<hbm>> -> memref<10000x128xf32, #tpu.memory_space<hbm>>
      tpu.wait_indirect_dma semaphore(%arg10 : memref<!tpu.dma_semaphore, #tpu.memory_space<semaphore_mem>>) src(%dma_wait3A_173 : memref<10000x128xf32, #tpu.memory_space<hbm>>) dst(%arg8 : memref<128x128xf32, #tpu.memory_space<vmem>>)
      %run_scoped3A_174 = arith.constant 19 : i32
      "tpu.region"() ({
        %run_scoped3A_258 = tpu.sem_alloc : memref<!tpu.dma_semaphore, #tpu.memory_space<semaphore_mem>>
        %dma_start3A_259 = arith.constant 0 : i32
        %dma_start3A_260 = tpu.memref_slice %arg6[%run_scoped3A_174, %dma_start3A_259] : memref<32x128xi32, #tpu.memory_space<vmem>> -> memref<1x128xi32, #tpu.memory_space<vmem>>
        %dma_start3A_261 = tpu.memref_squeeze %dma_start3A_260 : memref<1x128xi32, #tpu.memory_space<vmem>> -> memref<128xi32, #tpu.memory_space<vmem>>
        %dma_start3A_262 = arith.constant 0 : i32
        %dma_start3A_263 = arith.constant 0 : i32
        %dma_start3A_264 = tpu.memref_slice %arg11[%dma_start3A_262, %dma_start3A_263] : memref<10240x128xf32, #tpu.memory_space<vmem_shared>> -> memref<10240x128xf32, #tpu.memory_space<vmem_shared>>
        tpu.enqueue_indirect_dma source(%arg8 : memref<128x128xf32, #tpu.memory_space<vmem>>) target(%dma_start3A_264 : memref<10240x128xf32, #tpu.memory_space<vmem_shared>>) offsets(%dma_start3A_261 : memref<128xi32, #tpu.memory_space<vmem>>) semaphore(%run_scoped3A_258 : memref<!tpu.dma_semaphore, #tpu.memory_space<semaphore_mem>>) {add = true}
        %dma_wait3A_265 = arith.constant 0 : i32
        %dma_wait3A_266 = tpu.memref_slice %arg6[%run_scoped3A_174, %dma_wait3A_265] : memref<32x128xi32, #tpu.memory_space<vmem>> -> memref<1x128xi32, #tpu.memory_space<vmem>>
        %dma_wait3A_267 = tpu.memref_squeeze %dma_wait3A_266 : memref<1x128xi32, #tpu.memory_space<vmem>> -> memref<128xi32, #tpu.memory_space<vmem>>
        %dma_wait3A_268 = arith.constant 0 : i32
        %dma_wait3A_269 = arith.constant 0 : i32
        %dma_wait3A_270 = tpu.memref_slice %arg11[%dma_wait3A_268, %dma_wait3A_269] : memref<10240x128xf32, #tpu.memory_space<vmem_shared>> -> memref<10240x128xf32, #tpu.memory_space<vmem_shared>>
        tpu.wait_indirect_dma semaphore(%run_scoped3A_258 : memref<!tpu.dma_semaphore, #tpu.memory_space<semaphore_mem>>) src(%arg8 : memref<128x128xf32, #tpu.memory_space<vmem>>) dst(%dma_wait3A_270 : memref<10240x128xf32, #tpu.memory_space<vmem_shared>>)
        tpu.yield
      }) : () -> ()
      %dma_start3A_175 = arith.constant 22 : i32
      %dma_start3A_176 = arith.constant 0 : i32
      %dma_start3A_177 = tpu.memref_slice %arg6[%dma_start3A_175, %dma_start3A_176] : memref<32x128xi32, #tpu.memory_space<vmem>> -> memref<1x128xi32, #tpu.memory_space<vmem>>
      %dma_start3A_178 = tpu.memref_squeeze %dma_start3A_177 : memref<1x128xi32, #tpu.memory_space<vmem>> -> memref<128xi32, #tpu.memory_space<vmem>>
      %dma_start3A_179 = arith.constant 0 : i32
      %dma_start3A_180 = arith.constant 0 : i32
      %dma_start3A_181 = tpu.memref_slice %arg2[%dma_start3A_179, %dma_start3A_180] : memref<10000x128xf32, #tpu.memory_space<hbm>> -> memref<10000x128xf32, #tpu.memory_space<hbm>>
      tpu.enqueue_indirect_dma source(%dma_start3A_181 : memref<10000x128xf32, #tpu.memory_space<hbm>>) target(%arg8 : memref<128x128xf32, #tpu.memory_space<vmem>>) offsets(%dma_start3A_178 : memref<128xi32, #tpu.memory_space<vmem>>) semaphore(%arg10 : memref<!tpu.dma_semaphore, #tpu.memory_space<semaphore_mem>>)
      %dma_wait3A_182 = arith.constant 0 : i32
      %dma_wait3A_183 = arith.constant 0 : i32
      %dma_wait3A_184 = tpu.memref_slice %arg6[%dma_wait3A_182, %dma_wait3A_183] : memref<32x128xi32, #tpu.memory_space<vmem>> -> memref<1x128xi32, #tpu.memory_space<vmem>>
      %dma_wait3A_185 = tpu.memref_squeeze %dma_wait3A_184 : memref<1x128xi32, #tpu.memory_space<vmem>> -> memref<128xi32, #tpu.memory_space<vmem>>
      %dma_wait3A_186 = arith.constant 0 : i32
      %dma_wait3A_187 = arith.constant 0 : i32
      %dma_wait3A_188 = tpu.memref_slice %arg2[%dma_wait3A_186, %dma_wait3A_187] : memref<10000x128xf32, #tpu.memory_space<hbm>> -> memref<10000x128xf32, #tpu.memory_space<hbm>>
      tpu.wait_indirect_dma semaphore(%arg9 : memref<!tpu.dma_semaphore, #tpu.memory_space<semaphore_mem>>) src(%dma_wait3A_188 : memref<10000x128xf32, #tpu.memory_space<hbm>>) dst(%arg7 : memref<128x128xf32, #tpu.memory_space<vmem>>)
      %run_scoped3A_189 = arith.constant 21 : i32
      "tpu.region"() ({
        %run_scoped3A_258 = tpu.sem_alloc : memref<!tpu.dma_semaphore, #tpu.memory_space<semaphore_mem>>
        %dma_start3A_259 = arith.constant 0 : i32
        %dma_start3A_260 = tpu.memref_slice %arg6[%run_scoped3A_189, %dma_start3A_259] : memref<32x128xi32, #tpu.memory_space<vmem>> -> memref<1x128xi32, #tpu.memory_space<vmem>>
        %dma_start3A_261 = tpu.memref_squeeze %dma_start3A_260 : memref<1x128xi32, #tpu.memory_space<vmem>> -> memref<128xi32, #tpu.memory_space<vmem>>
        %dma_start3A_262 = arith.constant 0 : i32
        %dma_start3A_263 = arith.constant 0 : i32
        %dma_start3A_264 = tpu.memref_slice %arg11[%dma_start3A_262, %dma_start3A_263] : memref<10240x128xf32, #tpu.memory_space<vmem_shared>> -> memref<10240x128xf32, #tpu.memory_space<vmem_shared>>
        tpu.enqueue_indirect_dma source(%arg7 : memref<128x128xf32, #tpu.memory_space<vmem>>) target(%dma_start3A_264 : memref<10240x128xf32, #tpu.memory_space<vmem_shared>>) offsets(%dma_start3A_261 : memref<128xi32, #tpu.memory_space<vmem>>) semaphore(%run_scoped3A_258 : memref<!tpu.dma_semaphore, #tpu.memory_space<semaphore_mem>>) {add = true}
        %dma_wait3A_265 = arith.constant 0 : i32
        %dma_wait3A_266 = tpu.memref_slice %arg6[%run_scoped3A_189, %dma_wait3A_265] : memref<32x128xi32, #tpu.memory_space<vmem>> -> memref<1x128xi32, #tpu.memory_space<vmem>>
        %dma_wait3A_267 = tpu.memref_squeeze %dma_wait3A_266 : memref<1x128xi32, #tpu.memory_space<vmem>> -> memref<128xi32, #tpu.memory_space<vmem>>
        %dma_wait3A_268 = arith.constant 0 : i32
        %dma_wait3A_269 = arith.constant 0 : i32
        %dma_wait3A_270 = tpu.memref_slice %arg11[%dma_wait3A_268, %dma_wait3A_269] : memref<10240x128xf32, #tpu.memory_space<vmem_shared>> -> memref<10240x128xf32, #tpu.memory_space<vmem_shared>>
        tpu.wait_indirect_dma semaphore(%run_scoped3A_258 : memref<!tpu.dma_semaphore, #tpu.memory_space<semaphore_mem>>) src(%arg7 : memref<128x128xf32, #tpu.memory_space<vmem>>) dst(%dma_wait3A_270 : memref<10240x128xf32, #tpu.memory_space<vmem_shared>>)
        tpu.yield
      }) : () -> ()
      %dma_start3A_190 = arith.constant 24 : i32
      %dma_start3A_191 = arith.constant 0 : i32
      %dma_start3A_192 = tpu.memref_slice %arg6[%dma_start3A_190, %dma_start3A_191] : memref<32x128xi32, #tpu.memory_space<vmem>> -> memref<1x128xi32, #tpu.memory_space<vmem>>
      %dma_start3A_193 = tpu.memref_squeeze %dma_start3A_192 : memref<1x128xi32, #tpu.memory_space<vmem>> -> memref<128xi32, #tpu.memory_space<vmem>>
      %dma_start3A_194 = arith.constant 0 : i32
      %dma_start3A_195 = arith.constant 0 : i32
      %dma_start3A_196 = tpu.memref_slice %arg2[%dma_start3A_194, %dma_start3A_195] : memref<10000x128xf32, #tpu.memory_space<hbm>> -> memref<10000x128xf32, #tpu.memory_space<hbm>>
      tpu.enqueue_indirect_dma source(%dma_start3A_196 : memref<10000x128xf32, #tpu.memory_space<hbm>>) target(%arg7 : memref<128x128xf32, #tpu.memory_space<vmem>>) offsets(%dma_start3A_193 : memref<128xi32, #tpu.memory_space<vmem>>) semaphore(%arg9 : memref<!tpu.dma_semaphore, #tpu.memory_space<semaphore_mem>>)
      %dma_wait3A_197 = arith.constant 0 : i32
      %dma_wait3A_198 = arith.constant 0 : i32
      %dma_wait3A_199 = tpu.memref_slice %arg6[%dma_wait3A_197, %dma_wait3A_198] : memref<32x128xi32, #tpu.memory_space<vmem>> -> memref<1x128xi32, #tpu.memory_space<vmem>>
      %dma_wait3A_200 = tpu.memref_squeeze %dma_wait3A_199 : memref<1x128xi32, #tpu.memory_space<vmem>> -> memref<128xi32, #tpu.memory_space<vmem>>
      %dma_wait3A_201 = arith.constant 0 : i32
      %dma_wait3A_202 = arith.constant 0 : i32
      %dma_wait3A_203 = tpu.memref_slice %arg2[%dma_wait3A_201, %dma_wait3A_202] : memref<10000x128xf32, #tpu.memory_space<hbm>> -> memref<10000x128xf32, #tpu.memory_space<hbm>>
      tpu.wait_indirect_dma semaphore(%arg10 : memref<!tpu.dma_semaphore, #tpu.memory_space<semaphore_mem>>) src(%dma_wait3A_203 : memref<10000x128xf32, #tpu.memory_space<hbm>>) dst(%arg8 : memref<128x128xf32, #tpu.memory_space<vmem>>)
      %run_scoped3A_204 = arith.constant 23 : i32
      "tpu.region"() ({
        %run_scoped3A_258 = tpu.sem_alloc : memref<!tpu.dma_semaphore, #tpu.memory_space<semaphore_mem>>
        %dma_start3A_259 = arith.constant 0 : i32
        %dma_start3A_260 = tpu.memref_slice %arg6[%run_scoped3A_204, %dma_start3A_259] : memref<32x128xi32, #tpu.memory_space<vmem>> -> memref<1x128xi32, #tpu.memory_space<vmem>>
        %dma_start3A_261 = tpu.memref_squeeze %dma_start3A_260 : memref<1x128xi32, #tpu.memory_space<vmem>> -> memref<128xi32, #tpu.memory_space<vmem>>
        %dma_start3A_262 = arith.constant 0 : i32
        %dma_start3A_263 = arith.constant 0 : i32
        %dma_start3A_264 = tpu.memref_slice %arg11[%dma_start3A_262, %dma_start3A_263] : memref<10240x128xf32, #tpu.memory_space<vmem_shared>> -> memref<10240x128xf32, #tpu.memory_space<vmem_shared>>
        tpu.enqueue_indirect_dma source(%arg8 : memref<128x128xf32, #tpu.memory_space<vmem>>) target(%dma_start3A_264 : memref<10240x128xf32, #tpu.memory_space<vmem_shared>>) offsets(%dma_start3A_261 : memref<128xi32, #tpu.memory_space<vmem>>) semaphore(%run_scoped3A_258 : memref<!tpu.dma_semaphore, #tpu.memory_space<semaphore_mem>>) {add = true}
        %dma_wait3A_265 = arith.constant 0 : i32
        %dma_wait3A_266 = tpu.memref_slice %arg6[%run_scoped3A_204, %dma_wait3A_265] : memref<32x128xi32, #tpu.memory_space<vmem>> -> memref<1x128xi32, #tpu.memory_space<vmem>>
        %dma_wait3A_267 = tpu.memref_squeeze %dma_wait3A_266 : memref<1x128xi32, #tpu.memory_space<vmem>> -> memref<128xi32, #tpu.memory_space<vmem>>
        %dma_wait3A_268 = arith.constant 0 : i32
        %dma_wait3A_269 = arith.constant 0 : i32
        %dma_wait3A_270 = tpu.memref_slice %arg11[%dma_wait3A_268, %dma_wait3A_269] : memref<10240x128xf32, #tpu.memory_space<vmem_shared>> -> memref<10240x128xf32, #tpu.memory_space<vmem_shared>>
        tpu.wait_indirect_dma semaphore(%run_scoped3A_258 : memref<!tpu.dma_semaphore, #tpu.memory_space<semaphore_mem>>) src(%arg8 : memref<128x128xf32, #tpu.memory_space<vmem>>) dst(%dma_wait3A_270 : memref<10240x128xf32, #tpu.memory_space<vmem_shared>>)
        tpu.yield
      }) : () -> ()
      %dma_start3A_205 = arith.constant 26 : i32
      %dma_start3A_206 = arith.constant 0 : i32
      %dma_start3A_207 = tpu.memref_slice %arg6[%dma_start3A_205, %dma_start3A_206] : memref<32x128xi32, #tpu.memory_space<vmem>> -> memref<1x128xi32, #tpu.memory_space<vmem>>
      %dma_start3A_208 = tpu.memref_squeeze %dma_start3A_207 : memref<1x128xi32, #tpu.memory_space<vmem>> -> memref<128xi32, #tpu.memory_space<vmem>>
      %dma_start3A_209 = arith.constant 0 : i32
      %dma_start3A_210 = arith.constant 0 : i32
      %dma_start3A_211 = tpu.memref_slice %arg2[%dma_start3A_209, %dma_start3A_210] : memref<10000x128xf32, #tpu.memory_space<hbm>> -> memref<10000x128xf32, #tpu.memory_space<hbm>>
      tpu.enqueue_indirect_dma source(%dma_start3A_211 : memref<10000x128xf32, #tpu.memory_space<hbm>>) target(%arg8 : memref<128x128xf32, #tpu.memory_space<vmem>>) offsets(%dma_start3A_208 : memref<128xi32, #tpu.memory_space<vmem>>) semaphore(%arg10 : memref<!tpu.dma_semaphore, #tpu.memory_space<semaphore_mem>>)
      %dma_wait3A_212 = arith.constant 0 : i32
      %dma_wait3A_213 = arith.constant 0 : i32
      %dma_wait3A_214 = tpu.memref_slice %arg6[%dma_wait3A_212, %dma_wait3A_213] : memref<32x128xi32, #tpu.memory_space<vmem>> -> memref<1x128xi32, #tpu.memory_space<vmem>>
      %dma_wait3A_215 = tpu.memref_squeeze %dma_wait3A_214 : memref<1x128xi32, #tpu.memory_space<vmem>> -> memref<128xi32, #tpu.memory_space<vmem>>
      %dma_wait3A_216 = arith.constant 0 : i32
      %dma_wait3A_217 = arith.constant 0 : i32
      %dma_wait3A_218 = tpu.memref_slice %arg2[%dma_wait3A_216, %dma_wait3A_217] : memref<10000x128xf32, #tpu.memory_space<hbm>> -> memref<10000x128xf32, #tpu.memory_space<hbm>>
      tpu.wait_indirect_dma semaphore(%arg9 : memref<!tpu.dma_semaphore, #tpu.memory_space<semaphore_mem>>) src(%dma_wait3A_218 : memref<10000x128xf32, #tpu.memory_space<hbm>>) dst(%arg7 : memref<128x128xf32, #tpu.memory_space<vmem>>)
      %run_scoped3A_219 = arith.constant 25 : i32
      "tpu.region"() ({
        %run_scoped3A_258 = tpu.sem_alloc : memref<!tpu.dma_semaphore, #tpu.memory_space<semaphore_mem>>
        %dma_start3A_259 = arith.constant 0 : i32
        %dma_start3A_260 = tpu.memref_slice %arg6[%run_scoped3A_219, %dma_start3A_259] : memref<32x128xi32, #tpu.memory_space<vmem>> -> memref<1x128xi32, #tpu.memory_space<vmem>>
        %dma_start3A_261 = tpu.memref_squeeze %dma_start3A_260 : memref<1x128xi32, #tpu.memory_space<vmem>> -> memref<128xi32, #tpu.memory_space<vmem>>
        %dma_start3A_262 = arith.constant 0 : i32
        %dma_start3A_263 = arith.constant 0 : i32
        %dma_start3A_264 = tpu.memref_slice %arg11[%dma_start3A_262, %dma_start3A_263] : memref<10240x128xf32, #tpu.memory_space<vmem_shared>> -> memref<10240x128xf32, #tpu.memory_space<vmem_shared>>
        tpu.enqueue_indirect_dma source(%arg7 : memref<128x128xf32, #tpu.memory_space<vmem>>) target(%dma_start3A_264 : memref<10240x128xf32, #tpu.memory_space<vmem_shared>>) offsets(%dma_start3A_261 : memref<128xi32, #tpu.memory_space<vmem>>) semaphore(%run_scoped3A_258 : memref<!tpu.dma_semaphore, #tpu.memory_space<semaphore_mem>>) {add = true}
        %dma_wait3A_265 = arith.constant 0 : i32
        %dma_wait3A_266 = tpu.memref_slice %arg6[%run_scoped3A_219, %dma_wait3A_265] : memref<32x128xi32, #tpu.memory_space<vmem>> -> memref<1x128xi32, #tpu.memory_space<vmem>>
        %dma_wait3A_267 = tpu.memref_squeeze %dma_wait3A_266 : memref<1x128xi32, #tpu.memory_space<vmem>> -> memref<128xi32, #tpu.memory_space<vmem>>
        %dma_wait3A_268 = arith.constant 0 : i32
        %dma_wait3A_269 = arith.constant 0 : i32
        %dma_wait3A_270 = tpu.memref_slice %arg11[%dma_wait3A_268, %dma_wait3A_269] : memref<10240x128xf32, #tpu.memory_space<vmem_shared>> -> memref<10240x128xf32, #tpu.memory_space<vmem_shared>>
        tpu.wait_indirect_dma semaphore(%run_scoped3A_258 : memref<!tpu.dma_semaphore, #tpu.memory_space<semaphore_mem>>) src(%arg7 : memref<128x128xf32, #tpu.memory_space<vmem>>) dst(%dma_wait3A_270 : memref<10240x128xf32, #tpu.memory_space<vmem_shared>>)
        tpu.yield
      }) : () -> ()
      %dma_start3A_220 = arith.constant 28 : i32
      %dma_start3A_221 = arith.constant 0 : i32
      %dma_start3A_222 = tpu.memref_slice %arg6[%dma_start3A_220, %dma_start3A_221] : memref<32x128xi32, #tpu.memory_space<vmem>> -> memref<1x128xi32, #tpu.memory_space<vmem>>
      %dma_start3A_223 = tpu.memref_squeeze %dma_start3A_222 : memref<1x128xi32, #tpu.memory_space<vmem>> -> memref<128xi32, #tpu.memory_space<vmem>>
      %dma_start3A_224 = arith.constant 0 : i32
      %dma_start3A_225 = arith.constant 0 : i32
      %dma_start3A_226 = tpu.memref_slice %arg2[%dma_start3A_224, %dma_start3A_225] : memref<10000x128xf32, #tpu.memory_space<hbm>> -> memref<10000x128xf32, #tpu.memory_space<hbm>>
      tpu.enqueue_indirect_dma source(%dma_start3A_226 : memref<10000x128xf32, #tpu.memory_space<hbm>>) target(%arg7 : memref<128x128xf32, #tpu.memory_space<vmem>>) offsets(%dma_start3A_223 : memref<128xi32, #tpu.memory_space<vmem>>) semaphore(%arg9 : memref<!tpu.dma_semaphore, #tpu.memory_space<semaphore_mem>>)
      %dma_wait3A_227 = arith.constant 0 : i32
      %dma_wait3A_228 = arith.constant 0 : i32
      %dma_wait3A_229 = tpu.memref_slice %arg6[%dma_wait3A_227, %dma_wait3A_228] : memref<32x128xi32, #tpu.memory_space<vmem>> -> memref<1x128xi32, #tpu.memory_space<vmem>>
      %dma_wait3A_230 = tpu.memref_squeeze %dma_wait3A_229 : memref<1x128xi32, #tpu.memory_space<vmem>> -> memref<128xi32, #tpu.memory_space<vmem>>
      %dma_wait3A_231 = arith.constant 0 : i32
      %dma_wait3A_232 = arith.constant 0 : i32
      %dma_wait3A_233 = tpu.memref_slice %arg2[%dma_wait3A_231, %dma_wait3A_232] : memref<10000x128xf32, #tpu.memory_space<hbm>> -> memref<10000x128xf32, #tpu.memory_space<hbm>>
      tpu.wait_indirect_dma semaphore(%arg10 : memref<!tpu.dma_semaphore, #tpu.memory_space<semaphore_mem>>) src(%dma_wait3A_233 : memref<10000x128xf32, #tpu.memory_space<hbm>>) dst(%arg8 : memref<128x128xf32, #tpu.memory_space<vmem>>)
      %run_scoped3A_234 = arith.constant 27 : i32
      "tpu.region"() ({
        %run_scoped3A_258 = tpu.sem_alloc : memref<!tpu.dma_semaphore, #tpu.memory_space<semaphore_mem>>
        %dma_start3A_259 = arith.constant 0 : i32
        %dma_start3A_260 = tpu.memref_slice %arg6[%run_scoped3A_234, %dma_start3A_259] : memref<32x128xi32, #tpu.memory_space<vmem>> -> memref<1x128xi32, #tpu.memory_space<vmem>>
        %dma_start3A_261 = tpu.memref_squeeze %dma_start3A_260 : memref<1x128xi32, #tpu.memory_space<vmem>> -> memref<128xi32, #tpu.memory_space<vmem>>
        %dma_start3A_262 = arith.constant 0 : i32
        %dma_start3A_263 = arith.constant 0 : i32
        %dma_start3A_264 = tpu.memref_slice %arg11[%dma_start3A_262, %dma_start3A_263] : memref<10240x128xf32, #tpu.memory_space<vmem_shared>> -> memref<10240x128xf32, #tpu.memory_space<vmem_shared>>
        tpu.enqueue_indirect_dma source(%arg8 : memref<128x128xf32, #tpu.memory_space<vmem>>) target(%dma_start3A_264 : memref<10240x128xf32, #tpu.memory_space<vmem_shared>>) offsets(%dma_start3A_261 : memref<128xi32, #tpu.memory_space<vmem>>) semaphore(%run_scoped3A_258 : memref<!tpu.dma_semaphore, #tpu.memory_space<semaphore_mem>>) {add = true}
        %dma_wait3A_265 = arith.constant 0 : i32
        %dma_wait3A_266 = tpu.memref_slice %arg6[%run_scoped3A_234, %dma_wait3A_265] : memref<32x128xi32, #tpu.memory_space<vmem>> -> memref<1x128xi32, #tpu.memory_space<vmem>>
        %dma_wait3A_267 = tpu.memref_squeeze %dma_wait3A_266 : memref<1x128xi32, #tpu.memory_space<vmem>> -> memref<128xi32, #tpu.memory_space<vmem>>
        %dma_wait3A_268 = arith.constant 0 : i32
        %dma_wait3A_269 = arith.constant 0 : i32
        %dma_wait3A_270 = tpu.memref_slice %arg11[%dma_wait3A_268, %dma_wait3A_269] : memref<10240x128xf32, #tpu.memory_space<vmem_shared>> -> memref<10240x128xf32, #tpu.memory_space<vmem_shared>>
        tpu.wait_indirect_dma semaphore(%run_scoped3A_258 : memref<!tpu.dma_semaphore, #tpu.memory_space<semaphore_mem>>) src(%arg8 : memref<128x128xf32, #tpu.memory_space<vmem>>) dst(%dma_wait3A_270 : memref<10240x128xf32, #tpu.memory_space<vmem_shared>>)
        tpu.yield
      }) : () -> ()
      %dma_start3A_235 = arith.constant 30 : i32
      %dma_start3A_236 = arith.constant 0 : i32
      %dma_start3A_237 = tpu.memref_slice %arg6[%dma_start3A_235, %dma_start3A_236] : memref<32x128xi32, #tpu.memory_space<vmem>> -> memref<1x128xi32, #tpu.memory_space<vmem>>
      %dma_start3A_238 = tpu.memref_squeeze %dma_start3A_237 : memref<1x128xi32, #tpu.memory_space<vmem>> -> memref<128xi32, #tpu.memory_space<vmem>>
      %dma_start3A_239 = arith.constant 0 : i32
      %dma_start3A_240 = arith.constant 0 : i32
      %dma_start3A_241 = tpu.memref_slice %arg2[%dma_start3A_239, %dma_start3A_240] : memref<10000x128xf32, #tpu.memory_space<hbm>> -> memref<10000x128xf32, #tpu.memory_space<hbm>>
      tpu.enqueue_indirect_dma source(%dma_start3A_241 : memref<10000x128xf32, #tpu.memory_space<hbm>>) target(%arg8 : memref<128x128xf32, #tpu.memory_space<vmem>>) offsets(%dma_start3A_238 : memref<128xi32, #tpu.memory_space<vmem>>) semaphore(%arg10 : memref<!tpu.dma_semaphore, #tpu.memory_space<semaphore_mem>>)
      %dma_wait3A_242 = arith.constant 0 : i32
      %dma_wait3A_243 = arith.constant 0 : i32
      %dma_wait3A_244 = tpu.memref_slice %arg6[%dma_wait3A_242, %dma_wait3A_243] : memref<32x128xi32, #tpu.memory_space<vmem>> -> memref<1x128xi32, #tpu.memory_space<vmem>>
      %dma_wait3A_245 = tpu.memref_squeeze %dma_wait3A_244 : memref<1x128xi32, #tpu.memory_space<vmem>> -> memref<128xi32, #tpu.memory_space<vmem>>
      %dma_wait3A_246 = arith.constant 0 : i32
      %dma_wait3A_247 = arith.constant 0 : i32
      %dma_wait3A_248 = tpu.memref_slice %arg2[%dma_wait3A_246, %dma_wait3A_247] : memref<10000x128xf32, #tpu.memory_space<hbm>> -> memref<10000x128xf32, #tpu.memory_space<hbm>>
      tpu.wait_indirect_dma semaphore(%arg9 : memref<!tpu.dma_semaphore, #tpu.memory_space<semaphore_mem>>) src(%dma_wait3A_248 : memref<10000x128xf32, #tpu.memory_space<hbm>>) dst(%arg7 : memref<128x128xf32, #tpu.memory_space<vmem>>)
      %run_scoped3A_249 = arith.constant 29 : i32
      "tpu.region"() ({
        %run_scoped3A_258 = tpu.sem_alloc : memref<!tpu.dma_semaphore, #tpu.memory_space<semaphore_mem>>
        %dma_start3A_259 = arith.constant 0 : i32
        %dma_start3A_260 = tpu.memref_slice %arg6[%run_scoped3A_249, %dma_start3A_259] : memref<32x128xi32, #tpu.memory_space<vmem>> -> memref<1x128xi32, #tpu.memory_space<vmem>>
        %dma_start3A_261 = tpu.memref_squeeze %dma_start3A_260 : memref<1x128xi32, #tpu.memory_space<vmem>> -> memref<128xi32, #tpu.memory_space<vmem>>
        %dma_start3A_262 = arith.constant 0 : i32
        %dma_start3A_263 = arith.constant 0 : i32
        %dma_start3A_264 = tpu.memref_slice %arg11[%dma_start3A_262, %dma_start3A_263] : memref<10240x128xf32, #tpu.memory_space<vmem_shared>> -> memref<10240x128xf32, #tpu.memory_space<vmem_shared>>
        tpu.enqueue_indirect_dma source(%arg7 : memref<128x128xf32, #tpu.memory_space<vmem>>) target(%dma_start3A_264 : memref<10240x128xf32, #tpu.memory_space<vmem_shared>>) offsets(%dma_start3A_261 : memref<128xi32, #tpu.memory_space<vmem>>) semaphore(%run_scoped3A_258 : memref<!tpu.dma_semaphore, #tpu.memory_space<semaphore_mem>>) {add = true}
        %dma_wait3A_265 = arith.constant 0 : i32
        %dma_wait3A_266 = tpu.memref_slice %arg6[%run_scoped3A_249, %dma_wait3A_265] : memref<32x128xi32, #tpu.memory_space<vmem>> -> memref<1x128xi32, #tpu.memory_space<vmem>>
        %dma_wait3A_267 = tpu.memref_squeeze %dma_wait3A_266 : memref<1x128xi32, #tpu.memory_space<vmem>> -> memref<128xi32, #tpu.memory_space<vmem>>
        %dma_wait3A_268 = arith.constant 0 : i32
        %dma_wait3A_269 = arith.constant 0 : i32
        %dma_wait3A_270 = tpu.memref_slice %arg11[%dma_wait3A_268, %dma_wait3A_269] : memref<10240x128xf32, #tpu.memory_space<vmem_shared>> -> memref<10240x128xf32, #tpu.memory_space<vmem_shared>>
        tpu.wait_indirect_dma semaphore(%run_scoped3A_258 : memref<!tpu.dma_semaphore, #tpu.memory_space<semaphore_mem>>) src(%arg7 : memref<128x128xf32, #tpu.memory_space<vmem>>) dst(%dma_wait3A_270 : memref<10240x128xf32, #tpu.memory_space<vmem_shared>>)
        tpu.yield
      }) : () -> ()
      %dma_wait3A_250 = arith.constant 0 : i32
      %dma_wait3A_251 = arith.constant 0 : i32
      %dma_wait3A_252 = tpu.memref_slice %arg6[%dma_wait3A_250, %dma_wait3A_251] : memref<32x128xi32, #tpu.memory_space<vmem>> -> memref<1x128xi32, #tpu.memory_space<vmem>>
      %dma_wait3A_253 = tpu.memref_squeeze %dma_wait3A_252 : memref<1x128xi32, #tpu.memory_space<vmem>> -> memref<128xi32, #tpu.memory_space<vmem>>
      %dma_wait3A_254 = arith.constant 0 : i32
      %dma_wait3A_255 = arith.constant 0 : i32
      %dma_wait3A_256 = tpu.memref_slice %arg2[%dma_wait3A_254, %dma_wait3A_255] : memref<10000x128xf32, #tpu.memory_space<hbm>> -> memref<10000x128xf32, #tpu.memory_space<hbm>>
      tpu.wait_indirect_dma semaphore(%arg10 : memref<!tpu.dma_semaphore, #tpu.memory_space<semaphore_mem>>) src(%dma_wait3A_256 : memref<10000x128xf32, #tpu.memory_space<hbm>>) dst(%arg8 : memref<128x128xf32, #tpu.memory_space<vmem>>)
      %run_scoped3A_257 = arith.constant 31 : i32
      "tpu.region"() ({
        %run_scoped3A_258 = tpu.sem_alloc : memref<!tpu.dma_semaphore, #tpu.memory_space<semaphore_mem>>
        %dma_start3A_259 = arith.constant 0 : i32
        %dma_start3A_260 = tpu.memref_slice %arg6[%run_scoped3A_257, %dma_start3A_259] : memref<32x128xi32, #tpu.memory_space<vmem>> -> memref<1x128xi32, #tpu.memory_space<vmem>>
        %dma_start3A_261 = tpu.memref_squeeze %dma_start3A_260 : memref<1x128xi32, #tpu.memory_space<vmem>> -> memref<128xi32, #tpu.memory_space<vmem>>
        %dma_start3A_262 = arith.constant 0 : i32
        %dma_start3A_263 = arith.constant 0 : i32
        %dma_start3A_264 = tpu.memref_slice %arg11[%dma_start3A_262, %dma_start3A_263] : memref<10240x128xf32, #tpu.memory_space<vmem_shared>> -> memref<10240x128xf32, #tpu.memory_space<vmem_shared>>
        tpu.enqueue_indirect_dma source(%arg8 : memref<128x128xf32, #tpu.memory_space<vmem>>) target(%dma_start3A_264 : memref<10240x128xf32, #tpu.memory_space<vmem_shared>>) offsets(%dma_start3A_261 : memref<128xi32, #tpu.memory_space<vmem>>) semaphore(%run_scoped3A_258 : memref<!tpu.dma_semaphore, #tpu.memory_space<semaphore_mem>>) {add = true}
        %dma_wait3A_265 = arith.constant 0 : i32
        %dma_wait3A_266 = tpu.memref_slice %arg6[%run_scoped3A_257, %dma_wait3A_265] : memref<32x128xi32, #tpu.memory_space<vmem>> -> memref<1x128xi32, #tpu.memory_space<vmem>>
        %dma_wait3A_267 = tpu.memref_squeeze %dma_wait3A_266 : memref<1x128xi32, #tpu.memory_space<vmem>> -> memref<128xi32, #tpu.memory_space<vmem>>
        %dma_wait3A_268 = arith.constant 0 : i32
        %dma_wait3A_269 = arith.constant 0 : i32
        %dma_wait3A_270 = tpu.memref_slice %arg11[%dma_wait3A_268, %dma_wait3A_269] : memref<10240x128xf32, #tpu.memory_space<vmem_shared>> -> memref<10240x128xf32, #tpu.memory_space<vmem_shared>>
        tpu.wait_indirect_dma semaphore(%run_scoped3A_258 : memref<!tpu.dma_semaphore, #tpu.memory_space<semaphore_mem>>) src(%arg8 : memref<128x128xf32, #tpu.memory_space<vmem>>) dst(%dma_wait3A_270 : memref<10240x128xf32, #tpu.memory_space<vmem_shared>>)
        tpu.yield
      }) : () -> ()
    }
    %scan3A_9 = arith.constant 5 : i32
    %barrier3A_10 = arith.constant 0 : index
    tpu.barrier barrier_id(%barrier3A_10)
    %mul3A_11 = arith.constant 640 : i32
    %mul3A_12 = arith.muli %arg1, %mul3A_11 : i32
    %mul3A_13 = arith.constant 640 : i32
    %mul3A_14 = arith.muli %arg1, %mul3A_13 : i32
    "tpu.region"() ({
      %run_scoped3A = tpu.sem_alloc : memref<!tpu.dma_semaphore, #tpu.memory_space<semaphore_mem>>
      %dma_start3A = arith.constant 0 : i32
      %dma_start3A_15 = tpu.memref_slice %arg5[%arg0, %mul3A_14, %dma_start3A] : memref<2x10240x128xf32, #tpu.memory_space<hbm>> -> memref<1x640x128xf32, #tpu.memory_space<hbm>>
      %dma_start3A_16 = tpu.memref_squeeze %dma_start3A_15 : memref<1x640x128xf32, #tpu.memory_space<hbm>> -> memref<640x128xf32, #tpu.memory_space<hbm>>
      %dma_start3A_17 = arith.constant 0 : i32
      %dma_start3A_18 = tpu.memref_slice %arg11[%mul3A_12, %dma_start3A_17] : memref<10240x128xf32, #tpu.memory_space<vmem_shared>> -> memref<640x128xf32, #tpu.memory_space<vmem_shared>>
      tpu.enqueue_dma source(%dma_start3A_18 : memref<640x128xf32, #tpu.memory_space<vmem_shared>>) target(%dma_start3A_16 : memref<640x128xf32, #tpu.memory_space<hbm>>) target_semaphore(%run_scoped3A : memref<!tpu.dma_semaphore, #tpu.memory_space<semaphore_mem>>)
      %dma_wait3A = arith.constant 0 : i32
      %dma_wait3A_19 = tpu.memref_slice %arg5[%arg0, %mul3A_14, %dma_wait3A] : memref<2x10240x128xf32, #tpu.memory_space<hbm>> -> memref<1x640x128xf32, #tpu.memory_space<hbm>>
      %dma_wait3A_20 = tpu.memref_squeeze %dma_wait3A_19 : memref<1x640x128xf32, #tpu.memory_space<hbm>> -> memref<640x128xf32, #tpu.memory_space<hbm>>
      %dma_wait3A_21 = arith.constant 0 : i32
      %dma_wait3A_22 = tpu.memref_slice %arg11[%mul3A_12, %dma_wait3A_21] : memref<10240x128xf32, #tpu.memory_space<vmem_shared>> -> memref<640x128xf32, #tpu.memory_space<vmem_shared>>
      tpu.wait_dma2 semaphore(%run_scoped3A : memref<!tpu.dma_semaphore, #tpu.memory_space<semaphore_mem>>) src(%dma_wait3A_22 : memref<640x128xf32, #tpu.memory_space<vmem_shared>>) dst(%dma_wait3A_20 : memref<640x128xf32, #tpu.memory_space<hbm>>)
      tpu.yield
    }) : () -> ()
    return
  }
}

module attributes {stable_mosaic.version = 14 : i64} {
  func.func @_fuse_body(%arg0: i32, %arg1: memref<2x2000x128xf32, #tpu.memory_space<vmem>>, %arg2: memref<2000x128xf32, #tpu.memory_space<vmem>>, %arg3: memref<128x128xf32, #tpu.memory_space<vmem>>, %arg4: memref<1x128xf32, #tpu.memory_space<vmem>>, %arg5: memref<2x2000x1xf32, #tpu.memory_space<vmem>>, %arg6: memref<2000x128xf32, #tpu.memory_space<vmem>>) attributes {dimension_semantics = [#tpu.dimension_semantics<arbitrary>], iteration_bounds = array<i64: 5>, scalar_prefetch = 0 : i64, scratch_operands = 0 : i64, tpu.core_type = #tpu.core_type<tc>, window_params = [{transform_indices = @transform_0, window_bounds = array<i64: 2, 2000, 128>}, {transform_indices = @transform_1, window_bounds = array<i64: 2000, 128>}, {pipeline_mode = #tpu.pipeline_mode<synchronous>, transform_indices = @transform_2, window_bounds = array<i64: 128, 128>}, {pipeline_mode = #tpu.pipeline_mode<synchronous>, transform_indices = @transform_3, window_bounds = array<i64: 1, 128>}, {transform_indices = @transform_4, window_bounds = array<i64: 2, 2000, 1>}, {transform_indices = @transform_5, window_bounds = array<i64: 2000, 128>}]} {
    %get3A = arith.constant 0 : index
    %get3A_0 = arith.constant 0 : index
    %get3A_1 = arith.constant 0 : index
    %get3A_2 = vector.load %arg1[%get3A, %get3A_0, %get3A_1] : memref<2x2000x128xf32, #tpu.memory_space<vmem>>, vector<1x2000x128xf32>
    %get3A_3 = vector.shape_cast %get3A_2 : vector<1x2000x128xf32> to vector<2000x128xf32>
    %get3A_4 = arith.constant 1 : index
    %get3A_5 = arith.constant 0 : index
    %get3A_6 = arith.constant 0 : index
    %get3A_7 = vector.load %arg1[%get3A_4, %get3A_5, %get3A_6] : memref<2x2000x128xf32, #tpu.memory_space<vmem>>, vector<1x2000x128xf32>
    %get3A_8 = vector.shape_cast %get3A_7 : vector<1x2000x128xf32> to vector<2000x128xf32>
    %add3A = arith.addf %get3A_3, %get3A_8 : vector<2000x128xf32>
    %get3A_9 = arith.constant 0 : index
    %get3A_10 = arith.constant 0 : index
    %get3A_11 = vector.load %arg3[%get3A_9, %get3A_10] : memref<128x128xf32, #tpu.memory_space<vmem>>, vector<128x128xf32>
    %dot_general3A = arith.constant dense<0.000000e+00> : vector<2000x128xf32>
    %dot_general3A_12 = tpu.matmul %add3A, %get3A_11, %dot_general3A {dimension_numbers = #tpu.dot_dimension_numbers<[1], [0], [0], [1], [0, 0, 1, 1], [], []>, transpose_lhs_hint = false} : vector<2000x128xf32>, vector<128x128xf32>, vector<2000x128xf32> -> vector<2000x128xf32>
    %get3A_13 = arith.constant 0 : index
    %get3A_14 = arith.constant 0 : index
    %get3A_15 = arith.constant 0 : index
    %get3A_16 = vector.load %arg5[%get3A_13, %get3A_14, %get3A_15] : memref<2x2000x1xf32, #tpu.memory_space<vmem>>, vector<1x2000x1xf32>
    %get3A_17 = vector.shape_cast %get3A_16 : vector<1x2000x1xf32> to vector<2000x1xf32>
    %get3A_18 = arith.constant 1 : index
    %get3A_19 = arith.constant 0 : index
    %get3A_20 = arith.constant 0 : index
    %get3A_21 = vector.load %arg5[%get3A_18, %get3A_19, %get3A_20] : memref<2x2000x1xf32, #tpu.memory_space<vmem>>, vector<1x2000x1xf32>
    %get3A_22 = vector.shape_cast %get3A_21 : vector<1x2000x1xf32> to vector<2000x1xf32>
    %add3A_23 = arith.addf %get3A_17, %get3A_22 : vector<2000x1xf32>
    %gt3A = arith.constant 0.000000e+00 : f32
    %gt3A_24 = vector.broadcast %gt3A : f32 to vector<2000x1xf32>
    %gt3A_25 = arith.cmpf ogt, %add3A_23, %gt3A_24 : vector<2000x1xf32>
    %jit3A = arith.constant 1.000000e+00 : f32
    %broadcast_in_dim3A = vector.broadcast %jit3A : f32 to vector<2000x1xf32>
    %select_n3A = arith.select %gt3A_25, %add3A_23, %broadcast_in_dim3A : vector<2000x1xi1>, vector<2000x1xf32>
    %get3A_26 = arith.constant 0 : index
    %get3A_27 = arith.constant 0 : index
    %get3A_28 = vector.load %arg2[%get3A_26, %get3A_27] : memref<2000x128xf32, #tpu.memory_space<vmem>>, vector<2000x128xf32>
    %div3A = vector.broadcast %select_n3A : vector<2000x1xf32> to vector<2000x128xf32>
    %div3A_29 = arith.divf %dot_general3A_12, %div3A : vector<2000x128xf32>
    %get3A_30 = arith.constant 0 : index
    %get3A_31 = arith.constant 0 : index
    %get3A_32 = vector.load %arg4[%get3A_30, %get3A_31] : memref<1x128xf32, #tpu.memory_space<vmem>>, vector<1x128xf32>
    %add3A_33 = vector.broadcast %get3A_32 : vector<1x128xf32> to vector<2000x128xf32>
    %add3A_34 = arith.addf %div3A_29, %add3A_33 : vector<2000x128xf32>
    %max3A = arith.constant 0.000000e+00 : f32
    %max3A_35 = vector.broadcast %max3A : f32 to vector<2000x128xf32>
    %max3A_36 = arith.maximumf %add3A_34, %max3A_35 : vector<2000x128xf32>
    %add3A_37 = arith.addf %get3A_28, %max3A_36 : vector<2000x128xf32>
    %swap3A = arith.constant 0 : index
    %swap3A_38 = arith.constant 0 : index
    %swap3A_39 = vector.load %arg6[%swap3A, %swap3A_38] : memref<2000x128xf32, #tpu.memory_space<vmem>>, vector<2000x128xf32>
    tpu.vector_store %arg6[%swap3A, %swap3A_38], %add3A_37 {strides = array<i32>} : memref<2000x128xf32, #tpu.memory_space<vmem>>, vector<2000x128xf32>,
    return
  }
  func.func @transform_0(%arg0: i32) -> (i32, i32, i32) {
    %c0_i32 = arith.constant 0 : i32
    %c0_i32_0 = arith.constant 0 : i32
    %c0_i32_1 = arith.constant 0 : i32
    return %c0_i32, %arg0, %c0_i32_0 : i32, i32, i32
  }
  func.func @transform_1(%arg0: i32) -> (i32, i32) {
    %c0_i32 = arith.constant 0 : i32
    %c0_i32_0 = arith.constant 0 : i32
    return %arg0, %c0_i32 : i32, i32
  }
  func.func @transform_2(%arg0: i32) -> (i32, i32) {
    %c0_i32 = arith.constant 0 : i32
    %c0_i32_0 = arith.constant 0 : i32
    %c0_i32_1 = arith.constant 0 : i32
    return %c0_i32, %c0_i32_0 : i32, i32
  }
  func.func @transform_3(%arg0: i32) -> (i32, i32) {
    %c0_i32 = arith.constant 0 : i32
    %c0_i32_0 = arith.constant 0 : i32
    %c0_i32_1 = arith.constant 0 : i32
    return %c0_i32, %c0_i32_0 : i32, i32
  }
  func.func @transform_4(%arg0: i32) -> (i32, i32, i32) {
    %c0_i32 = arith.constant 0 : i32
    %c0_i32_0 = arith.constant 0 : i32
    %c0_i32_1 = arith.constant 0 : i32
    return %c0_i32, %arg0, %c0_i32_0 : i32, i32, i32
  }
  func.func @transform_5(%arg0: i32) -> (i32, i32) {
    %c0_i32 = arith.constant 0 : i32
    %c0_i32_0 = arith.constant 0 : i32
    return %arg0, %c0_i32 : i32, i32
  }
}

module attributes {stable_mosaic.version = 14 : i64} {
  func.func @_fuse_body(%arg0: i32, %arg1: memref<2x2000x128xf32, #tpu.memory_space<vmem>>, %arg2: memref<2000x128xf32, #tpu.memory_space<vmem>>, %arg3: memref<128x128xf32, #tpu.memory_space<vmem>>, %arg4: memref<1x128xf32, #tpu.memory_space<vmem>>, %arg5: memref<2x2000x1xf32, #tpu.memory_space<vmem>>, %arg6: memref<2000x128xf32, #tpu.memory_space<vmem>>) attributes {dimension_semantics = [#tpu.dimension_semantics<arbitrary>], iteration_bounds = array<i64: 5>, scalar_prefetch = 0 : i64, scratch_operands = 0 : i64, tpu.core_type = #tpu.core_type<tc>, window_params = [{transform_indices = @transform_0, window_bounds = array<i64: 2, 2000, 128>}, {transform_indices = @transform_1, window_bounds = array<i64: 2000, 128>}, {pipeline_mode = #tpu.pipeline_mode<synchronous>, transform_indices = @transform_2, window_bounds = array<i64: 128, 128>}, {pipeline_mode = #tpu.pipeline_mode<synchronous>, transform_indices = @transform_3, window_bounds = array<i64: 1, 128>}, {transform_indices = @transform_4, window_bounds = array<i64: 2, 2000, 1>}, {transform_indices = @transform_5, window_bounds = array<i64: 2000, 128>}]} {
    %get3A = arith.constant 0 : index
    %get3A_0 = arith.constant 0 : index
    %get3A_1 = arith.constant 0 : index
    %get3A_2 = vector.load %arg1[%get3A, %get3A_0, %get3A_1] : memref<2x2000x128xf32, #tpu.memory_space<vmem>>, vector<1x2000x128xf32>
    %get3A_3 = vector.shape_cast %get3A_2 : vector<1x2000x128xf32> to vector<2000x128xf32>
    %get3A_4 = arith.constant 1 : index
    %get3A_5 = arith.constant 0 : index
    %get3A_6 = arith.constant 0 : index
    %get3A_7 = vector.load %arg1[%get3A_4, %get3A_5, %get3A_6] : memref<2x2000x128xf32, #tpu.memory_space<vmem>>, vector<1x2000x128xf32>
    %get3A_8 = vector.shape_cast %get3A_7 : vector<1x2000x128xf32> to vector<2000x128xf32>
    %add3A = arith.addf %get3A_3, %get3A_8 : vector<2000x128xf32>
    %get3A_9 = arith.constant 0 : index
    %get3A_10 = arith.constant 0 : index
    %get3A_11 = vector.load %arg3[%get3A_9, %get3A_10] : memref<128x128xf32, #tpu.memory_space<vmem>>, vector<128x128xf32>
    %dot_general3A = arith.constant dense<0.000000e+00> : vector<2000x128xf32>
    %dot_general3A_12 = tpu.matmul %add3A, %get3A_11, %dot_general3A {dimension_numbers = #tpu.dot_dimension_numbers<[1], [0], [0], [1], [0, 0, 1, 1], [], []>, transpose_lhs_hint = false} : vector<2000x128xf32>, vector<128x128xf32>, vector<2000x128xf32> -> vector<2000x128xf32>
    %get3A_13 = arith.constant 0 : index
    %get3A_14 = arith.constant 0 : index
    %get3A_15 = arith.constant 0 : index
    %get3A_16 = vector.load %arg5[%get3A_13, %get3A_14, %get3A_15] : memref<2x2000x1xf32, #tpu.memory_space<vmem>>, vector<1x2000x1xf32>
    %get3A_17 = vector.shape_cast %get3A_16 : vector<1x2000x1xf32> to vector<2000x1xf32>
    %get3A_18 = arith.constant 1 : index
    %get3A_19 = arith.constant 0 : index
    %get3A_20 = arith.constant 0 : index
    %get3A_21 = vector.load %arg5[%get3A_18, %get3A_19, %get3A_20] : memref<2x2000x1xf32, #tpu.memory_space<vmem>>, vector<1x2000x1xf32>
    %get3A_22 = vector.shape_cast %get3A_21 : vector<1x2000x1xf32> to vector<2000x1xf32>
    %add3A_23 = arith.addf %get3A_17, %get3A_22 : vector<2000x1xf32>
    %gt3A = arith.constant 0.000000e+00 : f32
    %gt3A_24 = vector.broadcast %gt3A : f32 to vector<2000x1xf32>
    %gt3A_25 = arith.cmpf ogt, %add3A_23, %gt3A_24 : vector<2000x1xf32>
    %jit3A = arith.constant 1.000000e+00 : f32
    %broadcast_in_dim3A = vector.broadcast %jit3A : f32 to vector<2000x1xf32>
    %select_n3A = arith.select %gt3A_25, %add3A_23, %broadcast_in_dim3A : vector<2000x1xi1>, vector<2000x1xf32>
    %get3A_26 = arith.constant 0 : index
    %get3A_27 = arith.constant 0 : index
    %get3A_28 = vector.load %arg2[%get3A_26, %get3A_27] : memref<2000x128xf32, #tpu.memory_space<vmem>>, vector<2000x128xf32>
    %div3A = vector.broadcast %select_n3A : vector<2000x1xf32> to vector<2000x128xf32>
    %div3A_29 = arith.divf %dot_general3A_12, %div3A : vector<2000x128xf32>
    %get3A_30 = arith.constant 0 : index
    %get3A_31 = arith.constant 0 : index
    %get3A_32 = vector.load %arg4[%get3A_30, %get3A_31] : memref<1x128xf32, #tpu.memory_space<vmem>>, vector<1x128xf32>
    %add3A_33 = vector.broadcast %get3A_32 : vector<1x128xf32> to vector<2000x128xf32>
    %add3A_34 = arith.addf %div3A_29, %add3A_33 : vector<2000x128xf32>
    %max3A = arith.constant 0.000000e+00 : f32
    %max3A_35 = vector.broadcast %max3A : f32 to vector<2000x128xf32>
    %max3A_36 = arith.maximumf %add3A_34, %max3A_35 : vector<2000x128xf32>
    %add3A_37 = arith.addf %get3A_28, %max3A_36 : vector<2000x128xf32>
    %swap3A = arith.constant 0 : index
    %swap3A_38 = arith.constant 0 : index
    %swap3A_39 = vector.load %arg6[%swap3A, %swap3A_38] : memref<2000x128xf32, #tpu.memory_space<vmem>>, vector<2000x128xf32>
    tpu.vector_store %arg6[%swap3A, %swap3A_38], %add3A_37 {strides = array<i32>} : memref<2000x128xf32, #tpu.memory_space<vmem>>, vector<2000x128xf32>,
    return
  }
  func.func @transform_0(%arg0: i32) -> (i32, i32, i32) {
    %c0_i32 = arith.constant 0 : i32
    %c0_i32_0 = arith.constant 0 : i32
    %c0_i32_1 = arith.constant 0 : i32
    return %c0_i32, %arg0, %c0_i32_0 : i32, i32, i32
  }
  func.func @transform_1(%arg0: i32) -> (i32, i32) {
    %c0_i32 = arith.constant 0 : i32
    %c0_i32_0 = arith.constant 0 : i32
    return %arg0, %c0_i32 : i32, i32
  }
  func.func @transform_2(%arg0: i32) -> (i32, i32) {
    %c0_i32 = arith.constant 0 : i32
    %c0_i32_0 = arith.constant 0 : i32
    %c0_i32_1 = arith.constant 0 : i32
    return %c0_i32, %c0_i32_0 : i32, i32
  }
  func.func @transform_3(%arg0: i32) -> (i32, i32) {
    %c0_i32 = arith.constant 0 : i32
    %c0_i32_0 = arith.constant 0 : i32
    %c0_i32_1 = arith.constant 0 : i32
    return %c0_i32, %c0_i32_0 : i32, i32
  }
  func.func @transform_4(%arg0: i32) -> (i32, i32, i32) {
    %c0_i32 = arith.constant 0 : i32
    %c0_i32_0 = arith.constant 0 : i32
    %c0_i32_1 = arith.constant 0 : i32
    return %c0_i32, %arg0, %c0_i32_0 : i32, i32, i32
  }
  func.func @transform_5(%arg0: i32) -> (i32, i32) {
    %c0_i32 = arith.constant 0 : i32
    %c0_i32_0 = arith.constant 0 : i32
    return %arg0, %c0_i32 : i32, i32
  }
}

</mosaic_0001>

<sc_bundles>
// kernel: kernel.12.cloned.1.call-start
scs
__scs_entry_jumppad:
0x0: {  	(pc) =	sbr.rel $0x88, $3  }
0x1: {  	(tag) =	ssettag $0x0;
	lr =	simm.s32 $0x1  }
0x2: {  	[smem:$0x3F9D] =	sst lr;
	_ =	strace $0xD0000000  }
0x3: {  	_ = 	snop  }
0x4: {  	_ = 	snop  }
0x5: {  	_ = 	snop  }
0x6: {  	_ = 	snop  }
0x7: {  	_ = 	snop  }
__scs_overlays_trampoline_lowered:
0x8: {  	[smem:$0x3FAC] =	sst s0  }
0x9: {  	[smem:$0x3FAD] =	sst s1  }
0xa: {  	[smem:$0x3FAE] =	sst s2  }
0xb: {  	[smem:$0x3FAF] =	sst s3  }
0xc: {  	[smem:$0x3FB0] =	sst s4  }
0xd: {  	[smem:$0x3FB1] =	sst s5  }
0xe: {  	[smem:$0x3FB2] =	sst s6  }
0xf: {  	[smem:$0x3FB3] =	sst s7  }
0x10: {  	[smem:$0x3FB4] =	sst s8  }
0x11: {  	[smem:$0x3FB5] =	sst s9;
	s0 =	simm.s32 @!p0 $0x0  }
0x12: {  	s1 =	sld [smem:$0x3F9B];
	s0 =	simm.s32 @p0 $0x1  }
0x13: {  	[smem:$0x3FB6] =	sst s0;
	s0 =	simm.s32 @!p1 $0x0  }
0x14: {  	s2 =	sld [smem:$0x3F9A];
	s0 =	simm.s32 @p1 $0x1  }
0x15: {  	[smem:$0x3FB7] =	sst s0;
	s0 =	simm.s32 @!p2 $0x0  }
0x16: {  	s3 =	sld [smem:$0x3FDB];
	s0 =	simm.s32 @p2 $0x1  }
0x17: {  	s4 =	simm.s32 $0x1BF5;
	[smem:$0x3FB9] =	sst s0  }
0x18: {  	s0 =	sld [smem:$0x3F9C];
	_ =	swait.ge [sflag:s4], $0x0  }
0x19: {  	s7 =	sld [smem:$0x3F9D]  }
0x1a: {  	s8 =	sadd.s32 $0xFFFFE003, lr  }
0x1b: {  	s9 =	sadd.s32 $0xFFFFFEF7, lr;
	s5 =	simm.s32 $0xFFFFFFFF;
	p2 =	slt.u32 s8, $0xFFFFF086  }
0x1c: {  	p1 =	slt.u32 s9, $0xF7A;
	s5 =	simm.s32 @!p2 $0x0  }
0x1d: {  	s5 =	simm.s32 @p1 $0x1;
	p0 =	seq.s32 s7, s2  }
0x1e: {  	s7 =	smul.u32 @!p0 $0xF7A, s2;
	p2 =	seq.s32 @!p0 s5, $0x0  }
0x1f: {  	s9 =	smul.u32 $0xF7A, s1;
	s8 =	simm.s32 @!p0 $0x1BF5;
	p2 =	por !p2, p0  }
0x20: {  	[sflag:s8] =	ssyncset.s32 @!p0 $0xFFFFF086;
	s6 =	sadd.s32 @!p0 s3, s7;
	s7 =	simm.s32 @!p0 $0x108  }
0x21: {  	s3 =	sadd.s32 s3, s9;
	s6 =	sadd.s32 @!p0 $0x88, s6;
	s7 =	simm.s32 @p2 $0x1082  }
0x22: {  	[simem:s7], [sflag:s8] =	dma.local @!p0 [hbm:s6], $0xF7A  }
0x23: {  	s9 =	sor.u32 $0xD0000000, s2;
	s6 =	simm.s32 $0x108;
	_ =	swait.ge @!p0 [sflag:s8], $0x0  }
0x24: {  	s3 =	sadd.s32 $0x88, s3;
	s6 =	simm.s32 @!p1 $0x1082;
	[sflag:s4] =	ssyncset.s32 $0xFFFFF086  }
0x25: {  	[simem:s6], [sflag:s4] =	dma.local [hbm:s3], $0xF7A  }
0x26: {  	[smem:$0x3F9D] =	sst s1;
	(tag) =	ssettag s2;
	_ =	strace s9  }
0x27: {  	s1 =	sld [smem:$0x3FAD]  }
0x28: {  	s2 =	sld [smem:$0x3FAE]  }
0x29: {  	s4 =	sld [smem:$0x3FB0]  }
0x2a: {  	p0 =	seq.s32 s5, $0x0;
	s5 =	sld [smem:$0x3FB1]  }
0x2b: {  	s6 =	sld [smem:$0x3FB2]  }
0x2c: {  	s7 =	sld [smem:$0x3FB3]  }
0x2d: {  	s3 =	simm.s32 $0x108;
	s8 =	sld [smem:$0x3FB4]  }
0x2e: {  	s3 =	simm.s32 @!p0 $0x1082;
	s9 =	sld [smem:$0x3FB5]  }
0x2f: {  	lr =	sadd.s32 s0, s3;
	s0 =	sld [smem:$0x3FAC]  }
0x30: {  	s3 =	sld [smem:$0x3FAF]  }
0x31: {  	[smem:$0x3FB8] =	sst s10  }
0x32: {  	s10 =	sld [smem:$0x3FB6];
	_ =	sdelay $0x3  }
0x33: {  	p0 =	seq.s32 s10, $0x1;
	s10 =	sld [smem:$0x3FB8];
	_ =	sdelay $0x3  }
0x34: {  	[smem:$0x3FB8] =	sst s10  }
0x35: {  	s10 =	sld [smem:$0x3FB7];
	_ =	sdelay $0x3  }
0x36: {  	p1 =	seq.s32 s10, $0x1;
	s10 =	sld [smem:$0x3FB8];
	_ =	sdelay $0x3  }
0x37: {  	[smem:$0x3FB8] =	sst s10  }
0x38: {  	s10 =	sld [smem:$0x3FB9]  }
0x39: {  	_ = 	snop;
	(pc) =	sbr.ind lr, $3  }
0x3a: {  	_ = 	snop  }
0x3b: {  	_ = 	snop  }
0x3c: {  	p2 =	seq.s32 s10, $0x1;
	s10 =	sld [smem:$0x3FB8]  }
0x3d: {  	_ =	shalt  }
0x3e: {  	_ =	shalt  }
0x3f: {  	_ =	shalt  }
0x40: {  	_ =	shalt  }
0x41: {  	_ =	shalt  }
0x42: {  	_ =	shalt  }
0x43: {  	_ =	shalt  }
0x44: {  	_ =	shalt  }
0x45: {  	_ =	shalt  }
0x46: {  	_ =	shalt  }
0x47: {  	_ =	shalt  }
0x48: {  	_ =	shalt  }
0x49: {  	_ =	shalt  }
0x4a: {  	_ =	shalt  }
0x4b: {  	_ =	shalt  }
0x4c: {  	_ =	shalt  }
0x4d: {  	_ =	shalt  }
0x4e: {  	_ =	shalt  }
0x4f: {  	_ =	shalt  }
0x50: {  	_ =	shalt  }
0x51: {  	_ =	shalt  }
0x52: {  	_ =	shalt  }
0x53: {  	_ =	shalt  }
0x54: {  	_ =	shalt  }
0x55: {  	_ =	shalt  }
0x56: {  	_ =	shalt  }
0x57: {  	_ =	shalt  }
0x58: {  	_ =	shalt  }
0x59: {  	_ =	shalt  }
0x5a: {  	_ =	shalt  }
0x5b: {  	_ =	shalt  }
0x5c: {  	_ =	shalt  }
0x5d: {  	_ =	shalt  }
0x5e: {  	_ =	shalt  }
0x5f: {  	_ =	shalt  }
0x60: {  	_ =	shalt  }
0x61: {  	_ =	shalt  }
0x62: {  	_ =	shalt  }
0x63: {  	_ =	shalt  }
0x64: {  	_ =	shalt  }
0x65: {  	_ =	shalt  }
0x66: {  	_ =	shalt  }
0x67: {  	_ =	shalt  }
0x68: {  	_ =	shalt  }
0x69: {  	_ =	shalt  }
0x6a: {  	_ =	shalt  }
0x6b: {  	_ =	shalt  }
0x6c: {  	_ =	shalt  }
0x6d: {  	_ =	shalt  }
0x6e: {  	_ =	shalt  }
0x6f: {  	_ =	shalt  }
0x70: {  	_ =	shalt  }
0x71: {  	_ =	shalt  }
0x72: {  	_ =	shalt  }
0x73: {  	_ =	shalt  }
0x74: {  	_ =	shalt  }
0x75: {  	_ =	shalt  }
0x76: {  	_ =	shalt  }
0x77: {  	_ =	shalt  }
0x78: {  	_ =	shalt  }
0x79: {  	_ =	shalt  }
0x7a: {  	_ =	shalt  }
0x7b: {  	_ =	shalt  }
0x7c: {  	_ =	shalt  }
0x7d: {  	_ =	shalt  }
0x7e: {  	_ =	shalt  }
0x7f: {  	_ =	shalt  }
0x80: {  	_ =	shalt  }
0x81: {  	_ =	shalt  }
0x82: {  	_ =	shalt  }
0x83: {  	_ =	shalt  }
0x84: {  	_ =	shalt  }
0x85: {  	_ =	shalt  }
0x86: {  	_ =	shalt  }
0x87: {  	_ =	shalt  }
.Lfunc_end0:
.L_simem_size_0:
called_computation.1_lowered:
.L_overlay_start_0:
0x88: {  	s2 =	sld [smem:$0x3FD9]  }
0x89: {  	s3 =	sld [smem:$0x3FFE];
	_ =	sdelay $0x1  }
0x8a: {  	s1 =	srdreg.scid  }
0x8b: {  	s0 =	sand.u32 $0x1, s1  }
0x8c: {  	s17 =	sshll.u32 s0, $0xA;
	s2 =	sadd.s32 s3, s2  }
0x8d: {  	s2 =	sadd.s32 s2, s17  }
0x8e: {  	[smem:$0x3FC4] =	sst s2  }
0x8f: {  	_ = 	snop  }
0x90: {  	s18 =	sld [smem:$0x3FC9];
	(tm) =	ssettm $0x1  }
0x91: {  	s19 =	sld [smem:$0x3FFB];
	_ =	sdelay $0x3  }
0x92: {  	_ =	strace s19  }
0x93: {  	s2 =	sld [smem:$0x3FFC];
	_ =	sdelay $0x3  }
0x94: {  	_ =	strace s2  }
0x95: {  	s2 =	sld [smem:$0x3FFD];
	_ =	sdelay $0x3  }
0x96: {  	_ =	strace s2  }
0x97: {  	_ =	strace $0x8FFFFFFF  }
0x98: {  	s20 =	sld [smem:$0x3FDB];
	_ =	sdelay $0x1  }
0x99: {  	s4 =	simm.s32 $_scs_section_size  }
0x9a: {  	s5 =	simm.s32 $_size__tile_overlayer_lowered;
	s6 =	simm.s32 $_tile_overlayer_lowered  }
0x9b: {  	s7 =	simm.s32 $0x1BFF;
	s21 =	sshll.u32 s6, $0x1;
	s4 =	sadd.s32 s4, s20  }
0x9c: {  	s22 =	simm.s32 $0x0;
	s5 =	sshll.u32 s5, $0x1;
	s6 =	sadd.s32 s21, s4  }
0x9d: {  	[timem:s22], [sflag:s7] =	dma.local [hbm:s6], s5  }
0x9e: {  	_ =	swait.ge [sflag:s7], s5  }
0x9f: {  	s5 =	ssub.s32 $0x0, s5;
	[sflag:s7] =	ssyncset.done $0x0  }
0xa0: {  	[sflag:s7] =	ssyncadd.s32 s5;
	_ =	sdelay $0x1  }
0xa1: {  	s23 =	simm.s32 $0x1B8B  }
0xa2: {  	_ =	swait.ge [sflag:s23], $0x1  }
0xa3: {  	[sflag:s23] =	ssyncset.done $0x0  }
0xa4: {  	[sflag:s23] =	ssyncadd.s32 $0xFFFFFFFF  }
0xa5: {  	s5 =	sld [smem:$0x0]  }
0xa6: {  	s6 =	sand.u32 $0xFFFFFFFE, s1  }
0xa7: {  	p0 =	sne.s32 s1, s6  }
0xa8: {  	s6 =	sshll.u32 @p0 s6, $0xE  }
0xa9: {  	s6 =	sadd.s32 @p0 $0x11B8D, s6;
	s7 =	sshll.u32 @p0 s5, $0x11  }
0xaa: {  	s6 =	sor.u32 @p0 s7, s6  }
0xab: {  	[sflag:s6] =	ssyncadd.remote.s32 @p0 $0x1;
	_ =	sdelay $0x1  }
0xac: {  	s6 =	simm.s32 @p0 $0x1B8D  }
0xad: {  	_ =	swait.eq @p0 [sflag:s6], $0x1  }
0xae: {  	[sflag:s6] =	ssyncadd.s32 @p0 $0xFFFFFFFF  }
0xaf: {  	s7 =	sshll.u32 @!p0 s1, $0xE  }
0xb0: {  	s7 =	sor.u32 @!p0 $0x4000, s7;
	s6 =	simm.s32 @!p0 $0x1B8D  }
0xb1: {  	s5 =	sshll.u32 @!p0 s5, $0x11;
	s7 =	sadd.s32 @!p0 $0x11B8D, s7;
	_ =	swait.eq @!p0 [sflag:s6], $0x1  }
0xb2: {  	s5 =	sor.u32 @!p0 s5, s7;
	[sflag:s6] =	ssyncadd.s32 @!p0 $0xFFFFFFFF  }
0xb3: {  	s25 =	simm.s32 $0x1B8E;
	s24 =	sld [smem:$0x3FFE];
	[sflag:s5] =	ssyncadd.remote.s32 @!p0 $0x1  }
0xb4: {  	s26 =	simm.s32 $execute0_lowered;
	[smem:$0x3FD2] =	sst s25  }
0xb5: {  	s6 =	sshll.u32 s26, $0x1;
	_ =	strace $0x80000049;
	[dreg:$0x1] =	wrdreg $0xFFFFFFFF  }
0xb6: {  	s28 =	simm.s32 $_size_execute0_lowered;
	s4 =	sadd.s32 s4, s6;
	[dreg:$0x0] =	wrdreg $0x0  }
0xb7: {  	s6 =	sshll.u32 s28, $0x1;
	[dreg:$0x2] =	wrdreg s4  }
0xb8: {  	[dreg:$0x3] =	wrdreg s6  }
0xb9: {  	[dreg:$0x4] =	wrdreg $0xC0  }
0xba: {  	_ =	task [dreg:s22], $0x5FFFF  }
0xbb: {  	[dreg:$0x1] =	wrdreg $0xFFFFFFFF  }
0xbc: {  	[dreg:$0x0] =	wrdreg $0x60  }
0xbd: {  	[dreg:$0x2] =	wrdreg s18  }
0xbe: {  	[dreg:$0x3] =	wrdreg s24  }
0xbf: {  	[dreg:$0x4] =	wrdreg $0x90000  }
0xc0: {  	[dreg:$0x5] =	wrdreg $0xA  }
0xc1: {  	_ =	task.clear_ibuf [dreg:s22], $0x6FFFF;
	_ =	strace $0x90000049  }
0xc2: {  	s29 =	simm.s32 $0xA;
	_ =	strace $0x8000004B  }
0xc3: {  	_ =	swait.ge [sflag:s29], $0x1  }
0xc4: {  	[sflag:s29] =	ssyncadd.s32 $0xFFFFFFFF  }
0xc5: {  	_ =	strace $0x9000004B  }
0xc6: {  	_ =	sfence  }
0xc7: {  	s30 =	sld [smem:$0x0];
	_ =	sdelay $0x2  }
0xc8: {  	s31 =	sshll.u32 s1, $0xD;
	s1 =	sshrl.u32 s1, $0x2  }
0xc9: {  	s4 =	sand.u32 $0x4000, s31;
	s1 =	sadd.s32 s1, s30  }
0xca: {  	s0 =	sor.u32 s4, s0;
	s1 =	sshll.u32 s1, $0x11  }
0xcb: {  	s0 =	sor.u32 s1, s0  }
0xcc: {  	s0 =	sadd.s32 $0x8F2B, s0  }
0xcd: {  	[sflag:s0] =	ssyncadd.remote.s32 $0x1  }
0xce: {  	_ =	sfence.sel $0xFFFF  }
0xcf: {  	[dreg:$0x0] =	wrdreg $0xFFFFFFFF;
	(pc) =	sbr.abs _section_cstart, $3  }
0xd0: {  	[dreg:$0x1] =	wrdreg $0xFFFFFFFF  }
0xd1: {  	_ =	task.clear_ibuf [dreg:s22], $0x2FFFF;
	_ =	strace $0x9FFFFFFF  }
0xd2: {  	(tm) =	ssettm $0x7FFFFFFF  }
0xd3: {  	_ =	shalt  }
tec
execute0_lowered:
.L_overlay_start_1:
0x0: {  	(tag) =	ssettag $0x1  }
0x1: {  	s1 =	rddreg [dreg:$0x0]  }
0x2: {  	s0 =	srdreg.scid;
	s2 =	rddreg [dreg:$0x1]  }
0x3: {  	s8 =	stileid.u32;
	s3 =	rddreg [dreg:$0x2];
	s4 =	simm.s32 $0x0  }
0x4: {  	s16 =	simm.s32 $0x100;
	s17 =	simm.s32 $0x200;
	s18 =	simm.s32 $0x180  }
0x5: {  	s19 =	simm.s32 $0x300;
	[smem:$0x7FF] =	sst s4;
	s9 =	sadd.s32 $0x17400, s2  }
0x6: {  	s20 =	simm.s32 $0x280;
	_ =	strace $0x8000004A;
	[dreg:$0x10] =	wrdreg s9  }
0x7: {  	s10 =	simm.s32 $0x3;
	s21 =	simm.s32 $0x400;
	[dreg:$0x5] =	wrdreg s16  }
0x8: {  	s22 =	simm.s32 $0x380;
	s23 =	simm.s32 $0x500;
	[dreg:$0x6] =	wrdreg s17  }
0x9: {  	s24 =	simm.s32 $0x480;
	s25 =	simm.s32 $0x600;
	[dreg:$0x7] =	wrdreg s18  }
0xa: {  	s26 =	simm.s32 $0x580;
	s28 =	simm.s32 $0xB80;
	[dreg:$0x8] =	wrdreg s19  }
0xb: {  	s29 =	simm.s32 $0xD00;
	s5 =	smul.u32 $0xA000, s8;
	[dreg:$0x9] =	wrdreg s20  }
0xc: {  	s30 =	simm.s32 $0xC80;
	s11 =	smul.u32 $0x14000, s8;
	[dreg:$0xa] =	wrdreg s21  }
0xd: {  	s0 =	sand.u32 $0x1, s0;
	s12 =	smul.u32 $0x50000, s8;
	[dreg:$0xb] =	wrdreg s22  }
0xe: {  	s31 =	simm.s32 $0xE00;
	s6 =	smul.u32 $0x5000, s0;
	[dreg:$0xc] =	wrdreg s23  }
0xf: {  	s15 =	sshll.u32 s8, $0x6;
	s7 =	smul.u32 $0x140000, s0;
	[dreg:$0xd] =	wrdreg s24  }
0x10: {  	s0 =	ssub.s32 $0x2, s0;
	s8 =	sor.u32 $0x1C03, s15;
	[dreg:$0xe] =	wrdreg s25  }
0x11: {  	s15 =	simm.s32 $0x2;
	[dreg:$0xf] =	wrdreg s26;
	s16 =	simm.s32 $0x700  }
0x12: {  	s17 =	simm.s32 $0x680;
	s18 =	simm.s32 $0x800;
	s19 =	simm.s32 $0x780  }
0x13: {  	s20 =	simm.s32 $0x900;
	s21 =	simm.s32 $0x880;
	s22 =	simm.s32 $0xA00  }
0x14: {  	s23 =	simm.s32 $0x980;
	s24 =	simm.s32 $0xB00;
	s25 =	simm.s32 $0xA80  }
0x15: {  	s26 =	simm.s32 $0xC00;
	s13 =	sshrl.u32 s0, $0x1;
	[dreg:$0x11] =	wrdreg s8  }
0x16: {  	s5 =	sadd.s32 s6, s5;
	s6 =	sadd.s32 s11, s7;
	s7 =	sshrl.u32 s12, $0x2  }
0x17: {  	s0 =	ssub.s32 s0, s13;
	s11 =	simm.s32 $0x80;
	s12 =	simm.s32 $0x1000  }
0x18: {  	s13 =	simm.s32 $0x5000;
	s5 =	sshrl.u32 s5, $0x3;
	s6 =	sshrl.u32 s6, $0x3  }
0x19: {  	s14 =	sadd.s32 s7, s3;
	s0 =	smax.u32 s0, $0x1;
	s5 =	sadd.s32 s5, s2  }
0x1a: {  	s2 =	sadd.s32 s6, s2;
	[dreg:$0x13] =	wrdreg s0;
	s6 =	simm.s32 $0x0  }
0x1b: {  	s7 =	simm.s32 $0xF80;
	s9 =	sshrl.u32 s14, $0x3;
	[dreg:$0x15] =	wrdreg s6  }
0x1c: {  	s14 =	simm.s32 $0x1;
	s5 =	sadd.s32 $0x3400, s5;
	[dreg:$0x14] =	wrdreg s9  }
0x1d: {  	s0 =	simm.s32 $0xF00;
	s2 =	sadd.s32 $0x19C00, s2;
	[dreg:$0x4] =	wrdreg s5  }
0x1e: {  	[dreg:$0x12] =	wrdreg s2;
	s2 =	simm.s32 $0xD80;
	s5 =	simm.s32 $0xE80  }
.LBB2_1:
0x1f: {  	s6 =	rddreg [dreg:$0x10]  }
0x20: {  	[spmem:s9], [sflag:s8] =	dma.local [hbm:s6], $0x2800  }
0x21: {  	_ =	swait.ge [sflag:s10], $0x2800  }
0x22: {  	[sflag:s10] =	ssyncset.done $0x0  }
0x23: {  	[sflag:s10] =	ssyncadd.s32 $0xFFFFD800  }
0x24: {  	[bflag:$0x0] =	sbarrier.arrive $0xFFFF  }
0x25: {  	s8 =	rddreg [dreg:$0x4]  }
0x26: {  	s6 =	sadd.s32 $0x0, s8  }
0x27: {  	[tilespmem:s4], [sflag:$0x3] =	stream.linear.gather [hbm4b:s6+s4], $0x1000, $0x38;
	[tilespmem:$0x1D000] =	vst v63  }
0x28: {  	_ =	swait.ge [sflag:s10], $0x1000  }
0x29: {  	[sflag:s10] =	ssyncset.done $0x0  }
0x2a: {  	[sflag:s10] =	ssyncadd.s32 $0xFFFFF000  }
0x2b: {  	[tilespmem:s12], [sflag:$0x1] =	stream.indirect.gather [hbm4b:s1+s11], $0x80, s4, s11, $0xb8;
	[tilespmem:$0x1D000] =	vst v63  }
0x2c: {  	s9 =	rddreg [dreg:$0x5]  }
0x2d: {  	[tilespmem:s13], [sflag:$0x2] =	stream.indirect.gather [hbm4b:s1+s11], $0x80, s9, s11, $0xb8;
	[tilespmem:$0x1D000] =	vst v63  }
0x2e: {  	_ =	swait.ge [sflag:s14], $0x4000  }
0x2f: {  	[sflag:s14] =	ssyncset.done $0x0  }
0x30: {  	[sflag:s14] =	ssyncadd.s32 $0xFFFFC000  }
0x31: {  	[spmem:s3] =	stream.indirect.scatter.add.f32 [tilespmem:s12], [sflag:$0x3], $0x80, s11, s11, $0xb8;
	[tilespmem:$0x1D000] =	vst v63  }
0x32: {  	_ =	swait.ge [sflag:s10], $0x4000  }
0x33: {  	[sflag:s10] =	ssyncset.done $0x0  }
0x34: {  	s8 =	rddreg [dreg:$0x6];
	[sflag:s10] =	ssyncadd.s32 $0xFFFFC000  }
0x35: {  	[tilespmem:s12], [sflag:$0x1] =	stream.indirect.gather [hbm4b:s1+s11], $0x80, s8, s11, $0xb8;
	[tilespmem:$0x1D000] =	vst v63  }
0x36: {  	_ =	swait.ge [sflag:s15], $0x4000  }
0x37: {  	[sflag:s15] =	ssyncset.done $0x0  }
0x38: {  	s9 =	rddreg [dreg:$0x7];
	[sflag:s15] =	ssyncadd.s32 $0xFFFFC000  }
0x39: {  	[spmem:s3] =	stream.indirect.scatter.add.f32 [tilespmem:s13], [sflag:$0x3], $0x80, s9, s11, $0xb8;
	[tilespmem:$0x1D000] =	vst v63  }
0x3a: {  	_ =	swait.ge [sflag:s10], $0x4000  }
0x3b: {  	[sflag:s10] =	ssyncset.done $0x0  }
0x3c: {  	s8 =	rddreg [dreg:$0x8];
	[sflag:s10] =	ssyncadd.s32 $0xFFFFC000  }
0x3d: {  	[tilespmem:s13], [sflag:$0x2] =	stream.indirect.gather [hbm4b:s1+s11], $0x80, s8, s11, $0xb8;
	[tilespmem:$0x1D000] =	vst v63  }
0x3e: {  	_ =	swait.ge [sflag:s14], $0x4000  }
0x3f: {  	[sflag:s14] =	ssyncset.done $0x0  }
0x40: {  	s9 =	rddreg [dreg:$0x9];
	[sflag:s14] =	ssyncadd.s32 $0xFFFFC000  }
0x41: {  	[spmem:s3] =	stream.indirect.scatter.add.f32 [tilespmem:s12], [sflag:$0x3], $0x80, s9, s11, $0xb8;
	[tilespmem:$0x1D000] =	vst v63  }
0x42: {  	_ =	swait.ge [sflag:s10], $0x4000  }
0x43: {  	[sflag:s10] =	ssyncset.done $0x0  }
0x44: {  	s8 =	rddreg [dreg:$0xa];
	[sflag:s10] =	ssyncadd.s32 $0xFFFFC000  }
0x45: {  	[tilespmem:s12], [sflag:$0x1] =	stream.indirect.gather [hbm4b:s1+s11], $0x80, s8, s11, $0xb8;
	[tilespmem:$0x1D000] =	vst v63  }
0x46: {  	_ =	swait.ge [sflag:s15], $0x4000  }
0x47: {  	[sflag:s15] =	ssyncset.done $0x0  }
0x48: {  	s9 =	rddreg [dreg:$0xb];
	[sflag:s15] =	ssyncadd.s32 $0xFFFFC000  }
0x49: {  	[spmem:s3] =	stream.indirect.scatter.add.f32 [tilespmem:s13], [sflag:$0x3], $0x80, s9, s11, $0xb8;
	[tilespmem:$0x1D000] =	vst v63  }
0x4a: {  	_ =	swait.ge [sflag:s10], $0x4000  }
0x4b: {  	[sflag:s10] =	ssyncset.done $0x0  }
0x4c: {  	s8 =	rddreg [dreg:$0xc];
	[sflag:s10] =	ssyncadd.s32 $0xFFFFC000  }
0x4d: {  	[tilespmem:s13], [sflag:$0x2] =	stream.indirect.gather [hbm4b:s1+s11], $0x80, s8, s11, $0xb8;
	[tilespmem:$0x1D000] =	vst v63  }
0x4e: {  	_ =	swait.ge [sflag:s14], $0x4000  }
0x4f: {  	[sflag:s14] =	ssyncset.done $0x0  }
0x50: {  	s9 =	rddreg [dreg:$0xd];
	[sflag:s14] =	ssyncadd.s32 $0xFFFFC000  }
0x51: {  	[spmem:s3] =	stream.indirect.scatter.add.f32 [tilespmem:s12], [sflag:$0x3], $0x80, s9, s11, $0xb8;
	[tilespmem:$0x1D000] =	vst v63  }
0x52: {  	_ =	swait.ge [sflag:s10], $0x4000  }
0x53: {  	[sflag:s10] =	ssyncset.done $0x0  }
0x54: {  	s8 =	rddreg [dreg:$0xe];
	[sflag:s10] =	ssyncadd.s32 $0xFFFFC000  }
0x55: {  	[tilespmem:s12], [sflag:$0x1] =	stream.indirect.gather [hbm4b:s1+s11], $0x80, s8, s11, $0xb8;
	[tilespmem:$0x1D000] =	vst v63  }
0x56: {  	_ =	swait.ge [sflag:s15], $0x4000  }
0x57: {  	[sflag:s15] =	ssyncset.done $0x0  }
0x58: {  	s9 =	rddreg [dreg:$0xf];
	[sflag:s15] =	ssyncadd.s32 $0xFFFFC000  }
0x59: {  	[spmem:s3] =	stream.indirect.scatter.add.f32 [tilespmem:s13], [sflag:$0x3], $0x80, s9, s11, $0xb8;
	[tilespmem:$0x1D000] =	vst v63  }
0x5a: {  	_ =	swait.ge [sflag:s10], $0x4000  }
0x5b: {  	[sflag:s10] =	ssyncset.done $0x0  }
0x5c: {  	[sflag:s10] =	ssyncadd.s32 $0xFFFFC000  }
0x5d: {  	[tilespmem:s13], [sflag:$0x2] =	stream.indirect.gather [hbm4b:s1+s11], $0x80, s16, s11, $0xb8;
	[tilespmem:$0x1D000] =	vst v63  }
0x5e: {  	_ =	swait.ge [sflag:s14], $0x4000  }
0x5f: {  	[sflag:s14] =	ssyncset.done $0x0  }
0x60: {  	[sflag:s14] =	ssyncadd.s32 $0xFFFFC000  }
0x61: {  	[spmem:s3] =	stream.indirect.scatter.add.f32 [tilespmem:s12], [sflag:$0x3], $0x80, s17, s11, $0xb8;
	[tilespmem:$0x1D000] =	vst v63  }
0x62: {  	_ =	swait.ge [sflag:s10], $0x4000  }
0x63: {  	[sflag:s10] =	ssyncset.done $0x0  }
0x64: {  	[sflag:s10] =	ssyncadd.s32 $0xFFFFC000  }
0x65: {  	[tilespmem:s12], [sflag:$0x1] =	stream.indirect.gather [hbm4b:s1+s11], $0x80, s18, s11, $0xb8;
	[tilespmem:$0x1D000] =	vst v63  }
0x66: {  	_ =	swait.ge [sflag:s15], $0x4000  }
0x67: {  	[sflag:s15] =	ssyncset.done $0x0  }
0x68: {  	[sflag:s15] =	ssyncadd.s32 $0xFFFFC000  }
0x69: {  	[spmem:s3] =	stream.indirect.scatter.add.f32 [tilespmem:s13], [sflag:$0x3], $0x80, s19, s11, $0xb8;
	[tilespmem:$0x1D000] =	vst v63  }
0x6a: {  	_ =	swait.ge [sflag:s10], $0x4000  }
0x6b: {  	[sflag:s10] =	ssyncset.done $0x0  }
0x6c: {  	[sflag:s10] =	ssyncadd.s32 $0xFFFFC000  }
0x6d: {  	[tilespmem:s13], [sflag:$0x2] =	stream.indirect.gather [hbm4b:s1+s11], $0x80, s20, s11, $0xb8;
	[tilespmem:$0x1D000] =	vst v63  }
0x6e: {  	_ =	swait.ge [sflag:s14], $0x4000  }
0x6f: {  	[sflag:s14] =	ssyncset.done $0x0  }
0x70: {  	[sflag:s14] =	ssyncadd.s32 $0xFFFFC000  }
0x71: {  	[spmem:s3] =	stream.indirect.scatter.add.f32 [tilespmem:s12], [sflag:$0x3], $0x80, s21, s11, $0xb8;
	[tilespmem:$0x1D000] =	vst v63  }
0x72: {  	_ =	swait.ge [sflag:s10], $0x4000  }
0x73: {  	[sflag:s10] =	ssyncset.done $0x0  }
0x74: {  	[sflag:s10] =	ssyncadd.s32 $0xFFFFC000  }
0x75: {  	[tilespmem:s12], [sflag:$0x1] =	stream.indirect.gather [hbm4b:s1+s11], $0x80, s22, s11, $0xb8;
	[tilespmem:$0x1D000] =	vst v63  }
0x76: {  	_ =	swait.ge [sflag:s15], $0x4000  }
0x77: {  	[sflag:s15] =	ssyncset.done $0x0  }
0x78: {  	[sflag:s15] =	ssyncadd.s32 $0xFFFFC000  }
0x79: {  	[spmem:s3] =	stream.indirect.scatter.add.f32 [tilespmem:s13], [sflag:$0x3], $0x80, s23, s11, $0xb8;
	[tilespmem:$0x1D000] =	vst v63  }
0x7a: {  	_ =	swait.ge [sflag:s10], $0x4000  }
0x7b: {  	[sflag:s10] =	ssyncset.done $0x0  }
0x7c: {  	[sflag:s10] =	ssyncadd.s32 $0xFFFFC000  }
0x7d: {  	[tilespmem:s13], [sflag:$0x2] =	stream.indirect.gather [hbm4b:s1+s11], $0x80, s24, s11, $0xb8;
	[tilespmem:$0x1D000] =	vst v63  }
0x7e: {  	_ =	swait.ge [sflag:s14], $0x4000  }
0x7f: {  	[sflag:s14] =	ssyncset.done $0x0  }
0x80: {  	[sflag:s14] =	ssyncadd.s32 $0xFFFFC000  }
0x81: {  	[spmem:s3] =	stream.indirect.scatter.add.f32 [tilespmem:s12], [sflag:$0x3], $0x80, s25, s11, $0xb8;
	[tilespmem:$0x1D000] =	vst v63  }
0x82: {  	_ =	swait.ge [sflag:s10], $0x4000  }
0x83: {  	[sflag:s10] =	ssyncset.done $0x0  }
0x84: {  	[sflag:s10] =	ssyncadd.s32 $0xFFFFC000  }
0x85: {  	[tilespmem:s12], [sflag:$0x1] =	stream.indirect.gather [hbm4b:s1+s11], $0x80, s26, s11, $0xb8;
	[tilespmem:$0x1D000] =	vst v63  }
0x86: {  	_ =	swait.ge [sflag:s15], $0x4000  }
0x87: {  	[sflag:s15] =	ssyncset.done $0x0  }
0x88: {  	[sflag:s15] =	ssyncadd.s32 $0xFFFFC000  }
0x89: {  	[spmem:s3] =	stream.indirect.scatter.add.f32 [tilespmem:s13], [sflag:$0x3], $0x80, s28, s11, $0xb8;
	[tilespmem:$0x1D000] =	vst v63  }
0x8a: {  	_ =	swait.ge [sflag:s10], $0x4000  }
0x8b: {  	[sflag:s10] =	ssyncset.done $0x0  }
0x8c: {  	[sflag:s10] =	ssyncadd.s32 $0xFFFFC000  }
0x8d: {  	[tilespmem:s13], [sflag:$0x2] =	stream.indirect.gather [hbm4b:s1+s11], $0x80, s29, s11, $0xb8;
	[tilespmem:$0x1D000] =	vst v63  }
0x8e: {  	_ =	swait.ge [sflag:s14], $0x4000  }
0x8f: {  	[sflag:s14] =	ssyncset.done $0x0  }
0x90: {  	[sflag:s14] =	ssyncadd.s32 $0xFFFFC000  }
0x91: {  	[spmem:s3] =	stream.indirect.scatter.add.f32 [tilespmem:s12], [sflag:$0x3], $0x80, s30, s11, $0xb8;
	[tilespmem:$0x1D000] =	vst v63  }
0x92: {  	_ =	swait.ge [sflag:s10], $0x4000  }
0x93: {  	[sflag:s10] =	ssyncset.done $0x0  }
0x94: {  	[sflag:s10] =	ssyncadd.s32 $0xFFFFC000  }
0x95: {  	[tilespmem:s12], [sflag:$0x1] =	stream.indirect.gather [hbm4b:s1+s11], $0x80, s31, s11, $0xb8;
	[tilespmem:$0x1D000] =	vst v63  }
0x96: {  	_ =	swait.ge [sflag:s15], $0x4000  }
0x97: {  	[sflag:s15] =	ssyncset.done $0x0  }
0x98: {  	[sflag:s15] =	ssyncadd.s32 $0xFFFFC000  }
0x99: {  	[spmem:s3] =	stream.indirect.scatter.add.f32 [tilespmem:s13], [sflag:$0x3], $0x80, s2, s11, $0xb8;
	[tilespmem:$0x1D000] =	vst v63  }
0x9a: {  	_ =	swait.ge [sflag:s10], $0x4000  }
0x9b: {  	[sflag:s10] =	ssyncset.done $0x0  }
0x9c: {  	[sflag:s10] =	ssyncadd.s32 $0xFFFFC000  }
0x9d: {  	[tilespmem:s13], [sflag:$0x2] =	stream.indirect.gather [hbm4b:s1+s11], $0x80, s0, s11, $0xb8;
	[tilespmem:$0x1D000] =	vst v63  }
0x9e: {  	_ =	swait.ge [sflag:s14], $0x4000  }
0x9f: {  	[sflag:s14] =	ssyncset.done $0x0  }
0xa0: {  	[sflag:s14] =	ssyncadd.s32 $0xFFFFC000  }
0xa1: {  	[spmem:s3] =	stream.indirect.scatter.add.f32 [tilespmem:s12], [sflag:$0x3], $0x80, s5, s11, $0xb8;
	[tilespmem:$0x1D000] =	vst v63  }
0xa2: {  	_ =	swait.ge [sflag:s10], $0x4000  }
0xa3: {  	[sflag:s10] =	ssyncset.done $0x0  }
0xa4: {  	[sflag:s10] =	ssyncadd.s32 $0xFFFFC000  }
0xa5: {  	_ =	swait.ge [sflag:s15], $0x4000  }
0xa6: {  	[sflag:s15] =	ssyncset.done $0x0  }
0xa7: {  	[sflag:s15] =	ssyncadd.s32 $0xFFFFC000  }
0xa8: {  	[spmem:s3] =	stream.indirect.scatter.add.f32 [tilespmem:s13], [sflag:$0x3], $0x80, s7, s11, $0xb8;
	[tilespmem:$0x1D000] =	vst v63  }
0xa9: {  	s6 =	simm.s32 $0x200;
	_ =	swait.ge [sflag:s10], $0x4000  }
.LBB2_2:
0xaa: {  	s9 =	rddreg [dreg:$0x4];
	s8 =	smov.u32 s6;
	[sflag:s10] =	ssyncset.done $0x0  }
0xab: {  	s8 =	sadd.s32 s8, s9;
	[sflag:s10] =	ssyncadd.s32 $0xFFFFC000  }
0xac: {  	[tilespmem:s4], [sflag:$0x3] =	stream.linear.gather [hbm4b:s8+s4], $0x1000, $0x38;
	[tilespmem:$0x1D000] =	vst v63  }
0xad: {  	_ =	swait.ge [sflag:s10], $0x1000  }
0xae: {  	[sflag:s10] =	ssyncset.done $0x0  }
0xaf: {  	[sflag:s10] =	ssyncadd.s32 $0xFFFFF000  }
0xb0: {  	[tilespmem:s12], [sflag:$0x1] =	stream.indirect.gather [hbm4b:s1+s11], $0x80, s4, s11, $0xb8;
	[tilespmem:$0x1D000] =	vst v63  }
0xb1: {  	s9 =	rddreg [dreg:$0x5]  }
0xb2: {  	[tilespmem:s13], [sflag:$0x2] =	stream.indirect.gather [hbm4b:s1+s11], $0x80, s9, s11, $0xb8;
	[tilespmem:$0x1D000] =	vst v63  }
0xb3: {  	_ =	swait.ge [sflag:s14], $0x4000  }
0xb4: {  	[sflag:s14] =	ssyncset.done $0x0  }
0xb5: {  	[sflag:s14] =	ssyncadd.s32 $0xFFFFC000  }
0xb6: {  	[spmem:s3] =	stream.indirect.scatter.add.f32 [tilespmem:s12], [sflag:$0x3], $0x80, s11, s11, $0xb8;
	[tilespmem:$0x1D000] =	vst v63  }
0xb7: {  	_ =	swait.ge [sflag:s10], $0x4000  }
0xb8: {  	[sflag:s10] =	ssyncset.done $0x0  }
0xb9: {  	s9 =	rddreg [dreg:$0x6];
	[sflag:s10] =	ssyncadd.s32 $0xFFFFC000  }
0xba: {  	[tilespmem:s12], [sflag:$0x1] =	stream.indirect.gather [hbm4b:s1+s11], $0x80, s9, s11, $0xb8;
	[tilespmem:$0x1D000] =	vst v63  }
0xbb: {  	_ =	swait.ge [sflag:s15], $0x4000  }
0xbc: {  	[sflag:s15] =	ssyncset.done $0x0  }
0xbd: {  	s9 =	rddreg [dreg:$0x7];
	[sflag:s15] =	ssyncadd.s32 $0xFFFFC000  }
0xbe: {  	[spmem:s3] =	stream.indirect.scatter.add.f32 [tilespmem:s13], [sflag:$0x3], $0x80, s9, s11, $0xb8;
	[tilespmem:$0x1D000] =	vst v63  }
0xbf: {  	_ =	swait.ge [sflag:s10], $0x4000  }
0xc0: {  	[sflag:s10] =	ssyncset.done $0x0  }
0xc1: {  	s9 =	rddreg [dreg:$0x8];
	[sflag:s10] =	ssyncadd.s32 $0xFFFFC000  }
0xc2: {  	[tilespmem:s13], [sflag:$0x2] =	stream.indirect.gather [hbm4b:s1+s11], $0x80, s9, s11, $0xb8;
	[tilespmem:$0x1D000] =	vst v63  }
0xc3: {  	_ =	swait.ge [sflag:s14], $0x4000  }
0xc4: {  	[sflag:s14] =	ssyncset.done $0x0  }
0xc5: {  	s9 =	rddreg [dreg:$0x9];
	[sflag:s14] =	ssyncadd.s32 $0xFFFFC000  }
0xc6: {  	[spmem:s3] =	stream.indirect.scatter.add.f32 [tilespmem:s12], [sflag:$0x3], $0x80, s9, s11, $0xb8;
	[tilespmem:$0x1D000] =	vst v63  }
0xc7: {  	_ =	swait.ge [sflag:s10], $0x4000  }
0xc8: {  	[sflag:s10] =	ssyncset.done $0x0  }
0xc9: {  	s9 =	rddreg [dreg:$0xa];
	[sflag:s10] =	ssyncadd.s32 $0xFFFFC000  }
0xca: {  	[tilespmem:s12], [sflag:$0x1] =	stream.indirect.gather [hbm4b:s1+s11], $0x80, s9, s11, $0xb8;
	[tilespmem:$0x1D000] =	vst v63  }
0xcb: {  	_ =	swait.ge [sflag:s15], $0x4000  }
0xcc: {  	[sflag:s15] =	ssyncset.done $0x0  }
0xcd: {  	s9 =	rddreg [dreg:$0xb];
	[sflag:s15] =	ssyncadd.s32 $0xFFFFC000  }
0xce: {  	[spmem:s3] =	stream.indirect.scatter.add.f32 [tilespmem:s13], [sflag:$0x3], $0x80, s9, s11, $0xb8;
	[tilespmem:$0x1D000] =	vst v63  }
0xcf: {  	_ =	swait.ge [sflag:s10], $0x4000  }
0xd0: {  	[sflag:s10] =	ssyncset.done $0x0  }
0xd1: {  	s9 =	rddreg [dreg:$0xc];
	[sflag:s10] =	ssyncadd.s32 $0xFFFFC000  }
0xd2: {  	[tilespmem:s13], [sflag:$0x2] =	stream.indirect.gather [hbm4b:s1+s11], $0x80, s9, s11, $0xb8;
	[tilespmem:$0x1D000] =	vst v63  }
0xd3: {  	_ =	swait.ge [sflag:s14], $0x4000  }
0xd4: {  	[sflag:s14] =	ssyncset.done $0x0  }
0xd5: {  	s9 =	rddreg [dreg:$0xd];
	[sflag:s14] =	ssyncadd.s32 $0xFFFFC000  }
0xd6: {  	[spmem:s3] =	stream.indirect.scatter.add.f32 [tilespmem:s12], [sflag:$0x3], $0x80, s9, s11, $0xb8;
	[tilespmem:$0x1D000] =	vst v63  }
0xd7: {  	_ =	swait.ge [sflag:s10], $0x4000  }
0xd8: {  	[sflag:s10] =	ssyncset.done $0x0  }
0xd9: {  	s9 =	rddreg [dreg:$0xe];
	[sflag:s10] =	ssyncadd.s32 $0xFFFFC000  }
0xda: {  	[tilespmem:s12], [sflag:$0x1] =	stream.indirect.gather [hbm4b:s1+s11], $0x80, s9, s11, $0xb8;
	[tilespmem:$0x1D000] =	vst v63  }
0xdb: {  	_ =	swait.ge [sflag:s15], $0x4000  }
0xdc: {  	[sflag:s15] =	ssyncset.done $0x0  }
0xdd: {  	s9 =	rddreg [dreg:$0xf];
	[sflag:s15] =	ssyncadd.s32 $0xFFFFC000  }
0xde: {  	[spmem:s3] =	stream.indirect.scatter.add.f32 [tilespmem:s13], [sflag:$0x3], $0x80, s9, s11, $0xb8;
	[tilespmem:$0x1D000] =	vst v63  }
0xdf: {  	_ =	swait.ge [sflag:s10], $0x4000  }
0xe0: {  	[sflag:s10] =	ssyncset.done $0x0  }
0xe1: {  	[sflag:s10] =	ssyncadd.s32 $0xFFFFC000  }
0xe2: {  	[tilespmem:s13], [sflag:$0x2] =	stream.indirect.gather [hbm4b:s1+s11], $0x80, s16, s11, $0xb8;
	[tilespmem:$0x1D000] =	vst v63  }
0xe3: {  	_ =	swait.ge [sflag:s14], $0x4000  }
0xe4: {  	[sflag:s14] =	ssyncset.done $0x0  }
0xe5: {  	[sflag:s14] =	ssyncadd.s32 $0xFFFFC000  }
0xe6: {  	[spmem:s3] =	stream.indirect.scatter.add.f32 [tilespmem:s12], [sflag:$0x3], $0x80, s17, s11, $0xb8;
	[tilespmem:$0x1D000] =	vst v63  }
0xe7: {  	_ =	swait.ge [sflag:s10], $0x4000  }
0xe8: {  	[sflag:s10] =	ssyncset.done $0x0  }
0xe9: {  	[sflag:s10] =	ssyncadd.s32 $0xFFFFC000  }
0xea: {  	[tilespmem:s12], [sflag:$0x1] =	stream.indirect.gather [hbm4b:s1+s11], $0x80, s18, s11, $0xb8;
	[tilespmem:$0x1D000] =	vst v63  }
0xeb: {  	_ =	swait.ge [sflag:s15], $0x4000  }
0xec: {  	[sflag:s15] =	ssyncset.done $0x0  }
0xed: {  	[sflag:s15] =	ssyncadd.s32 $0xFFFFC000  }
0xee: {  	[spmem:s3] =	stream.indirect.scatter.add.f32 [tilespmem:s13], [sflag:$0x3], $0x80, s19, s11, $0xb8;
	[tilespmem:$0x1D000] =	vst v63  }
0xef: {  	_ =	swait.ge [sflag:s10], $0x4000  }
0xf0: {  	[sflag:s10] =	ssyncset.done $0x0  }
0xf1: {  	[sflag:s10] =	ssyncadd.s32 $0xFFFFC000  }
0xf2: {  	[tilespmem:s13], [sflag:$0x2] =	stream.indirect.gather [hbm4b:s1+s11], $0x80, s20, s11, $0xb8;
	[tilespmem:$0x1D000] =	vst v63  }
0xf3: {  	_ =	swait.ge [sflag:s14], $0x4000  }
0xf4: {  	[sflag:s14] =	ssyncset.done $0x0  }
0xf5: {  	[sflag:s14] =	ssyncadd.s32 $0xFFFFC000  }
0xf6: {  	[spmem:s3] =	stream.indirect.scatter.add.f32 [tilespmem:s12], [sflag:$0x3], $0x80, s21, s11, $0xb8;
	[tilespmem:$0x1D000] =	vst v63  }
0xf7: {  	_ =	swait.ge [sflag:s10], $0x4000  }
0xf8: {  	[sflag:s10] =	ssyncset.done $0x0  }
0xf9: {  	[sflag:s10] =	ssyncadd.s32 $0xFFFFC000  }
0xfa: {  	[tilespmem:s12], [sflag:$0x1] =	stream.indirect.gather [hbm4b:s1+s11], $0x80, s22, s11, $0xb8;
	[tilespmem:$0x1D000] =	vst v63  }
0xfb: {  	_ =	swait.ge [sflag:s15], $0x4000  }
0xfc: {  	[sflag:s15] =	ssyncset.done $0x0  }
0xfd: {  	[sflag:s15] =	ssyncadd.s32 $0xFFFFC000  }
0xfe: {  	[spmem:s3] =	stream.indirect.scatter.add.f32 [tilespmem:s13], [sflag:$0x3], $0x80, s23, s11, $0xb8;
	[tilespmem:$0x1D000] =	vst v63  }
0xff: {  	_ =	swait.ge [sflag:s10], $0x4000  }
0x100: {  	[sflag:s10] =	ssyncset.done $0x0  }
0x101: {  	[sflag:s10] =	ssyncadd.s32 $0xFFFFC000  }
0x102: {  	[tilespmem:s13], [sflag:$0x2] =	stream.indirect.gather [hbm4b:s1+s11], $0x80, s24, s11, $0xb8;
	[tilespmem:$0x1D000] =	vst v63  }
0x103: {  	_ =	swait.ge [sflag:s14], $0x4000  }
0x104: {  	[sflag:s14] =	ssyncset.done $0x0  }
0x105: {  	[sflag:s14] =	ssyncadd.s32 $0xFFFFC000  }
0x106: {  	[spmem:s3] =	stream.indirect.scatter.add.f32 [tilespmem:s12], [sflag:$0x3], $0x80, s25, s11, $0xb8;
	[tilespmem:$0x1D000] =	vst v63  }
0x107: {  	_ =	swait.ge [sflag:s10], $0x4000  }
0x108: {  	[sflag:s10] =	ssyncset.done $0x0  }
0x109: {  	[sflag:s10] =	ssyncadd.s32 $0xFFFFC000  }
0x10a: {  	[tilespmem:s12], [sflag:$0x1] =	stream.indirect.gather [hbm4b:s1+s11], $0x80, s26, s11, $0xb8;
	[tilespmem:$0x1D000] =	vst v63  }
0x10b: {  	_ =	swait.ge [sflag:s15], $0x4000  }
0x10c: {  	[sflag:s15] =	ssyncset.done $0x0  }
0x10d: {  	[sflag:s15] =	ssyncadd.s32 $0xFFFFC000  }
0x10e: {  	[spmem:s3] =	stream.indirect.scatter.add.f32 [tilespmem:s13], [sflag:$0x3], $0x80, s28, s11, $0xb8;
	[tilespmem:$0x1D000] =	vst v63  }
0x10f: {  	_ =	swait.ge [sflag:s10], $0x4000  }
0x110: {  	[sflag:s10] =	ssyncset.done $0x0  }
0x111: {  	[sflag:s10] =	ssyncadd.s32 $0xFFFFC000  }
0x112: {  	[tilespmem:s13], [sflag:$0x2] =	stream.indirect.gather [hbm4b:s1+s11], $0x80, s29, s11, $0xb8;
	[tilespmem:$0x1D000] =	vst v63  }
0x113: {  	_ =	swait.ge [sflag:s14], $0x4000  }
0x114: {  	[sflag:s14] =	ssyncset.done $0x0  }
0x115: {  	[sflag:s14] =	ssyncadd.s32 $0xFFFFC000  }
0x116: {  	[spmem:s3] =	stream.indirect.scatter.add.f32 [tilespmem:s12], [sflag:$0x3], $0x80, s30, s11, $0xb8;
	[tilespmem:$0x1D000] =	vst v63  }
0x117: {  	_ =	swait.ge [sflag:s10], $0x4000  }
0x118: {  	[sflag:s10] =	ssyncset.done $0x0  }
0x119: {  	[sflag:s10] =	ssyncadd.s32 $0xFFFFC000  }
0x11a: {  	[tilespmem:s12], [sflag:$0x1] =	stream.indirect.gather [hbm4b:s1+s11], $0x80, s31, s11, $0xb8;
	[tilespmem:$0x1D000] =	vst v63  }
0x11b: {  	_ =	swait.ge [sflag:s15], $0x4000  }
0x11c: {  	[sflag:s15] =	ssyncset.done $0x0  }
0x11d: {  	[sflag:s15] =	ssyncadd.s32 $0xFFFFC000  }
0x11e: {  	[spmem:s3] =	stream.indirect.scatter.add.f32 [tilespmem:s13], [sflag:$0x3], $0x80, s2, s11, $0xb8;
	[tilespmem:$0x1D000] =	vst v63  }
0x11f: {  	_ =	swait.ge [sflag:s10], $0x4000  }
0x120: {  	[sflag:s10] =	ssyncset.done $0x0  }
0x121: {  	[sflag:s10] =	ssyncadd.s32 $0xFFFFC000  }
0x122: {  	[tilespmem:s13], [sflag:$0x2] =	stream.indirect.gather [hbm4b:s1+s11], $0x80, s0, s11, $0xb8;
	[tilespmem:$0x1D000] =	vst v63  }
0x123: {  	_ =	swait.ge [sflag:s14], $0x4000  }
0x124: {  	[sflag:s14] =	ssyncset.done $0x0  }
0x125: {  	[sflag:s14] =	ssyncadd.s32 $0xFFFFC000  }
0x126: {  	[spmem:s3] =	stream.indirect.scatter.add.f32 [tilespmem:s12], [sflag:$0x3], $0x80, s5, s11, $0xb8;
	[tilespmem:$0x1D000] =	vst v63  }
0x127: {  	_ =	swait.ge [sflag:s10], $0x4000  }
0x128: {  	[sflag:s10] =	ssyncset.done $0x0  }
0x129: {  	p0 =	sne.s32 s6, $0x800;
	[sflag:s10] =	ssyncadd.s32 $0xFFFFC000  }
.Ltmp0:
0x12a: {  	_ =	swait.ge [sflag:s15], $0x4000;
	(pc) =	sbr.rel @p0 .LBB2_2-.Ltmp0, $4  }
0x12b: {  	[sflag:s15] =	ssyncset.done $0x0  }
0x12c: {  	[sflag:s15] =	ssyncadd.s32 $0xFFFFC000  }
0x12d: {  	[spmem:s3] =	stream.indirect.scatter.add.f32 [tilespmem:s13], [sflag:$0x3], $0x80, s7, s11, $0xb8;
	[tilespmem:$0x1D000] =	vst v63  }
0x12e: {  	s6 =	sadd.s32 $0x200, s6;
	_ =	swait.ge [sflag:s10], $0x4000  }
0x12f: {  	[sflag:s10] =	ssyncset.done $0x0  }
0x130: {  	[sflag:s10] =	ssyncadd.s32 $0xFFFFC000  }
0x131: {  	[bflag:$0x0] =	sbarrier.arrive $0xFFFF  }
0x132: {  	s8 =	rddreg [dreg:$0x11]  }
0x133: {  	s6 =	rddreg [dreg:$0x12]  }
0x134: {  	s9 =	rddreg [dreg:$0x14]  }
0x135: {  	[hbm:s6], [sflag:s8] =	dma.local [spmem:s9], $0x2800  }
0x136: {  	_ =	swait.ge [sflag:s10], $0x2800  }
0x137: {  	s6 =	rddreg [dreg:$0x15]  }
0x138: {  	s8 =	sadd.s32 $0x1, s6;
	s6 =	rddreg [dreg:$0x13]  }
0x139: {  	p0 =	sne.s32 s8, s6  }
.Ltmp1:
0x13a: {  	_ = 	snop;
	(pc) =	sbr.rel @p0 .LBB2_1-.Ltmp1, $3  }
0x13b: {  	_ =	sdelay $0x1  }
0x13c: {  	[sflag:s10] =	ssyncset.done $0x0;
	[dreg:$0x15] =	wrdreg s8  }
0x13d: {  	[sflag:s10] =	ssyncadd.s32 $0xFFFFD800;
	s8 =	rddreg [dreg:$0x11]  }
0x13e: {  	_ =	sfence.sel $0x180000  }
0x13f: {  	[bflag:$0x0] =	sbarrier.arrive $0xFFFF  }
0x140: {  	_ =	strace $0x9000004A  }
0x141: {  	s0 =	stileid.u32;
	[bflag:$0x2] =	sbarrier.arrive $0xFFFF  }
0x142: {  	p0 =	sne.s32 s0, $0x0;
	s0 =	rddreg [dreg:$0x3]  }
0x143: {  	s0 =	sadd.s32 @!p0 $0x100000, s0  }
0x144: {  	[sflag:s0] =	ssyncadd.tile.s32 @!p0 $0x1;
	_ =	shalt  }
.Lfunc_end2:
_tile_overlayer_lowered:
.L_overlay_start_2:
0x145: {  	(tag) =	ssettag $0x2  }
0x146: {  	s0 =	rddreg [dreg:$0x0];
	s2 =	stileid.u32  }
0x147: {  	s1 =	rddreg [dreg:$0x1];
	p0 =	sne.s32 s2, $0x0  }
0x148: {  	s3 =	rddreg [dreg:$0x2];
	[bflag:$0x3] =	sbarrier.arrive $0xFFFF;
	s2 =	simm.s32 @!p0 $0x1C03  }
0x149: {  	[timem:s3], [sflag:s2] =	dma.local @!p0 [hbm:s0], s1  }
0x14a: {  	s0 =	simm.s32 @!p0 $0x3  }
0x14b: {  	_ =	swait.ge @!p0 [sflag:s0], s1  }
0x14c: {  	s1 =	ssub.s32 @!p0 $0x0, s1;
	[sflag:s0] =	ssyncset.done @!p0 $0x0  }
0x14d: {  	[sflag:s0] =	ssyncadd.s32 @!p0 s1  }
0x14e: {  	[bflag:$0x3] =	sbarrier.arrive $0xFFFF  }
0x14f: {  	_ =	shalt  }

// kernel: kernel.15.cloned.1.call-start
scs
__scs_entry_jumppad:
0x0: {  	(pc) =	sbr.rel $0x88, $3  }
0x1: {  	(tag) =	ssettag $0x0;
	lr =	simm.s32 $0x1  }
0x2: {  	[smem:$0x3F9D] =	sst lr;
	_ =	strace $0xD0000000  }
0x3: {  	_ = 	snop  }
0x4: {  	_ = 	snop  }
0x5: {  	_ = 	snop  }
0x6: {  	_ = 	snop  }
0x7: {  	_ = 	snop  }
__scs_overlays_trampoline_lowered:
0x8: {  	[smem:$0x3FAC] =	sst s0  }
0x9: {  	[smem:$0x3FAD] =	sst s1  }
0xa: {  	[smem:$0x3FAE] =	sst s2  }
0xb: {  	[smem:$0x3FAF] =	sst s3  }
0xc: {  	[smem:$0x3FB0] =	sst s4  }
0xd: {  	[smem:$0x3FB1] =	sst s5  }
0xe: {  	[smem:$0x3FB2] =	sst s6  }
0xf: {  	[smem:$0x3FB3] =	sst s7  }
0x10: {  	[smem:$0x3FB4] =	sst s8  }
0x11: {  	[smem:$0x3FB5] =	sst s9;
	s0 =	simm.s32 @!p0 $0x0  }
0x12: {  	s1 =	sld [smem:$0x3F9B];
	s0 =	simm.s32 @p0 $0x1  }
0x13: {  	[smem:$0x3FB6] =	sst s0;
	s0 =	simm.s32 @!p1 $0x0  }
0x14: {  	s2 =	sld [smem:$0x3F9A];
	s0 =	simm.s32 @p1 $0x1  }
0x15: {  	[smem:$0x3FB7] =	sst s0;
	s0 =	simm.s32 @!p2 $0x0  }
0x16: {  	s3 =	sld [smem:$0x3FDB];
	s0 =	simm.s32 @p2 $0x1  }
0x17: {  	s4 =	simm.s32 $0x1BF5;
	[smem:$0x3FB9] =	sst s0  }
0x18: {  	s0 =	sld [smem:$0x3F9C];
	_ =	swait.ge [sflag:s4], $0x0  }
0x19: {  	s7 =	sld [smem:$0x3F9D]  }
0x1a: {  	s8 =	sadd.s32 $0xFFFFE003, lr  }
0x1b: {  	s9 =	sadd.s32 $0xFFFFFEF7, lr;
	s5 =	simm.s32 $0xFFFFFFFF;
	p2 =	slt.u32 s8, $0xFFFFF086  }
0x1c: {  	p1 =	slt.u32 s9, $0xF7A;
	s5 =	simm.s32 @!p2 $0x0  }
0x1d: {  	s5 =	simm.s32 @p1 $0x1;
	p0 =	seq.s32 s7, s2  }
0x1e: {  	s7 =	smul.u32 @!p0 $0xF7A, s2;
	p2 =	seq.s32 @!p0 s5, $0x0  }
0x1f: {  	s9 =	smul.u32 $0xF7A, s1;
	s8 =	simm.s32 @!p0 $0x1BF5;
	p2 =	por !p2, p0  }
0x20: {  	[sflag:s8] =	ssyncset.s32 @!p0 $0xFFFFF086;
	s6 =	sadd.s32 @!p0 s3, s7;
	s7 =	simm.s32 @!p0 $0x108  }
0x21: {  	s3 =	sadd.s32 s3, s9;
	s6 =	sadd.s32 @!p0 $0x88, s6;
	s7 =	simm.s32 @p2 $0x1082  }
0x22: {  	[simem:s7], [sflag:s8] =	dma.local @!p0 [hbm:s6], $0xF7A  }
0x23: {  	s9 =	sor.u32 $0xD0000000, s2;
	s6 =	simm.s32 $0x108;
	_ =	swait.ge @!p0 [sflag:s8], $0x0  }
0x24: {  	s3 =	sadd.s32 $0x88, s3;
	s6 =	simm.s32 @!p1 $0x1082;
	[sflag:s4] =	ssyncset.s32 $0xFFFFF086  }
0x25: {  	[simem:s6], [sflag:s4] =	dma.local [hbm:s3], $0xF7A  }
0x26: {  	[smem:$0x3F9D] =	sst s1;
	(tag) =	ssettag s2;
	_ =	strace s9  }
0x27: {  	s1 =	sld [smem:$0x3FAD]  }
0x28: {  	s2 =	sld [smem:$0x3FAE]  }
0x29: {  	s4 =	sld [smem:$0x3FB0]  }
0x2a: {  	p0 =	seq.s32 s5, $0x0;
	s5 =	sld [smem:$0x3FB1]  }
0x2b: {  	s6 =	sld [smem:$0x3FB2]  }
0x2c: {  	s7 =	sld [smem:$0x3FB3]  }
0x2d: {  	s3 =	simm.s32 $0x108;
	s8 =	sld [smem:$0x3FB4]  }
0x2e: {  	s3 =	simm.s32 @!p0 $0x1082;
	s9 =	sld [smem:$0x3FB5]  }
0x2f: {  	lr =	sadd.s32 s0, s3;
	s0 =	sld [smem:$0x3FAC]  }
0x30: {  	s3 =	sld [smem:$0x3FAF]  }
0x31: {  	[smem:$0x3FB8] =	sst s10  }
0x32: {  	s10 =	sld [smem:$0x3FB6];
	_ =	sdelay $0x3  }
0x33: {  	p0 =	seq.s32 s10, $0x1;
	s10 =	sld [smem:$0x3FB8];
	_ =	sdelay $0x3  }
0x34: {  	[smem:$0x3FB8] =	sst s10  }
0x35: {  	s10 =	sld [smem:$0x3FB7];
	_ =	sdelay $0x3  }
0x36: {  	p1 =	seq.s32 s10, $0x1;
	s10 =	sld [smem:$0x3FB8];
	_ =	sdelay $0x3  }
0x37: {  	[smem:$0x3FB8] =	sst s10  }
0x38: {  	s10 =	sld [smem:$0x3FB9]  }
0x39: {  	_ = 	snop;
	(pc) =	sbr.ind lr, $3  }
0x3a: {  	_ = 	snop  }
0x3b: {  	_ = 	snop  }
0x3c: {  	p2 =	seq.s32 s10, $0x1;
	s10 =	sld [smem:$0x3FB8]  }
0x3d: {  	_ =	shalt  }
0x3e: {  	_ =	shalt  }
0x3f: {  	_ =	shalt  }
0x40: {  	_ =	shalt  }
0x41: {  	_ =	shalt  }
0x42: {  	_ =	shalt  }
0x43: {  	_ =	shalt  }
0x44: {  	_ =	shalt  }
0x45: {  	_ =	shalt  }
0x46: {  	_ =	shalt  }
0x47: {  	_ =	shalt  }
0x48: {  	_ =	shalt  }
0x49: {  	_ =	shalt  }
0x4a: {  	_ =	shalt  }
0x4b: {  	_ =	shalt  }
0x4c: {  	_ =	shalt  }
0x4d: {  	_ =	shalt  }
0x4e: {  	_ =	shalt  }
0x4f: {  	_ =	shalt  }
0x50: {  	_ =	shalt  }
0x51: {  	_ =	shalt  }
0x52: {  	_ =	shalt  }
0x53: {  	_ =	shalt  }
0x54: {  	_ =	shalt  }
0x55: {  	_ =	shalt  }
0x56: {  	_ =	shalt  }
0x57: {  	_ =	shalt  }
0x58: {  	_ =	shalt  }
0x59: {  	_ =	shalt  }
0x5a: {  	_ =	shalt  }
0x5b: {  	_ =	shalt  }
0x5c: {  	_ =	shalt  }
0x5d: {  	_ =	shalt  }
0x5e: {  	_ =	shalt  }
0x5f: {  	_ =	shalt  }
0x60: {  	_ =	shalt  }
0x61: {  	_ =	shalt  }
0x62: {  	_ =	shalt  }
0x63: {  	_ =	shalt  }
0x64: {  	_ =	shalt  }
0x65: {  	_ =	shalt  }
0x66: {  	_ =	shalt  }
0x67: {  	_ =	shalt  }
0x68: {  	_ =	shalt  }
0x69: {  	_ =	shalt  }
0x6a: {  	_ =	shalt  }
0x6b: {  	_ =	shalt  }
0x6c: {  	_ =	shalt  }
0x6d: {  	_ =	shalt  }
0x6e: {  	_ =	shalt  }
0x6f: {  	_ =	shalt  }
0x70: {  	_ =	shalt  }
0x71: {  	_ =	shalt  }
0x72: {  	_ =	shalt  }
0x73: {  	_ =	shalt  }
0x74: {  	_ =	shalt  }
0x75: {  	_ =	shalt  }
0x76: {  	_ =	shalt  }
0x77: {  	_ =	shalt  }
0x78: {  	_ =	shalt  }
0x79: {  	_ =	shalt  }
0x7a: {  	_ =	shalt  }
0x7b: {  	_ =	shalt  }
0x7c: {  	_ =	shalt  }
0x7d: {  	_ =	shalt  }
0x7e: {  	_ =	shalt  }
0x7f: {  	_ =	shalt  }
0x80: {  	_ =	shalt  }
0x81: {  	_ =	shalt  }
0x82: {  	_ =	shalt  }
0x83: {  	_ =	shalt  }
0x84: {  	_ =	shalt  }
0x85: {  	_ =	shalt  }
0x86: {  	_ =	shalt  }
0x87: {  	_ =	shalt  }
.Lfunc_end0:
.L_simem_size_0:
called_computation.2_lowered:
.L_overlay_start_0:
0x88: {  	s2 =	sld [smem:$0x3FD9]  }
0x89: {  	s3 =	sld [smem:$0x3FFE];
	_ =	sdelay $0x1  }
0x8a: {  	s1 =	srdreg.scid  }
0x8b: {  	s0 =	sand.u32 $0x1, s1  }
0x8c: {  	s17 =	sshll.u32 s0, $0xA;
	s2 =	sadd.s32 s3, s2  }
0x8d: {  	s2 =	sadd.s32 s2, s17  }
0x8e: {  	[smem:$0x3FC4] =	sst s2  }
0x8f: {  	_ = 	snop  }
0x90: {  	s2 =	sld [smem:$0x3FD0];
	(tm) =	ssettm $0x1  }
0x91: {  	s18 =	sld [smem:$0x3FFB];
	_ =	sdelay $0x3  }
0x92: {  	_ =	strace s18  }
0x93: {  	s3 =	sld [smem:$0x3FFC];
	_ =	sdelay $0x3  }
0x94: {  	_ =	strace s3  }
0x95: {  	s3 =	sld [smem:$0x3FFD];
	_ =	sdelay $0x3  }
0x96: {  	_ =	strace s3  }
0x97: {  	_ =	strace $0x8FFFFFFF  }
0x98: {  	s19 =	sld [smem:$0x3FDB];
	_ =	sdelay $0x1  }
0x99: {  	s4 =	simm.s32 $_scs_section_size  }
0x9a: {  	s5 =	simm.s32 $_size__tile_overlayer_lowered;
	s6 =	simm.s32 $_tile_overlayer_lowered  }
0x9b: {  	s22 =	simm.s32 $0x1BFF;
	s21 =	sshll.u32 s6, $0x1;
	s3 =	sadd.s32 s4, s19  }
0x9c: {  	s7 =	simm.s32 $0x0;
	s20 =	sshll.u32 s5, $0x1;
	s5 =	sadd.s32 s21, s3  }
0x9d: {  	[timem:s7], [sflag:s22] =	dma.local [hbm:s5], s20  }
0x9e: {  	_ =	swait.ge [sflag:s22], s20  }
0x9f: {  	s4 =	ssub.s32 $0x0, s20;
	[sflag:s22] =	ssyncset.done $0x0  }
0xa0: {  	[sflag:s22] =	ssyncadd.s32 s4;
	_ =	sdelay $0x1  }
0xa1: {  	s23 =	simm.s32 $0x1B8B  }
0xa2: {  	_ =	swait.ge [sflag:s23], $0x1  }
0xa3: {  	[sflag:s23] =	ssyncset.done $0x0  }
0xa4: {  	s25 =	simm.s32 $0x1B8E;
	s24 =	sld [smem:$0x3FFE];
	[sflag:s23] =	ssyncadd.s32 $0xFFFFFFFF  }
0xa5: {  	s26 =	simm.s32 $execute0_lowered;
	[smem:$0x3FD2] =	sst s25  }
0xa6: {  	s5 =	sshll.u32 s26, $0x1;
	_ =	strace $0x8000004C;
	[dreg:$0x1] =	wrdreg $0xFFFFFFFF  }
0xa7: {  	s28 =	simm.s32 $_size_execute0_lowered;
	s3 =	sadd.s32 s3, s5;
	[dreg:$0x0] =	wrdreg $0x0  }
0xa8: {  	s5 =	sshll.u32 s28, $0x1;
	[dreg:$0x2] =	wrdreg s3  }
0xa9: {  	[dreg:$0x3] =	wrdreg s5  }
0xaa: {  	[dreg:$0x4] =	wrdreg $0xC0  }
0xab: {  	_ =	task [dreg:s7], $0x5FFFF  }
0xac: {  	[dreg:$0x1] =	wrdreg $0xFFFFFFFF  }
0xad: {  	[dreg:$0x0] =	wrdreg $0x60  }
0xae: {  	[dreg:$0x2] =	wrdreg s2  }
0xaf: {  	[dreg:$0x3] =	wrdreg s24  }
0xb0: {  	[dreg:$0x4] =	wrdreg $0x90000  }
0xb1: {  	[dreg:$0x5] =	wrdreg $0x9  }
0xb2: {  	_ =	task.clear_ibuf [dreg:s7], $0x6FFFF;
	_ =	strace $0x9000004C  }
0xb3: {  	s29 =	simm.s32 $0x9;
	_ =	strace $0x8000004E  }
0xb4: {  	_ =	swait.ge [sflag:s29], $0x1  }
0xb5: {  	[sflag:s29] =	ssyncadd.s32 $0xFFFFFFFF  }
0xb6: {  	_ =	strace $0x9000004E  }
0xb7: {  	_ =	sfence  }
0xb8: {  	s30 =	sld [smem:$0x0];
	_ =	sdelay $0x2  }
0xb9: {  	s31 =	sshll.u32 s1, $0xD;
	s1 =	sshrl.u32 s1, $0x2  }
0xba: {  	s3 =	sand.u32 $0x4000, s31;
	s1 =	sadd.s32 s1, s30  }
0xbb: {  	s0 =	sor.u32 s3, s0;
	s1 =	sshll.u32 s1, $0x11  }
0xbc: {  	s0 =	sor.u32 s1, s0  }
0xbd: {  	s0 =	sadd.s32 $0x8F2B, s0  }
0xbe: {  	[sflag:s0] =	ssyncadd.remote.s32 $0x1  }
0xbf: {  	_ =	sfence.sel $0xFFFF  }
0xc0: {  	[dreg:$0x0] =	wrdreg $0xFFFFFFFF;
	(pc) =	sbr.abs _section_cstart, $3  }
0xc1: {  	[dreg:$0x1] =	wrdreg $0xFFFFFFFF  }
0xc2: {  	_ =	task.clear_ibuf [dreg:s7], $0x2FFFF;
	_ =	strace $0x9FFFFFFF  }
0xc3: {  	(tm) =	ssettm $0x7FFFFFFF  }
tec
execute0_lowered:
.L_overlay_start_1:
0x0: {  	(tag) =	ssettag $0x1  }
0x1: {  	s1 =	rddreg [dreg:$0x0]  }
0x2: {  	s0 =	srdreg.scid;
	s2 =	rddreg [dreg:$0x1]  }
0x3: {  	s8 =	stileid.u32;
	s3 =	rddreg [dreg:$0x2];
	s4 =	simm.s32 $0x0  }
0x4: {  	s16 =	simm.s32 $0x100;
	s17 =	simm.s32 $0x200;
	s18 =	simm.s32 $0x180  }
0x5: {  	s19 =	simm.s32 $0x300;
	[smem:$0x7FF] =	sst s4;
	s9 =	sadd.s32 $0x17400, s2  }
0x6: {  	s20 =	simm.s32 $0x280;
	_ =	strace $0x8000004D;
	[dreg:$0x10] =	wrdreg s9  }
0x7: {  	s10 =	simm.s32 $0x3;
	s21 =	simm.s32 $0x400;
	[dreg:$0x5] =	wrdreg s16  }
0x8: {  	s22 =	simm.s32 $0x380;
	s23 =	simm.s32 $0x500;
	[dreg:$0x6] =	wrdreg s17  }
0x9: {  	s24 =	simm.s32 $0x480;
	s25 =	simm.s32 $0x600;
	[dreg:$0x7] =	wrdreg s18  }
0xa: {  	s26 =	simm.s32 $0x580;
	s28 =	simm.s32 $0xB80;
	[dreg:$0x8] =	wrdreg s19  }
0xb: {  	s29 =	simm.s32 $0xD00;
	s5 =	smul.u32 $0xA000, s8;
	[dreg:$0x9] =	wrdreg s20  }
0xc: {  	s30 =	simm.s32 $0xC80;
	s11 =	smul.u32 $0x14000, s8;
	[dreg:$0xa] =	wrdreg s21  }
0xd: {  	s0 =	sand.u32 $0x1, s0;
	s12 =	smul.u32 $0x50000, s8;
	[dreg:$0xb] =	wrdreg s22  }
0xe: {  	s31 =	simm.s32 $0xE00;
	s6 =	smul.u32 $0x5000, s0;
	[dreg:$0xc] =	wrdreg s23  }
0xf: {  	s15 =	sshll.u32 s8, $0x6;
	s7 =	smul.u32 $0x140000, s0;
	[dreg:$0xd] =	wrdreg s24  }
0x10: {  	s0 =	ssub.s32 $0x2, s0;
	s8 =	sor.u32 $0x1C03, s15;
	[dreg:$0xe] =	wrdreg s25  }
0x11: {  	s15 =	simm.s32 $0x2;
	[dreg:$0xf] =	wrdreg s26;
	s16 =	simm.s32 $0x700  }
0x12: {  	s17 =	simm.s32 $0x680;
	s18 =	simm.s32 $0x800;
	s19 =	simm.s32 $0x780  }
0x13: {  	s20 =	simm.s32 $0x900;
	s21 =	simm.s32 $0x880;
	s22 =	simm.s32 $0xA00  }
0x14: {  	s23 =	simm.s32 $0x980;
	s24 =	simm.s32 $0xB00;
	s25 =	simm.s32 $0xA80  }
0x15: {  	s26 =	simm.s32 $0xC00;
	s13 =	sshrl.u32 s0, $0x1;
	[dreg:$0x11] =	wrdreg s8  }
0x16: {  	s5 =	sadd.s32 s6, s5;
	s6 =	sadd.s32 s11, s7;
	s7 =	sshrl.u32 s12, $0x2  }
0x17: {  	s0 =	ssub.s32 s0, s13;
	s11 =	simm.s32 $0x80;
	s12 =	simm.s32 $0x1000  }
0x18: {  	s13 =	simm.s32 $0x5000;
	s5 =	sshrl.u32 s5, $0x3;
	s6 =	sshrl.u32 s6, $0x3  }
0x19: {  	s14 =	sadd.s32 s7, s3;
	s0 =	smax.u32 s0, $0x1;
	s5 =	sadd.s32 s5, s2  }
0x1a: {  	s2 =	sadd.s32 s6, s2;
	[dreg:$0x13] =	wrdreg s0;
	s6 =	simm.s32 $0x0  }
0x1b: {  	s7 =	simm.s32 $0xF80;
	s9 =	sshrl.u32 s14, $0x3;
	[dreg:$0x15] =	wrdreg s6  }
0x1c: {  	s14 =	simm.s32 $0x1;
	s5 =	sadd.s32 $0x3400, s5;
	[dreg:$0x14] =	wrdreg s9  }
0x1d: {  	s0 =	simm.s32 $0xF00;
	s2 =	sadd.s32 $0x19C00, s2;
	[dreg:$0x4] =	wrdreg s5  }
0x1e: {  	[dreg:$0x12] =	wrdreg s2;
	s2 =	simm.s32 $0xD80;
	s5 =	simm.s32 $0xE80  }
.LBB2_1:
0x1f: {  	s6 =	rddreg [dreg:$0x10]  }
0x20: {  	[spmem:s9], [sflag:s8] =	dma.local [hbm:s6], $0x2800  }
0x21: {  	_ =	swait.ge [sflag:s10], $0x2800  }
0x22: {  	[sflag:s10] =	ssyncset.done $0x0  }
0x23: {  	[sflag:s10] =	ssyncadd.s32 $0xFFFFD800  }
0x24: {  	[bflag:$0x0] =	sbarrier.arrive $0xFFFF  }
0x25: {  	s8 =	rddreg [dreg:$0x4]  }
0x26: {  	s6 =	sadd.s32 $0x0, s8  }
0x27: {  	[tilespmem:s4], [sflag:$0x3] =	stream.linear.gather [hbm4b:s6+s4], $0x1000, $0x38;
	[tilespmem:$0x1D000] =	vst v63  }
0x28: {  	_ =	swait.ge [sflag:s10], $0x1000  }
0x29: {  	[sflag:s10] =	ssyncset.done $0x0  }
0x2a: {  	[sflag:s10] =	ssyncadd.s32 $0xFFFFF000  }
0x2b: {  	[tilespmem:s12], [sflag:$0x1] =	stream.indirect.gather [hbm4b:s1+s11], $0x80, s4, s11, $0xb8;
	[tilespmem:$0x1D000] =	vst v63  }
0x2c: {  	s9 =	rddreg [dreg:$0x5]  }
0x2d: {  	[tilespmem:s13], [sflag:$0x2] =	stream.indirect.gather [hbm4b:s1+s11], $0x80, s9, s11, $0xb8;
	[tilespmem:$0x1D000] =	vst v63  }
0x2e: {  	_ =	swait.ge [sflag:s14], $0x4000  }
0x2f: {  	[sflag:s14] =	ssyncset.done $0x0  }
0x30: {  	[sflag:s14] =	ssyncadd.s32 $0xFFFFC000  }
0x31: {  	[spmem:s3] =	stream.indirect.scatter.add.f32 [tilespmem:s12], [sflag:$0x3], $0x80, s11, s11, $0xb8;
	[tilespmem:$0x1D000] =	vst v63  }
0x32: {  	_ =	swait.ge [sflag:s10], $0x4000  }
0x33: {  	[sflag:s10] =	ssyncset.done $0x0  }
0x34: {  	s8 =	rddreg [dreg:$0x6];
	[sflag:s10] =	ssyncadd.s32 $0xFFFFC000  }
0x35: {  	[tilespmem:s12], [sflag:$0x1] =	stream.indirect.gather [hbm4b:s1+s11], $0x80, s8, s11, $0xb8;
	[tilespmem:$0x1D000] =	vst v63  }
0x36: {  	_ =	swait.ge [sflag:s15], $0x4000  }
0x37: {  	[sflag:s15] =	ssyncset.done $0x0  }
0x38: {  	s9 =	rddreg [dreg:$0x7];
	[sflag:s15] =	ssyncadd.s32 $0xFFFFC000  }
0x39: {  	[spmem:s3] =	stream.indirect.scatter.add.f32 [tilespmem:s13], [sflag:$0x3], $0x80, s9, s11, $0xb8;
	[tilespmem:$0x1D000] =	vst v63  }
0x3a: {  	_ =	swait.ge [sflag:s10], $0x4000  }
0x3b: {  	[sflag:s10] =	ssyncset.done $0x0  }
0x3c: {  	s8 =	rddreg [dreg:$0x8];
	[sflag:s10] =	ssyncadd.s32 $0xFFFFC000  }
0x3d: {  	[tilespmem:s13], [sflag:$0x2] =	stream.indirect.gather [hbm4b:s1+s11], $0x80, s8, s11, $0xb8;
	[tilespmem:$0x1D000] =	vst v63  }
0x3e: {  	_ =	swait.ge [sflag:s14], $0x4000  }
0x3f: {  	[sflag:s14] =	ssyncset.done $0x0  }
0x40: {  	s9 =	rddreg [dreg:$0x9];
	[sflag:s14] =	ssyncadd.s32 $0xFFFFC000  }
0x41: {  	[spmem:s3] =	stream.indirect.scatter.add.f32 [tilespmem:s12], [sflag:$0x3], $0x80, s9, s11, $0xb8;
	[tilespmem:$0x1D000] =	vst v63  }
0x42: {  	_ =	swait.ge [sflag:s10], $0x4000  }
0x43: {  	[sflag:s10] =	ssyncset.done $0x0  }
0x44: {  	s8 =	rddreg [dreg:$0xa];
	[sflag:s10] =	ssyncadd.s32 $0xFFFFC000  }
0x45: {  	[tilespmem:s12], [sflag:$0x1] =	stream.indirect.gather [hbm4b:s1+s11], $0x80, s8, s11, $0xb8;
	[tilespmem:$0x1D000] =	vst v63  }
0x46: {  	_ =	swait.ge [sflag:s15], $0x4000  }
0x47: {  	[sflag:s15] =	ssyncset.done $0x0  }
0x48: {  	s9 =	rddreg [dreg:$0xb];
	[sflag:s15] =	ssyncadd.s32 $0xFFFFC000  }
0x49: {  	[spmem:s3] =	stream.indirect.scatter.add.f32 [tilespmem:s13], [sflag:$0x3], $0x80, s9, s11, $0xb8;
	[tilespmem:$0x1D000] =	vst v63  }
0x4a: {  	_ =	swait.ge [sflag:s10], $0x4000  }
0x4b: {  	[sflag:s10] =	ssyncset.done $0x0  }
0x4c: {  	s8 =	rddreg [dreg:$0xc];
	[sflag:s10] =	ssyncadd.s32 $0xFFFFC000  }
0x4d: {  	[tilespmem:s13], [sflag:$0x2] =	stream.indirect.gather [hbm4b:s1+s11], $0x80, s8, s11, $0xb8;
	[tilespmem:$0x1D000] =	vst v63  }
0x4e: {  	_ =	swait.ge [sflag:s14], $0x4000  }
0x4f: {  	[sflag:s14] =	ssyncset.done $0x0  }
0x50: {  	s9 =	rddreg [dreg:$0xd];
	[sflag:s14] =	ssyncadd.s32 $0xFFFFC000  }
0x51: {  	[spmem:s3] =	stream.indirect.scatter.add.f32 [tilespmem:s12], [sflag:$0x3], $0x80, s9, s11, $0xb8;
	[tilespmem:$0x1D000] =	vst v63  }
0x52: {  	_ =	swait.ge [sflag:s10], $0x4000  }
0x53: {  	[sflag:s10] =	ssyncset.done $0x0  }
0x54: {  	s8 =	rddreg [dreg:$0xe];
	[sflag:s10] =	ssyncadd.s32 $0xFFFFC000  }
0x55: {  	[tilespmem:s12], [sflag:$0x1] =	stream.indirect.gather [hbm4b:s1+s11], $0x80, s8, s11, $0xb8;
	[tilespmem:$0x1D000] =	vst v63  }
0x56: {  	_ =	swait.ge [sflag:s15], $0x4000  }
0x57: {  	[sflag:s15] =	ssyncset.done $0x0  }
0x58: {  	s9 =	rddreg [dreg:$0xf];
	[sflag:s15] =	ssyncadd.s32 $0xFFFFC000  }
0x59: {  	[spmem:s3] =	stream.indirect.scatter.add.f32 [tilespmem:s13], [sflag:$0x3], $0x80, s9, s11, $0xb8;
	[tilespmem:$0x1D000] =	vst v63  }
0x5a: {  	_ =	swait.ge [sflag:s10], $0x4000  }
0x5b: {  	[sflag:s10] =	ssyncset.done $0x0  }
0x5c: {  	[sflag:s10] =	ssyncadd.s32 $0xFFFFC000  }
0x5d: {  	[tilespmem:s13], [sflag:$0x2] =	stream.indirect.gather [hbm4b:s1+s11], $0x80, s16, s11, $0xb8;
	[tilespmem:$0x1D000] =	vst v63  }
0x5e: {  	_ =	swait.ge [sflag:s14], $0x4000  }
0x5f: {  	[sflag:s14] =	ssyncset.done $0x0  }
0x60: {  	[sflag:s14] =	ssyncadd.s32 $0xFFFFC000  }
0x61: {  	[spmem:s3] =	stream.indirect.scatter.add.f32 [tilespmem:s12], [sflag:$0x3], $0x80, s17, s11, $0xb8;
	[tilespmem:$0x1D000] =	vst v63  }
0x62: {  	_ =	swait.ge [sflag:s10], $0x4000  }
0x63: {  	[sflag:s10] =	ssyncset.done $0x0  }
0x64: {  	[sflag:s10] =	ssyncadd.s32 $0xFFFFC000  }
0x65: {  	[tilespmem:s12], [sflag:$0x1] =	stream.indirect.gather [hbm4b:s1+s11], $0x80, s18, s11, $0xb8;
	[tilespmem:$0x1D000] =	vst v63  }
0x66: {  	_ =	swait.ge [sflag:s15], $0x4000  }
0x67: {  	[sflag:s15] =	ssyncset.done $0x0  }
0x68: {  	[sflag:s15] =	ssyncadd.s32 $0xFFFFC000  }
0x69: {  	[spmem:s3] =	stream.indirect.scatter.add.f32 [tilespmem:s13], [sflag:$0x3], $0x80, s19, s11, $0xb8;
	[tilespmem:$0x1D000] =	vst v63  }
0x6a: {  	_ =	swait.ge [sflag:s10], $0x4000  }
0x6b: {  	[sflag:s10] =	ssyncset.done $0x0  }
0x6c: {  	[sflag:s10] =	ssyncadd.s32 $0xFFFFC000  }
0x6d: {  	[tilespmem:s13], [sflag:$0x2] =	stream.indirect.gather [hbm4b:s1+s11], $0x80, s20, s11, $0xb8;
	[tilespmem:$0x1D000] =	vst v63  }
0x6e: {  	_ =	swait.ge [sflag:s14], $0x4000  }
0x6f: {  	[sflag:s14] =	ssyncset.done $0x0  }
0x70: {  	[sflag:s14] =	ssyncadd.s32 $0xFFFFC000  }
0x71: {  	[spmem:s3] =	stream.indirect.scatter.add.f32 [tilespmem:s12], [sflag:$0x3], $0x80, s21, s11, $0xb8;
	[tilespmem:$0x1D000] =	vst v63  }
0x72: {  	_ =	swait.ge [sflag:s10], $0x4000  }
0x73: {  	[sflag:s10] =	ssyncset.done $0x0  }
0x74: {  	[sflag:s10] =	ssyncadd.s32 $0xFFFFC000  }
0x75: {  	[tilespmem:s12], [sflag:$0x1] =	stream.indirect.gather [hbm4b:s1+s11], $0x80, s22, s11, $0xb8;
	[tilespmem:$0x1D000] =	vst v63  }
0x76: {  	_ =	swait.ge [sflag:s15], $0x4000  }
0x77: {  	[sflag:s15] =	ssyncset.done $0x0  }
0x78: {  	[sflag:s15] =	ssyncadd.s32 $0xFFFFC000  }
0x79: {  	[spmem:s3] =	stream.indirect.scatter.add.f32 [tilespmem:s13], [sflag:$0x3], $0x80, s23, s11, $0xb8;
	[tilespmem:$0x1D000] =	vst v63  }
0x7a: {  	_ =	swait.ge [sflag:s10], $0x4000  }
0x7b: {  	[sflag:s10] =	ssyncset.done $0x0  }
0x7c: {  	[sflag:s10] =	ssyncadd.s32 $0xFFFFC000  }
0x7d: {  	[tilespmem:s13], [sflag:$0x2] =	stream.indirect.gather [hbm4b:s1+s11], $0x80, s24, s11, $0xb8;
	[tilespmem:$0x1D000] =	vst v63  }
0x7e: {  	_ =	swait.ge [sflag:s14], $0x4000  }
0x7f: {  	[sflag:s14] =	ssyncset.done $0x0  }
0x80: {  	[sflag:s14] =	ssyncadd.s32 $0xFFFFC000  }
0x81: {  	[spmem:s3] =	stream.indirect.scatter.add.f32 [tilespmem:s12], [sflag:$0x3], $0x80, s25, s11, $0xb8;
	[tilespmem:$0x1D000] =	vst v63  }
0x82: {  	_ =	swait.ge [sflag:s10], $0x4000  }
0x83: {  	[sflag:s10] =	ssyncset.done $0x0  }
0x84: {  	[sflag:s10] =	ssyncadd.s32 $0xFFFFC000  }
0x85: {  	[tilespmem:s12], [sflag:$0x1] =	stream.indirect.gather [hbm4b:s1+s11], $0x80, s26, s11, $0xb8;
	[tilespmem:$0x1D000] =	vst v63  }
0x86: {  	_ =	swait.ge [sflag:s15], $0x4000  }
0x87: {  	[sflag:s15] =	ssyncset.done $0x0  }
0x88: {  	[sflag:s15] =	ssyncadd.s32 $0xFFFFC000  }
0x89: {  	[spmem:s3] =	stream.indirect.scatter.add.f32 [tilespmem:s13], [sflag:$0x3], $0x80, s28, s11, $0xb8;
	[tilespmem:$0x1D000] =	vst v63  }
0x8a: {  	_ =	swait.ge [sflag:s10], $0x4000  }
0x8b: {  	[sflag:s10] =	ssyncset.done $0x0  }
0x8c: {  	[sflag:s10] =	ssyncadd.s32 $0xFFFFC000  }
0x8d: {  	[tilespmem:s13], [sflag:$0x2] =	stream.indirect.gather [hbm4b:s1+s11], $0x80, s29, s11, $0xb8;
	[tilespmem:$0x1D000] =	vst v63  }
0x8e: {  	_ =	swait.ge [sflag:s14], $0x4000  }
0x8f: {  	[sflag:s14] =	ssyncset.done $0x0  }
0x90: {  	[sflag:s14] =	ssyncadd.s32 $0xFFFFC000  }
0x91: {  	[spmem:s3] =	stream.indirect.scatter.add.f32 [tilespmem:s12], [sflag:$0x3], $0x80, s30, s11, $0xb8;
	[tilespmem:$0x1D000] =	vst v63  }
0x92: {  	_ =	swait.ge [sflag:s10], $0x4000  }
0x93: {  	[sflag:s10] =	ssyncset.done $0x0  }
0x94: {  	[sflag:s10] =	ssyncadd.s32 $0xFFFFC000  }
0x95: {  	[tilespmem:s12], [sflag:$0x1] =	stream.indirect.gather [hbm4b:s1+s11], $0x80, s31, s11, $0xb8;
	[tilespmem:$0x1D000] =	vst v63  }
0x96: {  	_ =	swait.ge [sflag:s15], $0x4000  }
0x97: {  	[sflag:s15] =	ssyncset.done $0x0  }
0x98: {  	[sflag:s15] =	ssyncadd.s32 $0xFFFFC000  }
0x99: {  	[spmem:s3] =	stream.indirect.scatter.add.f32 [tilespmem:s13], [sflag:$0x3], $0x80, s2, s11, $0xb8;
	[tilespmem:$0x1D000] =	vst v63  }
0x9a: {  	_ =	swait.ge [sflag:s10], $0x4000  }
0x9b: {  	[sflag:s10] =	ssyncset.done $0x0  }
0x9c: {  	[sflag:s10] =	ssyncadd.s32 $0xFFFFC000  }
0x9d: {  	[tilespmem:s13], [sflag:$0x2] =	stream.indirect.gather [hbm4b:s1+s11], $0x80, s0, s11, $0xb8;
	[tilespmem:$0x1D000] =	vst v63  }
0x9e: {  	_ =	swait.ge [sflag:s14], $0x4000  }
0x9f: {  	[sflag:s14] =	ssyncset.done $0x0  }
0xa0: {  	[sflag:s14] =	ssyncadd.s32 $0xFFFFC000  }
0xa1: {  	[spmem:s3] =	stream.indirect.scatter.add.f32 [tilespmem:s12], [sflag:$0x3], $0x80, s5, s11, $0xb8;
	[tilespmem:$0x1D000] =	vst v63  }
0xa2: {  	_ =	swait.ge [sflag:s10], $0x4000  }
0xa3: {  	[sflag:s10] =	ssyncset.done $0x0  }
0xa4: {  	[sflag:s10] =	ssyncadd.s32 $0xFFFFC000  }
0xa5: {  	_ =	swait.ge [sflag:s15], $0x4000  }
0xa6: {  	[sflag:s15] =	ssyncset.done $0x0  }
0xa7: {  	[sflag:s15] =	ssyncadd.s32 $0xFFFFC000  }
0xa8: {  	[spmem:s3] =	stream.indirect.scatter.add.f32 [tilespmem:s13], [sflag:$0x3], $0x80, s7, s11, $0xb8;
	[tilespmem:$0x1D000] =	vst v63  }
0xa9: {  	s6 =	simm.s32 $0x200;
	_ =	swait.ge [sflag:s10], $0x4000  }
.LBB2_2:
0xaa: {  	s9 =	rddreg [dreg:$0x4];
	s8 =	smov.u32 s6;
	[sflag:s10] =	ssyncset.done $0x0  }
0xab: {  	s8 =	sadd.s32 s8, s9;
	[sflag:s10] =	ssyncadd.s32 $0xFFFFC000  }
0xac: {  	[tilespmem:s4], [sflag:$0x3] =	stream.linear.gather [hbm4b:s8+s4], $0x1000, $0x38;
	[tilespmem:$0x1D000] =	vst v63  }
0xad: {  	_ =	swait.ge [sflag:s10], $0x1000  }
0xae: {  	[sflag:s10] =	ssyncset.done $0x0  }
0xaf: {  	[sflag:s10] =	ssyncadd.s32 $0xFFFFF000  }
0xb0: {  	[tilespmem:s12], [sflag:$0x1] =	stream.indirect.gather [hbm4b:s1+s11], $0x80, s4, s11, $0xb8;
	[tilespmem:$0x1D000] =	vst v63  }
0xb1: {  	s9 =	rddreg [dreg:$0x5]  }
0xb2: {  	[tilespmem:s13], [sflag:$0x2] =	stream.indirect.gather [hbm4b:s1+s11], $0x80, s9, s11, $0xb8;
	[tilespmem:$0x1D000] =	vst v63  }
0xb3: {  	_ =	swait.ge [sflag:s14], $0x4000  }
0xb4: {  	[sflag:s14] =	ssyncset.done $0x0  }
0xb5: {  	[sflag:s14] =	ssyncadd.s32 $0xFFFFC000  }
0xb6: {  	[spmem:s3] =	stream.indirect.scatter.add.f32 [tilespmem:s12], [sflag:$0x3], $0x80, s11, s11, $0xb8;
	[tilespmem:$0x1D000] =	vst v63  }
0xb7: {  	_ =	swait.ge [sflag:s10], $0x4000  }
0xb8: {  	[sflag:s10] =	ssyncset.done $0x0  }
0xb9: {  	s9 =	rddreg [dreg:$0x6];
	[sflag:s10] =	ssyncadd.s32 $0xFFFFC000  }
0xba: {  	[tilespmem:s12], [sflag:$0x1] =	stream.indirect.gather [hbm4b:s1+s11], $0x80, s9, s11, $0xb8;
	[tilespmem:$0x1D000] =	vst v63  }
0xbb: {  	_ =	swait.ge [sflag:s15], $0x4000  }
0xbc: {  	[sflag:s15] =	ssyncset.done $0x0  }
0xbd: {  	s9 =	rddreg [dreg:$0x7];
	[sflag:s15] =	ssyncadd.s32 $0xFFFFC000  }
0xbe: {  	[spmem:s3] =	stream.indirect.scatter.add.f32 [tilespmem:s13], [sflag:$0x3], $0x80, s9, s11, $0xb8;
	[tilespmem:$0x1D000] =	vst v63  }
0xbf: {  	_ =	swait.ge [sflag:s10], $0x4000  }
0xc0: {  	[sflag:s10] =	ssyncset.done $0x0  }
0xc1: {  	s9 =	rddreg [dreg:$0x8];
	[sflag:s10] =	ssyncadd.s32 $0xFFFFC000  }
0xc2: {  	[tilespmem:s13], [sflag:$0x2] =	stream.indirect.gather [hbm4b:s1+s11], $0x80, s9, s11, $0xb8;
	[tilespmem:$0x1D000] =	vst v63  }
0xc3: {  	_ =	swait.ge [sflag:s14], $0x4000  }
0xc4: {  	[sflag:s14] =	ssyncset.done $0x0  }
0xc5: {  	s9 =	rddreg [dreg:$0x9];
	[sflag:s14] =	ssyncadd.s32 $0xFFFFC000  }
0xc6: {  	[spmem:s3] =	stream.indirect.scatter.add.f32 [tilespmem:s12], [sflag:$0x3], $0x80, s9, s11, $0xb8;
	[tilespmem:$0x1D000] =	vst v63  }
0xc7: {  	_ =	swait.ge [sflag:s10], $0x4000  }
0xc8: {  	[sflag:s10] =	ssyncset.done $0x0  }
0xc9: {  	s9 =	rddreg [dreg:$0xa];
	[sflag:s10] =	ssyncadd.s32 $0xFFFFC000  }
0xca: {  	[tilespmem:s12], [sflag:$0x1] =	stream.indirect.gather [hbm4b:s1+s11], $0x80, s9, s11, $0xb8;
	[tilespmem:$0x1D000] =	vst v63  }
0xcb: {  	_ =	swait.ge [sflag:s15], $0x4000  }
0xcc: {  	[sflag:s15] =	ssyncset.done $0x0  }
0xcd: {  	s9 =	rddreg [dreg:$0xb];
	[sflag:s15] =	ssyncadd.s32 $0xFFFFC000  }
0xce: {  	[spmem:s3] =	stream.indirect.scatter.add.f32 [tilespmem:s13], [sflag:$0x3], $0x80, s9, s11, $0xb8;
	[tilespmem:$0x1D000] =	vst v63  }
0xcf: {  	_ =	swait.ge [sflag:s10], $0x4000  }
0xd0: {  	[sflag:s10] =	ssyncset.done $0x0  }
0xd1: {  	s9 =	rddreg [dreg:$0xc];
	[sflag:s10] =	ssyncadd.s32 $0xFFFFC000  }
0xd2: {  	[tilespmem:s13], [sflag:$0x2] =	stream.indirect.gather [hbm4b:s1+s11], $0x80, s9, s11, $0xb8;
	[tilespmem:$0x1D000] =	vst v63  }
0xd3: {  	_ =	swait.ge [sflag:s14], $0x4000  }
0xd4: {  	[sflag:s14] =	ssyncset.done $0x0  }
0xd5: {  	s9 =	rddreg [dreg:$0xd];
	[sflag:s14] =	ssyncadd.s32 $0xFFFFC000  }
0xd6: {  	[spmem:s3] =	stream.indirect.scatter.add.f32 [tilespmem:s12], [sflag:$0x3], $0x80, s9, s11, $0xb8;
	[tilespmem:$0x1D000] =	vst v63  }
0xd7: {  	_ =	swait.ge [sflag:s10], $0x4000  }
0xd8: {  	[sflag:s10] =	ssyncset.done $0x0  }
0xd9: {  	s9 =	rddreg [dreg:$0xe];
	[sflag:s10] =	ssyncadd.s32 $0xFFFFC000  }
0xda: {  	[tilespmem:s12], [sflag:$0x1] =	stream.indirect.gather [hbm4b:s1+s11], $0x80, s9, s11, $0xb8;
	[tilespmem:$0x1D000] =	vst v63  }
0xdb: {  	_ =	swait.ge [sflag:s15], $0x4000  }
0xdc: {  	[sflag:s15] =	ssyncset.done $0x0  }
0xdd: {  	s9 =	rddreg [dreg:$0xf];
	[sflag:s15] =	ssyncadd.s32 $0xFFFFC000  }
0xde: {  	[spmem:s3] =	stream.indirect.scatter.add.f32 [tilespmem:s13], [sflag:$0x3], $0x80, s9, s11, $0xb8;
	[tilespmem:$0x1D000] =	vst v63  }
0xdf: {  	_ =	swait.ge [sflag:s10], $0x4000  }
0xe0: {  	[sflag:s10] =	ssyncset.done $0x0  }
0xe1: {  	[sflag:s10] =	ssyncadd.s32 $0xFFFFC000  }
0xe2: {  	[tilespmem:s13], [sflag:$0x2] =	stream.indirect.gather [hbm4b:s1+s11], $0x80, s16, s11, $0xb8;
	[tilespmem:$0x1D000] =	vst v63  }
0xe3: {  	_ =	swait.ge [sflag:s14], $0x4000  }
0xe4: {  	[sflag:s14] =	ssyncset.done $0x0  }
0xe5: {  	[sflag:s14] =	ssyncadd.s32 $0xFFFFC000  }
0xe6: {  	[spmem:s3] =	stream.indirect.scatter.add.f32 [tilespmem:s12], [sflag:$0x3], $0x80, s17, s11, $0xb8;
	[tilespmem:$0x1D000] =	vst v63  }
0xe7: {  	_ =	swait.ge [sflag:s10], $0x4000  }
0xe8: {  	[sflag:s10] =	ssyncset.done $0x0  }
0xe9: {  	[sflag:s10] =	ssyncadd.s32 $0xFFFFC000  }
0xea: {  	[tilespmem:s12], [sflag:$0x1] =	stream.indirect.gather [hbm4b:s1+s11], $0x80, s18, s11, $0xb8;
	[tilespmem:$0x1D000] =	vst v63  }
0xeb: {  	_ =	swait.ge [sflag:s15], $0x4000  }
0xec: {  	[sflag:s15] =	ssyncset.done $0x0  }
0xed: {  	[sflag:s15] =	ssyncadd.s32 $0xFFFFC000  }
0xee: {  	[spmem:s3] =	stream.indirect.scatter.add.f32 [tilespmem:s13], [sflag:$0x3], $0x80, s19, s11, $0xb8;
	[tilespmem:$0x1D000] =	vst v63  }
0xef: {  	_ =	swait.ge [sflag:s10], $0x4000  }
0xf0: {  	[sflag:s10] =	ssyncset.done $0x0  }
0xf1: {  	[sflag:s10] =	ssyncadd.s32 $0xFFFFC000  }
0xf2: {  	[tilespmem:s13], [sflag:$0x2] =	stream.indirect.gather [hbm4b:s1+s11], $0x80, s20, s11, $0xb8;
	[tilespmem:$0x1D000] =	vst v63  }
0xf3: {  	_ =	swait.ge [sflag:s14], $0x4000  }
0xf4: {  	[sflag:s14] =	ssyncset.done $0x0  }
0xf5: {  	[sflag:s14] =	ssyncadd.s32 $0xFFFFC000  }
0xf6: {  	[spmem:s3] =	stream.indirect.scatter.add.f32 [tilespmem:s12], [sflag:$0x3], $0x80, s21, s11, $0xb8;
	[tilespmem:$0x1D000] =	vst v63  }
0xf7: {  	_ =	swait.ge [sflag:s10], $0x4000  }
0xf8: {  	[sflag:s10] =	ssyncset.done $0x0  }
0xf9: {  	[sflag:s10] =	ssyncadd.s32 $0xFFFFC000  }
0xfa: {  	[tilespmem:s12], [sflag:$0x1] =	stream.indirect.gather [hbm4b:s1+s11], $0x80, s22, s11, $0xb8;
	[tilespmem:$0x1D000] =	vst v63  }
0xfb: {  	_ =	swait.ge [sflag:s15], $0x4000  }
0xfc: {  	[sflag:s15] =	ssyncset.done $0x0  }
0xfd: {  	[sflag:s15] =	ssyncadd.s32 $0xFFFFC000  }
0xfe: {  	[spmem:s3] =	stream.indirect.scatter.add.f32 [tilespmem:s13], [sflag:$0x3], $0x80, s23, s11, $0xb8;
	[tilespmem:$0x1D000] =	vst v63  }
0xff: {  	_ =	swait.ge [sflag:s10], $0x4000  }
0x100: {  	[sflag:s10] =	ssyncset.done $0x0  }
0x101: {  	[sflag:s10] =	ssyncadd.s32 $0xFFFFC000  }
0x102: {  	[tilespmem:s13], [sflag:$0x2] =	stream.indirect.gather [hbm4b:s1+s11], $0x80, s24, s11, $0xb8;
	[tilespmem:$0x1D000] =	vst v63  }
0x103: {  	_ =	swait.ge [sflag:s14], $0x4000  }
0x104: {  	[sflag:s14] =	ssyncset.done $0x0  }
0x105: {  	[sflag:s14] =	ssyncadd.s32 $0xFFFFC000  }
0x106: {  	[spmem:s3] =	stream.indirect.scatter.add.f32 [tilespmem:s12], [sflag:$0x3], $0x80, s25, s11, $0xb8;
	[tilespmem:$0x1D000] =	vst v63  }
0x107: {  	_ =	swait.ge [sflag:s10], $0x4000  }
0x108: {  	[sflag:s10] =	ssyncset.done $0x0  }
0x109: {  	[sflag:s10] =	ssyncadd.s32 $0xFFFFC000  }
0x10a: {  	[tilespmem:s12], [sflag:$0x1] =	stream.indirect.gather [hbm4b:s1+s11], $0x80, s26, s11, $0xb8;
	[tilespmem:$0x1D000] =	vst v63  }
0x10b: {  	_ =	swait.ge [sflag:s15], $0x4000  }
0x10c: {  	[sflag:s15] =	ssyncset.done $0x0  }
0x10d: {  	[sflag:s15] =	ssyncadd.s32 $0xFFFFC000  }
0x10e: {  	[spmem:s3] =	stream.indirect.scatter.add.f32 [tilespmem:s13], [sflag:$0x3], $0x80, s28, s11, $0xb8;
	[tilespmem:$0x1D000] =	vst v63  }
0x10f: {  	_ =	swait.ge [sflag:s10], $0x4000  }
0x110: {  	[sflag:s10] =	ssyncset.done $0x0  }
0x111: {  	[sflag:s10] =	ssyncadd.s32 $0xFFFFC000  }
0x112: {  	[tilespmem:s13], [sflag:$0x2] =	stream.indirect.gather [hbm4b:s1+s11], $0x80, s29, s11, $0xb8;
	[tilespmem:$0x1D000] =	vst v63  }
0x113: {  	_ =	swait.ge [sflag:s14], $0x4000  }
0x114: {  	[sflag:s14] =	ssyncset.done $0x0  }
0x115: {  	[sflag:s14] =	ssyncadd.s32 $0xFFFFC000  }
0x116: {  	[spmem:s3] =	stream.indirect.scatter.add.f32 [tilespmem:s12], [sflag:$0x3], $0x80, s30, s11, $0xb8;
	[tilespmem:$0x1D000] =	vst v63  }
0x117: {  	_ =	swait.ge [sflag:s10], $0x4000  }
0x118: {  	[sflag:s10] =	ssyncset.done $0x0  }
0x119: {  	[sflag:s10] =	ssyncadd.s32 $0xFFFFC000  }
0x11a: {  	[tilespmem:s12], [sflag:$0x1] =	stream.indirect.gather [hbm4b:s1+s11], $0x80, s31, s11, $0xb8;
	[tilespmem:$0x1D000] =	vst v63  }
0x11b: {  	_ =	swait.ge [sflag:s15], $0x4000  }
0x11c: {  	[sflag:s15] =	ssyncset.done $0x0  }
0x11d: {  	[sflag:s15] =	ssyncadd.s32 $0xFFFFC000  }
0x11e: {  	[spmem:s3] =	stream.indirect.scatter.add.f32 [tilespmem:s13], [sflag:$0x3], $0x80, s2, s11, $0xb8;
	[tilespmem:$0x1D000] =	vst v63  }
0x11f: {  	_ =	swait.ge [sflag:s10], $0x4000  }
0x120: {  	[sflag:s10] =	ssyncset.done $0x0  }
0x121: {  	[sflag:s10] =	ssyncadd.s32 $0xFFFFC000  }
0x122: {  	[tilespmem:s13], [sflag:$0x2] =	stream.indirect.gather [hbm4b:s1+s11], $0x80, s0, s11, $0xb8;
	[tilespmem:$0x1D000] =	vst v63  }
0x123: {  	_ =	swait.ge [sflag:s14], $0x4000  }
0x124: {  	[sflag:s14] =	ssyncset.done $0x0  }
0x125: {  	[sflag:s14] =	ssyncadd.s32 $0xFFFFC000  }
0x126: {  	[spmem:s3] =	stream.indirect.scatter.add.f32 [tilespmem:s12], [sflag:$0x3], $0x80, s5, s11, $0xb8;
	[tilespmem:$0x1D000] =	vst v63  }
0x127: {  	_ =	swait.ge [sflag:s10], $0x4000  }
0x128: {  	[sflag:s10] =	ssyncset.done $0x0  }
0x129: {  	p0 =	sne.s32 s6, $0x800;
	[sflag:s10] =	ssyncadd.s32 $0xFFFFC000  }
.Ltmp0:
0x12a: {  	_ =	swait.ge [sflag:s15], $0x4000;
	(pc) =	sbr.rel @p0 .LBB2_2-.Ltmp0, $4  }
0x12b: {  	[sflag:s15] =	ssyncset.done $0x0  }
0x12c: {  	[sflag:s15] =	ssyncadd.s32 $0xFFFFC000  }
0x12d: {  	[spmem:s3] =	stream.indirect.scatter.add.f32 [tilespmem:s13], [sflag:$0x3], $0x80, s7, s11, $0xb8;
	[tilespmem:$0x1D000] =	vst v63  }
0x12e: {  	s6 =	sadd.s32 $0x200, s6;
	_ =	swait.ge [sflag:s10], $0x4000  }
0x12f: {  	[sflag:s10] =	ssyncset.done $0x0  }
0x130: {  	[sflag:s10] =	ssyncadd.s32 $0xFFFFC000  }
0x131: {  	[bflag:$0x0] =	sbarrier.arrive $0xFFFF  }
0x132: {  	s8 =	rddreg [dreg:$0x11]  }
0x133: {  	s6 =	rddreg [dreg:$0x12]  }
0x134: {  	s9 =	rddreg [dreg:$0x14]  }
0x135: {  	[hbm:s6], [sflag:s8] =	dma.local [spmem:s9], $0x2800  }
0x136: {  	_ =	swait.ge [sflag:s10], $0x2800  }
0x137: {  	s6 =	rddreg [dreg:$0x15]  }
0x138: {  	s8 =	sadd.s32 $0x1, s6;
	s6 =	rddreg [dreg:$0x13]  }
0x139: {  	p0 =	sne.s32 s8, s6  }
.Ltmp1:
0x13a: {  	_ = 	snop;
	(pc) =	sbr.rel @p0 .LBB2_1-.Ltmp1, $3  }
0x13b: {  	_ =	sdelay $0x1  }
0x13c: {  	[sflag:s10] =	ssyncset.done $0x0;
	[dreg:$0x15] =	wrdreg s8  }
0x13d: {  	[sflag:s10] =	ssyncadd.s32 $0xFFFFD800;
	s8 =	rddreg [dreg:$0x11]  }
0x13e: {  	_ =	sfence.sel $0x180000  }
0x13f: {  	[bflag:$0x0] =	sbarrier.arrive $0xFFFF  }
0x140: {  	_ =	strace $0x9000004D  }
0x141: {  	s0 =	stileid.u32;
	[bflag:$0x2] =	sbarrier.arrive $0xFFFF  }
0x142: {  	p0 =	sne.s32 s0, $0x0;
	s0 =	rddreg [dreg:$0x3]  }
0x143: {  	s0 =	sadd.s32 @!p0 $0x100000, s0  }
0x144: {  	[sflag:s0] =	ssyncadd.tile.s32 @!p0 $0x1;
	_ =	shalt  }
.Lfunc_end2:
_tile_overlayer_lowered:
.L_overlay_start_2:
0x145: {  	(tag) =	ssettag $0x2  }
0x146: {  	s0 =	rddreg [dreg:$0x0];
	s2 =	stileid.u32  }
0x147: {  	s1 =	rddreg [dreg:$0x1];
	p0 =	sne.s32 s2, $0x0  }
0x148: {  	s3 =	rddreg [dreg:$0x2];
	[bflag:$0x3] =	sbarrier.arrive $0xFFFF;
	s2 =	simm.s32 @!p0 $0x1C03  }
0x149: {  	[timem:s3], [sflag:s2] =	dma.local @!p0 [hbm:s0], s1  }
0x14a: {  	s0 =	simm.s32 @!p0 $0x3  }
0x14b: {  	_ =	swait.ge @!p0 [sflag:s0], s1  }
0x14c: {  	s1 =	ssub.s32 @!p0 $0x0, s1;
	[sflag:s0] =	ssyncset.done @!p0 $0x0  }
0x14d: {  	[sflag:s0] =	ssyncadd.s32 @!p0 s1  }
0x14e: {  	[bflag:$0x3] =	sbarrier.arrive $0xFFFF  }
0x14f: {  	_ =	shalt  }

// kernel: kernel.18.cloned.1.call-start
scs
__scs_entry_jumppad:
0x0: {  	(pc) =	sbr.rel $0x88, $3  }
0x1: {  	(tag) =	ssettag $0x0;
	lr =	simm.s32 $0x1  }
0x2: {  	[smem:$0x3F9D] =	sst lr;
	_ =	strace $0xD0000000  }
0x3: {  	_ = 	snop  }
0x4: {  	_ = 	snop  }
0x5: {  	_ = 	snop  }
0x6: {  	_ = 	snop  }
0x7: {  	_ = 	snop  }
__scs_overlays_trampoline_lowered:
0x8: {  	[smem:$0x3FAC] =	sst s0  }
0x9: {  	[smem:$0x3FAD] =	sst s1  }
0xa: {  	[smem:$0x3FAE] =	sst s2  }
0xb: {  	[smem:$0x3FAF] =	sst s3  }
0xc: {  	[smem:$0x3FB0] =	sst s4  }
0xd: {  	[smem:$0x3FB1] =	sst s5  }
0xe: {  	[smem:$0x3FB2] =	sst s6  }
0xf: {  	[smem:$0x3FB3] =	sst s7  }
0x10: {  	[smem:$0x3FB4] =	sst s8  }
0x11: {  	[smem:$0x3FB5] =	sst s9;
	s0 =	simm.s32 @!p0 $0x0  }
0x12: {  	s1 =	sld [smem:$0x3F9B];
	s0 =	simm.s32 @p0 $0x1  }
0x13: {  	[smem:$0x3FB6] =	sst s0;
	s0 =	simm.s32 @!p1 $0x0  }
0x14: {  	s2 =	sld [smem:$0x3F9A];
	s0 =	simm.s32 @p1 $0x1  }
0x15: {  	[smem:$0x3FB7] =	sst s0;
	s0 =	simm.s32 @!p2 $0x0  }
0x16: {  	s3 =	sld [smem:$0x3FDB];
	s0 =	simm.s32 @p2 $0x1  }
0x17: {  	s4 =	simm.s32 $0x1BF5;
	[smem:$0x3FB9] =	sst s0  }
0x18: {  	s0 =	sld [smem:$0x3F9C];
	_ =	swait.ge [sflag:s4], $0x0  }
0x19: {  	s7 =	sld [smem:$0x3F9D]  }
0x1a: {  	s8 =	sadd.s32 $0xFFFFE003, lr  }
0x1b: {  	s9 =	sadd.s32 $0xFFFFFEF7, lr;
	s5 =	simm.s32 $0xFFFFFFFF;
	p2 =	slt.u32 s8, $0xFFFFF086  }
0x1c: {  	p1 =	slt.u32 s9, $0xF7A;
	s5 =	simm.s32 @!p2 $0x0  }
0x1d: {  	s5 =	simm.s32 @p1 $0x1;
	p0 =	seq.s32 s7, s2  }
0x1e: {  	s7 =	smul.u32 @!p0 $0xF7A, s2;
	p2 =	seq.s32 @!p0 s5, $0x0  }
0x1f: {  	s9 =	smul.u32 $0xF7A, s1;
	s8 =	simm.s32 @!p0 $0x1BF5;
	p2 =	por !p2, p0  }
0x20: {  	[sflag:s8] =	ssyncset.s32 @!p0 $0xFFFFF086;
	s6 =	sadd.s32 @!p0 s3, s7;
	s7 =	simm.s32 @!p0 $0x108  }
0x21: {  	s3 =	sadd.s32 s3, s9;
	s6 =	sadd.s32 @!p0 $0x88, s6;
	s7 =	simm.s32 @p2 $0x1082  }
0x22: {  	[simem:s7], [sflag:s8] =	dma.local @!p0 [hbm:s6], $0xF7A  }
0x23: {  	s9 =	sor.u32 $0xD0000000, s2;
	s6 =	simm.s32 $0x108;
	_ =	swait.ge @!p0 [sflag:s8], $0x0  }
0x24: {  	s3 =	sadd.s32 $0x88, s3;
	s6 =	simm.s32 @!p1 $0x1082;
	[sflag:s4] =	ssyncset.s32 $0xFFFFF086  }
0x25: {  	[simem:s6], [sflag:s4] =	dma.local [hbm:s3], $0xF7A  }
0x26: {  	[smem:$0x3F9D] =	sst s1;
	(tag) =	ssettag s2;
	_ =	strace s9  }
0x27: {  	s1 =	sld [smem:$0x3FAD]  }
0x28: {  	s2 =	sld [smem:$0x3FAE]  }
0x29: {  	s4 =	sld [smem:$0x3FB0]  }
0x2a: {  	p0 =	seq.s32 s5, $0x0;
	s5 =	sld [smem:$0x3FB1]  }
0x2b: {  	s6 =	sld [smem:$0x3FB2]  }
0x2c: {  	s7 =	sld [smem:$0x3FB3]  }
0x2d: {  	s3 =	simm.s32 $0x108;
	s8 =	sld [smem:$0x3FB4]  }
0x2e: {  	s3 =	simm.s32 @!p0 $0x1082;
	s9 =	sld [smem:$0x3FB5]  }
0x2f: {  	lr =	sadd.s32 s0, s3;
	s0 =	sld [smem:$0x3FAC]  }
0x30: {  	s3 =	sld [smem:$0x3FAF]  }
0x31: {  	[smem:$0x3FB8] =	sst s10  }
0x32: {  	s10 =	sld [smem:$0x3FB6];
	_ =	sdelay $0x3  }
0x33: {  	p0 =	seq.s32 s10, $0x1;
	s10 =	sld [smem:$0x3FB8];
	_ =	sdelay $0x3  }
0x34: {  	[smem:$0x3FB8] =	sst s10  }
0x35: {  	s10 =	sld [smem:$0x3FB7];
	_ =	sdelay $0x3  }
0x36: {  	p1 =	seq.s32 s10, $0x1;
	s10 =	sld [smem:$0x3FB8];
	_ =	sdelay $0x3  }
0x37: {  	[smem:$0x3FB8] =	sst s10  }
0x38: {  	s10 =	sld [smem:$0x3FB9]  }
0x39: {  	_ = 	snop;
	(pc) =	sbr.ind lr, $3  }
0x3a: {  	_ = 	snop  }
0x3b: {  	_ = 	snop  }
0x3c: {  	p2 =	seq.s32 s10, $0x1;
	s10 =	sld [smem:$0x3FB8]  }
0x3d: {  	_ =	shalt  }
0x3e: {  	_ =	shalt  }
0x3f: {  	_ =	shalt  }
0x40: {  	_ =	shalt  }
0x41: {  	_ =	shalt  }
0x42: {  	_ =	shalt  }
0x43: {  	_ =	shalt  }
0x44: {  	_ =	shalt  }
0x45: {  	_ =	shalt  }
0x46: {  	_ =	shalt  }
0x47: {  	_ =	shalt  }
0x48: {  	_ =	shalt  }
0x49: {  	_ =	shalt  }
0x4a: {  	_ =	shalt  }
0x4b: {  	_ =	shalt  }
0x4c: {  	_ =	shalt  }
0x4d: {  	_ =	shalt  }
0x4e: {  	_ =	shalt  }
0x4f: {  	_ =	shalt  }
0x50: {  	_ =	shalt  }
0x51: {  	_ =	shalt  }
0x52: {  	_ =	shalt  }
0x53: {  	_ =	shalt  }
0x54: {  	_ =	shalt  }
0x55: {  	_ =	shalt  }
0x56: {  	_ =	shalt  }
0x57: {  	_ =	shalt  }
0x58: {  	_ =	shalt  }
0x59: {  	_ =	shalt  }
0x5a: {  	_ =	shalt  }
0x5b: {  	_ =	shalt  }
0x5c: {  	_ =	shalt  }
0x5d: {  	_ =	shalt  }
0x5e: {  	_ =	shalt  }
0x5f: {  	_ =	shalt  }
0x60: {  	_ =	shalt  }
0x61: {  	_ =	shalt  }
0x62: {  	_ =	shalt  }
0x63: {  	_ =	shalt  }
0x64: {  	_ =	shalt  }
0x65: {  	_ =	shalt  }
0x66: {  	_ =	shalt  }
0x67: {  	_ =	shalt  }
0x68: {  	_ =	shalt  }
0x69: {  	_ =	shalt  }
0x6a: {  	_ =	shalt  }
0x6b: {  	_ =	shalt  }
0x6c: {  	_ =	shalt  }
0x6d: {  	_ =	shalt  }
0x6e: {  	_ =	shalt  }
0x6f: {  	_ =	shalt  }
0x70: {  	_ =	shalt  }
0x71: {  	_ =	shalt  }
0x72: {  	_ =	shalt  }
0x73: {  	_ =	shalt  }
0x74: {  	_ =	shalt  }
0x75: {  	_ =	shalt  }
0x76: {  	_ =	shalt  }
0x77: {  	_ =	shalt  }
0x78: {  	_ =	shalt  }
0x79: {  	_ =	shalt  }
0x7a: {  	_ =	shalt  }
0x7b: {  	_ =	shalt  }
0x7c: {  	_ =	shalt  }
0x7d: {  	_ =	shalt  }
0x7e: {  	_ =	shalt  }
0x7f: {  	_ =	shalt  }
0x80: {  	_ =	shalt  }
0x81: {  	_ =	shalt  }
0x82: {  	_ =	shalt  }
0x83: {  	_ =	shalt  }
0x84: {  	_ =	shalt  }
0x85: {  	_ =	shalt  }
0x86: {  	_ =	shalt  }
0x87: {  	_ =	shalt  }
.Lfunc_end0:
.L_simem_size_0:
called_computation.3_lowered:
.L_overlay_start_0:
0x88: {  	s2 =	sld [smem:$0x3FD9]  }
0x89: {  	s3 =	sld [smem:$0x3FFE];
	_ =	sdelay $0x1  }
0x8a: {  	s1 =	srdreg.scid  }
0x8b: {  	s0 =	sand.u32 $0x1, s1  }
0x8c: {  	s17 =	sshll.u32 s0, $0xA;
	s2 =	sadd.s32 s3, s2  }
0x8d: {  	s2 =	sadd.s32 s2, s17  }
0x8e: {  	[smem:$0x3FC4] =	sst s2  }
0x8f: {  	_ = 	snop  }
0x90: {  	s2 =	sld [smem:$0x3FD0];
	(tm) =	ssettm $0x1  }
0x91: {  	s18 =	sld [smem:$0x3FFB];
	_ =	sdelay $0x3  }
0x92: {  	_ =	strace s18  }
0x93: {  	s3 =	sld [smem:$0x3FFC];
	_ =	sdelay $0x3  }
0x94: {  	_ =	strace s3  }
0x95: {  	s3 =	sld [smem:$0x3FFD];
	_ =	sdelay $0x3  }
0x96: {  	_ =	strace s3  }
0x97: {  	_ =	strace $0x8FFFFFFF  }
0x98: {  	s19 =	sld [smem:$0x3FDB];
	_ =	sdelay $0x1  }
0x99: {  	s4 =	simm.s32 $_scs_section_size  }
0x9a: {  	s5 =	simm.s32 $_size__tile_overlayer_lowered;
	s6 =	simm.s32 $_tile_overlayer_lowered  }
0x9b: {  	s22 =	simm.s32 $0x1BFF;
	s21 =	sshll.u32 s6, $0x1;
	s3 =	sadd.s32 s4, s19  }
0x9c: {  	s7 =	simm.s32 $0x0;
	s20 =	sshll.u32 s5, $0x1;
	s5 =	sadd.s32 s21, s3  }
0x9d: {  	[timem:s7], [sflag:s22] =	dma.local [hbm:s5], s20  }
0x9e: {  	_ =	swait.ge [sflag:s22], s20  }
0x9f: {  	s4 =	ssub.s32 $0x0, s20;
	[sflag:s22] =	ssyncset.done $0x0  }
0xa0: {  	[sflag:s22] =	ssyncadd.s32 s4;
	_ =	sdelay $0x1  }
0xa1: {  	s23 =	simm.s32 $0x1B8B  }
0xa2: {  	_ =	swait.ge [sflag:s23], $0x1  }
0xa3: {  	[sflag:s23] =	ssyncset.done $0x0  }
0xa4: {  	s25 =	simm.s32 $0x1B8E;
	s24 =	sld [smem:$0x3FFE];
	[sflag:s23] =	ssyncadd.s32 $0xFFFFFFFF  }
0xa5: {  	s26 =	simm.s32 $execute0_lowered;
	[smem:$0x3FD2] =	sst s25  }
0xa6: {  	s5 =	sshll.u32 s26, $0x1;
	_ =	strace $0x8000004F;
	[dreg:$0x1] =	wrdreg $0xFFFFFFFF  }
0xa7: {  	s28 =	simm.s32 $_size_execute0_lowered;
	s3 =	sadd.s32 s3, s5;
	[dreg:$0x0] =	wrdreg $0x0  }
0xa8: {  	s5 =	sshll.u32 s28, $0x1;
	[dreg:$0x2] =	wrdreg s3  }
0xa9: {  	[dreg:$0x3] =	wrdreg s5  }
0xaa: {  	[dreg:$0x4] =	wrdreg $0xC0  }
0xab: {  	_ =	task [dreg:s7], $0x5FFFF  }
0xac: {  	[dreg:$0x1] =	wrdreg $0xFFFFFFFF  }
0xad: {  	[dreg:$0x0] =	wrdreg $0x60  }
0xae: {  	[dreg:$0x2] =	wrdreg s2  }
0xaf: {  	[dreg:$0x3] =	wrdreg s24  }
0xb0: {  	[dreg:$0x4] =	wrdreg $0x90000  }
0xb1: {  	[dreg:$0x5] =	wrdreg $0x9  }
0xb2: {  	_ =	task.clear_ibuf [dreg:s7], $0x6FFFF;
	_ =	strace $0x9000004F  }
0xb3: {  	s29 =	simm.s32 $0x9;
	_ =	strace $0x80000051  }
0xb4: {  	_ =	swait.ge [sflag:s29], $0x1  }
0xb5: {  	[sflag:s29] =	ssyncadd.s32 $0xFFFFFFFF  }
0xb6: {  	_ =	strace $0x90000051  }
0xb7: {  	_ =	sfence  }
0xb8: {  	s30 =	sld [smem:$0x0];
	_ =	sdelay $0x2  }
0xb9: {  	s31 =	sshll.u32 s1, $0xD;
	s1 =	sshrl.u32 s1, $0x2  }
0xba: {  	s3 =	sand.u32 $0x4000, s31;
	s1 =	sadd.s32 s1, s30  }
0xbb: {  	s0 =	sor.u32 s3, s0;
	s1 =	sshll.u32 s1, $0x11  }
0xbc: {  	s0 =	sor.u32 s1, s0  }
0xbd: {  	s0 =	sadd.s32 $0x8F2B, s0  }
0xbe: {  	[sflag:s0] =	ssyncadd.remote.s32 $0x1  }
0xbf: {  	_ =	sfence.sel $0xFFFF  }
0xc0: {  	[dreg:$0x0] =	wrdreg $0xFFFFFFFF;
	(pc) =	sbr.abs _section_cstart, $3  }
0xc1: {  	[dreg:$0x1] =	wrdreg $0xFFFFFFFF  }
0xc2: {  	_ =	task.clear_ibuf [dreg:s7], $0x2FFFF;
	_ =	strace $0x9FFFFFFF  }
0xc3: {  	(tm) =	ssettm $0x7FFFFFFF  }
tec
execute0_lowered:
.L_overlay_start_1:
0x0: {  	(tag) =	ssettag $0x1  }
0x1: {  	s1 =	rddreg [dreg:$0x0]  }
0x2: {  	s0 =	srdreg.scid;
	s2 =	rddreg [dreg:$0x1]  }
0x3: {  	s8 =	stileid.u32;
	s3 =	rddreg [dreg:$0x2];
	s4 =	simm.s32 $0x0  }
0x4: {  	s16 =	simm.s32 $0x100;
	s17 =	simm.s32 $0x200;
	s18 =	simm.s32 $0x180  }
0x5: {  	s19 =	simm.s32 $0x300;
	[smem:$0x7FF] =	sst s4;
	s9 =	sadd.s32 $0x17400, s2  }
0x6: {  	s20 =	simm.s32 $0x280;
	_ =	strace $0x80000050;
	[dreg:$0x10] =	wrdreg s9  }
0x7: {  	s10 =	simm.s32 $0x3;
	s21 =	simm.s32 $0x400;
	[dreg:$0x5] =	wrdreg s16  }
0x8: {  	s22 =	simm.s32 $0x380;
	s23 =	simm.s32 $0x500;
	[dreg:$0x6] =	wrdreg s17  }
0x9: {  	s24 =	simm.s32 $0x480;
	s25 =	simm.s32 $0x600;
	[dreg:$0x7] =	wrdreg s18  }
0xa: {  	s26 =	simm.s32 $0x580;
	s28 =	simm.s32 $0xB80;
	[dreg:$0x8] =	wrdreg s19  }
0xb: {  	s29 =	simm.s32 $0xD00;
	s5 =	smul.u32 $0xA000, s8;
	[dreg:$0x9] =	wrdreg s20  }
0xc: {  	s30 =	simm.s32 $0xC80;
	s11 =	smul.u32 $0x14000, s8;
	[dreg:$0xa] =	wrdreg s21  }
0xd: {  	s0 =	sand.u32 $0x1, s0;
	s12 =	smul.u32 $0x50000, s8;
	[dreg:$0xb] =	wrdreg s22  }
0xe: {  	s31 =	simm.s32 $0xE00;
	s6 =	smul.u32 $0x5000, s0;
	[dreg:$0xc] =	wrdreg s23  }
0xf: {  	s15 =	sshll.u32 s8, $0x6;
	s7 =	smul.u32 $0x140000, s0;
	[dreg:$0xd] =	wrdreg s24  }
0x10: {  	s0 =	ssub.s32 $0x2, s0;
	s8 =	sor.u32 $0x1C03, s15;
	[dreg:$0xe] =	wrdreg s25  }
0x11: {  	s15 =	simm.s32 $0x2;
	[dreg:$0xf] =	wrdreg s26;
	s16 =	simm.s32 $0x700  }
0x12: {  	s17 =	simm.s32 $0x680;
	s18 =	simm.s32 $0x800;
	s19 =	simm.s32 $0x780  }
0x13: {  	s20 =	simm.s32 $0x900;
	s21 =	simm.s32 $0x880;
	s22 =	simm.s32 $0xA00  }
0x14: {  	s23 =	simm.s32 $0x980;
	s24 =	simm.s32 $0xB00;
	s25 =	simm.s32 $0xA80  }
0x15: {  	s26 =	simm.s32 $0xC00;
	s13 =	sshrl.u32 s0, $0x1;
	[dreg:$0x11] =	wrdreg s8  }
0x16: {  	s5 =	sadd.s32 s6, s5;
	s6 =	sadd.s32 s11, s7;
	s7 =	sshrl.u32 s12, $0x2  }
0x17: {  	s0 =	ssub.s32 s0, s13;
	s11 =	simm.s32 $0x80;
	s12 =	simm.s32 $0x1000  }
0x18: {  	s13 =	simm.s32 $0x5000;
	s5 =	sshrl.u32 s5, $0x3;
	s6 =	sshrl.u32 s6, $0x3  }
0x19: {  	s14 =	sadd.s32 s7, s3;
	s0 =	smax.u32 s0, $0x1;
	s5 =	sadd.s32 s5, s2  }
0x1a: {  	s2 =	sadd.s32 s6, s2;
	[dreg:$0x13] =	wrdreg s0;
	s6 =	simm.s32 $0x0  }
0x1b: {  	s7 =	simm.s32 $0xF80;
	s9 =	sshrl.u32 s14, $0x3;
	[dreg:$0x15] =	wrdreg s6  }
0x1c: {  	s14 =	simm.s32 $0x1;
	s5 =	sadd.s32 $0x3400, s5;
	[dreg:$0x14] =	wrdreg s9  }
0x1d: {  	s0 =	simm.s32 $0xF00;
	s2 =	sadd.s32 $0x19C00, s2;
	[dreg:$0x4] =	wrdreg s5  }
0x1e: {  	[dreg:$0x12] =	wrdreg s2;
	s2 =	simm.s32 $0xD80;
	s5 =	simm.s32 $0xE80  }
.LBB2_1:
0x1f: {  	s6 =	rddreg [dreg:$0x10]  }
0x20: {  	[spmem:s9], [sflag:s8] =	dma.local [hbm:s6], $0x2800  }
0x21: {  	_ =	swait.ge [sflag:s10], $0x2800  }
0x22: {  	[sflag:s10] =	ssyncset.done $0x0  }
0x23: {  	[sflag:s10] =	ssyncadd.s32 $0xFFFFD800  }
0x24: {  	[bflag:$0x0] =	sbarrier.arrive $0xFFFF  }
0x25: {  	s8 =	rddreg [dreg:$0x4]  }
0x26: {  	s6 =	sadd.s32 $0x0, s8  }
0x27: {  	[tilespmem:s4], [sflag:$0x3] =	stream.linear.gather [hbm4b:s6+s4], $0x1000, $0x38;
	[tilespmem:$0x1D000] =	vst v63  }
0x28: {  	_ =	swait.ge [sflag:s10], $0x1000  }
0x29: {  	[sflag:s10] =	ssyncset.done $0x0  }
0x2a: {  	[sflag:s10] =	ssyncadd.s32 $0xFFFFF000  }
0x2b: {  	[tilespmem:s12], [sflag:$0x1] =	stream.indirect.gather [hbm4b:s1+s11], $0x80, s4, s11, $0xb8;
	[tilespmem:$0x1D000] =	vst v63  }
0x2c: {  	s9 =	rddreg [dreg:$0x5]  }
0x2d: {  	[tilespmem:s13], [sflag:$0x2] =	stream.indirect.gather [hbm4b:s1+s11], $0x80, s9, s11, $0xb8;
	[tilespmem:$0x1D000] =	vst v63  }
0x2e: {  	_ =	swait.ge [sflag:s14], $0x4000  }
0x2f: {  	[sflag:s14] =	ssyncset.done $0x0  }
0x30: {  	[sflag:s14] =	ssyncadd.s32 $0xFFFFC000  }
0x31: {  	[spmem:s3] =	stream.indirect.scatter.add.f32 [tilespmem:s12], [sflag:$0x3], $0x80, s11, s11, $0xb8;
	[tilespmem:$0x1D000] =	vst v63  }
0x32: {  	_ =	swait.ge [sflag:s10], $0x4000  }
0x33: {  	[sflag:s10] =	ssyncset.done $0x0  }
0x34: {  	s8 =	rddreg [dreg:$0x6];
	[sflag:s10] =	ssyncadd.s32 $0xFFFFC000  }
0x35: {  	[tilespmem:s12], [sflag:$0x1] =	stream.indirect.gather [hbm4b:s1+s11], $0x80, s8, s11, $0xb8;
	[tilespmem:$0x1D000] =	vst v63  }
0x36: {  	_ =	swait.ge [sflag:s15], $0x4000  }
0x37: {  	[sflag:s15] =	ssyncset.done $0x0  }
0x38: {  	s9 =	rddreg [dreg:$0x7];
	[sflag:s15] =	ssyncadd.s32 $0xFFFFC000  }
0x39: {  	[spmem:s3] =	stream.indirect.scatter.add.f32 [tilespmem:s13], [sflag:$0x3], $0x80, s9, s11, $0xb8;
	[tilespmem:$0x1D000] =	vst v63  }
0x3a: {  	_ =	swait.ge [sflag:s10], $0x4000  }
0x3b: {  	[sflag:s10] =	ssyncset.done $0x0  }
0x3c: {  	s8 =	rddreg [dreg:$0x8];
	[sflag:s10] =	ssyncadd.s32 $0xFFFFC000  }
0x3d: {  	[tilespmem:s13], [sflag:$0x2] =	stream.indirect.gather [hbm4b:s1+s11], $0x80, s8, s11, $0xb8;
	[tilespmem:$0x1D000] =	vst v63  }
0x3e: {  	_ =	swait.ge [sflag:s14], $0x4000  }
0x3f: {  	[sflag:s14] =	ssyncset.done $0x0  }
0x40: {  	s9 =	rddreg [dreg:$0x9];
	[sflag:s14] =	ssyncadd.s32 $0xFFFFC000  }
0x41: {  	[spmem:s3] =	stream.indirect.scatter.add.f32 [tilespmem:s12], [sflag:$0x3], $0x80, s9, s11, $0xb8;
	[tilespmem:$0x1D000] =	vst v63  }
0x42: {  	_ =	swait.ge [sflag:s10], $0x4000  }
0x43: {  	[sflag:s10] =	ssyncset.done $0x0  }
0x44: {  	s8 =	rddreg [dreg:$0xa];
	[sflag:s10] =	ssyncadd.s32 $0xFFFFC000  }
0x45: {  	[tilespmem:s12], [sflag:$0x1] =	stream.indirect.gather [hbm4b:s1+s11], $0x80, s8, s11, $0xb8;
	[tilespmem:$0x1D000] =	vst v63  }
0x46: {  	_ =	swait.ge [sflag:s15], $0x4000  }
0x47: {  	[sflag:s15] =	ssyncset.done $0x0  }
0x48: {  	s9 =	rddreg [dreg:$0xb];
	[sflag:s15] =	ssyncadd.s32 $0xFFFFC000  }
0x49: {  	[spmem:s3] =	stream.indirect.scatter.add.f32 [tilespmem:s13], [sflag:$0x3], $0x80, s9, s11, $0xb8;
	[tilespmem:$0x1D000] =	vst v63  }
0x4a: {  	_ =	swait.ge [sflag:s10], $0x4000  }
0x4b: {  	[sflag:s10] =	ssyncset.done $0x0  }
0x4c: {  	s8 =	rddreg [dreg:$0xc];
	[sflag:s10] =	ssyncadd.s32 $0xFFFFC000  }
0x4d: {  	[tilespmem:s13], [sflag:$0x2] =	stream.indirect.gather [hbm4b:s1+s11], $0x80, s8, s11, $0xb8;
	[tilespmem:$0x1D000] =	vst v63  }
0x4e: {  	_ =	swait.ge [sflag:s14], $0x4000  }
0x4f: {  	[sflag:s14] =	ssyncset.done $0x0  }
0x50: {  	s9 =	rddreg [dreg:$0xd];
	[sflag:s14] =	ssyncadd.s32 $0xFFFFC000  }
0x51: {  	[spmem:s3] =	stream.indirect.scatter.add.f32 [tilespmem:s12], [sflag:$0x3], $0x80, s9, s11, $0xb8;
	[tilespmem:$0x1D000] =	vst v63  }
0x52: {  	_ =	swait.ge [sflag:s10], $0x4000  }
0x53: {  	[sflag:s10] =	ssyncset.done $0x0  }
0x54: {  	s8 =	rddreg [dreg:$0xe];
	[sflag:s10] =	ssyncadd.s32 $0xFFFFC000  }
0x55: {  	[tilespmem:s12], [sflag:$0x1] =	stream.indirect.gather [hbm4b:s1+s11], $0x80, s8, s11, $0xb8;
	[tilespmem:$0x1D000] =	vst v63  }
0x56: {  	_ =	swait.ge [sflag:s15], $0x4000  }
0x57: {  	[sflag:s15] =	ssyncset.done $0x0  }
0x58: {  	s9 =	rddreg [dreg:$0xf];
	[sflag:s15] =	ssyncadd.s32 $0xFFFFC000  }
0x59: {  	[spmem:s3] =	stream.indirect.scatter.add.f32 [tilespmem:s13], [sflag:$0x3], $0x80, s9, s11, $0xb8;
	[tilespmem:$0x1D000] =	vst v63  }
0x5a: {  	_ =	swait.ge [sflag:s10], $0x4000  }
0x5b: {  	[sflag:s10] =	ssyncset.done $0x0  }
0x5c: {  	[sflag:s10] =	ssyncadd.s32 $0xFFFFC000  }
0x5d: {  	[tilespmem:s13], [sflag:$0x2] =	stream.indirect.gather [hbm4b:s1+s11], $0x80, s16, s11, $0xb8;
	[tilespmem:$0x1D000] =	vst v63  }
0x5e: {  	_ =	swait.ge [sflag:s14], $0x4000  }
0x5f: {  	[sflag:s14] =	ssyncset.done $0x0  }
0x60: {  	[sflag:s14] =	ssyncadd.s32 $0xFFFFC000  }
0x61: {  	[spmem:s3] =	stream.indirect.scatter.add.f32 [tilespmem:s12], [sflag:$0x3], $0x80, s17, s11, $0xb8;
	[tilespmem:$0x1D000] =	vst v63  }
0x62: {  	_ =	swait.ge [sflag:s10], $0x4000  }
0x63: {  	[sflag:s10] =	ssyncset.done $0x0  }
0x64: {  	[sflag:s10] =	ssyncadd.s32 $0xFFFFC000  }
0x65: {  	[tilespmem:s12], [sflag:$0x1] =	stream.indirect.gather [hbm4b:s1+s11], $0x80, s18, s11, $0xb8;
	[tilespmem:$0x1D000] =	vst v63  }
0x66: {  	_ =	swait.ge [sflag:s15], $0x4000  }
0x67: {  	[sflag:s15] =	ssyncset.done $0x0  }
0x68: {  	[sflag:s15] =	ssyncadd.s32 $0xFFFFC000  }
0x69: {  	[spmem:s3] =	stream.indirect.scatter.add.f32 [tilespmem:s13], [sflag:$0x3], $0x80, s19, s11, $0xb8;
	[tilespmem:$0x1D000] =	vst v63  }
0x6a: {  	_ =	swait.ge [sflag:s10], $0x4000  }
0x6b: {  	[sflag:s10] =	ssyncset.done $0x0  }
0x6c: {  	[sflag:s10] =	ssyncadd.s32 $0xFFFFC000  }
0x6d: {  	[tilespmem:s13], [sflag:$0x2] =	stream.indirect.gather [hbm4b:s1+s11], $0x80, s20, s11, $0xb8;
	[tilespmem:$0x1D000] =	vst v63  }
0x6e: {  	_ =	swait.ge [sflag:s14], $0x4000  }
0x6f: {  	[sflag:s14] =	ssyncset.done $0x0  }
0x70: {  	[sflag:s14] =	ssyncadd.s32 $0xFFFFC000  }
0x71: {  	[spmem:s3] =	stream.indirect.scatter.add.f32 [tilespmem:s12], [sflag:$0x3], $0x80, s21, s11, $0xb8;
	[tilespmem:$0x1D000] =	vst v63  }
0x72: {  	_ =	swait.ge [sflag:s10], $0x4000  }
0x73: {  	[sflag:s10] =	ssyncset.done $0x0  }
0x74: {  	[sflag:s10] =	ssyncadd.s32 $0xFFFFC000  }
0x75: {  	[tilespmem:s12], [sflag:$0x1] =	stream.indirect.gather [hbm4b:s1+s11], $0x80, s22, s11, $0xb8;
	[tilespmem:$0x1D000] =	vst v63  }
0x76: {  	_ =	swait.ge [sflag:s15], $0x4000  }
0x77: {  	[sflag:s15] =	ssyncset.done $0x0  }
0x78: {  	[sflag:s15] =	ssyncadd.s32 $0xFFFFC000  }
0x79: {  	[spmem:s3] =	stream.indirect.scatter.add.f32 [tilespmem:s13], [sflag:$0x3], $0x80, s23, s11, $0xb8;
	[tilespmem:$0x1D000] =	vst v63  }
0x7a: {  	_ =	swait.ge [sflag:s10], $0x4000  }
0x7b: {  	[sflag:s10] =	ssyncset.done $0x0  }
0x7c: {  	[sflag:s10] =	ssyncadd.s32 $0xFFFFC000  }
0x7d: {  	[tilespmem:s13], [sflag:$0x2] =	stream.indirect.gather [hbm4b:s1+s11], $0x80, s24, s11, $0xb8;
	[tilespmem:$0x1D000] =	vst v63  }
0x7e: {  	_ =	swait.ge [sflag:s14], $0x4000  }
0x7f: {  	[sflag:s14] =	ssyncset.done $0x0  }
0x80: {  	[sflag:s14] =	ssyncadd.s32 $0xFFFFC000  }
0x81: {  	[spmem:s3] =	stream.indirect.scatter.add.f32 [tilespmem:s12], [sflag:$0x3], $0x80, s25, s11, $0xb8;
	[tilespmem:$0x1D000] =	vst v63  }
0x82: {  	_ =	swait.ge [sflag:s10], $0x4000  }
0x83: {  	[sflag:s10] =	ssyncset.done $0x0  }
0x84: {  	[sflag:s10] =	ssyncadd.s32 $0xFFFFC000  }
0x85: {  	[tilespmem:s12], [sflag:$0x1] =	stream.indirect.gather [hbm4b:s1+s11], $0x80, s26, s11, $0xb8;
	[tilespmem:$0x1D000] =	vst v63  }
0x86: {  	_ =	swait.ge [sflag:s15], $0x4000  }
0x87: {  	[sflag:s15] =	ssyncset.done $0x0  }
0x88: {  	[sflag:s15] =	ssyncadd.s32 $0xFFFFC000  }
0x89: {  	[spmem:s3] =	stream.indirect.scatter.add.f32 [tilespmem:s13], [sflag:$0x3], $0x80, s28, s11, $0xb8;
	[tilespmem:$0x1D000] =	vst v63  }
0x8a: {  	_ =	swait.ge [sflag:s10], $0x4000  }
0x8b: {  	[sflag:s10] =	ssyncset.done $0x0  }
0x8c: {  	[sflag:s10] =	ssyncadd.s32 $0xFFFFC000  }
0x8d: {  	[tilespmem:s13], [sflag:$0x2] =	stream.indirect.gather [hbm4b:s1+s11], $0x80, s29, s11, $0xb8;
	[tilespmem:$0x1D000] =	vst v63  }
0x8e: {  	_ =	swait.ge [sflag:s14], $0x4000  }
0x8f: {  	[sflag:s14] =	ssyncset.done $0x0  }
0x90: {  	[sflag:s14] =	ssyncadd.s32 $0xFFFFC000  }
0x91: {  	[spmem:s3] =	stream.indirect.scatter.add.f32 [tilespmem:s12], [sflag:$0x3], $0x80, s30, s11, $0xb8;
	[tilespmem:$0x1D000] =	vst v63  }
0x92: {  	_ =	swait.ge [sflag:s10], $0x4000  }
0x93: {  	[sflag:s10] =	ssyncset.done $0x0  }
0x94: {  	[sflag:s10] =	ssyncadd.s32 $0xFFFFC000  }
0x95: {  	[tilespmem:s12], [sflag:$0x1] =	stream.indirect.gather [hbm4b:s1+s11], $0x80, s31, s11, $0xb8;
	[tilespmem:$0x1D000] =	vst v63  }
0x96: {  	_ =	swait.ge [sflag:s15], $0x4000  }
0x97: {  	[sflag:s15] =	ssyncset.done $0x0  }
0x98: {  	[sflag:s15] =	ssyncadd.s32 $0xFFFFC000  }
0x99: {  	[spmem:s3] =	stream.indirect.scatter.add.f32 [tilespmem:s13], [sflag:$0x3], $0x80, s2, s11, $0xb8;
	[tilespmem:$0x1D000] =	vst v63  }
0x9a: {  	_ =	swait.ge [sflag:s10], $0x4000  }
0x9b: {  	[sflag:s10] =	ssyncset.done $0x0  }
0x9c: {  	[sflag:s10] =	ssyncadd.s32 $0xFFFFC000  }
0x9d: {  	[tilespmem:s13], [sflag:$0x2] =	stream.indirect.gather [hbm4b:s1+s11], $0x80, s0, s11, $0xb8;
	[tilespmem:$0x1D000] =	vst v63  }
0x9e: {  	_ =	swait.ge [sflag:s14], $0x4000  }
0x9f: {  	[sflag:s14] =	ssyncset.done $0x0  }
0xa0: {  	[sflag:s14] =	ssyncadd.s32 $0xFFFFC000  }
0xa1: {  	[spmem:s3] =	stream.indirect.scatter.add.f32 [tilespmem:s12], [sflag:$0x3], $0x80, s5, s11, $0xb8;
	[tilespmem:$0x1D000] =	vst v63  }
0xa2: {  	_ =	swait.ge [sflag:s10], $0x4000  }
0xa3: {  	[sflag:s10] =	ssyncset.done $0x0  }
0xa4: {  	[sflag:s10] =	ssyncadd.s32 $0xFFFFC000  }
0xa5: {  	_ =	swait.ge [sflag:s15], $0x4000  }
0xa6: {  	[sflag:s15] =	ssyncset.done $0x0  }
0xa7: {  	[sflag:s15] =	ssyncadd.s32 $0xFFFFC000  }
0xa8: {  	[spmem:s3] =	stream.indirect.scatter.add.f32 [tilespmem:s13], [sflag:$0x3], $0x80, s7, s11, $0xb8;
	[tilespmem:$0x1D000] =	vst v63  }
0xa9: {  	s6 =	simm.s32 $0x200;
	_ =	swait.ge [sflag:s10], $0x4000  }
.LBB2_2:
0xaa: {  	s9 =	rddreg [dreg:$0x4];
	s8 =	smov.u32 s6;
	[sflag:s10] =	ssyncset.done $0x0  }
0xab: {  	s8 =	sadd.s32 s8, s9;
	[sflag:s10] =	ssyncadd.s32 $0xFFFFC000  }
0xac: {  	[tilespmem:s4], [sflag:$0x3] =	stream.linear.gather [hbm4b:s8+s4], $0x1000, $0x38;
	[tilespmem:$0x1D000] =	vst v63  }
0xad: {  	_ =	swait.ge [sflag:s10], $0x1000  }
0xae: {  	[sflag:s10] =	ssyncset.done $0x0  }
0xaf: {  	[sflag:s10] =	ssyncadd.s32 $0xFFFFF000  }
0xb0: {  	[tilespmem:s12], [sflag:$0x1] =	stream.indirect.gather [hbm4b:s1+s11], $0x80, s4, s11, $0xb8;
	[tilespmem:$0x1D000] =	vst v63  }
0xb1: {  	s9 =	rddreg [dreg:$0x5]  }
0xb2: {  	[tilespmem:s13], [sflag:$0x2] =	stream.indirect.gather [hbm4b:s1+s11], $0x80, s9, s11, $0xb8;
	[tilespmem:$0x1D000] =	vst v63  }
0xb3: {  	_ =	swait.ge [sflag:s14], $0x4000  }
0xb4: {  	[sflag:s14] =	ssyncset.done $0x0  }
0xb5: {  	[sflag:s14] =	ssyncadd.s32 $0xFFFFC000  }
0xb6: {  	[spmem:s3] =	stream.indirect.scatter.add.f32 [tilespmem:s12], [sflag:$0x3], $0x80, s11, s11, $0xb8;
	[tilespmem:$0x1D000] =	vst v63  }
0xb7: {  	_ =	swait.ge [sflag:s10], $0x4000  }
0xb8: {  	[sflag:s10] =	ssyncset.done $0x0  }
0xb9: {  	s9 =	rddreg [dreg:$0x6];
	[sflag:s10] =	ssyncadd.s32 $0xFFFFC000  }
0xba: {  	[tilespmem:s12], [sflag:$0x1] =	stream.indirect.gather [hbm4b:s1+s11], $0x80, s9, s11, $0xb8;
	[tilespmem:$0x1D000] =	vst v63  }
0xbb: {  	_ =	swait.ge [sflag:s15], $0x4000  }
0xbc: {  	[sflag:s15] =	ssyncset.done $0x0  }
0xbd: {  	s9 =	rddreg [dreg:$0x7];
	[sflag:s15] =	ssyncadd.s32 $0xFFFFC000  }
0xbe: {  	[spmem:s3] =	stream.indirect.scatter.add.f32 [tilespmem:s13], [sflag:$0x3], $0x80, s9, s11, $0xb8;
	[tilespmem:$0x1D000] =	vst v63  }
0xbf: {  	_ =	swait.ge [sflag:s10], $0x4000  }
0xc0: {  	[sflag:s10] =	ssyncset.done $0x0  }
0xc1: {  	s9 =	rddreg [dreg:$0x8];
	[sflag:s10] =	ssyncadd.s32 $0xFFFFC000  }
0xc2: {  	[tilespmem:s13], [sflag:$0x2] =	stream.indirect.gather [hbm4b:s1+s11], $0x80, s9, s11, $0xb8;
	[tilespmem:$0x1D000] =	vst v63  }
0xc3: {  	_ =	swait.ge [sflag:s14], $0x4000  }
0xc4: {  	[sflag:s14] =	ssyncset.done $0x0  }
0xc5: {  	s9 =	rddreg [dreg:$0x9];
	[sflag:s14] =	ssyncadd.s32 $0xFFFFC000  }
0xc6: {  	[spmem:s3] =	stream.indirect.scatter.add.f32 [tilespmem:s12], [sflag:$0x3], $0x80, s9, s11, $0xb8;
	[tilespmem:$0x1D000] =	vst v63  }
0xc7: {  	_ =	swait.ge [sflag:s10], $0x4000  }
0xc8: {  	[sflag:s10] =	ssyncset.done $0x0  }
0xc9: {  	s9 =	rddreg [dreg:$0xa];
	[sflag:s10] =	ssyncadd.s32 $0xFFFFC000  }
0xca: {  	[tilespmem:s12], [sflag:$0x1] =	stream.indirect.gather [hbm4b:s1+s11], $0x80, s9, s11, $0xb8;
	[tilespmem:$0x1D000] =	vst v63  }
0xcb: {  	_ =	swait.ge [sflag:s15], $0x4000  }
0xcc: {  	[sflag:s15] =	ssyncset.done $0x0  }
0xcd: {  	s9 =	rddreg [dreg:$0xb];
	[sflag:s15] =	ssyncadd.s32 $0xFFFFC000  }
0xce: {  	[spmem:s3] =	stream.indirect.scatter.add.f32 [tilespmem:s13], [sflag:$0x3], $0x80, s9, s11, $0xb8;
	[tilespmem:$0x1D000] =	vst v63  }
0xcf: {  	_ =	swait.ge [sflag:s10], $0x4000  }
0xd0: {  	[sflag:s10] =	ssyncset.done $0x0  }
0xd1: {  	s9 =	rddreg [dreg:$0xc];
	[sflag:s10] =	ssyncadd.s32 $0xFFFFC000  }
0xd2: {  	[tilespmem:s13], [sflag:$0x2] =	stream.indirect.gather [hbm4b:s1+s11], $0x80, s9, s11, $0xb8;
	[tilespmem:$0x1D000] =	vst v63  }
0xd3: {  	_ =	swait.ge [sflag:s14], $0x4000  }
0xd4: {  	[sflag:s14] =	ssyncset.done $0x0  }
0xd5: {  	s9 =	rddreg [dreg:$0xd];
	[sflag:s14] =	ssyncadd.s32 $0xFFFFC000  }
0xd6: {  	[spmem:s3] =	stream.indirect.scatter.add.f32 [tilespmem:s12], [sflag:$0x3], $0x80, s9, s11, $0xb8;
	[tilespmem:$0x1D000] =	vst v63  }
0xd7: {  	_ =	swait.ge [sflag:s10], $0x4000  }
0xd8: {  	[sflag:s10] =	ssyncset.done $0x0  }
0xd9: {  	s9 =	rddreg [dreg:$0xe];
	[sflag:s10] =	ssyncadd.s32 $0xFFFFC000  }
0xda: {  	[tilespmem:s12], [sflag:$0x1] =	stream.indirect.gather [hbm4b:s1+s11], $0x80, s9, s11, $0xb8;
	[tilespmem:$0x1D000] =	vst v63  }
0xdb: {  	_ =	swait.ge [sflag:s15], $0x4000  }
0xdc: {  	[sflag:s15] =	ssyncset.done $0x0  }
0xdd: {  	s9 =	rddreg [dreg:$0xf];
	[sflag:s15] =	ssyncadd.s32 $0xFFFFC000  }
0xde: {  	[spmem:s3] =	stream.indirect.scatter.add.f32 [tilespmem:s13], [sflag:$0x3], $0x80, s9, s11, $0xb8;
	[tilespmem:$0x1D000] =	vst v63  }
0xdf: {  	_ =	swait.ge [sflag:s10], $0x4000  }
0xe0: {  	[sflag:s10] =	ssyncset.done $0x0  }
0xe1: {  	[sflag:s10] =	ssyncadd.s32 $0xFFFFC000  }
0xe2: {  	[tilespmem:s13], [sflag:$0x2] =	stream.indirect.gather [hbm4b:s1+s11], $0x80, s16, s11, $0xb8;
	[tilespmem:$0x1D000] =	vst v63  }
0xe3: {  	_ =	swait.ge [sflag:s14], $0x4000  }
0xe4: {  	[sflag:s14] =	ssyncset.done $0x0  }
0xe5: {  	[sflag:s14] =	ssyncadd.s32 $0xFFFFC000  }
0xe6: {  	[spmem:s3] =	stream.indirect.scatter.add.f32 [tilespmem:s12], [sflag:$0x3], $0x80, s17, s11, $0xb8;
	[tilespmem:$0x1D000] =	vst v63  }
0xe7: {  	_ =	swait.ge [sflag:s10], $0x4000  }
0xe8: {  	[sflag:s10] =	ssyncset.done $0x0  }
0xe9: {  	[sflag:s10] =	ssyncadd.s32 $0xFFFFC000  }
0xea: {  	[tilespmem:s12], [sflag:$0x1] =	stream.indirect.gather [hbm4b:s1+s11], $0x80, s18, s11, $0xb8;
	[tilespmem:$0x1D000] =	vst v63  }
0xeb: {  	_ =	swait.ge [sflag:s15], $0x4000  }
0xec: {  	[sflag:s15] =	ssyncset.done $0x0  }
0xed: {  	[sflag:s15] =	ssyncadd.s32 $0xFFFFC000  }
0xee: {  	[spmem:s3] =	stream.indirect.scatter.add.f32 [tilespmem:s13], [sflag:$0x3], $0x80, s19, s11, $0xb8;
	[tilespmem:$0x1D000] =	vst v63  }
0xef: {  	_ =	swait.ge [sflag:s10], $0x4000  }
0xf0: {  	[sflag:s10] =	ssyncset.done $0x0  }
0xf1: {  	[sflag:s10] =	ssyncadd.s32 $0xFFFFC000  }
0xf2: {  	[tilespmem:s13], [sflag:$0x2] =	stream.indirect.gather [hbm4b:s1+s11], $0x80, s20, s11, $0xb8;
	[tilespmem:$0x1D000] =	vst v63  }
0xf3: {  	_ =	swait.ge [sflag:s14], $0x4000  }
0xf4: {  	[sflag:s14] =	ssyncset.done $0x0  }
0xf5: {  	[sflag:s14] =	ssyncadd.s32 $0xFFFFC000  }
0xf6: {  	[spmem:s3] =	stream.indirect.scatter.add.f32 [tilespmem:s12], [sflag:$0x3], $0x80, s21, s11, $0xb8;
	[tilespmem:$0x1D000] =	vst v63  }
0xf7: {  	_ =	swait.ge [sflag:s10], $0x4000  }
0xf8: {  	[sflag:s10] =	ssyncset.done $0x0  }
0xf9: {  	[sflag:s10] =	ssyncadd.s32 $0xFFFFC000  }
0xfa: {  	[tilespmem:s12], [sflag:$0x1] =	stream.indirect.gather [hbm4b:s1+s11], $0x80, s22, s11, $0xb8;
	[tilespmem:$0x1D000] =	vst v63  }
0xfb: {  	_ =	swait.ge [sflag:s15], $0x4000  }
0xfc: {  	[sflag:s15] =	ssyncset.done $0x0  }
0xfd: {  	[sflag:s15] =	ssyncadd.s32 $0xFFFFC000  }
0xfe: {  	[spmem:s3] =	stream.indirect.scatter.add.f32 [tilespmem:s13], [sflag:$0x3], $0x80, s23, s11, $0xb8;
	[tilespmem:$0x1D000] =	vst v63  }
0xff: {  	_ =	swait.ge [sflag:s10], $0x4000  }
0x100: {  	[sflag:s10] =	ssyncset.done $0x0  }
0x101: {  	[sflag:s10] =	ssyncadd.s32 $0xFFFFC000  }
0x102: {  	[tilespmem:s13], [sflag:$0x2] =	stream.indirect.gather [hbm4b:s1+s11], $0x80, s24, s11, $0xb8;
	[tilespmem:$0x1D000] =	vst v63  }
0x103: {  	_ =	swait.ge [sflag:s14], $0x4000  }
0x104: {  	[sflag:s14] =	ssyncset.done $0x0  }
0x105: {  	[sflag:s14] =	ssyncadd.s32 $0xFFFFC000  }
0x106: {  	[spmem:s3] =	stream.indirect.scatter.add.f32 [tilespmem:s12], [sflag:$0x3], $0x80, s25, s11, $0xb8;
	[tilespmem:$0x1D000] =	vst v63  }
0x107: {  	_ =	swait.ge [sflag:s10], $0x4000  }
0x108: {  	[sflag:s10] =	ssyncset.done $0x0  }
0x109: {  	[sflag:s10] =	ssyncadd.s32 $0xFFFFC000  }
0x10a: {  	[tilespmem:s12], [sflag:$0x1] =	stream.indirect.gather [hbm4b:s1+s11], $0x80, s26, s11, $0xb8;
	[tilespmem:$0x1D000] =	vst v63  }
0x10b: {  	_ =	swait.ge [sflag:s15], $0x4000  }
0x10c: {  	[sflag:s15] =	ssyncset.done $0x0  }
0x10d: {  	[sflag:s15] =	ssyncadd.s32 $0xFFFFC000  }
0x10e: {  	[spmem:s3] =	stream.indirect.scatter.add.f32 [tilespmem:s13], [sflag:$0x3], $0x80, s28, s11, $0xb8;
	[tilespmem:$0x1D000] =	vst v63  }
0x10f: {  	_ =	swait.ge [sflag:s10], $0x4000  }
0x110: {  	[sflag:s10] =	ssyncset.done $0x0  }
0x111: {  	[sflag:s10] =	ssyncadd.s32 $0xFFFFC000  }
0x112: {  	[tilespmem:s13], [sflag:$0x2] =	stream.indirect.gather [hbm4b:s1+s11], $0x80, s29, s11, $0xb8;
	[tilespmem:$0x1D000] =	vst v63  }
0x113: {  	_ =	swait.ge [sflag:s14], $0x4000  }
0x114: {  	[sflag:s14] =	ssyncset.done $0x0  }
0x115: {  	[sflag:s14] =	ssyncadd.s32 $0xFFFFC000  }
0x116: {  	[spmem:s3] =	stream.indirect.scatter.add.f32 [tilespmem:s12], [sflag:$0x3], $0x80, s30, s11, $0xb8;
	[tilespmem:$0x1D000] =	vst v63  }
0x117: {  	_ =	swait.ge [sflag:s10], $0x4000  }
0x118: {  	[sflag:s10] =	ssyncset.done $0x0  }
0x119: {  	[sflag:s10] =	ssyncadd.s32 $0xFFFFC000  }
0x11a: {  	[tilespmem:s12], [sflag:$0x1] =	stream.indirect.gather [hbm4b:s1+s11], $0x80, s31, s11, $0xb8;
	[tilespmem:$0x1D000] =	vst v63  }
0x11b: {  	_ =	swait.ge [sflag:s15], $0x4000  }
0x11c: {  	[sflag:s15] =	ssyncset.done $0x0  }
0x11d: {  	[sflag:s15] =	ssyncadd.s32 $0xFFFFC000  }
0x11e: {  	[spmem:s3] =	stream.indirect.scatter.add.f32 [tilespmem:s13], [sflag:$0x3], $0x80, s2, s11, $0xb8;
	[tilespmem:$0x1D000] =	vst v63  }
0x11f: {  	_ =	swait.ge [sflag:s10], $0x4000  }
0x120: {  	[sflag:s10] =	ssyncset.done $0x0  }
0x121: {  	[sflag:s10] =	ssyncadd.s32 $0xFFFFC000  }
0x122: {  	[tilespmem:s13], [sflag:$0x2] =	stream.indirect.gather [hbm4b:s1+s11], $0x80, s0, s11, $0xb8;
	[tilespmem:$0x1D000] =	vst v63  }
0x123: {  	_ =	swait.ge [sflag:s14], $0x4000  }
0x124: {  	[sflag:s14] =	ssyncset.done $0x0  }
0x125: {  	[sflag:s14] =	ssyncadd.s32 $0xFFFFC000  }
0x126: {  	[spmem:s3] =	stream.indirect.scatter.add.f32 [tilespmem:s12], [sflag:$0x3], $0x80, s5, s11, $0xb8;
	[tilespmem:$0x1D000] =	vst v63  }
0x127: {  	_ =	swait.ge [sflag:s10], $0x4000  }
0x128: {  	[sflag:s10] =	ssyncset.done $0x0  }
0x129: {  	p0 =	sne.s32 s6, $0x800;
	[sflag:s10] =	ssyncadd.s32 $0xFFFFC000  }
.Ltmp0:
0x12a: {  	_ =	swait.ge [sflag:s15], $0x4000;
	(pc) =	sbr.rel @p0 .LBB2_2-.Ltmp0, $4  }
0x12b: {  	[sflag:s15] =	ssyncset.done $0x0  }
0x12c: {  	[sflag:s15] =	ssyncadd.s32 $0xFFFFC000  }
0x12d: {  	[spmem:s3] =	stream.indirect.scatter.add.f32 [tilespmem:s13], [sflag:$0x3], $0x80, s7, s11, $0xb8;
	[tilespmem:$0x1D000] =	vst v63  }
0x12e: {  	s6 =	sadd.s32 $0x200, s6;
	_ =	swait.ge [sflag:s10], $0x4000  }
0x12f: {  	[sflag:s10] =	ssyncset.done $0x0  }
0x130: {  	[sflag:s10] =	ssyncadd.s32 $0xFFFFC000  }
0x131: {  	[bflag:$0x0] =	sbarrier.arrive $0xFFFF  }
0x132: {  	s8 =	rddreg [dreg:$0x11]  }
0x133: {  	s6 =	rddreg [dreg:$0x12]  }
0x134: {  	s9 =	rddreg [dreg:$0x14]  }
0x135: {  	[hbm:s6], [sflag:s8] =	dma.local [spmem:s9], $0x2800  }
0x136: {  	_ =	swait.ge [sflag:s10], $0x2800  }
0x137: {  	s6 =	rddreg [dreg:$0x15]  }
0x138: {  	s8 =	sadd.s32 $0x1, s6;
	s6 =	rddreg [dreg:$0x13]  }
0x139: {  	p0 =	sne.s32 s8, s6  }
.Ltmp1:
0x13a: {  	_ = 	snop;
	(pc) =	sbr.rel @p0 .LBB2_1-.Ltmp1, $3  }
0x13b: {  	_ =	sdelay $0x1  }
0x13c: {  	[sflag:s10] =	ssyncset.done $0x0;
	[dreg:$0x15] =	wrdreg s8  }
0x13d: {  	[sflag:s10] =	ssyncadd.s32 $0xFFFFD800;
	s8 =	rddreg [dreg:$0x11]  }
0x13e: {  	_ =	sfence.sel $0x180000  }
0x13f: {  	[bflag:$0x0] =	sbarrier.arrive $0xFFFF  }
0x140: {  	_ =	strace $0x90000050  }
0x141: {  	s0 =	stileid.u32;
	[bflag:$0x2] =	sbarrier.arrive $0xFFFF  }
0x142: {  	p0 =	sne.s32 s0, $0x0;
	s0 =	rddreg [dreg:$0x3]  }
0x143: {  	s0 =	sadd.s32 @!p0 $0x100000, s0  }
0x144: {  	[sflag:s0] =	ssyncadd.tile.s32 @!p0 $0x1;
	_ =	shalt  }
.Lfunc_end2:
_tile_overlayer_lowered:
.L_overlay_start_2:
0x145: {  	(tag) =	ssettag $0x2  }
0x146: {  	s0 =	rddreg [dreg:$0x0];
	s2 =	stileid.u32  }
0x147: {  	s1 =	rddreg [dreg:$0x1];
	p0 =	sne.s32 s2, $0x0  }
0x148: {  	s3 =	rddreg [dreg:$0x2];
	[bflag:$0x3] =	sbarrier.arrive $0xFFFF;
	s2 =	simm.s32 @!p0 $0x1C03  }
0x149: {  	[timem:s3], [sflag:s2] =	dma.local @!p0 [hbm:s0], s1  }
0x14a: {  	s0 =	simm.s32 @!p0 $0x3  }
0x14b: {  	_ =	swait.ge @!p0 [sflag:s0], s1  }
0x14c: {  	s1 =	ssub.s32 @!p0 $0x0, s1;
	[sflag:s0] =	ssyncset.done @!p0 $0x0  }
0x14d: {  	[sflag:s0] =	ssyncadd.s32 @!p0 s1  }
0x14e: {  	[bflag:$0x3] =	sbarrier.arrive $0xFFFF  }
0x14f: {  	_ =	shalt  }

// kernel: kernel.9.cloned.1.call-start
scs
__scs_entry_jumppad:
0x0: {  	(pc) =	sbr.rel $0x88, $3  }
0x1: {  	(tag) =	ssettag $0x0;
	lr =	simm.s32 $0x1  }
0x2: {  	[smem:$0x3F9D] =	sst lr;
	_ =	strace $0xD0000000  }
0x3: {  	_ = 	snop  }
0x4: {  	_ = 	snop  }
0x5: {  	_ = 	snop  }
0x6: {  	_ = 	snop  }
0x7: {  	_ = 	snop  }
__scs_overlays_trampoline_lowered:
0x8: {  	[smem:$0x3FAC] =	sst s0  }
0x9: {  	[smem:$0x3FAD] =	sst s1  }
0xa: {  	[smem:$0x3FAE] =	sst s2  }
0xb: {  	[smem:$0x3FAF] =	sst s3  }
0xc: {  	[smem:$0x3FB0] =	sst s4  }
0xd: {  	[smem:$0x3FB1] =	sst s5  }
0xe: {  	[smem:$0x3FB2] =	sst s6  }
0xf: {  	[smem:$0x3FB3] =	sst s7  }
0x10: {  	[smem:$0x3FB4] =	sst s8  }
0x11: {  	[smem:$0x3FB5] =	sst s9;
	s0 =	simm.s32 @!p0 $0x0  }
0x12: {  	s1 =	sld [smem:$0x3F9B];
	s0 =	simm.s32 @p0 $0x1  }
0x13: {  	[smem:$0x3FB6] =	sst s0;
	s0 =	simm.s32 @!p1 $0x0  }
0x14: {  	s2 =	sld [smem:$0x3F9A];
	s0 =	simm.s32 @p1 $0x1  }
0x15: {  	[smem:$0x3FB7] =	sst s0;
	s0 =	simm.s32 @!p2 $0x0  }
0x16: {  	s3 =	sld [smem:$0x3FDB];
	s0 =	simm.s32 @p2 $0x1  }
0x17: {  	s4 =	simm.s32 $0x1BF5;
	[smem:$0x3FB9] =	sst s0  }
0x18: {  	s0 =	sld [smem:$0x3F9C];
	_ =	swait.ge [sflag:s4], $0x0  }
0x19: {  	s7 =	sld [smem:$0x3F9D]  }
0x1a: {  	s8 =	sadd.s32 $0xFFFFE003, lr  }
0x1b: {  	s9 =	sadd.s32 $0xFFFFFEF7, lr;
	s5 =	simm.s32 $0xFFFFFFFF;
	p2 =	slt.u32 s8, $0xFFFFF086  }
0x1c: {  	p1 =	slt.u32 s9, $0xF7A;
	s5 =	simm.s32 @!p2 $0x0  }
0x1d: {  	s5 =	simm.s32 @p1 $0x1;
	p0 =	seq.s32 s7, s2  }
0x1e: {  	s7 =	smul.u32 @!p0 $0xF7A, s2;
	p2 =	seq.s32 @!p0 s5, $0x0  }
0x1f: {  	s9 =	smul.u32 $0xF7A, s1;
	s8 =	simm.s32 @!p0 $0x1BF5;
	p2 =	por !p2, p0  }
0x20: {  	[sflag:s8] =	ssyncset.s32 @!p0 $0xFFFFF086;
	s6 =	sadd.s32 @!p0 s3, s7;
	s7 =	simm.s32 @!p0 $0x108  }
0x21: {  	s3 =	sadd.s32 s3, s9;
	s6 =	sadd.s32 @!p0 $0x88, s6;
	s7 =	simm.s32 @p2 $0x1082  }
0x22: {  	[simem:s7], [sflag:s8] =	dma.local @!p0 [hbm:s6], $0xF7A  }
0x23: {  	s9 =	sor.u32 $0xD0000000, s2;
	s6 =	simm.s32 $0x108;
	_ =	swait.ge @!p0 [sflag:s8], $0x0  }
0x24: {  	s3 =	sadd.s32 $0x88, s3;
	s6 =	simm.s32 @!p1 $0x1082;
	[sflag:s4] =	ssyncset.s32 $0xFFFFF086  }
0x25: {  	[simem:s6], [sflag:s4] =	dma.local [hbm:s3], $0xF7A  }
0x26: {  	[smem:$0x3F9D] =	sst s1;
	(tag) =	ssettag s2;
	_ =	strace s9  }
0x27: {  	s1 =	sld [smem:$0x3FAD]  }
0x28: {  	s2 =	sld [smem:$0x3FAE]  }
0x29: {  	s4 =	sld [smem:$0x3FB0]  }
0x2a: {  	p0 =	seq.s32 s5, $0x0;
	s5 =	sld [smem:$0x3FB1]  }
0x2b: {  	s6 =	sld [smem:$0x3FB2]  }
0x2c: {  	s7 =	sld [smem:$0x3FB3]  }
0x2d: {  	s3 =	simm.s32 $0x108;
	s8 =	sld [smem:$0x3FB4]  }
0x2e: {  	s3 =	simm.s32 @!p0 $0x1082;
	s9 =	sld [smem:$0x3FB5]  }
0x2f: {  	lr =	sadd.s32 s0, s3;
	s0 =	sld [smem:$0x3FAC]  }
0x30: {  	s3 =	sld [smem:$0x3FAF]  }
0x31: {  	[smem:$0x3FB8] =	sst s10  }
0x32: {  	s10 =	sld [smem:$0x3FB6];
	_ =	sdelay $0x3  }
0x33: {  	p0 =	seq.s32 s10, $0x1;
	s10 =	sld [smem:$0x3FB8];
	_ =	sdelay $0x3  }
0x34: {  	[smem:$0x3FB8] =	sst s10  }
0x35: {  	s10 =	sld [smem:$0x3FB7];
	_ =	sdelay $0x3  }
0x36: {  	p1 =	seq.s32 s10, $0x1;
	s10 =	sld [smem:$0x3FB8];
	_ =	sdelay $0x3  }
0x37: {  	[smem:$0x3FB8] =	sst s10  }
0x38: {  	s10 =	sld [smem:$0x3FB9]  }
0x39: {  	_ = 	snop;
	(pc) =	sbr.ind lr, $3  }
0x3a: {  	_ = 	snop  }
0x3b: {  	_ = 	snop  }
0x3c: {  	p2 =	seq.s32 s10, $0x1;
	s10 =	sld [smem:$0x3FB8]  }
0x3d: {  	_ =	shalt  }
0x3e: {  	_ =	shalt  }
0x3f: {  	_ =	shalt  }
0x40: {  	_ =	shalt  }
0x41: {  	_ =	shalt  }
0x42: {  	_ =	shalt  }
0x43: {  	_ =	shalt  }
0x44: {  	_ =	shalt  }
0x45: {  	_ =	shalt  }
0x46: {  	_ =	shalt  }
0x47: {  	_ =	shalt  }
0x48: {  	_ =	shalt  }
0x49: {  	_ =	shalt  }
0x4a: {  	_ =	shalt  }
0x4b: {  	_ =	shalt  }
0x4c: {  	_ =	shalt  }
0x4d: {  	_ =	shalt  }
0x4e: {  	_ =	shalt  }
0x4f: {  	_ =	shalt  }
0x50: {  	_ =	shalt  }
0x51: {  	_ =	shalt  }
0x52: {  	_ =	shalt  }
0x53: {  	_ =	shalt  }
0x54: {  	_ =	shalt  }
0x55: {  	_ =	shalt  }
0x56: {  	_ =	shalt  }
0x57: {  	_ =	shalt  }
0x58: {  	_ =	shalt  }
0x59: {  	_ =	shalt  }
0x5a: {  	_ =	shalt  }
0x5b: {  	_ =	shalt  }
0x5c: {  	_ =	shalt  }
0x5d: {  	_ =	shalt  }
0x5e: {  	_ =	shalt  }
0x5f: {  	_ =	shalt  }
0x60: {  	_ =	shalt  }
0x61: {  	_ =	shalt  }
0x62: {  	_ =	shalt  }
0x63: {  	_ =	shalt  }
0x64: {  	_ =	shalt  }
0x65: {  	_ =	shalt  }
0x66: {  	_ =	shalt  }
0x67: {  	_ =	shalt  }
0x68: {  	_ =	shalt  }
0x69: {  	_ =	shalt  }
0x6a: {  	_ =	shalt  }
0x6b: {  	_ =	shalt  }
0x6c: {  	_ =	shalt  }
0x6d: {  	_ =	shalt  }
0x6e: {  	_ =	shalt  }
0x6f: {  	_ =	shalt  }
0x70: {  	_ =	shalt  }
0x71: {  	_ =	shalt  }
0x72: {  	_ =	shalt  }
0x73: {  	_ =	shalt  }
0x74: {  	_ =	shalt  }
0x75: {  	_ =	shalt  }
0x76: {  	_ =	shalt  }
0x77: {  	_ =	shalt  }
0x78: {  	_ =	shalt  }
0x79: {  	_ =	shalt  }
0x7a: {  	_ =	shalt  }
0x7b: {  	_ =	shalt  }
0x7c: {  	_ =	shalt  }
0x7d: {  	_ =	shalt  }
0x7e: {  	_ =	shalt  }
0x7f: {  	_ =	shalt  }
0x80: {  	_ =	shalt  }
0x81: {  	_ =	shalt  }
0x82: {  	_ =	shalt  }
0x83: {  	_ =	shalt  }
0x84: {  	_ =	shalt  }
0x85: {  	_ =	shalt  }
0x86: {  	_ =	shalt  }
0x87: {  	_ =	shalt  }
.Lfunc_end0:
.L_simem_size_0:
called_computation_lowered:
.L_overlay_start_0:
0x88: {  	s2 =	sld [smem:$0x3FD9]  }
0x89: {  	s3 =	sld [smem:$0x3FFE];
	_ =	sdelay $0x1  }
0x8a: {  	s1 =	srdreg.scid  }
0x8b: {  	s0 =	sand.u32 $0x1, s1  }
0x8c: {  	s17 =	sshll.u32 s0, $0xA;
	s2 =	sadd.s32 s3, s2  }
0x8d: {  	s2 =	sadd.s32 s2, s17  }
0x8e: {  	[smem:$0x3FC4] =	sst s2  }
0x8f: {  	_ = 	snop  }
0x90: {  	s2 =	sld [smem:$0x3FD0];
	(tm) =	ssettm $0x1  }
0x91: {  	s18 =	sld [smem:$0x3FFB];
	_ =	sdelay $0x3  }
0x92: {  	_ =	strace s18  }
0x93: {  	s3 =	sld [smem:$0x3FFC];
	_ =	sdelay $0x3  }
0x94: {  	_ =	strace s3  }
0x95: {  	s3 =	sld [smem:$0x3FFD];
	_ =	sdelay $0x3  }
0x96: {  	_ =	strace s3  }
0x97: {  	_ =	strace $0x8FFFFFFF  }
0x98: {  	s19 =	sld [smem:$0x3FDB];
	_ =	sdelay $0x1  }
0x99: {  	s4 =	simm.s32 $_scs_section_size  }
0x9a: {  	s5 =	simm.s32 $_size__tile_overlayer_lowered;
	s6 =	simm.s32 $_tile_overlayer_lowered  }
0x9b: {  	s22 =	simm.s32 $0x1BFF;
	s21 =	sshll.u32 s6, $0x1;
	s3 =	sadd.s32 s4, s19  }
0x9c: {  	s7 =	simm.s32 $0x0;
	s20 =	sshll.u32 s5, $0x1;
	s5 =	sadd.s32 s21, s3  }
0x9d: {  	[timem:s7], [sflag:s22] =	dma.local [hbm:s5], s20  }
0x9e: {  	_ =	swait.ge [sflag:s22], s20  }
0x9f: {  	s4 =	ssub.s32 $0x0, s20;
	[sflag:s22] =	ssyncset.done $0x0  }
0xa0: {  	[sflag:s22] =	ssyncadd.s32 s4;
	_ =	sdelay $0x1  }
0xa1: {  	s23 =	simm.s32 $0x1B8B  }
0xa2: {  	_ =	swait.ge [sflag:s23], $0x1  }
0xa3: {  	[sflag:s23] =	ssyncset.done $0x0  }
0xa4: {  	s25 =	simm.s32 $0x1B8E;
	s24 =	sld [smem:$0x3FFE];
	[sflag:s23] =	ssyncadd.s32 $0xFFFFFFFF  }
0xa5: {  	s26 =	simm.s32 $execute0_lowered;
	[smem:$0x3FD2] =	sst s25  }
0xa6: {  	s5 =	sshll.u32 s26, $0x1;
	_ =	strace $0x80000046;
	[dreg:$0x1] =	wrdreg $0xFFFFFFFF  }
0xa7: {  	s28 =	simm.s32 $_size_execute0_lowered;
	s3 =	sadd.s32 s3, s5;
	[dreg:$0x0] =	wrdreg $0x0  }
0xa8: {  	s5 =	sshll.u32 s28, $0x1;
	[dreg:$0x2] =	wrdreg s3  }
0xa9: {  	[dreg:$0x3] =	wrdreg s5  }
0xaa: {  	[dreg:$0x4] =	wrdreg $0xC0  }
0xab: {  	_ =	task [dreg:s7], $0x5FFFF  }
0xac: {  	[dreg:$0x1] =	wrdreg $0xFFFFFFFF  }
0xad: {  	[dreg:$0x0] =	wrdreg $0x60  }
0xae: {  	[dreg:$0x2] =	wrdreg s2  }
0xaf: {  	[dreg:$0x3] =	wrdreg s24  }
0xb0: {  	[dreg:$0x4] =	wrdreg $0x28800  }
0xb1: {  	[dreg:$0x5] =	wrdreg $0x9  }
0xb2: {  	_ =	task.clear_ibuf [dreg:s7], $0x6FFFF;
	_ =	strace $0x90000046  }
0xb3: {  	s29 =	simm.s32 $0x9;
	_ =	strace $0x80000048  }
0xb4: {  	_ =	swait.ge [sflag:s29], $0x1  }
0xb5: {  	[sflag:s29] =	ssyncadd.s32 $0xFFFFFFFF  }
0xb6: {  	_ =	strace $0x90000048  }
0xb7: {  	_ =	sfence  }
0xb8: {  	s30 =	sld [smem:$0x0];
	_ =	sdelay $0x2  }
0xb9: {  	s31 =	sshll.u32 s1, $0xD;
	s1 =	sshrl.u32 s1, $0x2  }
0xba: {  	s3 =	sand.u32 $0x4000, s31;
	s1 =	sadd.s32 s1, s30  }
0xbb: {  	s0 =	sor.u32 s3, s0;
	s1 =	sshll.u32 s1, $0x11  }
0xbc: {  	s0 =	sor.u32 s1, s0  }
0xbd: {  	s0 =	sadd.s32 $0x8F2B, s0  }
0xbe: {  	[sflag:s0] =	ssyncadd.remote.s32 $0x1  }
0xbf: {  	_ =	sfence.sel $0xFFFF  }
0xc0: {  	[dreg:$0x0] =	wrdreg $0xFFFFFFFF;
	(pc) =	sbr.abs _section_cstart, $3  }
0xc1: {  	[dreg:$0x1] =	wrdreg $0xFFFFFFFF  }
0xc2: {  	_ =	task.clear_ibuf [dreg:s7], $0x2FFFF;
	_ =	strace $0x9FFFFFFF  }
0xc3: {  	(tm) =	ssettm $0x7FFFFFFF  }
tec
execute0_lowered:
.L_overlay_start_1:
0x0: {  	(tag) =	ssettag $0x1  }
0x1: {  	s7 =	rddreg [dreg:$0x0]  }
0x2: {  	s6 =	rddreg [dreg:$0x1]  }
0x3: {  	s2 =	rddreg [dreg:$0x2]  }
0x4: {  	s0 =	rddreg [dreg:$0x3];
	s4 =	srdreg.scid  }
0x5: {  	s1 =	stileid.u32;
	s3 =	simm.s32 $0x0;
	s13 =	simm.s32 $0x80  }
0x6: {  	s14 =	simm.s32 $0x20;
	s15 =	simm.s32 $0x10;
	s16 =	simm.s32 $0x0  }
0x7: {  	s8 =	sand.u32 $0x1, s4;
	s5 =	smul.u32 $0x500, s1;
	[smem:$0x7FF] =	sst s3  }
0x8: {  	s4 =	sadd.s32 $0x2800, s6;
	s10 =	sshll.u32 s1, $0x1;
	s12 =	smul.u32 $0xA00, s1  }
0x9: {  	s31 =	sshll.u32 s1, $0x6;
	s9 =	sshll.u32 s8, $0x7;
	_ =	strace $0x80000047  }
0xa: {  	s11 =	ssub.s32 $0x2, s8;
	s8 =	sor.u32 s8, s10;
	s9 =	sor.u32 s9, s5  }
0xb: {  	s5 =	sadd.s32 $0x2600, s6;
	s28 =	sshrl.u32 s11, $0x1;
	s8 =	smul.u32 $0x500, s8  }
0xc: {  	s30 =	sshrl.u32 s12, $0x2;
	s9 =	sshrl.u32 s9, $0x3;
	s29 =	ssub.s32 s11, s28  }
0xd: {  	s12 =	sadd.s32 s30, s2;
	s11 =	simm.s32 $0x1;
	s9 =	sadd.s32 s9, s6  }
0xe: {  	s6 =	sor.u32 $0x1C01, s31;
	s7 =	sadd.s32 s7, s8;
	s10 =	sshrl.u32 s12, $0x3  }
0xf: {  	s12 =	simm.s32 $0x2800;
	s8 =	sadd.s32 $0x2A00, s9;
	s9 =	smax.u32 s29, $0x1  }
.LBB2_1:
0x10: {  	[spmem:s10], [sflag:s6] =	dma.local [hbm:s4], $0x50  }
0x11: {  	_ =	swait.ge [sflag:s11], $0x50  }
0x12: {  	[sflag:s11] =	ssyncset.done $0x0  }
0x13: {  	[sflag:s11] =	ssyncadd.s32 $0xFFFFFFB0  }
0x14: {  	[tilespmem:s12], [sflag:$0x1] =	stream.linear.gather [hbm4b:s5+s3], $0x80, $0x38;
	[tilespmem:$0x2B00] =	vst v63  }
0x15: {  	_ =	swait.ge [sflag:s11], $0x80  }
0x16: {  	[sflag:s11] =	ssyncset.done $0x0  }
0x17: {  	[sflag:s11] =	ssyncadd.s32 $0xFFFFFF80  }
0x18: {  	[tilespmem:s3], [sflag:$0x1] =	stream.linear.gather [hbm4b:s7+s3], $0x2800, $0x38;
	[tilespmem:$0x2B00] =	vst v63  }
0x19: {  	_ =	swait.ge [sflag:s11], $0x2800  }
0x1a: {  	[sflag:s11] =	ssyncset.done $0x0  }
0x1b: {  	[sflag:s11] =	ssyncadd.s32 $0xFFFFD800  }
0x1c: {  	s17 =	simm.s32 $0x0;
	[bflag:$0x0] =	sbarrier.arrive $0xFFFF  }
0x1d: {  	[spmem:s2] =	stream.indirect.scatter.add.f32 [tilespmem:s12], [sflag:$0x1], $0x1, s17, s13, $0xb8;
	[tilespmem:$0x2B00] =	vst v63  }
0x1e: {  	_ =	swait.ge [sflag:s11], $0x80  }
0x1f: {  	s17 =	simm.s32 $0x200;
	[sflag:s11] =	ssyncset.done $0x0  }
.LBB2_2:
0x20: {  	s18 =	sshra.s32 s17, $0x2;
	[sflag:s11] =	ssyncadd.s32 $0xFFFFFF80;
	p0 =	sne.s32 s17, $0x9E00  }
0x21: {  	[spmem:s2] =	stream.indirect.scatter.add.f32 [tilespmem:s12], [sflag:$0x1], $0x1, s18, s13, $0xb8;
	[tilespmem:$0x2B00] =	vst v63  }
.Ltmp0:
0x22: {  	_ = 	snop;
	(pc) =	sbr.rel @p0 .LBB2_2-.Ltmp0, $4  }
0x23: {  	_ = 	snop  }
0x24: {  	s17 =	sadd.s32 $0x200, s17  }
0x25: {  	_ =	swait.ge [sflag:s11], $0x80  }
0x26: {  	[sflag:s11] =	ssyncset.done $0x0  }
0x27: {  	s16 =	sadd.s32 $0x1, s16  }
0x28: {  	[sflag:s11] =	ssyncadd.s32 $0xFFFFFF80;
	p0 =	sne.s32 s16, s9  }
.Ltmp1:
0x29: {  	[bflag:$0x0] =	sbarrier.arrive $0xFFFF;
	(pc) =	sbr.rel @p0 .LBB2_1-.Ltmp1, $4  }
0x2a: {  	[hbm:s8@s14], [sflag:s6] =	dma.strided [spmem:s10@s15], $0x50, s11, $0x10   }
0x2b: {  	_ =	swait.ge [sflag:s11], $0x50  }
0x2c: {  	[sflag:s11] =	ssyncset.done $0x0  }
0x2d: {  	[sflag:s11] =	ssyncadd.s32 $0xFFFFFFB0  }
0x2e: {  	_ =	sfence.sel $0x180000  }
0x2f: {  	[bflag:$0x0] =	sbarrier.arrive $0xFFFF  }
0x30: {  	p0 =	sne.s32 s1, $0x0;
	_ =	strace $0x90000047  }
0x31: {  	s0 =	sadd.s32 @!p0 $0x100000, s0;
	[bflag:$0x2] =	sbarrier.arrive $0xFFFF  }
0x32: {  	[sflag:s0] =	ssyncadd.tile.s32 @!p0 $0x1;
	_ =	shalt  }
.Lfunc_end2:
_tile_overlayer_lowered:
.L_overlay_start_2:
0x33: {  	(tag) =	ssettag $0x2  }
0x34: {  	s0 =	rddreg [dreg:$0x0];
	s2 =	stileid.u32  }
0x35: {  	s1 =	rddreg [dreg:$0x1];
	p0 =	sne.s32 s2, $0x0  }
0x36: {  	s3 =	rddreg [dreg:$0x2];
	[bflag:$0x3] =	sbarrier.arrive $0xFFFF;
	s2 =	simm.s32 @!p0 $0x1C01  }
0x37: {  	[timem:s3], [sflag:s2] =	dma.local @!p0 [hbm:s0], s1  }
0x38: {  	s0 =	simm.s32 @!p0 $0x1  }
0x39: {  	_ =	swait.ge @!p0 [sflag:s0], s1  }
0x3a: {  	s1 =	ssub.s32 @!p0 $0x0, s1;
	[sflag:s0] =	ssyncset.done @!p0 $0x0  }
0x3b: {  	[sflag:s0] =	ssyncadd.s32 @!p0 s1  }
0x3c: {  	[bflag:$0x3] =	sbarrier.arrive $0xFFFF  }
0x3d: {  	_ =	shalt  }

</sc_bundles>
